<compile_context>
chip_gen: v7x
topology: tpu7x:2x2x1
jax: 0.10.2.dev20260603
libtpu: 0.0.44.dev20260713+nightly
codegen_flags: <defaults>
</compile_context>

<pallas_src>
import functools

import jax
import jax.numpy as jnp
from jax import lax
from jax.experimental import pallas as pl
from jax.experimental.pallas import tpu as pltpu
from jax.experimental.pallas import tpu_sc as plsc

R = 64
N = 32768
K = 16
L = 16
GV = 8
GROUPS = N // (GV * L)
SB = GROUPS // L
ROWS_PER_W = 2

_NEG_INF = float("-inf")


def _dyn_gather(src, idx):
    dn = lax.GatherDimensionNumbers(
        offset_dims=(), collapsed_slice_dims=(0,), start_index_map=(0,))
    return lax.gather(src, idx[:, None], dn, (1,),
                      mode=lax.GatherScatterMode.PROMISE_IN_BOUNDS)


def _splat(x, dtype=jnp.int32):
    return jnp.broadcast_to(jnp.asarray(x, dtype), (L,))


def _rotate_reduce(x, lane, op):
    for k in (1, 2, 4, 8):
        x = op(x, _dyn_gather(x, jnp.bitwise_and(lane + k, L - 1)))
    return x


def _process_row(row_ref, slot, cand_ref, summ_ref, lane):
    islot = _splat(slot)

    def pass_a(sb, _):
        acc = jnp.full((L,), _NEG_INF, jnp.float32)
        for g in range(L):
            base = sb * (L * GV * L) + g * (GV * L)
            x = row_ref[slot, pl.ds(base, L)]
            for j in range(1, GV):
                x = jnp.maximum(x, row_ref[slot, pl.ds(base + j * L, L)])
            gm = _dyn_gather(plsc.cummax(x), _splat(K - 1))
            acc = jnp.where(lane == g, gm, acc)
        summ_ref[pl.ds(sb * L, L)] = acc
        return 0

    lax.fori_loop(0, SB, pass_a, 0)

    col = summ_ref[pl.ds(0, L)]
    for sb in range(1, SB):
        col = jnp.maximum(col, summ_ref[pl.ds(sb * L, L)])
    t0 = _rotate_reduce(col, lane, jnp.minimum)

    def pass_c(sb, off):
        s = summ_ref[pl.ds(sb * L, L)]
        nh = lax.reduce_max(
            plsc.all_reduce_population_count(s >= t0), axes=(0,))

        def hit_body(_, c):
            s, off = c
            ffs = plsc.all_reduce_ffs(s >= t0)
            gb = _splat(sb * (L * GV * L)) + (ffs << 7)
            mis, ivs, cnts = [], [], []
            for j in range(GV):
                ivec = gb + _splat(j * L) + lane
                v = plsc.load_gather(row_ref, [islot, ivec])
                m = v >= t0
                mis.append(jnp.where(m, _splat(1), _splat(0)))
                ivs.append(ivec)
                cnts.append(plsc.all_reduce_population_count(m))
            base = off
            for j in range(GV):
                pos = base + plsc.cumsum(mis[j]) - mis[j]
                plsc.store_scatter(cand_ref, [pos], ivs[j],
                                   mask=mis[j] > 0)
                base = base + cnts[j]
            s2 = jnp.where(lane == ffs,
                           jnp.full((L,), _NEG_INF, jnp.float32), s)
            return (s2, base)

        return lax.fori_loop(0, nh, hit_body, (s, off))[1]

    off = lax.fori_loop(0, SB, pass_c, _splat(0))

    cnt = lax.reduce_max(off, axes=(0,))
    T = jnp.full((L,), _NEG_INF, jnp.float32)
    TI = jnp.zeros((L,), jnp.int32)

    def pass_d(k, c):
        T, TI = c
        iv = cand_ref[pl.ds(k * L, L)]
        valid = (_splat(k * L) + lane) < off
        ivc = jnp.minimum(jnp.maximum(iv, 0), N - 1)
        gv = plsc.load_gather(row_ref, [islot, ivc])
        gv = jnp.where(valid, gv, jnp.full((L,), _NEG_INF, jnp.float32))
        ivc = jnp.where(valid, ivc, _splat(0))
        nc = jnp.minimum(cnt - k * L, L)

        def ins_body(_, c2):
            gv, T, TI = c2
            ffs = plsc.all_reduce_ffs(gv >= t0)
            cv = _dyn_gather(gv, ffs)
            ci = _dyn_gather(ivc, ffs)
            icnt = plsc.all_reduce_population_count(T >= cv)
            shT = _dyn_gather(T, jnp.maximum(lane - 1, 0))
            shTI = _dyn_gather(TI, jnp.maximum(lane - 1, 0))
            T2 = jnp.where(lane < icnt, T, jnp.where(lane == icnt, cv, shT))
            TI2 = jnp.where(lane < icnt, TI,
                            jnp.where(lane == icnt, ci, shTI))
            gv2 = jnp.where(lane == ffs,
                            jnp.full((L,), _NEG_INF, jnp.float32), gv)
            return (gv2, T2, TI2)

        _, T, TI = lax.fori_loop(0, nc, ins_body, (gv, T, TI))
        return (T, TI)

    T, TI = lax.fori_loop(0, (cnt + L - 1) // L, pass_d, (T, TI))
    return T, TI


@functools.partial(
    pl.kernel,
    mesh=plsc.VectorSubcoreMesh(core_axis_name="c", subcore_axis_name="s"),
    compiler_params=pltpu.CompilerParams(needs_layout_passes=False,
                                         use_tc_tiling_on_sc=True),
    out_type=[
        jax.ShapeDtypeStruct((R, K), jnp.float32),
        jax.ShapeDtypeStruct((R, K), jnp.int32),
    ],
    scratch_types=[
        pltpu.VMEM((ROWS_PER_W, N), jnp.float32),
        pltpu.VMEM((N,), jnp.int32),
        pltpu.VMEM((GROUPS,), jnp.float32),
        pltpu.VMEM((K,), jnp.float32),
        pltpu.VMEM((K,), jnp.int32),
        pltpu.SemaphoreType.DMA,
        pltpu.SemaphoreType.DMA,
    ],
)
def _topk_kernel(scores_hbm, vals_hbm, idx_hbm,
                 rows_v, cand_v, summ_v, vals_v, idx_v, sem0, sem1):
    info = plsc.get_sparse_core_info()
    nc = info.num_cores
    wid = lax.axis_index("s") * nc + lax.axis_index("c")
    r0 = wid * ROWS_PER_W
    lane = lax.iota(jnp.int32, L)

    cp0 = pltpu.async_copy(scores_hbm.at[r0], rows_v.at[0], sem0)
    cp1 = pltpu.async_copy(scores_hbm.at[r0 + 1], rows_v.at[1], sem1)

    cp0.wait()
    T, TI = _process_row(rows_v, 0, cand_v, summ_v, lane)
    vals_v[...] = T
    idx_v[...] = TI
    pltpu.sync_copy(vals_v, vals_hbm.at[r0])
    pltpu.sync_copy(idx_v, idx_hbm.at[r0])

    cp1.wait()
    T, TI = _process_row(rows_v, 1, cand_v, summ_v, lane)
    vals_v[...] = T
    idx_v[...] = TI
    pltpu.sync_copy(vals_v, vals_hbm.at[r0 + 1])
    pltpu.sync_copy(idx_v, idx_hbm.at[r0 + 1])


def kernel(scores):
    vals, idx = _topk_kernel(scores)
    return vals, idx

# --- scband reference (transcript-rebuilt; emitter-appended) ---
"""Pipeline reference for scband-beam-select-41970420417997 (READ-ONLY COPY).

The authoritative reference and input builder live on the scoring server;
editing this copy changes nothing except your own understanding.
"""

import jax, jax.numpy as jnp
import numpy as np

K = 16

def setup_inputs(seed: int = 0) -> dict:
    key = jax.random.key(seed)
    scores = jax.random.normal(key, (64, 32768), dtype=jnp.float32)
    return {"scores": scores}

def reference(scores):
    # BeamSelect.forward: top-k over per-state scores along last dim
    k = min(K, scores.shape[-1])
    values, indices = jax.lax.top_k(scores, k)
    # SelectInfo(chosen_indices=indices, chosen_scores=values, log_probs=None); next_state=None
    return values, indices

if __name__ == "__main__":
    import jax
    _d = setup_inputs()
    print(jax.jit(kernel)(*tuple(_d.values())))

</pallas_src>

<mosaic_0001>
#map = affine_map<(d0, d1) -> (0, 0)>
module attributes {stable_mosaic.version = 14 : i64} {
  func.func @_topk_kernel(%arg0: i32, %arg1: i32, %arg2: memref<64x32768xf32, #tpu.memory_space<hbm>>, %arg3: memref<64x16xf32, #tpu.memory_space<hbm>>, %arg4: memref<64x16xi32, #tpu.memory_space<hbm>>, %arg5: memref<2x32768xf32, #tpu.memory_space<vmem>>, %arg6: memref<32768xi32, #tpu.memory_space<vmem>>, %arg7: memref<256xf32, #tpu.memory_space<vmem>>, %arg8: memref<16xf32, #tpu.memory_space<vmem>>, %arg9: memref<16xi32, #tpu.memory_space<vmem>>, %arg10: memref<!tpu.dma_semaphore, #tpu.memory_space<semaphore_mem>>, %arg11: memref<!tpu.dma_semaphore, #tpu.memory_space<semaphore_mem>>) attributes {dimension_semantics = [#tpu.dimension_semantics<core_parallel>, #tpu.dimension_semantics<subcore_parallel>], iteration_bounds = array<i64: 2, 16>, scalar_prefetch = 0 : i64, scratch_operands = 7 : i64, tpu.core_type = #tpu.core_type<sc_vector_subcore>, window_params = [{transform_indices = #map}, {transform_indices = #map}, {transform_indices = #map}]} {
    %mul3A = arith.constant 2 : i32
    %mul3A_0 = arith.muli %arg1, %mul3A : i32
    %add3A = arith.addi %mul3A_0, %arg0 : i32
    %mul3A_1 = arith.constant 2 : i32
    %mul3A_2 = arith.muli %add3A, %mul3A_1 : i32
    %iota3A = tpu.iota {dimensions = array<i32: 0>} : vector<16xi32>
    %dma_start3A = arith.constant 0 : i32
    %dma_start3A_3 = arith.constant 0 : i32
    %dma_start3A_4 = tpu.memref_slice %arg5[%dma_start3A, %dma_start3A_3] : memref<2x32768xf32, #tpu.memory_space<vmem>> -> memref<1x32768xf32, #tpu.memory_space<vmem>>
    %dma_start3A_5 = tpu.memref_squeeze %dma_start3A_4 : memref<1x32768xf32, #tpu.memory_space<vmem>> -> memref<32768xf32, #tpu.memory_space<vmem>>
    %dma_start3A_6 = arith.constant 0 : i32
    %dma_start3A_7 = tpu.memref_slice %arg2[%mul3A_2, %dma_start3A_6] : memref<64x32768xf32, #tpu.memory_space<hbm>> -> memref<1x32768xf32, #tpu.memory_space<hbm>>
    %dma_start3A_8 = tpu.memref_squeeze %dma_start3A_7 : memref<1x32768xf32, #tpu.memory_space<hbm>> -> memref<32768xf32, #tpu.memory_space<hbm>>
    %dma_start3A_9 = arith.constant 0 : i32
    %dma_start3A_10 = tpu.memref_slice %arg5[%dma_start3A, %dma_start3A_9] : memref<2x32768xf32, #tpu.memory_space<vmem>> -> memref<1x32768xf32, #tpu.memory_space<vmem>>
    %dma_start3A_11 = tpu.memref_squeeze %dma_start3A_10 : memref<1x32768xf32, #tpu.memory_space<vmem>> -> memref<32768xf32, #tpu.memory_space<vmem>>
    %dma_start3A_12 = arith.constant 0 : i32
    %dma_start3A_13 = tpu.memref_slice %arg2[%mul3A_2, %dma_start3A_12] : memref<64x32768xf32, #tpu.memory_space<hbm>> -> memref<1x32768xf32, #tpu.memory_space<hbm>>
    %dma_start3A_14 = tpu.memref_squeeze %dma_start3A_13 : memref<1x32768xf32, #tpu.memory_space<hbm>> -> memref<32768xf32, #tpu.memory_space<hbm>>
    tpu.enqueue_dma source(%dma_start3A_14 : memref<32768xf32, #tpu.memory_space<hbm>>) target(%dma_start3A_11 : memref<32768xf32, #tpu.memory_space<vmem>>) target_semaphore(%arg10 : memref<!tpu.dma_semaphore, #tpu.memory_space<semaphore_mem>>)
    %add3A_15 = arith.constant 1 : i32
    %add3A_16 = arith.addi %mul3A_2, %add3A_15 : i32
    %dma_start3A_17 = arith.constant 1 : i32
    %dma_start3A_18 = arith.constant 0 : i32
    %dma_start3A_19 = tpu.memref_slice %arg5[%dma_start3A_17, %dma_start3A_18] : memref<2x32768xf32, #tpu.memory_space<vmem>> -> memref<1x32768xf32, #tpu.memory_space<vmem>>
    %dma_start3A_20 = tpu.memref_squeeze %dma_start3A_19 : memref<1x32768xf32, #tpu.memory_space<vmem>> -> memref<32768xf32, #tpu.memory_space<vmem>>
    %dma_start3A_21 = arith.constant 0 : i32
    %dma_start3A_22 = tpu.memref_slice %arg2[%add3A_16, %dma_start3A_21] : memref<64x32768xf32, #tpu.memory_space<hbm>> -> memref<1x32768xf32, #tpu.memory_space<hbm>>
    %dma_start3A_23 = tpu.memref_squeeze %dma_start3A_22 : memref<1x32768xf32, #tpu.memory_space<hbm>> -> memref<32768xf32, #tpu.memory_space<hbm>>
    %dma_start3A_24 = arith.constant 0 : i32
    %dma_start3A_25 = tpu.memref_slice %arg5[%dma_start3A_17, %dma_start3A_24] : memref<2x32768xf32, #tpu.memory_space<vmem>> -> memref<1x32768xf32, #tpu.memory_space<vmem>>
    %dma_start3A_26 = tpu.memref_squeeze %dma_start3A_25 : memref<1x32768xf32, #tpu.memory_space<vmem>> -> memref<32768xf32, #tpu.memory_space<vmem>>
    %dma_start3A_27 = arith.constant 0 : i32
    %dma_start3A_28 = tpu.memref_slice %arg2[%add3A_16, %dma_start3A_27] : memref<64x32768xf32, #tpu.memory_space<hbm>> -> memref<1x32768xf32, #tpu.memory_space<hbm>>
    %dma_start3A_29 = tpu.memref_squeeze %dma_start3A_28 : memref<1x32768xf32, #tpu.memory_space<hbm>> -> memref<32768xf32, #tpu.memory_space<hbm>>
    tpu.enqueue_dma source(%dma_start3A_29 : memref<32768xf32, #tpu.memory_space<hbm>>) target(%dma_start3A_26 : memref<32768xf32, #tpu.memory_space<vmem>>) target_semaphore(%arg11 : memref<!tpu.dma_semaphore, #tpu.memory_space<semaphore_mem>>)
    %dma_wait3A = arith.constant 0 : i32
    %dma_wait3A_30 = arith.constant 0 : i32
    %dma_wait3A_31 = tpu.memref_slice %arg5[%dma_wait3A, %dma_wait3A_30] : memref<2x32768xf32, #tpu.memory_space<vmem>> -> memref<1x32768xf32, #tpu.memory_space<vmem>>
    %dma_wait3A_32 = tpu.memref_squeeze %dma_wait3A_31 : memref<1x32768xf32, #tpu.memory_space<vmem>> -> memref<32768xf32, #tpu.memory_space<vmem>>
    %dma_wait3A_33 = arith.constant 0 : i32
    %dma_wait3A_34 = tpu.memref_slice %arg2[%mul3A_2, %dma_wait3A_33] : memref<64x32768xf32, #tpu.memory_space<hbm>> -> memref<1x32768xf32, #tpu.memory_space<hbm>>
    %dma_wait3A_35 = tpu.memref_squeeze %dma_wait3A_34 : memref<1x32768xf32, #tpu.memory_space<hbm>> -> memref<32768xf32, #tpu.memory_space<hbm>>
    %dma_wait3A_36 = arith.constant 0 : i32
    %dma_wait3A_37 = tpu.memref_slice %arg5[%dma_wait3A, %dma_wait3A_36] : memref<2x32768xf32, #tpu.memory_space<vmem>> -> memref<1x32768xf32, #tpu.memory_space<vmem>>
    %dma_wait3A_38 = tpu.memref_squeeze %dma_wait3A_37 : memref<1x32768xf32, #tpu.memory_space<vmem>> -> memref<32768xf32, #tpu.memory_space<vmem>>
    %dma_wait3A_39 = arith.constant 0 : i32
    %dma_wait3A_40 = tpu.memref_slice %arg2[%mul3A_2, %dma_wait3A_39] : memref<64x32768xf32, #tpu.memory_space<hbm>> -> memref<1x32768xf32, #tpu.memory_space<hbm>>
    %dma_wait3A_41 = tpu.memref_squeeze %dma_wait3A_40 : memref<1x32768xf32, #tpu.memory_space<hbm>> -> memref<32768xf32, #tpu.memory_space<hbm>>
    tpu.wait_dma2 semaphore(%arg10 : memref<!tpu.dma_semaphore, #tpu.memory_space<semaphore_mem>>) src(%dma_wait3A_41 : memref<32768xf32, #tpu.memory_space<hbm>>) dst(%dma_wait3A_38 : memref<32768xf32, #tpu.memory_space<vmem>>)
    %broadcast_in_dim3A = arith.constant 0 : i32
    %broadcast_in_dim3A_42 = vector.broadcast %broadcast_in_dim3A : i32 to vector<16xi32>
    %scan3A = arith.constant 0 : i32
    %scan3A_43 = arith.constant 0 : i32
    %scan3A_44 = arith.constant 16 : i32
    %scan3A_45 = arith.addi %scan3A_43, %scan3A_44 : i32
    %scan3A_46 = arith.constant 1 : i32
    %scan3A_47 = scf.for %scan3A_360 = %scan3A_43 to %scan3A_45 step %scan3A_46 iter_args(%scan3A_361 = %scan3A) -> (i32)  : i32 {
      %broadcast_in_dim3A_362 = arith.constant 0xFF800000 : f32
      %broadcast_in_dim3A_363 = vector.broadcast %broadcast_in_dim3A_362 : f32 to vector<16xf32>
      %mul3A_364 = arith.constant 2048 : i32
      %mul3A_365 = arith.muli %scan3A_360, %mul3A_364 : i32
      %add3A_366 = arith.constant 0 : i32
      %add3A_367 = arith.addi %mul3A_365, %add3A_366 : i32
      %get3A_368 = arith.constant 0 : i32
      %get3A_369 = arith.index_cast %get3A_368 : i32 to index
      %get3A_370 = arith.index_cast %add3A_367 : i32 to index
      %get3A_371 = tpu.vector_load %arg5[%get3A_369, %get3A_370] {strides = array<i32>} : memref<2x32768xf32, #tpu.memory_space<vmem>>, vector<16xf32>,
      %add3A_372 = arith.constant 16 : i32
      %add3A_373 = arith.addi %add3A_367, %add3A_372 : i32
      %get3A_374 = arith.constant 0 : i32
      %get3A_375 = arith.index_cast %get3A_374 : i32 to index
      %get3A_376 = arith.index_cast %add3A_373 : i32 to index
      %get3A_377 = tpu.vector_load %arg5[%get3A_375, %get3A_376] {strides = array<i32>} : memref<2x32768xf32, #tpu.memory_space<vmem>>, vector<16xf32>,
      %max3A_378 = arith.maximumf %get3A_371, %get3A_377 : vector<16xf32>
      %add3A_379 = arith.constant 32 : i32
      %add3A_380 = arith.addi %add3A_367, %add3A_379 : i32
      %get3A_381 = arith.constant 0 : i32
      %get3A_382 = arith.index_cast %get3A_381 : i32 to index
      %get3A_383 = arith.index_cast %add3A_380 : i32 to index
      %get3A_384 = tpu.vector_load %arg5[%get3A_382, %get3A_383] {strides = array<i32>} : memref<2x32768xf32, #tpu.memory_space<vmem>>, vector<16xf32>,
      %max3A_385 = arith.maximumf %max3A_378, %get3A_384 : vector<16xf32>
      %add3A_386 = arith.constant 48 : i32
      %add3A_387 = arith.addi %add3A_367, %add3A_386 : i32
      %get3A_388 = arith.constant 0 : i32
      %get3A_389 = arith.index_cast %get3A_388 : i32 to index
      %get3A_390 = arith.index_cast %add3A_387 : i32 to index
      %get3A_391 = tpu.vector_load %arg5[%get3A_389, %get3A_390] {strides = array<i32>} : memref<2x32768xf32, #tpu.memory_space<vmem>>, vector<16xf32>,
      %max3A_392 = arith.maximumf %max3A_385, %get3A_391 : vector<16xf32>
      %add3A_393 = arith.constant 64 : i32
      %add3A_394 = arith.addi %add3A_367, %add3A_393 : i32
      %get3A_395 = arith.constant 0 : i32
      %get3A_396 = arith.index_cast %get3A_395 : i32 to index
      %get3A_397 = arith.index_cast %add3A_394 : i32 to index
      %get3A_398 = tpu.vector_load %arg5[%get3A_396, %get3A_397] {strides = array<i32>} : memref<2x32768xf32, #tpu.memory_space<vmem>>, vector<16xf32>,
      %max3A_399 = arith.maximumf %max3A_392, %get3A_398 : vector<16xf32>
      %add3A_400 = arith.constant 80 : i32
      %add3A_401 = arith.addi %add3A_367, %add3A_400 : i32
      %get3A_402 = arith.constant 0 : i32
      %get3A_403 = arith.index_cast %get3A_402 : i32 to index
      %get3A_404 = arith.index_cast %add3A_401 : i32 to index
      %get3A_405 = tpu.vector_load %arg5[%get3A_403, %get3A_404] {strides = array<i32>} : memref<2x32768xf32, #tpu.memory_space<vmem>>, vector<16xf32>,
      %max3A_406 = arith.maximumf %max3A_399, %get3A_405 : vector<16xf32>
      %add3A_407 = arith.constant 96 : i32
      %add3A_408 = arith.addi %add3A_367, %add3A_407 : i32
      %get3A_409 = arith.constant 0 : i32
      %get3A_410 = arith.index_cast %get3A_409 : i32 to index
      %get3A_411 = arith.index_cast %add3A_408 : i32 to index
      %get3A_412 = tpu.vector_load %arg5[%get3A_410, %get3A_411] {strides = array<i32>} : memref<2x32768xf32, #tpu.memory_space<vmem>>, vector<16xf32>,
      %max3A_413 = arith.maximumf %max3A_406, %get3A_412 : vector<16xf32>
      %add3A_414 = arith.constant 112 : i32
      %add3A_415 = arith.addi %add3A_367, %add3A_414 : i32
      %get3A_416 = arith.constant 0 : i32
      %get3A_417 = arith.index_cast %get3A_416 : i32 to index
      %get3A_418 = arith.index_cast %add3A_415 : i32 to index
      %get3A_419 = tpu.vector_load %arg5[%get3A_417, %get3A_418] {strides = array<i32>} : memref<2x32768xf32, #tpu.memory_space<vmem>>, vector<16xf32>,
      %max3A_420 = arith.maximumf %max3A_413, %get3A_419 : vector<16xf32>
      %broadcast_in_dim3A_421 = arith.constant true
      %broadcast_in_dim3A_422 = vector.broadcast %broadcast_in_dim3A_421 : i1 to vector<16xi1>
      %masked_cummax3A = tpu.scan <max>, %max3A_420 masked %broadcast_in_dim3A_422 : vector<16xf32>, vector<16xi1> -> vector<16xf32>
      %broadcast_in_dim3A_423 = arith.constant 15 : i32
      %broadcast_in_dim3A_424 = vector.broadcast %broadcast_in_dim3A_423 : i32 to vector<16xi32>
      %broadcast_in_dim3A_425 = vector.shape_cast %broadcast_in_dim3A_424 : vector<16xi32> to vector<16x1xi32>
      %gather3A_426 = vector.shape_cast %broadcast_in_dim3A_425 : vector<16x1xi32> to vector<16xi32>
      %gather3A_427 = tpu.dynamic_gather %masked_cummax3A[%gather3A_426] in [0] : vector<16xf32>, vector<16xi32> -> vector<16xf32>
      %eq3A = arith.constant 0 : i32
      %eq3A_428 = vector.broadcast %eq3A : i32 to vector<16xi32>
      %eq3A_429 = arith.cmpi eq, %iota3A, %eq3A_428 : vector<16xi32>
      %select_n3A_430 = arith.select %eq3A_429, %gather3A_427, %broadcast_in_dim3A_363 : vector<16xi1>, vector<16xf32>
      %mul3A_431 = arith.constant 2048 : i32
      %mul3A_432 = arith.muli %scan3A_360, %mul3A_431 : i32
      %add3A_433 = arith.constant 128 : i32
      %add3A_434 = arith.addi %mul3A_432, %add3A_433 : i32
      %get3A_435 = arith.constant 0 : i32
      %get3A_436 = arith.index_cast %get3A_435 : i32 to index
      %get3A_437 = arith.index_cast %add3A_434 : i32 to index
      %get3A_438 = tpu.vector_load %arg5[%get3A_436, %get3A_437] {strides = array<i32>} : memref<2x32768xf32, #tpu.memory_space<vmem>>, vector<16xf32>,
      %add3A_439 = arith.constant 16 : i32
      %add3A_440 = arith.addi %add3A_434, %add3A_439 : i32
      %get3A_441 = arith.constant 0 : i32
      %get3A_442 = arith.index_cast %get3A_441 : i32 to index
      %get3A_443 = arith.index_cast %add3A_440 : i32 to index
      %get3A_444 = tpu.vector_load %arg5[%get3A_442, %get3A_443] {strides = array<i32>} : memref<2x32768xf32, #tpu.memory_space<vmem>>, vector<16xf32>,
      %max3A_445 = arith.maximumf %get3A_438, %get3A_444 : vector<16xf32>
      %add3A_446 = arith.constant 32 : i32
      %add3A_447 = arith.addi %add3A_434, %add3A_446 : i32
      %get3A_448 = arith.constant 0 : i32
      %get3A_449 = arith.index_cast %get3A_448 : i32 to index
      %get3A_450 = arith.index_cast %add3A_447 : i32 to index
      %get3A_451 = tpu.vector_load %arg5[%get3A_449, %get3A_450] {strides = array<i32>} : memref<2x32768xf32, #tpu.memory_space<vmem>>, vector<16xf32>,
      %max3A_452 = arith.maximumf %max3A_445, %get3A_451 : vector<16xf32>
      %add3A_453 = arith.constant 48 : i32
      %add3A_454 = arith.addi %add3A_434, %add3A_453 : i32
      %get3A_455 = arith.constant 0 : i32
      %get3A_456 = arith.index_cast %get3A_455 : i32 to index
      %get3A_457 = arith.index_cast %add3A_454 : i32 to index
      %get3A_458 = tpu.vector_load %arg5[%get3A_456, %get3A_457] {strides = array<i32>} : memref<2x32768xf32, #tpu.memory_space<vmem>>, vector<16xf32>,
      %max3A_459 = arith.maximumf %max3A_452, %get3A_458 : vector<16xf32>
      %add3A_460 = arith.constant 64 : i32
      %add3A_461 = arith.addi %add3A_434, %add3A_460 : i32
      %get3A_462 = arith.constant 0 : i32
      %get3A_463 = arith.index_cast %get3A_462 : i32 to index
      %get3A_464 = arith.index_cast %add3A_461 : i32 to index
      %get3A_465 = tpu.vector_load %arg5[%get3A_463, %get3A_464] {strides = array<i32>} : memref<2x32768xf32, #tpu.memory_space<vmem>>, vector<16xf32>,
      %max3A_466 = arith.maximumf %max3A_459, %get3A_465 : vector<16xf32>
      %add3A_467 = arith.constant 80 : i32
      %add3A_468 = arith.addi %add3A_434, %add3A_467 : i32
      %get3A_469 = arith.constant 0 : i32
      %get3A_470 = arith.index_cast %get3A_469 : i32 to index
      %get3A_471 = arith.index_cast %add3A_468 : i32 to index
      %get3A_472 = tpu.vector_load %arg5[%get3A_470, %get3A_471] {strides = array<i32>} : memref<2x32768xf32, #tpu.memory_space<vmem>>, vector<16xf32>,
      %max3A_473 = arith.maximumf %max3A_466, %get3A_472 : vector<16xf32>
      %add3A_474 = arith.constant 96 : i32
      %add3A_475 = arith.addi %add3A_434, %add3A_474 : i32
      %get3A_476 = arith.constant 0 : i32
      %get3A_477 = arith.index_cast %get3A_476 : i32 to index
      %get3A_478 = arith.index_cast %add3A_475 : i32 to index
      %get3A_479 = tpu.vector_load %arg5[%get3A_477, %get3A_478] {strides = array<i32>} : memref<2x32768xf32, #tpu.memory_space<vmem>>, vector<16xf32>,
      %max3A_480 = arith.maximumf %max3A_473, %get3A_479 : vector<16xf32>
      %add3A_481 = arith.constant 112 : i32
      %add3A_482 = arith.addi %add3A_434, %add3A_481 : i32
      %get3A_483 = arith.constant 0 : i32
      %get3A_484 = arith.index_cast %get3A_483 : i32 to index
      %get3A_485 = arith.index_cast %add3A_482 : i32 to index
      %get3A_486 = tpu.vector_load %arg5[%get3A_484, %get3A_485] {strides = array<i32>} : memref<2x32768xf32, #tpu.memory_space<vmem>>, vector<16xf32>,
      %max3A_487 = arith.maximumf %max3A_480, %get3A_486 : vector<16xf32>
      %broadcast_in_dim3A_488 = arith.constant true
      %broadcast_in_dim3A_489 = vector.broadcast %broadcast_in_dim3A_488 : i1 to vector<16xi1>
      %masked_cummax3A_490 = tpu.scan <max>, %max3A_487 masked %broadcast_in_dim3A_489 : vector<16xf32>, vector<16xi1> -> vector<16xf32>
      %broadcast_in_dim3A_491 = arith.constant 15 : i32
      %broadcast_in_dim3A_492 = vector.broadcast %broadcast_in_dim3A_491 : i32 to vector<16xi32>
      %broadcast_in_dim3A_493 = vector.shape_cast %broadcast_in_dim3A_492 : vector<16xi32> to vector<16x1xi32>
      %gather3A_494 = vector.shape_cast %broadcast_in_dim3A_493 : vector<16x1xi32> to vector<16xi32>
      %gather3A_495 = tpu.dynamic_gather %masked_cummax3A_490[%gather3A_494] in [0] : vector<16xf32>, vector<16xi32> -> vector<16xf32>
      %eq3A_496 = arith.constant 1 : i32
      %eq3A_497 = vector.broadcast %eq3A_496 : i32 to vector<16xi32>
      %eq3A_498 = arith.cmpi eq, %iota3A, %eq3A_497 : vector<16xi32>
      %select_n3A_499 = arith.select %eq3A_498, %gather3A_495, %select_n3A_430 : vector<16xi1>, vector<16xf32>
      %mul3A_500 = arith.constant 2048 : i32
      %mul3A_501 = arith.muli %scan3A_360, %mul3A_500 : i32
      %add3A_502 = arith.constant 256 : i32
      %add3A_503 = arith.addi %mul3A_501, %add3A_502 : i32
      %get3A_504 = arith.constant 0 : i32
      %get3A_505 = arith.index_cast %get3A_504 : i32 to index
      %get3A_506 = arith.index_cast %add3A_503 : i32 to index
      %get3A_507 = tpu.vector_load %arg5[%get3A_505, %get3A_506] {strides = array<i32>} : memref<2x32768xf32, #tpu.memory_space<vmem>>, vector<16xf32>,
      %add3A_508 = arith.constant 16 : i32
      %add3A_509 = arith.addi %add3A_503, %add3A_508 : i32
      %get3A_510 = arith.constant 0 : i32
      %get3A_511 = arith.index_cast %get3A_510 : i32 to index
      %get3A_512 = arith.index_cast %add3A_509 : i32 to index
      %get3A_513 = tpu.vector_load %arg5[%get3A_511, %get3A_512] {strides = array<i32>} : memref<2x32768xf32, #tpu.memory_space<vmem>>, vector<16xf32>,
      %max3A_514 = arith.maximumf %get3A_507, %get3A_513 : vector<16xf32>
      %add3A_515 = arith.constant 32 : i32
      %add3A_516 = arith.addi %add3A_503, %add3A_515 : i32
      %get3A_517 = arith.constant 0 : i32
      %get3A_518 = arith.index_cast %get3A_517 : i32 to index
      %get3A_519 = arith.index_cast %add3A_516 : i32 to index
      %get3A_520 = tpu.vector_load %arg5[%get3A_518, %get3A_519] {strides = array<i32>} : memref<2x32768xf32, #tpu.memory_space<vmem>>, vector<16xf32>,
      %max3A_521 = arith.maximumf %max3A_514, %get3A_520 : vector<16xf32>
      %add3A_522 = arith.constant 48 : i32
      %add3A_523 = arith.addi %add3A_503, %add3A_522 : i32
      %get3A_524 = arith.constant 0 : i32
      %get3A_525 = arith.index_cast %get3A_524 : i32 to index
      %get3A_526 = arith.index_cast %add3A_523 : i32 to index
      %get3A_527 = tpu.vector_load %arg5[%get3A_525, %get3A_526] {strides = array<i32>} : memref<2x32768xf32, #tpu.memory_space<vmem>>, vector<16xf32>,
      %max3A_528 = arith.maximumf %max3A_521, %get3A_527 : vector<16xf32>
      %add3A_529 = arith.constant 64 : i32
      %add3A_530 = arith.addi %add3A_503, %add3A_529 : i32
      %get3A_531 = arith.constant 0 : i32
      %get3A_532 = arith.index_cast %get3A_531 : i32 to index
      %get3A_533 = arith.index_cast %add3A_530 : i32 to index
      %get3A_534 = tpu.vector_load %arg5[%get3A_532, %get3A_533] {strides = array<i32>} : memref<2x32768xf32, #tpu.memory_space<vmem>>, vector<16xf32>,
      %max3A_535 = arith.maximumf %max3A_528, %get3A_534 : vector<16xf32>
      %add3A_536 = arith.constant 80 : i32
      %add3A_537 = arith.addi %add3A_503, %add3A_536 : i32
      %get3A_538 = arith.constant 0 : i32
      %get3A_539 = arith.index_cast %get3A_538 : i32 to index
      %get3A_540 = arith.index_cast %add3A_537 : i32 to index
      %get3A_541 = tpu.vector_load %arg5[%get3A_539, %get3A_540] {strides = array<i32>} : memref<2x32768xf32, #tpu.memory_space<vmem>>, vector<16xf32>,
      %max3A_542 = arith.maximumf %max3A_535, %get3A_541 : vector<16xf32>
      %add3A_543 = arith.constant 96 : i32
      %add3A_544 = arith.addi %add3A_503, %add3A_543 : i32
      %get3A_545 = arith.constant 0 : i32
      %get3A_546 = arith.index_cast %get3A_545 : i32 to index
      %get3A_547 = arith.index_cast %add3A_544 : i32 to index
      %get3A_548 = tpu.vector_load %arg5[%get3A_546, %get3A_547] {strides = array<i32>} : memref<2x32768xf32, #tpu.memory_space<vmem>>, vector<16xf32>,
      %max3A_549 = arith.maximumf %max3A_542, %get3A_548 : vector<16xf32>
      %add3A_550 = arith.constant 112 : i32
      %add3A_551 = arith.addi %add3A_503, %add3A_550 : i32
      %get3A_552 = arith.constant 0 : i32
      %get3A_553 = arith.index_cast %get3A_552 : i32 to index
      %get3A_554 = arith.index_cast %add3A_551 : i32 to index
      %get3A_555 = tpu.vector_load %arg5[%get3A_553, %get3A_554] {strides = array<i32>} : memref<2x32768xf32, #tpu.memory_space<vmem>>, vector<16xf32>,
      %max3A_556 = arith.maximumf %max3A_549, %get3A_555 : vector<16xf32>
      %broadcast_in_dim3A_557 = arith.constant true
      %broadcast_in_dim3A_558 = vector.broadcast %broadcast_in_dim3A_557 : i1 to vector<16xi1>
      %masked_cummax3A_559 = tpu.scan <max>, %max3A_556 masked %broadcast_in_dim3A_558 : vector<16xf32>, vector<16xi1> -> vector<16xf32>
      %broadcast_in_dim3A_560 = arith.constant 15 : i32
      %broadcast_in_dim3A_561 = vector.broadcast %broadcast_in_dim3A_560 : i32 to vector<16xi32>
      %broadcast_in_dim3A_562 = vector.shape_cast %broadcast_in_dim3A_561 : vector<16xi32> to vector<16x1xi32>
      %gather3A_563 = vector.shape_cast %broadcast_in_dim3A_562 : vector<16x1xi32> to vector<16xi32>
      %gather3A_564 = tpu.dynamic_gather %masked_cummax3A_559[%gather3A_563] in [0] : vector<16xf32>, vector<16xi32> -> vector<16xf32>
      %eq3A_565 = arith.constant 2 : i32
      %eq3A_566 = vector.broadcast %eq3A_565 : i32 to vector<16xi32>
      %eq3A_567 = arith.cmpi eq, %iota3A, %eq3A_566 : vector<16xi32>
      %select_n3A_568 = arith.select %eq3A_567, %gather3A_564, %select_n3A_499 : vector<16xi1>, vector<16xf32>
      %mul3A_569 = arith.constant 2048 : i32
      %mul3A_570 = arith.muli %scan3A_360, %mul3A_569 : i32
      %add3A_571 = arith.constant 384 : i32
      %add3A_572 = arith.addi %mul3A_570, %add3A_571 : i32
      %get3A_573 = arith.constant 0 : i32
      %get3A_574 = arith.index_cast %get3A_573 : i32 to index
      %get3A_575 = arith.index_cast %add3A_572 : i32 to index
      %get3A_576 = tpu.vector_load %arg5[%get3A_574, %get3A_575] {strides = array<i32>} : memref<2x32768xf32, #tpu.memory_space<vmem>>, vector<16xf32>,
      %add3A_577 = arith.constant 16 : i32
      %add3A_578 = arith.addi %add3A_572, %add3A_577 : i32
      %get3A_579 = arith.constant 0 : i32
      %get3A_580 = arith.index_cast %get3A_579 : i32 to index
      %get3A_581 = arith.index_cast %add3A_578 : i32 to index
      %get3A_582 = tpu.vector_load %arg5[%get3A_580, %get3A_581] {strides = array<i32>} : memref<2x32768xf32, #tpu.memory_space<vmem>>, vector<16xf32>,
      %max3A_583 = arith.maximumf %get3A_576, %get3A_582 : vector<16xf32>
      %add3A_584 = arith.constant 32 : i32
      %add3A_585 = arith.addi %add3A_572, %add3A_584 : i32
      %get3A_586 = arith.constant 0 : i32
      %get3A_587 = arith.index_cast %get3A_586 : i32 to index
      %get3A_588 = arith.index_cast %add3A_585 : i32 to index
      %get3A_589 = tpu.vector_load %arg5[%get3A_587, %get3A_588] {strides = array<i32>} : memref<2x32768xf32, #tpu.memory_space<vmem>>, vector<16xf32>,
      %max3A_590 = arith.maximumf %max3A_583, %get3A_589 : vector<16xf32>
      %add3A_591 = arith.constant 48 : i32
      %add3A_592 = arith.addi %add3A_572, %add3A_591 : i32
      %get3A_593 = arith.constant 0 : i32
      %get3A_594 = arith.index_cast %get3A_593 : i32 to index
      %get3A_595 = arith.index_cast %add3A_592 : i32 to index
      %get3A_596 = tpu.vector_load %arg5[%get3A_594, %get3A_595] {strides = array<i32>} : memref<2x32768xf32, #tpu.memory_space<vmem>>, vector<16xf32>,
      %max3A_597 = arith.maximumf %max3A_590, %get3A_596 : vector<16xf32>
      %add3A_598 = arith.constant 64 : i32
      %add3A_599 = arith.addi %add3A_572, %add3A_598 : i32
      %get3A_600 = arith.constant 0 : i32
      %get3A_601 = arith.index_cast %get3A_600 : i32 to index
      %get3A_602 = arith.index_cast %add3A_599 : i32 to index
      %get3A_603 = tpu.vector_load %arg5[%get3A_601, %get3A_602] {strides = array<i32>} : memref<2x32768xf32, #tpu.memory_space<vmem>>, vector<16xf32>,
      %max3A_604 = arith.maximumf %max3A_597, %get3A_603 : vector<16xf32>
      %add3A_605 = arith.constant 80 : i32
      %add3A_606 = arith.addi %add3A_572, %add3A_605 : i32
      %get3A_607 = arith.constant 0 : i32
      %get3A_608 = arith.index_cast %get3A_607 : i32 to index
      %get3A_609 = arith.index_cast %add3A_606 : i32 to index
      %get3A_610 = tpu.vector_load %arg5[%get3A_608, %get3A_609] {strides = array<i32>} : memref<2x32768xf32, #tpu.memory_space<vmem>>, vector<16xf32>,
      %max3A_611 = arith.maximumf %max3A_604, %get3A_610 : vector<16xf32>
      %add3A_612 = arith.constant 96 : i32
      %add3A_613 = arith.addi %add3A_572, %add3A_612 : i32
      %get3A_614 = arith.constant 0 : i32
      %get3A_615 = arith.index_cast %get3A_614 : i32 to index
      %get3A_616 = arith.index_cast %add3A_613 : i32 to index
      %get3A_617 = tpu.vector_load %arg5[%get3A_615, %get3A_616] {strides = array<i32>} : memref<2x32768xf32, #tpu.memory_space<vmem>>, vector<16xf32>,
      %max3A_618 = arith.maximumf %max3A_611, %get3A_617 : vector<16xf32>
      %add3A_619 = arith.constant 112 : i32
      %add3A_620 = arith.addi %add3A_572, %add3A_619 : i32
      %get3A_621 = arith.constant 0 : i32
      %get3A_622 = arith.index_cast %get3A_621 : i32 to index
      %get3A_623 = arith.index_cast %add3A_620 : i32 to index
      %get3A_624 = tpu.vector_load %arg5[%get3A_622, %get3A_623] {strides = array<i32>} : memref<2x32768xf32, #tpu.memory_space<vmem>>, vector<16xf32>,
      %max3A_625 = arith.maximumf %max3A_618, %get3A_624 : vector<16xf32>
      %broadcast_in_dim3A_626 = arith.constant true
      %broadcast_in_dim3A_627 = vector.broadcast %broadcast_in_dim3A_626 : i1 to vector<16xi1>
      %masked_cummax3A_628 = tpu.scan <max>, %max3A_625 masked %broadcast_in_dim3A_627 : vector<16xf32>, vector<16xi1> -> vector<16xf32>
      %broadcast_in_dim3A_629 = arith.constant 15 : i32
      %broadcast_in_dim3A_630 = vector.broadcast %broadcast_in_dim3A_629 : i32 to vector<16xi32>
      %broadcast_in_dim3A_631 = vector.shape_cast %broadcast_in_dim3A_630 : vector<16xi32> to vector<16x1xi32>
      %gather3A_632 = vector.shape_cast %broadcast_in_dim3A_631 : vector<16x1xi32> to vector<16xi32>
      %gather3A_633 = tpu.dynamic_gather %masked_cummax3A_628[%gather3A_632] in [0] : vector<16xf32>, vector<16xi32> -> vector<16xf32>
      %eq3A_634 = arith.constant 3 : i32
      %eq3A_635 = vector.broadcast %eq3A_634 : i32 to vector<16xi32>
      %eq3A_636 = arith.cmpi eq, %iota3A, %eq3A_635 : vector<16xi32>
      %select_n3A_637 = arith.select %eq3A_636, %gather3A_633, %select_n3A_568 : vector<16xi1>, vector<16xf32>
      %mul3A_638 = arith.constant 2048 : i32
      %mul3A_639 = arith.muli %scan3A_360, %mul3A_638 : i32
      %add3A_640 = arith.constant 512 : i32
      %add3A_641 = arith.addi %mul3A_639, %add3A_640 : i32
      %get3A_642 = arith.constant 0 : i32
      %get3A_643 = arith.index_cast %get3A_642 : i32 to index
      %get3A_644 = arith.index_cast %add3A_641 : i32 to index
      %get3A_645 = tpu.vector_load %arg5[%get3A_643, %get3A_644] {strides = array<i32>} : memref<2x32768xf32, #tpu.memory_space<vmem>>, vector<16xf32>,
      %add3A_646 = arith.constant 16 : i32
      %add3A_647 = arith.addi %add3A_641, %add3A_646 : i32
      %get3A_648 = arith.constant 0 : i32
      %get3A_649 = arith.index_cast %get3A_648 : i32 to index
      %get3A_650 = arith.index_cast %add3A_647 : i32 to index
      %get3A_651 = tpu.vector_load %arg5[%get3A_649, %get3A_650] {strides = array<i32>} : memref<2x32768xf32, #tpu.memory_space<vmem>>, vector<16xf32>,
      %max3A_652 = arith.maximumf %get3A_645, %get3A_651 : vector<16xf32>
      %add3A_653 = arith.constant 32 : i32
      %add3A_654 = arith.addi %add3A_641, %add3A_653 : i32
      %get3A_655 = arith.constant 0 : i32
      %get3A_656 = arith.index_cast %get3A_655 : i32 to index
      %get3A_657 = arith.index_cast %add3A_654 : i32 to index
      %get3A_658 = tpu.vector_load %arg5[%get3A_656, %get3A_657] {strides = array<i32>} : memref<2x32768xf32, #tpu.memory_space<vmem>>, vector<16xf32>,
      %max3A_659 = arith.maximumf %max3A_652, %get3A_658 : vector<16xf32>
      %add3A_660 = arith.constant 48 : i32
      %add3A_661 = arith.addi %add3A_641, %add3A_660 : i32
      %get3A_662 = arith.constant 0 : i32
      %get3A_663 = arith.index_cast %get3A_662 : i32 to index
      %get3A_664 = arith.index_cast %add3A_661 : i32 to index
      %get3A_665 = tpu.vector_load %arg5[%get3A_663, %get3A_664] {strides = array<i32>} : memref<2x32768xf32, #tpu.memory_space<vmem>>, vector<16xf32>,
      %max3A_666 = arith.maximumf %max3A_659, %get3A_665 : vector<16xf32>
      %add3A_667 = arith.constant 64 : i32
      %add3A_668 = arith.addi %add3A_641, %add3A_667 : i32
      %get3A_669 = arith.constant 0 : i32
      %get3A_670 = arith.index_cast %get3A_669 : i32 to index
      %get3A_671 = arith.index_cast %add3A_668 : i32 to index
      %get3A_672 = tpu.vector_load %arg5[%get3A_670, %get3A_671] {strides = array<i32>} : memref<2x32768xf32, #tpu.memory_space<vmem>>, vector<16xf32>,
      %max3A_673 = arith.maximumf %max3A_666, %get3A_672 : vector<16xf32>
      %add3A_674 = arith.constant 80 : i32
      %add3A_675 = arith.addi %add3A_641, %add3A_674 : i32
      %get3A_676 = arith.constant 0 : i32
      %get3A_677 = arith.index_cast %get3A_676 : i32 to index
      %get3A_678 = arith.index_cast %add3A_675 : i32 to index
      %get3A_679 = tpu.vector_load %arg5[%get3A_677, %get3A_678] {strides = array<i32>} : memref<2x32768xf32, #tpu.memory_space<vmem>>, vector<16xf32>,
      %max3A_680 = arith.maximumf %max3A_673, %get3A_679 : vector<16xf32>
      %add3A_681 = arith.constant 96 : i32
      %add3A_682 = arith.addi %add3A_641, %add3A_681 : i32
      %get3A_683 = arith.constant 0 : i32
      %get3A_684 = arith.index_cast %get3A_683 : i32 to index
      %get3A_685 = arith.index_cast %add3A_682 : i32 to index
      %get3A_686 = tpu.vector_load %arg5[%get3A_684, %get3A_685] {strides = array<i32>} : memref<2x32768xf32, #tpu.memory_space<vmem>>, vector<16xf32>,
      %max3A_687 = arith.maximumf %max3A_680, %get3A_686 : vector<16xf32>
      %add3A_688 = arith.constant 112 : i32
      %add3A_689 = arith.addi %add3A_641, %add3A_688 : i32
      %get3A_690 = arith.constant 0 : i32
      %get3A_691 = arith.index_cast %get3A_690 : i32 to index
      %get3A_692 = arith.index_cast %add3A_689 : i32 to index
      %get3A_693 = tpu.vector_load %arg5[%get3A_691, %get3A_692] {strides = array<i32>} : memref<2x32768xf32, #tpu.memory_space<vmem>>, vector<16xf32>,
      %max3A_694 = arith.maximumf %max3A_687, %get3A_693 : vector<16xf32>
      %broadcast_in_dim3A_695 = arith.constant true
      %broadcast_in_dim3A_696 = vector.broadcast %broadcast_in_dim3A_695 : i1 to vector<16xi1>
      %masked_cummax3A_697 = tpu.scan <max>, %max3A_694 masked %broadcast_in_dim3A_696 : vector<16xf32>, vector<16xi1> -> vector<16xf32>
      %broadcast_in_dim3A_698 = arith.constant 15 : i32
      %broadcast_in_dim3A_699 = vector.broadcast %broadcast_in_dim3A_698 : i32 to vector<16xi32>
      %broadcast_in_dim3A_700 = vector.shape_cast %broadcast_in_dim3A_699 : vector<16xi32> to vector<16x1xi32>
      %gather3A_701 = vector.shape_cast %broadcast_in_dim3A_700 : vector<16x1xi32> to vector<16xi32>
      %gather3A_702 = tpu.dynamic_gather %masked_cummax3A_697[%gather3A_701] in [0] : vector<16xf32>, vector<16xi32> -> vector<16xf32>
      %eq3A_703 = arith.constant 4 : i32
      %eq3A_704 = vector.broadcast %eq3A_703 : i32 to vector<16xi32>
      %eq3A_705 = arith.cmpi eq, %iota3A, %eq3A_704 : vector<16xi32>
      %select_n3A_706 = arith.select %eq3A_705, %gather3A_702, %select_n3A_637 : vector<16xi1>, vector<16xf32>
      %mul3A_707 = arith.constant 2048 : i32
      %mul3A_708 = arith.muli %scan3A_360, %mul3A_707 : i32
      %add3A_709 = arith.constant 640 : i32
      %add3A_710 = arith.addi %mul3A_708, %add3A_709 : i32
      %get3A_711 = arith.constant 0 : i32
      %get3A_712 = arith.index_cast %get3A_711 : i32 to index
      %get3A_713 = arith.index_cast %add3A_710 : i32 to index
      %get3A_714 = tpu.vector_load %arg5[%get3A_712, %get3A_713] {strides = array<i32>} : memref<2x32768xf32, #tpu.memory_space<vmem>>, vector<16xf32>,
      %add3A_715 = arith.constant 16 : i32
      %add3A_716 = arith.addi %add3A_710, %add3A_715 : i32
      %get3A_717 = arith.constant 0 : i32
      %get3A_718 = arith.index_cast %get3A_717 : i32 to index
      %get3A_719 = arith.index_cast %add3A_716 : i32 to index
      %get3A_720 = tpu.vector_load %arg5[%get3A_718, %get3A_719] {strides = array<i32>} : memref<2x32768xf32, #tpu.memory_space<vmem>>, vector<16xf32>,
      %max3A_721 = arith.maximumf %get3A_714, %get3A_720 : vector<16xf32>
      %add3A_722 = arith.constant 32 : i32
      %add3A_723 = arith.addi %add3A_710, %add3A_722 : i32
      %get3A_724 = arith.constant 0 : i32
      %get3A_725 = arith.index_cast %get3A_724 : i32 to index
      %get3A_726 = arith.index_cast %add3A_723 : i32 to index
      %get3A_727 = tpu.vector_load %arg5[%get3A_725, %get3A_726] {strides = array<i32>} : memref<2x32768xf32, #tpu.memory_space<vmem>>, vector<16xf32>,
      %max3A_728 = arith.maximumf %max3A_721, %get3A_727 : vector<16xf32>
      %add3A_729 = arith.constant 48 : i32
      %add3A_730 = arith.addi %add3A_710, %add3A_729 : i32
      %get3A_731 = arith.constant 0 : i32
      %get3A_732 = arith.index_cast %get3A_731 : i32 to index
      %get3A_733 = arith.index_cast %add3A_730 : i32 to index
      %get3A_734 = tpu.vector_load %arg5[%get3A_732, %get3A_733] {strides = array<i32>} : memref<2x32768xf32, #tpu.memory_space<vmem>>, vector<16xf32>,
      %max3A_735 = arith.maximumf %max3A_728, %get3A_734 : vector<16xf32>
      %add3A_736 = arith.constant 64 : i32
      %add3A_737 = arith.addi %add3A_710, %add3A_736 : i32
      %get3A_738 = arith.constant 0 : i32
      %get3A_739 = arith.index_cast %get3A_738 : i32 to index
      %get3A_740 = arith.index_cast %add3A_737 : i32 to index
      %get3A_741 = tpu.vector_load %arg5[%get3A_739, %get3A_740] {strides = array<i32>} : memref<2x32768xf32, #tpu.memory_space<vmem>>, vector<16xf32>,
      %max3A_742 = arith.maximumf %max3A_735, %get3A_741 : vector<16xf32>
      %add3A_743 = arith.constant 80 : i32
      %add3A_744 = arith.addi %add3A_710, %add3A_743 : i32
      %get3A_745 = arith.constant 0 : i32
      %get3A_746 = arith.index_cast %get3A_745 : i32 to index
      %get3A_747 = arith.index_cast %add3A_744 : i32 to index
      %get3A_748 = tpu.vector_load %arg5[%get3A_746, %get3A_747] {strides = array<i32>} : memref<2x32768xf32, #tpu.memory_space<vmem>>, vector<16xf32>,
      %max3A_749 = arith.maximumf %max3A_742, %get3A_748 : vector<16xf32>
      %add3A_750 = arith.constant 96 : i32
      %add3A_751 = arith.addi %add3A_710, %add3A_750 : i32
      %get3A_752 = arith.constant 0 : i32
      %get3A_753 = arith.index_cast %get3A_752 : i32 to index
      %get3A_754 = arith.index_cast %add3A_751 : i32 to index
      %get3A_755 = tpu.vector_load %arg5[%get3A_753, %get3A_754] {strides = array<i32>} : memref<2x32768xf32, #tpu.memory_space<vmem>>, vector<16xf32>,
      %max3A_756 = arith.maximumf %max3A_749, %get3A_755 : vector<16xf32>
      %add3A_757 = arith.constant 112 : i32
      %add3A_758 = arith.addi %add3A_710, %add3A_757 : i32
      %get3A_759 = arith.constant 0 : i32
      %get3A_760 = arith.index_cast %get3A_759 : i32 to index
      %get3A_761 = arith.index_cast %add3A_758 : i32 to index
      %get3A_762 = tpu.vector_load %arg5[%get3A_760, %get3A_761] {strides = array<i32>} : memref<2x32768xf32, #tpu.memory_space<vmem>>, vector<16xf32>,
      %max3A_763 = arith.maximumf %max3A_756, %get3A_762 : vector<16xf32>
      %broadcast_in_dim3A_764 = arith.constant true
      %broadcast_in_dim3A_765 = vector.broadcast %broadcast_in_dim3A_764 : i1 to vector<16xi1>
      %masked_cummax3A_766 = tpu.scan <max>, %max3A_763 masked %broadcast_in_dim3A_765 : vector<16xf32>, vector<16xi1> -> vector<16xf32>
      %broadcast_in_dim3A_767 = arith.constant 15 : i32
      %broadcast_in_dim3A_768 = vector.broadcast %broadcast_in_dim3A_767 : i32 to vector<16xi32>
      %broadcast_in_dim3A_769 = vector.shape_cast %broadcast_in_dim3A_768 : vector<16xi32> to vector<16x1xi32>
      %gather3A_770 = vector.shape_cast %broadcast_in_dim3A_769 : vector<16x1xi32> to vector<16xi32>
      %gather3A_771 = tpu.dynamic_gather %masked_cummax3A_766[%gather3A_770] in [0] : vector<16xf32>, vector<16xi32> -> vector<16xf32>
      %eq3A_772 = arith.constant 5 : i32
      %eq3A_773 = vector.broadcast %eq3A_772 : i32 to vector<16xi32>
      %eq3A_774 = arith.cmpi eq, %iota3A, %eq3A_773 : vector<16xi32>
      %select_n3A_775 = arith.select %eq3A_774, %gather3A_771, %select_n3A_706 : vector<16xi1>, vector<16xf32>
      %mul3A_776 = arith.constant 2048 : i32
      %mul3A_777 = arith.muli %scan3A_360, %mul3A_776 : i32
      %add3A_778 = arith.constant 768 : i32
      %add3A_779 = arith.addi %mul3A_777, %add3A_778 : i32
      %get3A_780 = arith.constant 0 : i32
      %get3A_781 = arith.index_cast %get3A_780 : i32 to index
      %get3A_782 = arith.index_cast %add3A_779 : i32 to index
      %get3A_783 = tpu.vector_load %arg5[%get3A_781, %get3A_782] {strides = array<i32>} : memref<2x32768xf32, #tpu.memory_space<vmem>>, vector<16xf32>,
      %add3A_784 = arith.constant 16 : i32
      %add3A_785 = arith.addi %add3A_779, %add3A_784 : i32
      %get3A_786 = arith.constant 0 : i32
      %get3A_787 = arith.index_cast %get3A_786 : i32 to index
      %get3A_788 = arith.index_cast %add3A_785 : i32 to index
      %get3A_789 = tpu.vector_load %arg5[%get3A_787, %get3A_788] {strides = array<i32>} : memref<2x32768xf32, #tpu.memory_space<vmem>>, vector<16xf32>,
      %max3A_790 = arith.maximumf %get3A_783, %get3A_789 : vector<16xf32>
      %add3A_791 = arith.constant 32 : i32
      %add3A_792 = arith.addi %add3A_779, %add3A_791 : i32
      %get3A_793 = arith.constant 0 : i32
      %get3A_794 = arith.index_cast %get3A_793 : i32 to index
      %get3A_795 = arith.index_cast %add3A_792 : i32 to index
      %get3A_796 = tpu.vector_load %arg5[%get3A_794, %get3A_795] {strides = array<i32>} : memref<2x32768xf32, #tpu.memory_space<vmem>>, vector<16xf32>,
      %max3A_797 = arith.maximumf %max3A_790, %get3A_796 : vector<16xf32>
      %add3A_798 = arith.constant 48 : i32
      %add3A_799 = arith.addi %add3A_779, %add3A_798 : i32
      %get3A_800 = arith.constant 0 : i32
      %get3A_801 = arith.index_cast %get3A_800 : i32 to index
      %get3A_802 = arith.index_cast %add3A_799 : i32 to index
      %get3A_803 = tpu.vector_load %arg5[%get3A_801, %get3A_802] {strides = array<i32>} : memref<2x32768xf32, #tpu.memory_space<vmem>>, vector<16xf32>,
      %max3A_804 = arith.maximumf %max3A_797, %get3A_803 : vector<16xf32>
      %add3A_805 = arith.constant 64 : i32
      %add3A_806 = arith.addi %add3A_779, %add3A_805 : i32
      %get3A_807 = arith.constant 0 : i32
      %get3A_808 = arith.index_cast %get3A_807 : i32 to index
      %get3A_809 = arith.index_cast %add3A_806 : i32 to index
      %get3A_810 = tpu.vector_load %arg5[%get3A_808, %get3A_809] {strides = array<i32>} : memref<2x32768xf32, #tpu.memory_space<vmem>>, vector<16xf32>,
      %max3A_811 = arith.maximumf %max3A_804, %get3A_810 : vector<16xf32>
      %add3A_812 = arith.constant 80 : i32
      %add3A_813 = arith.addi %add3A_779, %add3A_812 : i32
      %get3A_814 = arith.constant 0 : i32
      %get3A_815 = arith.index_cast %get3A_814 : i32 to index
      %get3A_816 = arith.index_cast %add3A_813 : i32 to index
      %get3A_817 = tpu.vector_load %arg5[%get3A_815, %get3A_816] {strides = array<i32>} : memref<2x32768xf32, #tpu.memory_space<vmem>>, vector<16xf32>,
      %max3A_818 = arith.maximumf %max3A_811, %get3A_817 : vector<16xf32>
      %add3A_819 = arith.constant 96 : i32
      %add3A_820 = arith.addi %add3A_779, %add3A_819 : i32
      %get3A_821 = arith.constant 0 : i32
      %get3A_822 = arith.index_cast %get3A_821 : i32 to index
      %get3A_823 = arith.index_cast %add3A_820 : i32 to index
      %get3A_824 = tpu.vector_load %arg5[%get3A_822, %get3A_823] {strides = array<i32>} : memref<2x32768xf32, #tpu.memory_space<vmem>>, vector<16xf32>,
      %max3A_825 = arith.maximumf %max3A_818, %get3A_824 : vector<16xf32>
      %add3A_826 = arith.constant 112 : i32
      %add3A_827 = arith.addi %add3A_779, %add3A_826 : i32
      %get3A_828 = arith.constant 0 : i32
      %get3A_829 = arith.index_cast %get3A_828 : i32 to index
      %get3A_830 = arith.index_cast %add3A_827 : i32 to index
      %get3A_831 = tpu.vector_load %arg5[%get3A_829, %get3A_830] {strides = array<i32>} : memref<2x32768xf32, #tpu.memory_space<vmem>>, vector<16xf32>,
      %max3A_832 = arith.maximumf %max3A_825, %get3A_831 : vector<16xf32>
      %broadcast_in_dim3A_833 = arith.constant true
      %broadcast_in_dim3A_834 = vector.broadcast %broadcast_in_dim3A_833 : i1 to vector<16xi1>
      %masked_cummax3A_835 = tpu.scan <max>, %max3A_832 masked %broadcast_in_dim3A_834 : vector<16xf32>, vector<16xi1> -> vector<16xf32>
      %broadcast_in_dim3A_836 = arith.constant 15 : i32
      %broadcast_in_dim3A_837 = vector.broadcast %broadcast_in_dim3A_836 : i32 to vector<16xi32>
      %broadcast_in_dim3A_838 = vector.shape_cast %broadcast_in_dim3A_837 : vector<16xi32> to vector<16x1xi32>
      %gather3A_839 = vector.shape_cast %broadcast_in_dim3A_838 : vector<16x1xi32> to vector<16xi32>
      %gather3A_840 = tpu.dynamic_gather %masked_cummax3A_835[%gather3A_839] in [0] : vector<16xf32>, vector<16xi32> -> vector<16xf32>
      %eq3A_841 = arith.constant 6 : i32
      %eq3A_842 = vector.broadcast %eq3A_841 : i32 to vector<16xi32>
      %eq3A_843 = arith.cmpi eq, %iota3A, %eq3A_842 : vector<16xi32>
      %select_n3A_844 = arith.select %eq3A_843, %gather3A_840, %select_n3A_775 : vector<16xi1>, vector<16xf32>
      %mul3A_845 = arith.constant 2048 : i32
      %mul3A_846 = arith.muli %scan3A_360, %mul3A_845 : i32
      %add3A_847 = arith.constant 896 : i32
      %add3A_848 = arith.addi %mul3A_846, %add3A_847 : i32
      %get3A_849 = arith.constant 0 : i32
      %get3A_850 = arith.index_cast %get3A_849 : i32 to index
      %get3A_851 = arith.index_cast %add3A_848 : i32 to index
      %get3A_852 = tpu.vector_load %arg5[%get3A_850, %get3A_851] {strides = array<i32>} : memref<2x32768xf32, #tpu.memory_space<vmem>>, vector<16xf32>,
      %add3A_853 = arith.constant 16 : i32
      %add3A_854 = arith.addi %add3A_848, %add3A_853 : i32
      %get3A_855 = arith.constant 0 : i32
      %get3A_856 = arith.index_cast %get3A_855 : i32 to index
      %get3A_857 = arith.index_cast %add3A_854 : i32 to index
      %get3A_858 = tpu.vector_load %arg5[%get3A_856, %get3A_857] {strides = array<i32>} : memref<2x32768xf32, #tpu.memory_space<vmem>>, vector<16xf32>,
      %max3A_859 = arith.maximumf %get3A_852, %get3A_858 : vector<16xf32>
      %add3A_860 = arith.constant 32 : i32
      %add3A_861 = arith.addi %add3A_848, %add3A_860 : i32
      %get3A_862 = arith.constant 0 : i32
      %get3A_863 = arith.index_cast %get3A_862 : i32 to index
      %get3A_864 = arith.index_cast %add3A_861 : i32 to index
      %get3A_865 = tpu.vector_load %arg5[%get3A_863, %get3A_864] {strides = array<i32>} : memref<2x32768xf32, #tpu.memory_space<vmem>>, vector<16xf32>,
      %max3A_866 = arith.maximumf %max3A_859, %get3A_865 : vector<16xf32>
      %add3A_867 = arith.constant 48 : i32
      %add3A_868 = arith.addi %add3A_848, %add3A_867 : i32
      %get3A_869 = arith.constant 0 : i32
      %get3A_870 = arith.index_cast %get3A_869 : i32 to index
      %get3A_871 = arith.index_cast %add3A_868 : i32 to index
      %get3A_872 = tpu.vector_load %arg5[%get3A_870, %get3A_871] {strides = array<i32>} : memref<2x32768xf32, #tpu.memory_space<vmem>>, vector<16xf32>,
      %max3A_873 = arith.maximumf %max3A_866, %get3A_872 : vector<16xf32>
      %add3A_874 = arith.constant 64 : i32
      %add3A_875 = arith.addi %add3A_848, %add3A_874 : i32
      %get3A_876 = arith.constant 0 : i32
      %get3A_877 = arith.index_cast %get3A_876 : i32 to index
      %get3A_878 = arith.index_cast %add3A_875 : i32 to index
      %get3A_879 = tpu.vector_load %arg5[%get3A_877, %get3A_878] {strides = array<i32>} : memref<2x32768xf32, #tpu.memory_space<vmem>>, vector<16xf32>,
      %max3A_880 = arith.maximumf %max3A_873, %get3A_879 : vector<16xf32>
      %add3A_881 = arith.constant 80 : i32
      %add3A_882 = arith.addi %add3A_848, %add3A_881 : i32
      %get3A_883 = arith.constant 0 : i32
      %get3A_884 = arith.index_cast %get3A_883 : i32 to index
      %get3A_885 = arith.index_cast %add3A_882 : i32 to index
      %get3A_886 = tpu.vector_load %arg5[%get3A_884, %get3A_885] {strides = array<i32>} : memref<2x32768xf32, #tpu.memory_space<vmem>>, vector<16xf32>,
      %max3A_887 = arith.maximumf %max3A_880, %get3A_886 : vector<16xf32>
      %add3A_888 = arith.constant 96 : i32
      %add3A_889 = arith.addi %add3A_848, %add3A_888 : i32
      %get3A_890 = arith.constant 0 : i32
      %get3A_891 = arith.index_cast %get3A_890 : i32 to index
      %get3A_892 = arith.index_cast %add3A_889 : i32 to index
      %get3A_893 = tpu.vector_load %arg5[%get3A_891, %get3A_892] {strides = array<i32>} : memref<2x32768xf32, #tpu.memory_space<vmem>>, vector<16xf32>,
      %max3A_894 = arith.maximumf %max3A_887, %get3A_893 : vector<16xf32>
      %add3A_895 = arith.constant 112 : i32
      %add3A_896 = arith.addi %add3A_848, %add3A_895 : i32
      %get3A_897 = arith.constant 0 : i32
      %get3A_898 = arith.index_cast %get3A_897 : i32 to index
      %get3A_899 = arith.index_cast %add3A_896 : i32 to index
      %get3A_900 = tpu.vector_load %arg5[%get3A_898, %get3A_899] {strides = array<i32>} : memref<2x32768xf32, #tpu.memory_space<vmem>>, vector<16xf32>,
      %max3A_901 = arith.maximumf %max3A_894, %get3A_900 : vector<16xf32>
      %broadcast_in_dim3A_902 = arith.constant true
      %broadcast_in_dim3A_903 = vector.broadcast %broadcast_in_dim3A_902 : i1 to vector<16xi1>
      %masked_cummax3A_904 = tpu.scan <max>, %max3A_901 masked %broadcast_in_dim3A_903 : vector<16xf32>, vector<16xi1> -> vector<16xf32>
      %broadcast_in_dim3A_905 = arith.constant 15 : i32
      %broadcast_in_dim3A_906 = vector.broadcast %broadcast_in_dim3A_905 : i32 to vector<16xi32>
      %broadcast_in_dim3A_907 = vector.shape_cast %broadcast_in_dim3A_906 : vector<16xi32> to vector<16x1xi32>
      %gather3A_908 = vector.shape_cast %broadcast_in_dim3A_907 : vector<16x1xi32> to vector<16xi32>
      %gather3A_909 = tpu.dynamic_gather %masked_cummax3A_904[%gather3A_908] in [0] : vector<16xf32>, vector<16xi32> -> vector<16xf32>
      %eq3A_910 = arith.constant 7 : i32
      %eq3A_911 = vector.broadcast %eq3A_910 : i32 to vector<16xi32>
      %eq3A_912 = arith.cmpi eq, %iota3A, %eq3A_911 : vector<16xi32>
      %select_n3A_913 = arith.select %eq3A_912, %gather3A_909, %select_n3A_844 : vector<16xi1>, vector<16xf32>
      %mul3A_914 = arith.constant 2048 : i32
      %mul3A_915 = arith.muli %scan3A_360, %mul3A_914 : i32
      %add3A_916 = arith.constant 1024 : i32
      %add3A_917 = arith.addi %mul3A_915, %add3A_916 : i32
      %get3A_918 = arith.constant 0 : i32
      %get3A_919 = arith.index_cast %get3A_918 : i32 to index
      %get3A_920 = arith.index_cast %add3A_917 : i32 to index
      %get3A_921 = tpu.vector_load %arg5[%get3A_919, %get3A_920] {strides = array<i32>} : memref<2x32768xf32, #tpu.memory_space<vmem>>, vector<16xf32>,
      %add3A_922 = arith.constant 16 : i32
      %add3A_923 = arith.addi %add3A_917, %add3A_922 : i32
      %get3A_924 = arith.constant 0 : i32
      %get3A_925 = arith.index_cast %get3A_924 : i32 to index
      %get3A_926 = arith.index_cast %add3A_923 : i32 to index
      %get3A_927 = tpu.vector_load %arg5[%get3A_925, %get3A_926] {strides = array<i32>} : memref<2x32768xf32, #tpu.memory_space<vmem>>, vector<16xf32>,
      %max3A_928 = arith.maximumf %get3A_921, %get3A_927 : vector<16xf32>
      %add3A_929 = arith.constant 32 : i32
      %add3A_930 = arith.addi %add3A_917, %add3A_929 : i32
      %get3A_931 = arith.constant 0 : i32
      %get3A_932 = arith.index_cast %get3A_931 : i32 to index
      %get3A_933 = arith.index_cast %add3A_930 : i32 to index
      %get3A_934 = tpu.vector_load %arg5[%get3A_932, %get3A_933] {strides = array<i32>} : memref<2x32768xf32, #tpu.memory_space<vmem>>, vector<16xf32>,
      %max3A_935 = arith.maximumf %max3A_928, %get3A_934 : vector<16xf32>
      %add3A_936 = arith.constant 48 : i32
      %add3A_937 = arith.addi %add3A_917, %add3A_936 : i32
      %get3A_938 = arith.constant 0 : i32
      %get3A_939 = arith.index_cast %get3A_938 : i32 to index
      %get3A_940 = arith.index_cast %add3A_937 : i32 to index
      %get3A_941 = tpu.vector_load %arg5[%get3A_939, %get3A_940] {strides = array<i32>} : memref<2x32768xf32, #tpu.memory_space<vmem>>, vector<16xf32>,
      %max3A_942 = arith.maximumf %max3A_935, %get3A_941 : vector<16xf32>
      %add3A_943 = arith.constant 64 : i32
      %add3A_944 = arith.addi %add3A_917, %add3A_943 : i32
      %get3A_945 = arith.constant 0 : i32
      %get3A_946 = arith.index_cast %get3A_945 : i32 to index
      %get3A_947 = arith.index_cast %add3A_944 : i32 to index
      %get3A_948 = tpu.vector_load %arg5[%get3A_946, %get3A_947] {strides = array<i32>} : memref<2x32768xf32, #tpu.memory_space<vmem>>, vector<16xf32>,
      %max3A_949 = arith.maximumf %max3A_942, %get3A_948 : vector<16xf32>
      %add3A_950 = arith.constant 80 : i32
      %add3A_951 = arith.addi %add3A_917, %add3A_950 : i32
      %get3A_952 = arith.constant 0 : i32
      %get3A_953 = arith.index_cast %get3A_952 : i32 to index
      %get3A_954 = arith.index_cast %add3A_951 : i32 to index
      %get3A_955 = tpu.vector_load %arg5[%get3A_953, %get3A_954] {strides = array<i32>} : memref<2x32768xf32, #tpu.memory_space<vmem>>, vector<16xf32>,
      %max3A_956 = arith.maximumf %max3A_949, %get3A_955 : vector<16xf32>
      %add3A_957 = arith.constant 96 : i32
      %add3A_958 = arith.addi %add3A_917, %add3A_957 : i32
      %get3A_959 = arith.constant 0 : i32
      %get3A_960 = arith.index_cast %get3A_959 : i32 to index
      %get3A_961 = arith.index_cast %add3A_958 : i32 to index
      %get3A_962 = tpu.vector_load %arg5[%get3A_960, %get3A_961] {strides = array<i32>} : memref<2x32768xf32, #tpu.memory_space<vmem>>, vector<16xf32>,
      %max3A_963 = arith.maximumf %max3A_956, %get3A_962 : vector<16xf32>
      %add3A_964 = arith.constant 112 : i32
      %add3A_965 = arith.addi %add3A_917, %add3A_964 : i32
      %get3A_966 = arith.constant 0 : i32
      %get3A_967 = arith.index_cast %get3A_966 : i32 to index
      %get3A_968 = arith.index_cast %add3A_965 : i32 to index
      %get3A_969 = tpu.vector_load %arg5[%get3A_967, %get3A_968] {strides = array<i32>} : memref<2x32768xf32, #tpu.memory_space<vmem>>, vector<16xf32>,
      %max3A_970 = arith.maximumf %max3A_963, %get3A_969 : vector<16xf32>
      %broadcast_in_dim3A_971 = arith.constant true
      %broadcast_in_dim3A_972 = vector.broadcast %broadcast_in_dim3A_971 : i1 to vector<16xi1>
      %masked_cummax3A_973 = tpu.scan <max>, %max3A_970 masked %broadcast_in_dim3A_972 : vector<16xf32>, vector<16xi1> -> vector<16xf32>
      %broadcast_in_dim3A_974 = arith.constant 15 : i32
      %broadcast_in_dim3A_975 = vector.broadcast %broadcast_in_dim3A_974 : i32 to vector<16xi32>
      %broadcast_in_dim3A_976 = vector.shape_cast %broadcast_in_dim3A_975 : vector<16xi32> to vector<16x1xi32>
      %gather3A_977 = vector.shape_cast %broadcast_in_dim3A_976 : vector<16x1xi32> to vector<16xi32>
      %gather3A_978 = tpu.dynamic_gather %masked_cummax3A_973[%gather3A_977] in [0] : vector<16xf32>, vector<16xi32> -> vector<16xf32>
      %eq3A_979 = arith.constant 8 : i32
      %eq3A_980 = vector.broadcast %eq3A_979 : i32 to vector<16xi32>
      %eq3A_981 = arith.cmpi eq, %iota3A, %eq3A_980 : vector<16xi32>
      %select_n3A_982 = arith.select %eq3A_981, %gather3A_978, %select_n3A_913 : vector<16xi1>, vector<16xf32>
      %mul3A_983 = arith.constant 2048 : i32
      %mul3A_984 = arith.muli %scan3A_360, %mul3A_983 : i32
      %add3A_985 = arith.constant 1152 : i32
      %add3A_986 = arith.addi %mul3A_984, %add3A_985 : i32
      %get3A_987 = arith.constant 0 : i32
      %get3A_988 = arith.index_cast %get3A_987 : i32 to index
      %get3A_989 = arith.index_cast %add3A_986 : i32 to index
      %get3A_990 = tpu.vector_load %arg5[%get3A_988, %get3A_989] {strides = array<i32>} : memref<2x32768xf32, #tpu.memory_space<vmem>>, vector<16xf32>,
      %add3A_991 = arith.constant 16 : i32
      %add3A_992 = arith.addi %add3A_986, %add3A_991 : i32
      %get3A_993 = arith.constant 0 : i32
      %get3A_994 = arith.index_cast %get3A_993 : i32 to index
      %get3A_995 = arith.index_cast %add3A_992 : i32 to index
      %get3A_996 = tpu.vector_load %arg5[%get3A_994, %get3A_995] {strides = array<i32>} : memref<2x32768xf32, #tpu.memory_space<vmem>>, vector<16xf32>,
      %max3A_997 = arith.maximumf %get3A_990, %get3A_996 : vector<16xf32>
      %add3A_998 = arith.constant 32 : i32
      %add3A_999 = arith.addi %add3A_986, %add3A_998 : i32
      %get3A_1000 = arith.constant 0 : i32
      %get3A_1001 = arith.index_cast %get3A_1000 : i32 to index
      %get3A_1002 = arith.index_cast %add3A_999 : i32 to index
      %get3A_1003 = tpu.vector_load %arg5[%get3A_1001, %get3A_1002] {strides = array<i32>} : memref<2x32768xf32, #tpu.memory_space<vmem>>, vector<16xf32>,
      %max3A_1004 = arith.maximumf %max3A_997, %get3A_1003 : vector<16xf32>
      %add3A_1005 = arith.constant 48 : i32
      %add3A_1006 = arith.addi %add3A_986, %add3A_1005 : i32
      %get3A_1007 = arith.constant 0 : i32
      %get3A_1008 = arith.index_cast %get3A_1007 : i32 to index
      %get3A_1009 = arith.index_cast %add3A_1006 : i32 to index
      %get3A_1010 = tpu.vector_load %arg5[%get3A_1008, %get3A_1009] {strides = array<i32>} : memref<2x32768xf32, #tpu.memory_space<vmem>>, vector<16xf32>,
      %max3A_1011 = arith.maximumf %max3A_1004, %get3A_1010 : vector<16xf32>
      %add3A_1012 = arith.constant 64 : i32
      %add3A_1013 = arith.addi %add3A_986, %add3A_1012 : i32
      %get3A_1014 = arith.constant 0 : i32
      %get3A_1015 = arith.index_cast %get3A_1014 : i32 to index
      %get3A_1016 = arith.index_cast %add3A_1013 : i32 to index
      %get3A_1017 = tpu.vector_load %arg5[%get3A_1015, %get3A_1016] {strides = array<i32>} : memref<2x32768xf32, #tpu.memory_space<vmem>>, vector<16xf32>,
      %max3A_1018 = arith.maximumf %max3A_1011, %get3A_1017 : vector<16xf32>
      %add3A_1019 = arith.constant 80 : i32
      %add3A_1020 = arith.addi %add3A_986, %add3A_1019 : i32
      %get3A_1021 = arith.constant 0 : i32
      %get3A_1022 = arith.index_cast %get3A_1021 : i32 to index
      %get3A_1023 = arith.index_cast %add3A_1020 : i32 to index
      %get3A_1024 = tpu.vector_load %arg5[%get3A_1022, %get3A_1023] {strides = array<i32>} : memref<2x32768xf32, #tpu.memory_space<vmem>>, vector<16xf32>,
      %max3A_1025 = arith.maximumf %max3A_1018, %get3A_1024 : vector<16xf32>
      %add3A_1026 = arith.constant 96 : i32
      %add3A_1027 = arith.addi %add3A_986, %add3A_1026 : i32
      %get3A_1028 = arith.constant 0 : i32
      %get3A_1029 = arith.index_cast %get3A_1028 : i32 to index
      %get3A_1030 = arith.index_cast %add3A_1027 : i32 to index
      %get3A_1031 = tpu.vector_load %arg5[%get3A_1029, %get3A_1030] {strides = array<i32>} : memref<2x32768xf32, #tpu.memory_space<vmem>>, vector<16xf32>,
      %max3A_1032 = arith.maximumf %max3A_1025, %get3A_1031 : vector<16xf32>
      %add3A_1033 = arith.constant 112 : i32
      %add3A_1034 = arith.addi %add3A_986, %add3A_1033 : i32
      %get3A_1035 = arith.constant 0 : i32
      %get3A_1036 = arith.index_cast %get3A_1035 : i32 to index
      %get3A_1037 = arith.index_cast %add3A_1034 : i32 to index
      %get3A_1038 = tpu.vector_load %arg5[%get3A_1036, %get3A_1037] {strides = array<i32>} : memref<2x32768xf32, #tpu.memory_space<vmem>>, vector<16xf32>,
      %max3A_1039 = arith.maximumf %max3A_1032, %get3A_1038 : vector<16xf32>
      %broadcast_in_dim3A_1040 = arith.constant true
      %broadcast_in_dim3A_1041 = vector.broadcast %broadcast_in_dim3A_1040 : i1 to vector<16xi1>
      %masked_cummax3A_1042 = tpu.scan <max>, %max3A_1039 masked %broadcast_in_dim3A_1041 : vector<16xf32>, vector<16xi1> -> vector<16xf32>
      %broadcast_in_dim3A_1043 = arith.constant 15 : i32
      %broadcast_in_dim3A_1044 = vector.broadcast %broadcast_in_dim3A_1043 : i32 to vector<16xi32>
      %broadcast_in_dim3A_1045 = vector.shape_cast %broadcast_in_dim3A_1044 : vector<16xi32> to vector<16x1xi32>
      %gather3A_1046 = vector.shape_cast %broadcast_in_dim3A_1045 : vector<16x1xi32> to vector<16xi32>
      %gather3A_1047 = tpu.dynamic_gather %masked_cummax3A_1042[%gather3A_1046] in [0] : vector<16xf32>, vector<16xi32> -> vector<16xf32>
      %eq3A_1048 = arith.constant 9 : i32
      %eq3A_1049 = vector.broadcast %eq3A_1048 : i32 to vector<16xi32>
      %eq3A_1050 = arith.cmpi eq, %iota3A, %eq3A_1049 : vector<16xi32>
      %select_n3A_1051 = arith.select %eq3A_1050, %gather3A_1047, %select_n3A_982 : vector<16xi1>, vector<16xf32>
      %mul3A_1052 = arith.constant 2048 : i32
      %mul3A_1053 = arith.muli %scan3A_360, %mul3A_1052 : i32
      %add3A_1054 = arith.constant 1280 : i32
      %add3A_1055 = arith.addi %mul3A_1053, %add3A_1054 : i32
      %get3A_1056 = arith.constant 0 : i32
      %get3A_1057 = arith.index_cast %get3A_1056 : i32 to index
      %get3A_1058 = arith.index_cast %add3A_1055 : i32 to index
      %get3A_1059 = tpu.vector_load %arg5[%get3A_1057, %get3A_1058] {strides = array<i32>} : memref<2x32768xf32, #tpu.memory_space<vmem>>, vector<16xf32>,
      %add3A_1060 = arith.constant 16 : i32
      %add3A_1061 = arith.addi %add3A_1055, %add3A_1060 : i32
      %get3A_1062 = arith.constant 0 : i32
      %get3A_1063 = arith.index_cast %get3A_1062 : i32 to index
      %get3A_1064 = arith.index_cast %add3A_1061 : i32 to index
      %get3A_1065 = tpu.vector_load %arg5[%get3A_1063, %get3A_1064] {strides = array<i32>} : memref<2x32768xf32, #tpu.memory_space<vmem>>, vector<16xf32>,
      %max3A_1066 = arith.maximumf %get3A_1059, %get3A_1065 : vector<16xf32>
      %add3A_1067 = arith.constant 32 : i32
      %add3A_1068 = arith.addi %add3A_1055, %add3A_1067 : i32
      %get3A_1069 = arith.constant 0 : i32
      %get3A_1070 = arith.index_cast %get3A_1069 : i32 to index
      %get3A_1071 = arith.index_cast %add3A_1068 : i32 to index
      %get3A_1072 = tpu.vector_load %arg5[%get3A_1070, %get3A_1071] {strides = array<i32>} : memref<2x32768xf32, #tpu.memory_space<vmem>>, vector<16xf32>,
      %max3A_1073 = arith.maximumf %max3A_1066, %get3A_1072 : vector<16xf32>
      %add3A_1074 = arith.constant 48 : i32
      %add3A_1075 = arith.addi %add3A_1055, %add3A_1074 : i32
      %get3A_1076 = arith.constant 0 : i32
      %get3A_1077 = arith.index_cast %get3A_1076 : i32 to index
      %get3A_1078 = arith.index_cast %add3A_1075 : i32 to index
      %get3A_1079 = tpu.vector_load %arg5[%get3A_1077, %get3A_1078] {strides = array<i32>} : memref<2x32768xf32, #tpu.memory_space<vmem>>, vector<16xf32>,
      %max3A_1080 = arith.maximumf %max3A_1073, %get3A_1079 : vector<16xf32>
      %add3A_1081 = arith.constant 64 : i32
      %add3A_1082 = arith.addi %add3A_1055, %add3A_1081 : i32
      %get3A_1083 = arith.constant 0 : i32
      %get3A_1084 = arith.index_cast %get3A_1083 : i32 to index
      %get3A_1085 = arith.index_cast %add3A_1082 : i32 to index
      %get3A_1086 = tpu.vector_load %arg5[%get3A_1084, %get3A_1085] {strides = array<i32>} : memref<2x32768xf32, #tpu.memory_space<vmem>>, vector<16xf32>,
      %max3A_1087 = arith.maximumf %max3A_1080, %get3A_1086 : vector<16xf32>
      %add3A_1088 = arith.constant 80 : i32
      %add3A_1089 = arith.addi %add3A_1055, %add3A_1088 : i32
      %get3A_1090 = arith.constant 0 : i32
      %get3A_1091 = arith.index_cast %get3A_1090 : i32 to index
      %get3A_1092 = arith.index_cast %add3A_1089 : i32 to index
      %get3A_1093 = tpu.vector_load %arg5[%get3A_1091, %get3A_1092] {strides = array<i32>} : memref<2x32768xf32, #tpu.memory_space<vmem>>, vector<16xf32>,
      %max3A_1094 = arith.maximumf %max3A_1087, %get3A_1093 : vector<16xf32>
      %add3A_1095 = arith.constant 96 : i32
      %add3A_1096 = arith.addi %add3A_1055, %add3A_1095 : i32
      %get3A_1097 = arith.constant 0 : i32
      %get3A_1098 = arith.index_cast %get3A_1097 : i32 to index
      %get3A_1099 = arith.index_cast %add3A_1096 : i32 to index
      %get3A_1100 = tpu.vector_load %arg5[%get3A_1098, %get3A_1099] {strides = array<i32>} : memref<2x32768xf32, #tpu.memory_space<vmem>>, vector<16xf32>,
      %max3A_1101 = arith.maximumf %max3A_1094, %get3A_1100 : vector<16xf32>
      %add3A_1102 = arith.constant 112 : i32
      %add3A_1103 = arith.addi %add3A_1055, %add3A_1102 : i32
      %get3A_1104 = arith.constant 0 : i32
      %get3A_1105 = arith.index_cast %get3A_1104 : i32 to index
      %get3A_1106 = arith.index_cast %add3A_1103 : i32 to index
      %get3A_1107 = tpu.vector_load %arg5[%get3A_1105, %get3A_1106] {strides = array<i32>} : memref<2x32768xf32, #tpu.memory_space<vmem>>, vector<16xf32>,
      %max3A_1108 = arith.maximumf %max3A_1101, %get3A_1107 : vector<16xf32>
      %broadcast_in_dim3A_1109 = arith.constant true
      %broadcast_in_dim3A_1110 = vector.broadcast %broadcast_in_dim3A_1109 : i1 to vector<16xi1>
      %masked_cummax3A_1111 = tpu.scan <max>, %max3A_1108 masked %broadcast_in_dim3A_1110 : vector<16xf32>, vector<16xi1> -> vector<16xf32>
      %broadcast_in_dim3A_1112 = arith.constant 15 : i32
      %broadcast_in_dim3A_1113 = vector.broadcast %broadcast_in_dim3A_1112 : i32 to vector<16xi32>
      %broadcast_in_dim3A_1114 = vector.shape_cast %broadcast_in_dim3A_1113 : vector<16xi32> to vector<16x1xi32>
      %gather3A_1115 = vector.shape_cast %broadcast_in_dim3A_1114 : vector<16x1xi32> to vector<16xi32>
      %gather3A_1116 = tpu.dynamic_gather %masked_cummax3A_1111[%gather3A_1115] in [0] : vector<16xf32>, vector<16xi32> -> vector<16xf32>
      %eq3A_1117 = arith.constant 10 : i32
      %eq3A_1118 = vector.broadcast %eq3A_1117 : i32 to vector<16xi32>
      %eq3A_1119 = arith.cmpi eq, %iota3A, %eq3A_1118 : vector<16xi32>
      %select_n3A_1120 = arith.select %eq3A_1119, %gather3A_1116, %select_n3A_1051 : vector<16xi1>, vector<16xf32>
      %mul3A_1121 = arith.constant 2048 : i32
      %mul3A_1122 = arith.muli %scan3A_360, %mul3A_1121 : i32
      %add3A_1123 = arith.constant 1408 : i32
      %add3A_1124 = arith.addi %mul3A_1122, %add3A_1123 : i32
      %get3A_1125 = arith.constant 0 : i32
      %get3A_1126 = arith.index_cast %get3A_1125 : i32 to index
      %get3A_1127 = arith.index_cast %add3A_1124 : i32 to index
      %get3A_1128 = tpu.vector_load %arg5[%get3A_1126, %get3A_1127] {strides = array<i32>} : memref<2x32768xf32, #tpu.memory_space<vmem>>, vector<16xf32>,
      %add3A_1129 = arith.constant 16 : i32
      %add3A_1130 = arith.addi %add3A_1124, %add3A_1129 : i32
      %get3A_1131 = arith.constant 0 : i32
      %get3A_1132 = arith.index_cast %get3A_1131 : i32 to index
      %get3A_1133 = arith.index_cast %add3A_1130 : i32 to index
      %get3A_1134 = tpu.vector_load %arg5[%get3A_1132, %get3A_1133] {strides = array<i32>} : memref<2x32768xf32, #tpu.memory_space<vmem>>, vector<16xf32>,
      %max3A_1135 = arith.maximumf %get3A_1128, %get3A_1134 : vector<16xf32>
      %add3A_1136 = arith.constant 32 : i32
      %add3A_1137 = arith.addi %add3A_1124, %add3A_1136 : i32
      %get3A_1138 = arith.constant 0 : i32
      %get3A_1139 = arith.index_cast %get3A_1138 : i32 to index
      %get3A_1140 = arith.index_cast %add3A_1137 : i32 to index
      %get3A_1141 = tpu.vector_load %arg5[%get3A_1139, %get3A_1140] {strides = array<i32>} : memref<2x32768xf32, #tpu.memory_space<vmem>>, vector<16xf32>,
      %max3A_1142 = arith.maximumf %max3A_1135, %get3A_1141 : vector<16xf32>
      %add3A_1143 = arith.constant 48 : i32
      %add3A_1144 = arith.addi %add3A_1124, %add3A_1143 : i32
      %get3A_1145 = arith.constant 0 : i32
      %get3A_1146 = arith.index_cast %get3A_1145 : i32 to index
      %get3A_1147 = arith.index_cast %add3A_1144 : i32 to index
      %get3A_1148 = tpu.vector_load %arg5[%get3A_1146, %get3A_1147] {strides = array<i32>} : memref<2x32768xf32, #tpu.memory_space<vmem>>, vector<16xf32>,
      %max3A_1149 = arith.maximumf %max3A_1142, %get3A_1148 : vector<16xf32>
      %add3A_1150 = arith.constant 64 : i32
      %add3A_1151 = arith.addi %add3A_1124, %add3A_1150 : i32
      %get3A_1152 = arith.constant 0 : i32
      %get3A_1153 = arith.index_cast %get3A_1152 : i32 to index
      %get3A_1154 = arith.index_cast %add3A_1151 : i32 to index
      %get3A_1155 = tpu.vector_load %arg5[%get3A_1153, %get3A_1154] {strides = array<i32>} : memref<2x32768xf32, #tpu.memory_space<vmem>>, vector<16xf32>,
      %max3A_1156 = arith.maximumf %max3A_1149, %get3A_1155 : vector<16xf32>
      %add3A_1157 = arith.constant 80 : i32
      %add3A_1158 = arith.addi %add3A_1124, %add3A_1157 : i32
      %get3A_1159 = arith.constant 0 : i32
      %get3A_1160 = arith.index_cast %get3A_1159 : i32 to index
      %get3A_1161 = arith.index_cast %add3A_1158 : i32 to index
      %get3A_1162 = tpu.vector_load %arg5[%get3A_1160, %get3A_1161] {strides = array<i32>} : memref<2x32768xf32, #tpu.memory_space<vmem>>, vector<16xf32>,
      %max3A_1163 = arith.maximumf %max3A_1156, %get3A_1162 : vector<16xf32>
      %add3A_1164 = arith.constant 96 : i32
      %add3A_1165 = arith.addi %add3A_1124, %add3A_1164 : i32
      %get3A_1166 = arith.constant 0 : i32
      %get3A_1167 = arith.index_cast %get3A_1166 : i32 to index
      %get3A_1168 = arith.index_cast %add3A_1165 : i32 to index
      %get3A_1169 = tpu.vector_load %arg5[%get3A_1167, %get3A_1168] {strides = array<i32>} : memref<2x32768xf32, #tpu.memory_space<vmem>>, vector<16xf32>,
      %max3A_1170 = arith.maximumf %max3A_1163, %get3A_1169 : vector<16xf32>
      %add3A_1171 = arith.constant 112 : i32
      %add3A_1172 = arith.addi %add3A_1124, %add3A_1171 : i32
      %get3A_1173 = arith.constant 0 : i32
      %get3A_1174 = arith.index_cast %get3A_1173 : i32 to index
      %get3A_1175 = arith.index_cast %add3A_1172 : i32 to index
      %get3A_1176 = tpu.vector_load %arg5[%get3A_1174, %get3A_1175] {strides = array<i32>} : memref<2x32768xf32, #tpu.memory_space<vmem>>, vector<16xf32>,
      %max3A_1177 = arith.maximumf %max3A_1170, %get3A_1176 : vector<16xf32>
      %broadcast_in_dim3A_1178 = arith.constant true
      %broadcast_in_dim3A_1179 = vector.broadcast %broadcast_in_dim3A_1178 : i1 to vector<16xi1>
      %masked_cummax3A_1180 = tpu.scan <max>, %max3A_1177 masked %broadcast_in_dim3A_1179 : vector<16xf32>, vector<16xi1> -> vector<16xf32>
      %broadcast_in_dim3A_1181 = arith.constant 15 : i32
      %broadcast_in_dim3A_1182 = vector.broadcast %broadcast_in_dim3A_1181 : i32 to vector<16xi32>
      %broadcast_in_dim3A_1183 = vector.shape_cast %broadcast_in_dim3A_1182 : vector<16xi32> to vector<16x1xi32>
      %gather3A_1184 = vector.shape_cast %broadcast_in_dim3A_1183 : vector<16x1xi32> to vector<16xi32>
      %gather3A_1185 = tpu.dynamic_gather %masked_cummax3A_1180[%gather3A_1184] in [0] : vector<16xf32>, vector<16xi32> -> vector<16xf32>
      %eq3A_1186 = arith.constant 11 : i32
      %eq3A_1187 = vector.broadcast %eq3A_1186 : i32 to vector<16xi32>
      %eq3A_1188 = arith.cmpi eq, %iota3A, %eq3A_1187 : vector<16xi32>
      %select_n3A_1189 = arith.select %eq3A_1188, %gather3A_1185, %select_n3A_1120 : vector<16xi1>, vector<16xf32>
      %mul3A_1190 = arith.constant 2048 : i32
      %mul3A_1191 = arith.muli %scan3A_360, %mul3A_1190 : i32
      %add3A_1192 = arith.constant 1536 : i32
      %add3A_1193 = arith.addi %mul3A_1191, %add3A_1192 : i32
      %get3A_1194 = arith.constant 0 : i32
      %get3A_1195 = arith.index_cast %get3A_1194 : i32 to index
      %get3A_1196 = arith.index_cast %add3A_1193 : i32 to index
      %get3A_1197 = tpu.vector_load %arg5[%get3A_1195, %get3A_1196] {strides = array<i32>} : memref<2x32768xf32, #tpu.memory_space<vmem>>, vector<16xf32>,
      %add3A_1198 = arith.constant 16 : i32
      %add3A_1199 = arith.addi %add3A_1193, %add3A_1198 : i32
      %get3A_1200 = arith.constant 0 : i32
      %get3A_1201 = arith.index_cast %get3A_1200 : i32 to index
      %get3A_1202 = arith.index_cast %add3A_1199 : i32 to index
      %get3A_1203 = tpu.vector_load %arg5[%get3A_1201, %get3A_1202] {strides = array<i32>} : memref<2x32768xf32, #tpu.memory_space<vmem>>, vector<16xf32>,
      %max3A_1204 = arith.maximumf %get3A_1197, %get3A_1203 : vector<16xf32>
      %add3A_1205 = arith.constant 32 : i32
      %add3A_1206 = arith.addi %add3A_1193, %add3A_1205 : i32
      %get3A_1207 = arith.constant 0 : i32
      %get3A_1208 = arith.index_cast %get3A_1207 : i32 to index
      %get3A_1209 = arith.index_cast %add3A_1206 : i32 to index
      %get3A_1210 = tpu.vector_load %arg5[%get3A_1208, %get3A_1209] {strides = array<i32>} : memref<2x32768xf32, #tpu.memory_space<vmem>>, vector<16xf32>,
      %max3A_1211 = arith.maximumf %max3A_1204, %get3A_1210 : vector<16xf32>
      %add3A_1212 = arith.constant 48 : i32
      %add3A_1213 = arith.addi %add3A_1193, %add3A_1212 : i32
      %get3A_1214 = arith.constant 0 : i32
      %get3A_1215 = arith.index_cast %get3A_1214 : i32 to index
      %get3A_1216 = arith.index_cast %add3A_1213 : i32 to index
      %get3A_1217 = tpu.vector_load %arg5[%get3A_1215, %get3A_1216] {strides = array<i32>} : memref<2x32768xf32, #tpu.memory_space<vmem>>, vector<16xf32>,
      %max3A_1218 = arith.maximumf %max3A_1211, %get3A_1217 : vector<16xf32>
      %add3A_1219 = arith.constant 64 : i32
      %add3A_1220 = arith.addi %add3A_1193, %add3A_1219 : i32
      %get3A_1221 = arith.constant 0 : i32
      %get3A_1222 = arith.index_cast %get3A_1221 : i32 to index
      %get3A_1223 = arith.index_cast %add3A_1220 : i32 to index
      %get3A_1224 = tpu.vector_load %arg5[%get3A_1222, %get3A_1223] {strides = array<i32>} : memref<2x32768xf32, #tpu.memory_space<vmem>>, vector<16xf32>,
      %max3A_1225 = arith.maximumf %max3A_1218, %get3A_1224 : vector<16xf32>
      %add3A_1226 = arith.constant 80 : i32
      %add3A_1227 = arith.addi %add3A_1193, %add3A_1226 : i32
      %get3A_1228 = arith.constant 0 : i32
      %get3A_1229 = arith.index_cast %get3A_1228 : i32 to index
      %get3A_1230 = arith.index_cast %add3A_1227 : i32 to index
      %get3A_1231 = tpu.vector_load %arg5[%get3A_1229, %get3A_1230] {strides = array<i32>} : memref<2x32768xf32, #tpu.memory_space<vmem>>, vector<16xf32>,
      %max3A_1232 = arith.maximumf %max3A_1225, %get3A_1231 : vector<16xf32>
      %add3A_1233 = arith.constant 96 : i32
      %add3A_1234 = arith.addi %add3A_1193, %add3A_1233 : i32
      %get3A_1235 = arith.constant 0 : i32
      %get3A_1236 = arith.index_cast %get3A_1235 : i32 to index
      %get3A_1237 = arith.index_cast %add3A_1234 : i32 to index
      %get3A_1238 = tpu.vector_load %arg5[%get3A_1236, %get3A_1237] {strides = array<i32>} : memref<2x32768xf32, #tpu.memory_space<vmem>>, vector<16xf32>,
      %max3A_1239 = arith.maximumf %max3A_1232, %get3A_1238 : vector<16xf32>
      %add3A_1240 = arith.constant 112 : i32
      %add3A_1241 = arith.addi %add3A_1193, %add3A_1240 : i32
      %get3A_1242 = arith.constant 0 : i32
      %get3A_1243 = arith.index_cast %get3A_1242 : i32 to index
      %get3A_1244 = arith.index_cast %add3A_1241 : i32 to index
      %get3A_1245 = tpu.vector_load %arg5[%get3A_1243, %get3A_1244] {strides = array<i32>} : memref<2x32768xf32, #tpu.memory_space<vmem>>, vector<16xf32>,
      %max3A_1246 = arith.maximumf %max3A_1239, %get3A_1245 : vector<16xf32>
      %broadcast_in_dim3A_1247 = arith.constant true
      %broadcast_in_dim3A_1248 = vector.broadcast %broadcast_in_dim3A_1247 : i1 to vector<16xi1>
      %masked_cummax3A_1249 = tpu.scan <max>, %max3A_1246 masked %broadcast_in_dim3A_1248 : vector<16xf32>, vector<16xi1> -> vector<16xf32>
      %broadcast_in_dim3A_1250 = arith.constant 15 : i32
      %broadcast_in_dim3A_1251 = vector.broadcast %broadcast_in_dim3A_1250 : i32 to vector<16xi32>
      %broadcast_in_dim3A_1252 = vector.shape_cast %broadcast_in_dim3A_1251 : vector<16xi32> to vector<16x1xi32>
      %gather3A_1253 = vector.shape_cast %broadcast_in_dim3A_1252 : vector<16x1xi32> to vector<16xi32>
      %gather3A_1254 = tpu.dynamic_gather %masked_cummax3A_1249[%gather3A_1253] in [0] : vector<16xf32>, vector<16xi32> -> vector<16xf32>
      %eq3A_1255 = arith.constant 12 : i32
      %eq3A_1256 = vector.broadcast %eq3A_1255 : i32 to vector<16xi32>
      %eq3A_1257 = arith.cmpi eq, %iota3A, %eq3A_1256 : vector<16xi32>
      %select_n3A_1258 = arith.select %eq3A_1257, %gather3A_1254, %select_n3A_1189 : vector<16xi1>, vector<16xf32>
      %mul3A_1259 = arith.constant 2048 : i32
      %mul3A_1260 = arith.muli %scan3A_360, %mul3A_1259 : i32
      %add3A_1261 = arith.constant 1664 : i32
      %add3A_1262 = arith.addi %mul3A_1260, %add3A_1261 : i32
      %get3A_1263 = arith.constant 0 : i32
      %get3A_1264 = arith.index_cast %get3A_1263 : i32 to index
      %get3A_1265 = arith.index_cast %add3A_1262 : i32 to index
      %get3A_1266 = tpu.vector_load %arg5[%get3A_1264, %get3A_1265] {strides = array<i32>} : memref<2x32768xf32, #tpu.memory_space<vmem>>, vector<16xf32>,
      %add3A_1267 = arith.constant 16 : i32
      %add3A_1268 = arith.addi %add3A_1262, %add3A_1267 : i32
      %get3A_1269 = arith.constant 0 : i32
      %get3A_1270 = arith.index_cast %get3A_1269 : i32 to index
      %get3A_1271 = arith.index_cast %add3A_1268 : i32 to index
      %get3A_1272 = tpu.vector_load %arg5[%get3A_1270, %get3A_1271] {strides = array<i32>} : memref<2x32768xf32, #tpu.memory_space<vmem>>, vector<16xf32>,
      %max3A_1273 = arith.maximumf %get3A_1266, %get3A_1272 : vector<16xf32>
      %add3A_1274 = arith.constant 32 : i32
      %add3A_1275 = arith.addi %add3A_1262, %add3A_1274 : i32
      %get3A_1276 = arith.constant 0 : i32
      %get3A_1277 = arith.index_cast %get3A_1276 : i32 to index
      %get3A_1278 = arith.index_cast %add3A_1275 : i32 to index
      %get3A_1279 = tpu.vector_load %arg5[%get3A_1277, %get3A_1278] {strides = array<i32>} : memref<2x32768xf32, #tpu.memory_space<vmem>>, vector<16xf32>,
      %max3A_1280 = arith.maximumf %max3A_1273, %get3A_1279 : vector<16xf32>
      %add3A_1281 = arith.constant 48 : i32
      %add3A_1282 = arith.addi %add3A_1262, %add3A_1281 : i32
      %get3A_1283 = arith.constant 0 : i32
      %get3A_1284 = arith.index_cast %get3A_1283 : i32 to index
      %get3A_1285 = arith.index_cast %add3A_1282 : i32 to index
      %get3A_1286 = tpu.vector_load %arg5[%get3A_1284, %get3A_1285] {strides = array<i32>} : memref<2x32768xf32, #tpu.memory_space<vmem>>, vector<16xf32>,
      %max3A_1287 = arith.maximumf %max3A_1280, %get3A_1286 : vector<16xf32>
      %add3A_1288 = arith.constant 64 : i32
      %add3A_1289 = arith.addi %add3A_1262, %add3A_1288 : i32
      %get3A_1290 = arith.constant 0 : i32
      %get3A_1291 = arith.index_cast %get3A_1290 : i32 to index
      %get3A_1292 = arith.index_cast %add3A_1289 : i32 to index
      %get3A_1293 = tpu.vector_load %arg5[%get3A_1291, %get3A_1292] {strides = array<i32>} : memref<2x32768xf32, #tpu.memory_space<vmem>>, vector<16xf32>,
      %max3A_1294 = arith.maximumf %max3A_1287, %get3A_1293 : vector<16xf32>
      %add3A_1295 = arith.constant 80 : i32
      %add3A_1296 = arith.addi %add3A_1262, %add3A_1295 : i32
      %get3A_1297 = arith.constant 0 : i32
      %get3A_1298 = arith.index_cast %get3A_1297 : i32 to index
      %get3A_1299 = arith.index_cast %add3A_1296 : i32 to index
      %get3A_1300 = tpu.vector_load %arg5[%get3A_1298, %get3A_1299] {strides = array<i32>} : memref<2x32768xf32, #tpu.memory_space<vmem>>, vector<16xf32>,
      %max3A_1301 = arith.maximumf %max3A_1294, %get3A_1300 : vector<16xf32>
      %add3A_1302 = arith.constant 96 : i32
      %add3A_1303 = arith.addi %add3A_1262, %add3A_1302 : i32
      %get3A_1304 = arith.constant 0 : i32
      %get3A_1305 = arith.index_cast %get3A_1304 : i32 to index
      %get3A_1306 = arith.index_cast %add3A_1303 : i32 to index
      %get3A_1307 = tpu.vector_load %arg5[%get3A_1305, %get3A_1306] {strides = array<i32>} : memref<2x32768xf32, #tpu.memory_space<vmem>>, vector<16xf32>,
      %max3A_1308 = arith.maximumf %max3A_1301, %get3A_1307 : vector<16xf32>
      %add3A_1309 = arith.constant 112 : i32
      %add3A_1310 = arith.addi %add3A_1262, %add3A_1309 : i32
      %get3A_1311 = arith.constant 0 : i32
      %get3A_1312 = arith.index_cast %get3A_1311 : i32 to index
      %get3A_1313 = arith.index_cast %add3A_1310 : i32 to index
      %get3A_1314 = tpu.vector_load %arg5[%get3A_1312, %get3A_1313] {strides = array<i32>} : memref<2x32768xf32, #tpu.memory_space<vmem>>, vector<16xf32>,
      %max3A_1315 = arith.maximumf %max3A_1308, %get3A_1314 : vector<16xf32>
      %broadcast_in_dim3A_1316 = arith.constant true
      %broadcast_in_dim3A_1317 = vector.broadcast %broadcast_in_dim3A_1316 : i1 to vector<16xi1>
      %masked_cummax3A_1318 = tpu.scan <max>, %max3A_1315 masked %broadcast_in_dim3A_1317 : vector<16xf32>, vector<16xi1> -> vector<16xf32>
      %broadcast_in_dim3A_1319 = arith.constant 15 : i32
      %broadcast_in_dim3A_1320 = vector.broadcast %broadcast_in_dim3A_1319 : i32 to vector<16xi32>
      %broadcast_in_dim3A_1321 = vector.shape_cast %broadcast_in_dim3A_1320 : vector<16xi32> to vector<16x1xi32>
      %gather3A_1322 = vector.shape_cast %broadcast_in_dim3A_1321 : vector<16x1xi32> to vector<16xi32>
      %gather3A_1323 = tpu.dynamic_gather %masked_cummax3A_1318[%gather3A_1322] in [0] : vector<16xf32>, vector<16xi32> -> vector<16xf32>
      %eq3A_1324 = arith.constant 13 : i32
      %eq3A_1325 = vector.broadcast %eq3A_1324 : i32 to vector<16xi32>
      %eq3A_1326 = arith.cmpi eq, %iota3A, %eq3A_1325 : vector<16xi32>
      %select_n3A_1327 = arith.select %eq3A_1326, %gather3A_1323, %select_n3A_1258 : vector<16xi1>, vector<16xf32>
      %mul3A_1328 = arith.constant 2048 : i32
      %mul3A_1329 = arith.muli %scan3A_360, %mul3A_1328 : i32
      %add3A_1330 = arith.constant 1792 : i32
      %add3A_1331 = arith.addi %mul3A_1329, %add3A_1330 : i32
      %get3A_1332 = arith.constant 0 : i32
      %get3A_1333 = arith.index_cast %get3A_1332 : i32 to index
      %get3A_1334 = arith.index_cast %add3A_1331 : i32 to index
      %get3A_1335 = tpu.vector_load %arg5[%get3A_1333, %get3A_1334] {strides = array<i32>} : memref<2x32768xf32, #tpu.memory_space<vmem>>, vector<16xf32>,
      %add3A_1336 = arith.constant 16 : i32
      %add3A_1337 = arith.addi %add3A_1331, %add3A_1336 : i32
      %get3A_1338 = arith.constant 0 : i32
      %get3A_1339 = arith.index_cast %get3A_1338 : i32 to index
      %get3A_1340 = arith.index_cast %add3A_1337 : i32 to index
      %get3A_1341 = tpu.vector_load %arg5[%get3A_1339, %get3A_1340] {strides = array<i32>} : memref<2x32768xf32, #tpu.memory_space<vmem>>, vector<16xf32>,
      %max3A_1342 = arith.maximumf %get3A_1335, %get3A_1341 : vector<16xf32>
      %add3A_1343 = arith.constant 32 : i32
      %add3A_1344 = arith.addi %add3A_1331, %add3A_1343 : i32
      %get3A_1345 = arith.constant 0 : i32
      %get3A_1346 = arith.index_cast %get3A_1345 : i32 to index
      %get3A_1347 = arith.index_cast %add3A_1344 : i32 to index
      %get3A_1348 = tpu.vector_load %arg5[%get3A_1346, %get3A_1347] {strides = array<i32>} : memref<2x32768xf32, #tpu.memory_space<vmem>>, vector<16xf32>,
      %max3A_1349 = arith.maximumf %max3A_1342, %get3A_1348 : vector<16xf32>
      %add3A_1350 = arith.constant 48 : i32
      %add3A_1351 = arith.addi %add3A_1331, %add3A_1350 : i32
      %get3A_1352 = arith.constant 0 : i32
      %get3A_1353 = arith.index_cast %get3A_1352 : i32 to index
      %get3A_1354 = arith.index_cast %add3A_1351 : i32 to index
      %get3A_1355 = tpu.vector_load %arg5[%get3A_1353, %get3A_1354] {strides = array<i32>} : memref<2x32768xf32, #tpu.memory_space<vmem>>, vector<16xf32>,
      %max3A_1356 = arith.maximumf %max3A_1349, %get3A_1355 : vector<16xf32>
      %add3A_1357 = arith.constant 64 : i32
      %add3A_1358 = arith.addi %add3A_1331, %add3A_1357 : i32
      %get3A_1359 = arith.constant 0 : i32
      %get3A_1360 = arith.index_cast %get3A_1359 : i32 to index
      %get3A_1361 = arith.index_cast %add3A_1358 : i32 to index
      %get3A_1362 = tpu.vector_load %arg5[%get3A_1360, %get3A_1361] {strides = array<i32>} : memref<2x32768xf32, #tpu.memory_space<vmem>>, vector<16xf32>,
      %max3A_1363 = arith.maximumf %max3A_1356, %get3A_1362 : vector<16xf32>
      %add3A_1364 = arith.constant 80 : i32
      %add3A_1365 = arith.addi %add3A_1331, %add3A_1364 : i32
      %get3A_1366 = arith.constant 0 : i32
      %get3A_1367 = arith.index_cast %get3A_1366 : i32 to index
      %get3A_1368 = arith.index_cast %add3A_1365 : i32 to index
      %get3A_1369 = tpu.vector_load %arg5[%get3A_1367, %get3A_1368] {strides = array<i32>} : memref<2x32768xf32, #tpu.memory_space<vmem>>, vector<16xf32>,
      %max3A_1370 = arith.maximumf %max3A_1363, %get3A_1369 : vector<16xf32>
      %add3A_1371 = arith.constant 96 : i32
      %add3A_1372 = arith.addi %add3A_1331, %add3A_1371 : i32
      %get3A_1373 = arith.constant 0 : i32
      %get3A_1374 = arith.index_cast %get3A_1373 : i32 to index
      %get3A_1375 = arith.index_cast %add3A_1372 : i32 to index
      %get3A_1376 = tpu.vector_load %arg5[%get3A_1374, %get3A_1375] {strides = array<i32>} : memref<2x32768xf32, #tpu.memory_space<vmem>>, vector<16xf32>,
      %max3A_1377 = arith.maximumf %max3A_1370, %get3A_1376 : vector<16xf32>
      %add3A_1378 = arith.constant 112 : i32
      %add3A_1379 = arith.addi %add3A_1331, %add3A_1378 : i32
      %get3A_1380 = arith.constant 0 : i32
      %get3A_1381 = arith.index_cast %get3A_1380 : i32 to index
      %get3A_1382 = arith.index_cast %add3A_1379 : i32 to index
      %get3A_1383 = tpu.vector_load %arg5[%get3A_1381, %get3A_1382] {strides = array<i32>} : memref<2x32768xf32, #tpu.memory_space<vmem>>, vector<16xf32>,
      %max3A_1384 = arith.maximumf %max3A_1377, %get3A_1383 : vector<16xf32>
      %broadcast_in_dim3A_1385 = arith.constant true
      %broadcast_in_dim3A_1386 = vector.broadcast %broadcast_in_dim3A_1385 : i1 to vector<16xi1>
      %masked_cummax3A_1387 = tpu.scan <max>, %max3A_1384 masked %broadcast_in_dim3A_1386 : vector<16xf32>, vector<16xi1> -> vector<16xf32>
      %broadcast_in_dim3A_1388 = arith.constant 15 : i32
      %broadcast_in_dim3A_1389 = vector.broadcast %broadcast_in_dim3A_1388 : i32 to vector<16xi32>
      %broadcast_in_dim3A_1390 = vector.shape_cast %broadcast_in_dim3A_1389 : vector<16xi32> to vector<16x1xi32>
      %gather3A_1391 = vector.shape_cast %broadcast_in_dim3A_1390 : vector<16x1xi32> to vector<16xi32>
      %gather3A_1392 = tpu.dynamic_gather %masked_cummax3A_1387[%gather3A_1391] in [0] : vector<16xf32>, vector<16xi32> -> vector<16xf32>
      %eq3A_1393 = arith.constant 14 : i32
      %eq3A_1394 = vector.broadcast %eq3A_1393 : i32 to vector<16xi32>
      %eq3A_1395 = arith.cmpi eq, %iota3A, %eq3A_1394 : vector<16xi32>
      %select_n3A_1396 = arith.select %eq3A_1395, %gather3A_1392, %select_n3A_1327 : vector<16xi1>, vector<16xf32>
      %mul3A_1397 = arith.constant 2048 : i32
      %mul3A_1398 = arith.muli %scan3A_360, %mul3A_1397 : i32
      %add3A_1399 = arith.constant 1920 : i32
      %add3A_1400 = arith.addi %mul3A_1398, %add3A_1399 : i32
      %get3A_1401 = arith.constant 0 : i32
      %get3A_1402 = arith.index_cast %get3A_1401 : i32 to index
      %get3A_1403 = arith.index_cast %add3A_1400 : i32 to index
      %get3A_1404 = tpu.vector_load %arg5[%get3A_1402, %get3A_1403] {strides = array<i32>} : memref<2x32768xf32, #tpu.memory_space<vmem>>, vector<16xf32>,
      %add3A_1405 = arith.constant 16 : i32
      %add3A_1406 = arith.addi %add3A_1400, %add3A_1405 : i32
      %get3A_1407 = arith.constant 0 : i32
      %get3A_1408 = arith.index_cast %get3A_1407 : i32 to index
      %get3A_1409 = arith.index_cast %add3A_1406 : i32 to index
      %get3A_1410 = tpu.vector_load %arg5[%get3A_1408, %get3A_1409] {strides = array<i32>} : memref<2x32768xf32, #tpu.memory_space<vmem>>, vector<16xf32>,
      %max3A_1411 = arith.maximumf %get3A_1404, %get3A_1410 : vector<16xf32>
      %add3A_1412 = arith.constant 32 : i32
      %add3A_1413 = arith.addi %add3A_1400, %add3A_1412 : i32
      %get3A_1414 = arith.constant 0 : i32
      %get3A_1415 = arith.index_cast %get3A_1414 : i32 to index
      %get3A_1416 = arith.index_cast %add3A_1413 : i32 to index
      %get3A_1417 = tpu.vector_load %arg5[%get3A_1415, %get3A_1416] {strides = array<i32>} : memref<2x32768xf32, #tpu.memory_space<vmem>>, vector<16xf32>,
      %max3A_1418 = arith.maximumf %max3A_1411, %get3A_1417 : vector<16xf32>
      %add3A_1419 = arith.constant 48 : i32
      %add3A_1420 = arith.addi %add3A_1400, %add3A_1419 : i32
      %get3A_1421 = arith.constant 0 : i32
      %get3A_1422 = arith.index_cast %get3A_1421 : i32 to index
      %get3A_1423 = arith.index_cast %add3A_1420 : i32 to index
      %get3A_1424 = tpu.vector_load %arg5[%get3A_1422, %get3A_1423] {strides = array<i32>} : memref<2x32768xf32, #tpu.memory_space<vmem>>, vector<16xf32>,
      %max3A_1425 = arith.maximumf %max3A_1418, %get3A_1424 : vector<16xf32>
      %add3A_1426 = arith.constant 64 : i32
      %add3A_1427 = arith.addi %add3A_1400, %add3A_1426 : i32
      %get3A_1428 = arith.constant 0 : i32
      %get3A_1429 = arith.index_cast %get3A_1428 : i32 to index
      %get3A_1430 = arith.index_cast %add3A_1427 : i32 to index
      %get3A_1431 = tpu.vector_load %arg5[%get3A_1429, %get3A_1430] {strides = array<i32>} : memref<2x32768xf32, #tpu.memory_space<vmem>>, vector<16xf32>,
      %max3A_1432 = arith.maximumf %max3A_1425, %get3A_1431 : vector<16xf32>
      %add3A_1433 = arith.constant 80 : i32
      %add3A_1434 = arith.addi %add3A_1400, %add3A_1433 : i32
      %get3A_1435 = arith.constant 0 : i32
      %get3A_1436 = arith.index_cast %get3A_1435 : i32 to index
      %get3A_1437 = arith.index_cast %add3A_1434 : i32 to index
      %get3A_1438 = tpu.vector_load %arg5[%get3A_1436, %get3A_1437] {strides = array<i32>} : memref<2x32768xf32, #tpu.memory_space<vmem>>, vector<16xf32>,
      %max3A_1439 = arith.maximumf %max3A_1432, %get3A_1438 : vector<16xf32>
      %add3A_1440 = arith.constant 96 : i32
      %add3A_1441 = arith.addi %add3A_1400, %add3A_1440 : i32
      %get3A_1442 = arith.constant 0 : i32
      %get3A_1443 = arith.index_cast %get3A_1442 : i32 to index
      %get3A_1444 = arith.index_cast %add3A_1441 : i32 to index
      %get3A_1445 = tpu.vector_load %arg5[%get3A_1443, %get3A_1444] {strides = array<i32>} : memref<2x32768xf32, #tpu.memory_space<vmem>>, vector<16xf32>,
      %max3A_1446 = arith.maximumf %max3A_1439, %get3A_1445 : vector<16xf32>
      %add3A_1447 = arith.constant 112 : i32
      %add3A_1448 = arith.addi %add3A_1400, %add3A_1447 : i32
      %get3A_1449 = arith.constant 0 : i32
      %get3A_1450 = arith.index_cast %get3A_1449 : i32 to index
      %get3A_1451 = arith.index_cast %add3A_1448 : i32 to index
      %get3A_1452 = tpu.vector_load %arg5[%get3A_1450, %get3A_1451] {strides = array<i32>} : memref<2x32768xf32, #tpu.memory_space<vmem>>, vector<16xf32>,
      %max3A_1453 = arith.maximumf %max3A_1446, %get3A_1452 : vector<16xf32>
      %broadcast_in_dim3A_1454 = arith.constant true
      %broadcast_in_dim3A_1455 = vector.broadcast %broadcast_in_dim3A_1454 : i1 to vector<16xi1>
      %masked_cummax3A_1456 = tpu.scan <max>, %max3A_1453 masked %broadcast_in_dim3A_1455 : vector<16xf32>, vector<16xi1> -> vector<16xf32>
      %broadcast_in_dim3A_1457 = arith.constant 15 : i32
      %broadcast_in_dim3A_1458 = vector.broadcast %broadcast_in_dim3A_1457 : i32 to vector<16xi32>
      %broadcast_in_dim3A_1459 = vector.shape_cast %broadcast_in_dim3A_1458 : vector<16xi32> to vector<16x1xi32>
      %gather3A_1460 = vector.shape_cast %broadcast_in_dim3A_1459 : vector<16x1xi32> to vector<16xi32>
      %gather3A_1461 = tpu.dynamic_gather %masked_cummax3A_1456[%gather3A_1460] in [0] : vector<16xf32>, vector<16xi32> -> vector<16xf32>
      %eq3A_1462 = arith.constant 15 : i32
      %eq3A_1463 = vector.broadcast %eq3A_1462 : i32 to vector<16xi32>
      %eq3A_1464 = arith.cmpi eq, %iota3A, %eq3A_1463 : vector<16xi32>
      %select_n3A_1465 = arith.select %eq3A_1464, %gather3A_1461, %select_n3A_1396 : vector<16xi1>, vector<16xf32>
      %mul3A_1466 = arith.constant 16 : i32
      %mul3A_1467 = arith.muli %scan3A_360, %mul3A_1466 : i32
      %swap3A_1468 = arith.index_cast %mul3A_1467 : i32 to index
      %swap3A_1469 = tpu.vector_load %arg7[%swap3A_1468] {strides = array<i32>} : memref<256xf32, #tpu.memory_space<vmem>>, vector<16xf32>,
      tpu.vector_store %arg7[%swap3A_1468], %select_n3A_1465 {strides = array<i32>} : memref<256xf32, #tpu.memory_space<vmem>>, vector<16xf32>,
      %scan3A_1470 = arith.constant 0 : i32
      scf.yield %scan3A_1470 : i32
    }
    %scan3A_48 = arith.constant 16 : i32
    %get3A = arith.constant 0 : index
    %get3A_49 = tpu.vector_load %arg7[%get3A] {strides = array<i32>} : memref<256xf32, #tpu.memory_space<vmem>>, vector<16xf32>,
    %get3A_50 = arith.constant 16 : index
    %get3A_51 = tpu.vector_load %arg7[%get3A_50] {strides = array<i32>} : memref<256xf32, #tpu.memory_space<vmem>>, vector<16xf32>,
    %max3A = arith.maximumf %get3A_49, %get3A_51 : vector<16xf32>
    %get3A_52 = arith.constant 32 : index
    %get3A_53 = tpu.vector_load %arg7[%get3A_52] {strides = array<i32>} : memref<256xf32, #tpu.memory_space<vmem>>, vector<16xf32>,
    %max3A_54 = arith.maximumf %max3A, %get3A_53 : vector<16xf32>
    %get3A_55 = arith.constant 48 : index
    %get3A_56 = tpu.vector_load %arg7[%get3A_55] {strides = array<i32>} : memref<256xf32, #tpu.memory_space<vmem>>, vector<16xf32>,
    %max3A_57 = arith.maximumf %max3A_54, %get3A_56 : vector<16xf32>
    %get3A_58 = arith.constant 64 : index
    %get3A_59 = tpu.vector_load %arg7[%get3A_58] {strides = array<i32>} : memref<256xf32, #tpu.memory_space<vmem>>, vector<16xf32>,
    %max3A_60 = arith.maximumf %max3A_57, %get3A_59 : vector<16xf32>
    %get3A_61 = arith.constant 80 : index
    %get3A_62 = tpu.vector_load %arg7[%get3A_61] {strides = array<i32>} : memref<256xf32, #tpu.memory_space<vmem>>, vector<16xf32>,
    %max3A_63 = arith.maximumf %max3A_60, %get3A_62 : vector<16xf32>
    %get3A_64 = arith.constant 96 : index
    %get3A_65 = tpu.vector_load %arg7[%get3A_64] {strides = array<i32>} : memref<256xf32, #tpu.memory_space<vmem>>, vector<16xf32>,
    %max3A_66 = arith.maximumf %max3A_63, %get3A_65 : vector<16xf32>
    %get3A_67 = arith.constant 112 : index
    %get3A_68 = tpu.vector_load %arg7[%get3A_67] {strides = array<i32>} : memref<256xf32, #tpu.memory_space<vmem>>, vector<16xf32>,
    %max3A_69 = arith.maximumf %max3A_66, %get3A_68 : vector<16xf32>
    %get3A_70 = arith.constant 128 : index
    %get3A_71 = tpu.vector_load %arg7[%get3A_70] {strides = array<i32>} : memref<256xf32, #tpu.memory_space<vmem>>, vector<16xf32>,
    %max3A_72 = arith.maximumf %max3A_69, %get3A_71 : vector<16xf32>
    %get3A_73 = arith.constant 144 : index
    %get3A_74 = tpu.vector_load %arg7[%get3A_73] {strides = array<i32>} : memref<256xf32, #tpu.memory_space<vmem>>, vector<16xf32>,
    %max3A_75 = arith.maximumf %max3A_72, %get3A_74 : vector<16xf32>
    %get3A_76 = arith.constant 160 : index
    %get3A_77 = tpu.vector_load %arg7[%get3A_76] {strides = array<i32>} : memref<256xf32, #tpu.memory_space<vmem>>, vector<16xf32>,
    %max3A_78 = arith.maximumf %max3A_75, %get3A_77 : vector<16xf32>
    %get3A_79 = arith.constant 176 : index
    %get3A_80 = tpu.vector_load %arg7[%get3A_79] {strides = array<i32>} : memref<256xf32, #tpu.memory_space<vmem>>, vector<16xf32>,
    %max3A_81 = arith.maximumf %max3A_78, %get3A_80 : vector<16xf32>
    %get3A_82 = arith.constant 192 : index
    %get3A_83 = tpu.vector_load %arg7[%get3A_82] {strides = array<i32>} : memref<256xf32, #tpu.memory_space<vmem>>, vector<16xf32>,
    %max3A_84 = arith.maximumf %max3A_81, %get3A_83 : vector<16xf32>
    %get3A_85 = arith.constant 208 : index
    %get3A_86 = tpu.vector_load %arg7[%get3A_85] {strides = array<i32>} : memref<256xf32, #tpu.memory_space<vmem>>, vector<16xf32>,
    %max3A_87 = arith.maximumf %max3A_84, %get3A_86 : vector<16xf32>
    %get3A_88 = arith.constant 224 : index
    %get3A_89 = tpu.vector_load %arg7[%get3A_88] {strides = array<i32>} : memref<256xf32, #tpu.memory_space<vmem>>, vector<16xf32>,
    %max3A_90 = arith.maximumf %max3A_87, %get3A_89 : vector<16xf32>
    %get3A_91 = arith.constant 240 : index
    %get3A_92 = tpu.vector_load %arg7[%get3A_91] {strides = array<i32>} : memref<256xf32, #tpu.memory_space<vmem>>, vector<16xf32>,
    %max3A_93 = arith.maximumf %max3A_90, %get3A_92 : vector<16xf32>
    %add3A_94 = arith.constant 1 : i32
    %add3A_95 = vector.broadcast %add3A_94 : i32 to vector<16xi32>
    %add3A_96 = arith.addi %iota3A, %add3A_95 : vector<16xi32>
    %and3A = arith.constant 15 : i32
    %and3A_97 = vector.broadcast %and3A : i32 to vector<16xi32>
    %and3A_98 = arith.andi %add3A_96, %and3A_97 : vector<16xi32>
    %broadcast_in_dim3A_99 = vector.shape_cast %and3A_98 : vector<16xi32> to vector<16x1xi32>
    %gather3A = vector.shape_cast %broadcast_in_dim3A_99 : vector<16x1xi32> to vector<16xi32>
    %gather3A_100 = tpu.dynamic_gather %max3A_93[%gather3A] in [0] : vector<16xf32>, vector<16xi32> -> vector<16xf32>
    %min3A = arith.minimumf %max3A_93, %gather3A_100 : vector<16xf32>
    %add3A_101 = arith.constant 2 : i32
    %add3A_102 = vector.broadcast %add3A_101 : i32 to vector<16xi32>
    %add3A_103 = arith.addi %iota3A, %add3A_102 : vector<16xi32>
    %and3A_104 = arith.constant 15 : i32
    %and3A_105 = vector.broadcast %and3A_104 : i32 to vector<16xi32>
    %and3A_106 = arith.andi %add3A_103, %and3A_105 : vector<16xi32>
    %broadcast_in_dim3A_107 = vector.shape_cast %and3A_106 : vector<16xi32> to vector<16x1xi32>
    %gather3A_108 = vector.shape_cast %broadcast_in_dim3A_107 : vector<16x1xi32> to vector<16xi32>
    %gather3A_109 = tpu.dynamic_gather %min3A[%gather3A_108] in [0] : vector<16xf32>, vector<16xi32> -> vector<16xf32>
    %min3A_110 = arith.minimumf %min3A, %gather3A_109 : vector<16xf32>
    %add3A_111 = arith.constant 4 : i32
    %add3A_112 = vector.broadcast %add3A_111 : i32 to vector<16xi32>
    %add3A_113 = arith.addi %iota3A, %add3A_112 : vector<16xi32>
    %and3A_114 = arith.constant 15 : i32
    %and3A_115 = vector.broadcast %and3A_114 : i32 to vector<16xi32>
    %and3A_116 = arith.andi %add3A_113, %and3A_115 : vector<16xi32>
    %broadcast_in_dim3A_117 = vector.shape_cast %and3A_116 : vector<16xi32> to vector<16x1xi32>
    %gather3A_118 = vector.shape_cast %broadcast_in_dim3A_117 : vector<16x1xi32> to vector<16xi32>
    %gather3A_119 = tpu.dynamic_gather %min3A_110[%gather3A_118] in [0] : vector<16xf32>, vector<16xi32> -> vector<16xf32>
    %min3A_120 = arith.minimumf %min3A_110, %gather3A_119 : vector<16xf32>
    %add3A_121 = arith.constant 8 : i32
    %add3A_122 = vector.broadcast %add3A_121 : i32 to vector<16xi32>
    %add3A_123 = arith.addi %iota3A, %add3A_122 : vector<16xi32>
    %and3A_124 = arith.constant 15 : i32
    %and3A_125 = vector.broadcast %and3A_124 : i32 to vector<16xi32>
    %and3A_126 = arith.andi %add3A_123, %and3A_125 : vector<16xi32>
    %broadcast_in_dim3A_127 = vector.shape_cast %and3A_126 : vector<16xi32> to vector<16x1xi32>
    %gather3A_128 = vector.shape_cast %broadcast_in_dim3A_127 : vector<16x1xi32> to vector<16xi32>
    %gather3A_129 = tpu.dynamic_gather %min3A_120[%gather3A_128] in [0] : vector<16xf32>, vector<16xi32> -> vector<16xf32>
    %min3A_130 = arith.minimumf %min3A_120, %gather3A_129 : vector<16xf32>
    %broadcast_in_dim3A_131 = arith.constant 0 : i32
    %broadcast_in_dim3A_132 = vector.broadcast %broadcast_in_dim3A_131 : i32 to vector<16xi32>
    %scan3A_133 = arith.constant 0 : i32
    %scan3A_134 = arith.constant 16 : i32
    %scan3A_135 = arith.addi %scan3A_133, %scan3A_134 : i32
    %scan3A_136 = arith.constant 1 : i32
    %scan3A_137 = scf.for %scan3A_360 = %scan3A_133 to %scan3A_135 step %scan3A_136 iter_args(%scan3A_361 = %broadcast_in_dim3A_132) -> (vector<16xi32>)  : i32 {
      %mul3A_362 = arith.constant 16 : i32
      %mul3A_363 = arith.muli %scan3A_360, %mul3A_362 : i32
      %get3A_364 = arith.index_cast %mul3A_363 : i32 to index
      %get3A_365 = tpu.vector_load %arg7[%get3A_364] {strides = array<i32>} : memref<256xf32, #tpu.memory_space<vmem>>, vector<16xf32>,
      %ge3A = arith.cmpf oge, %get3A_365, %min3A_130 : vector<16xf32>
      %all_reduce_population_count3A = tpu.all_reduce %ge3A {dim = 0 : i64, kind = #tpu.reduction_kind<sum>} : vector<16xi1> -> vector<16xi32>
      %reduce_max3A_366 = arith.constant true
      %reduce_max3A_367 = vector.broadcast %reduce_max3A_366 : i1 to vector<16xi1>
      %reduce_max3A_368 = arith.constant -2147483648 : i32
      %reduce_max3A_369 = vector.broadcast %reduce_max3A_368 : i32 to vector<16xi32>
      %reduce_max3A_370 = arith.xori %all_reduce_population_count3A, %reduce_max3A_369 : vector<16xi32>
      %reduce_max3A_371 = tpu.scan <max>, %reduce_max3A_370 masked %reduce_max3A_367 : vector<16xi32>, vector<16xi1> -> vector<16xi32>
      %reduce_max3A_372 = arith.xori %reduce_max3A_371, %reduce_max3A_369 : vector<16xi32>
      %reduce_max3A_373 = vector.extract %reduce_max3A_372[15] : i32 from vector<16xi32>
      %while3A_374 = arith.constant 0 : i32
      %while3A_375 = arith.subi %reduce_max3A_373, %while3A_374 : i32
      %while3A_376 = arith.addi %while3A_374, %while3A_375 : i32
      %while3A_377 = arith.constant 1 : i32
      %while3A_378 = arith.divsi %while3A_375, %while3A_377 : i32
      %while3A_379 = arith.muli %while3A_378, %while3A_377 : i32
      %while3A_380 = arith.addi %while3A_374, %while3A_379 : i32
      %while3A_381 = arith.constant 1 : i32
      %while3A_382:2 = scf.for %while3A_385 = %while3A_374 to %while3A_380 step %while3A_381 iter_args(%while3A_386 = %get3A_365, %while3A_387 = %scan3A_361) -> (vector<16xf32>, vector<16xi32>)  : i32 {
        %ge3A_388 = arith.cmpf oge, %while3A_386, %min3A_130 : vector<16xf32>
        %all_reduce_ffs3A = tpu.all_reduce %ge3A_388 {dim = 0 : i64, kind = #tpu.reduction_kind<find_first_set>} : vector<16xi1> -> vector<16xi32>
        %mul3A_389 = arith.constant 2048 : i32
        %mul3A_390 = arith.muli %scan3A_360, %mul3A_389 : i32
        %broadcast_in_dim3A_391 = vector.broadcast %mul3A_390 : i32 to vector<16xi32>
        %shift_left3A = arith.constant 7 : i32
        %shift_left3A_392 = vector.broadcast %shift_left3A : i32 to vector<16xi32>
        %shift_left3A_393 = arith.shli %all_reduce_ffs3A, %shift_left3A_392 : vector<16xi32>
        %add3A_394 = arith.addi %broadcast_in_dim3A_391, %shift_left3A_393 : vector<16xi32>
        %broadcast_in_dim3A_395 = arith.constant 0 : i32
        %broadcast_in_dim3A_396 = vector.broadcast %broadcast_in_dim3A_395 : i32 to vector<16xi32>
        %add3A_397 = arith.addi %add3A_394, %broadcast_in_dim3A_396 : vector<16xi32>
        %add3A_398 = arith.addi %add3A_397, %iota3A : vector<16xi32>
        %gather3A_399 = tpu.vector_load_idx %arg5[%broadcast_in_dim3A_42, %add3A_398] : memref<2x32768xf32, #tpu.memory_space<vmem>>[vector<16xi32>, vector<16xi32>], vector<16xf32>,
        %ge3A_400 = arith.cmpf oge, %gather3A_399, %min3A_130 : vector<16xf32>
        %broadcast_in_dim3A_401 = arith.constant 1 : i32
        %broadcast_in_dim3A_402 = vector.broadcast %broadcast_in_dim3A_401 : i32 to vector<16xi32>
        %broadcast_in_dim3A_403 = arith.constant 0 : i32
        %broadcast_in_dim3A_404 = vector.broadcast %broadcast_in_dim3A_403 : i32 to vector<16xi32>
        %select_n3A_405 = arith.select %ge3A_400, %broadcast_in_dim3A_402, %broadcast_in_dim3A_404 : vector<16xi1>, vector<16xi32>
        %all_reduce_population_count3A_406 = tpu.all_reduce %ge3A_400 {dim = 0 : i64, kind = #tpu.reduction_kind<sum>} : vector<16xi1> -> vector<16xi32>
        %broadcast_in_dim3A_407 = arith.constant 16 : i32
        %broadcast_in_dim3A_408 = vector.broadcast %broadcast_in_dim3A_407 : i32 to vector<16xi32>
        %add3A_409 = arith.addi %add3A_394, %broadcast_in_dim3A_408 : vector<16xi32>
        %add3A_410 = arith.addi %add3A_409, %iota3A : vector<16xi32>
        %gather3A_411 = tpu.vector_load_idx %arg5[%broadcast_in_dim3A_42, %add3A_410] : memref<2x32768xf32, #tpu.memory_space<vmem>>[vector<16xi32>, vector<16xi32>], vector<16xf32>,
        %ge3A_412 = arith.cmpf oge, %gather3A_411, %min3A_130 : vector<16xf32>
        %broadcast_in_dim3A_413 = arith.constant 1 : i32
        %broadcast_in_dim3A_414 = vector.broadcast %broadcast_in_dim3A_413 : i32 to vector<16xi32>
        %broadcast_in_dim3A_415 = arith.constant 0 : i32
        %broadcast_in_dim3A_416 = vector.broadcast %broadcast_in_dim3A_415 : i32 to vector<16xi32>
        %select_n3A_417 = arith.select %ge3A_412, %broadcast_in_dim3A_414, %broadcast_in_dim3A_416 : vector<16xi1>, vector<16xi32>
        %all_reduce_population_count3A_418 = tpu.all_reduce %ge3A_412 {dim = 0 : i64, kind = #tpu.reduction_kind<sum>} : vector<16xi1> -> vector<16xi32>
        %broadcast_in_dim3A_419 = arith.constant 32 : i32
        %broadcast_in_dim3A_420 = vector.broadcast %broadcast_in_dim3A_419 : i32 to vector<16xi32>
        %add3A_421 = arith.addi %add3A_394, %broadcast_in_dim3A_420 : vector<16xi32>
        %add3A_422 = arith.addi %add3A_421, %iota3A : vector<16xi32>
        %gather3A_423 = tpu.vector_load_idx %arg5[%broadcast_in_dim3A_42, %add3A_422] : memref<2x32768xf32, #tpu.memory_space<vmem>>[vector<16xi32>, vector<16xi32>], vector<16xf32>,
        %ge3A_424 = arith.cmpf oge, %gather3A_423, %min3A_130 : vector<16xf32>
        %broadcast_in_dim3A_425 = arith.constant 1 : i32
        %broadcast_in_dim3A_426 = vector.broadcast %broadcast_in_dim3A_425 : i32 to vector<16xi32>
        %broadcast_in_dim3A_427 = arith.constant 0 : i32
        %broadcast_in_dim3A_428 = vector.broadcast %broadcast_in_dim3A_427 : i32 to vector<16xi32>
        %select_n3A_429 = arith.select %ge3A_424, %broadcast_in_dim3A_426, %broadcast_in_dim3A_428 : vector<16xi1>, vector<16xi32>
        %all_reduce_population_count3A_430 = tpu.all_reduce %ge3A_424 {dim = 0 : i64, kind = #tpu.reduction_kind<sum>} : vector<16xi1> -> vector<16xi32>
        %broadcast_in_dim3A_431 = arith.constant 48 : i32
        %broadcast_in_dim3A_432 = vector.broadcast %broadcast_in_dim3A_431 : i32 to vector<16xi32>
        %add3A_433 = arith.addi %add3A_394, %broadcast_in_dim3A_432 : vector<16xi32>
        %add3A_434 = arith.addi %add3A_433, %iota3A : vector<16xi32>
        %gather3A_435 = tpu.vector_load_idx %arg5[%broadcast_in_dim3A_42, %add3A_434] : memref<2x32768xf32, #tpu.memory_space<vmem>>[vector<16xi32>, vector<16xi32>], vector<16xf32>,
        %ge3A_436 = arith.cmpf oge, %gather3A_435, %min3A_130 : vector<16xf32>
        %broadcast_in_dim3A_437 = arith.constant 1 : i32
        %broadcast_in_dim3A_438 = vector.broadcast %broadcast_in_dim3A_437 : i32 to vector<16xi32>
        %broadcast_in_dim3A_439 = arith.constant 0 : i32
        %broadcast_in_dim3A_440 = vector.broadcast %broadcast_in_dim3A_439 : i32 to vector<16xi32>
        %select_n3A_441 = arith.select %ge3A_436, %broadcast_in_dim3A_438, %broadcast_in_dim3A_440 : vector<16xi1>, vector<16xi32>
        %all_reduce_population_count3A_442 = tpu.all_reduce %ge3A_436 {dim = 0 : i64, kind = #tpu.reduction_kind<sum>} : vector<16xi1> -> vector<16xi32>
        %broadcast_in_dim3A_443 = arith.constant 64 : i32
        %broadcast_in_dim3A_444 = vector.broadcast %broadcast_in_dim3A_443 : i32 to vector<16xi32>
        %add3A_445 = arith.addi %add3A_394, %broadcast_in_dim3A_444 : vector<16xi32>
        %add3A_446 = arith.addi %add3A_445, %iota3A : vector<16xi32>
        %gather3A_447 = tpu.vector_load_idx %arg5[%broadcast_in_dim3A_42, %add3A_446] : memref<2x32768xf32, #tpu.memory_space<vmem>>[vector<16xi32>, vector<16xi32>], vector<16xf32>,
        %ge3A_448 = arith.cmpf oge, %gather3A_447, %min3A_130 : vector<16xf32>
        %broadcast_in_dim3A_449 = arith.constant 1 : i32
        %broadcast_in_dim3A_450 = vector.broadcast %broadcast_in_dim3A_449 : i32 to vector<16xi32>
        %broadcast_in_dim3A_451 = arith.constant 0 : i32
        %broadcast_in_dim3A_452 = vector.broadcast %broadcast_in_dim3A_451 : i32 to vector<16xi32>
        %select_n3A_453 = arith.select %ge3A_448, %broadcast_in_dim3A_450, %broadcast_in_dim3A_452 : vector<16xi1>, vector<16xi32>
        %all_reduce_population_count3A_454 = tpu.all_reduce %ge3A_448 {dim = 0 : i64, kind = #tpu.reduction_kind<sum>} : vector<16xi1> -> vector<16xi32>
        %broadcast_in_dim3A_455 = arith.constant 80 : i32
        %broadcast_in_dim3A_456 = vector.broadcast %broadcast_in_dim3A_455 : i32 to vector<16xi32>
        %add3A_457 = arith.addi %add3A_394, %broadcast_in_dim3A_456 : vector<16xi32>
        %add3A_458 = arith.addi %add3A_457, %iota3A : vector<16xi32>
        %gather3A_459 = tpu.vector_load_idx %arg5[%broadcast_in_dim3A_42, %add3A_458] : memref<2x32768xf32, #tpu.memory_space<vmem>>[vector<16xi32>, vector<16xi32>], vector<16xf32>,
        %ge3A_460 = arith.cmpf oge, %gather3A_459, %min3A_130 : vector<16xf32>
        %broadcast_in_dim3A_461 = arith.constant 1 : i32
        %broadcast_in_dim3A_462 = vector.broadcast %broadcast_in_dim3A_461 : i32 to vector<16xi32>
        %broadcast_in_dim3A_463 = arith.constant 0 : i32
        %broadcast_in_dim3A_464 = vector.broadcast %broadcast_in_dim3A_463 : i32 to vector<16xi32>
        %select_n3A_465 = arith.select %ge3A_460, %broadcast_in_dim3A_462, %broadcast_in_dim3A_464 : vector<16xi1>, vector<16xi32>
        %all_reduce_population_count3A_466 = tpu.all_reduce %ge3A_460 {dim = 0 : i64, kind = #tpu.reduction_kind<sum>} : vector<16xi1> -> vector<16xi32>
        %broadcast_in_dim3A_467 = arith.constant 96 : i32
        %broadcast_in_dim3A_468 = vector.broadcast %broadcast_in_dim3A_467 : i32 to vector<16xi32>
        %add3A_469 = arith.addi %add3A_394, %broadcast_in_dim3A_468 : vector<16xi32>
        %add3A_470 = arith.addi %add3A_469, %iota3A : vector<16xi32>
        %gather3A_471 = tpu.vector_load_idx %arg5[%broadcast_in_dim3A_42, %add3A_470] : memref<2x32768xf32, #tpu.memory_space<vmem>>[vector<16xi32>, vector<16xi32>], vector<16xf32>,
        %ge3A_472 = arith.cmpf oge, %gather3A_471, %min3A_130 : vector<16xf32>
        %broadcast_in_dim3A_473 = arith.constant 1 : i32
        %broadcast_in_dim3A_474 = vector.broadcast %broadcast_in_dim3A_473 : i32 to vector<16xi32>
        %broadcast_in_dim3A_475 = arith.constant 0 : i32
        %broadcast_in_dim3A_476 = vector.broadcast %broadcast_in_dim3A_475 : i32 to vector<16xi32>
        %select_n3A_477 = arith.select %ge3A_472, %broadcast_in_dim3A_474, %broadcast_in_dim3A_476 : vector<16xi1>, vector<16xi32>
        %all_reduce_population_count3A_478 = tpu.all_reduce %ge3A_472 {dim = 0 : i64, kind = #tpu.reduction_kind<sum>} : vector<16xi1> -> vector<16xi32>
        %broadcast_in_dim3A_479 = arith.constant 112 : i32
        %broadcast_in_dim3A_480 = vector.broadcast %broadcast_in_dim3A_479 : i32 to vector<16xi32>
        %add3A_481 = arith.addi %add3A_394, %broadcast_in_dim3A_480 : vector<16xi32>
        %add3A_482 = arith.addi %add3A_481, %iota3A : vector<16xi32>
        %gather3A_483 = tpu.vector_load_idx %arg5[%broadcast_in_dim3A_42, %add3A_482] : memref<2x32768xf32, #tpu.memory_space<vmem>>[vector<16xi32>, vector<16xi32>], vector<16xf32>,
        %ge3A_484 = arith.cmpf oge, %gather3A_483, %min3A_130 : vector<16xf32>
        %broadcast_in_dim3A_485 = arith.constant 1 : i32
        %broadcast_in_dim3A_486 = vector.broadcast %broadcast_in_dim3A_485 : i32 to vector<16xi32>
        %broadcast_in_dim3A_487 = arith.constant 0 : i32
        %broadcast_in_dim3A_488 = vector.broadcast %broadcast_in_dim3A_487 : i32 to vector<16xi32>
        %select_n3A_489 = arith.select %ge3A_484, %broadcast_in_dim3A_486, %broadcast_in_dim3A_488 : vector<16xi1>, vector<16xi32>
        %all_reduce_population_count3A_490 = tpu.all_reduce %ge3A_484 {dim = 0 : i64, kind = #tpu.reduction_kind<sum>} : vector<16xi1> -> vector<16xi32>
        %broadcast_in_dim3A_491 = arith.constant true
        %broadcast_in_dim3A_492 = vector.broadcast %broadcast_in_dim3A_491 : i1 to vector<16xi1>
        %masked_cumsum3A = tpu.scan <sum>, %select_n3A_405 masked %broadcast_in_dim3A_492 : vector<16xi32>, vector<16xi1> -> vector<16xi32>
        %add3A_493 = arith.addi %while3A_387, %masked_cumsum3A : vector<16xi32>
        %sub3A_494 = arith.subi %add3A_493, %select_n3A_405 : vector<16xi32>
        %gt3A = arith.constant 0 : i32
        %gt3A_495 = vector.broadcast %gt3A : i32 to vector<16xi32>
        %gt3A_496 = arith.cmpi sgt, %select_n3A_405, %gt3A_495 : vector<16xi32>
        tpu.vector_store_idx %arg6[%sub3A_494], %add3A_398 masked %gt3A_496 : memref<32768xi32, #tpu.memory_space<vmem>>[vector<16xi32>], vector<16xi32>, vector<16xi1>
        %add3A_497 = arith.addi %while3A_387, %all_reduce_population_count3A_406 : vector<16xi32>
        %broadcast_in_dim3A_498 = arith.constant true
        %broadcast_in_dim3A_499 = vector.broadcast %broadcast_in_dim3A_498 : i1 to vector<16xi1>
        %masked_cumsum3A_500 = tpu.scan <sum>, %select_n3A_417 masked %broadcast_in_dim3A_499 : vector<16xi32>, vector<16xi1> -> vector<16xi32>
        %add3A_501 = arith.addi %add3A_497, %masked_cumsum3A_500 : vector<16xi32>
        %sub3A_502 = arith.subi %add3A_501, %select_n3A_417 : vector<16xi32>
        %gt3A_503 = arith.constant 0 : i32
        %gt3A_504 = vector.broadcast %gt3A_503 : i32 to vector<16xi32>
        %gt3A_505 = arith.cmpi sgt, %select_n3A_417, %gt3A_504 : vector<16xi32>
        tpu.vector_store_idx %arg6[%sub3A_502], %add3A_410 masked %gt3A_505 : memref<32768xi32, #tpu.memory_space<vmem>>[vector<16xi32>], vector<16xi32>, vector<16xi1>
        %add3A_506 = arith.addi %add3A_497, %all_reduce_population_count3A_418 : vector<16xi32>
        %broadcast_in_dim3A_507 = arith.constant true
        %broadcast_in_dim3A_508 = vector.broadcast %broadcast_in_dim3A_507 : i1 to vector<16xi1>
        %masked_cumsum3A_509 = tpu.scan <sum>, %select_n3A_429 masked %broadcast_in_dim3A_508 : vector<16xi32>, vector<16xi1> -> vector<16xi32>
        %add3A_510 = arith.addi %add3A_506, %masked_cumsum3A_509 : vector<16xi32>
        %sub3A_511 = arith.subi %add3A_510, %select_n3A_429 : vector<16xi32>
        %gt3A_512 = arith.constant 0 : i32
        %gt3A_513 = vector.broadcast %gt3A_512 : i32 to vector<16xi32>
        %gt3A_514 = arith.cmpi sgt, %select_n3A_429, %gt3A_513 : vector<16xi32>
        tpu.vector_store_idx %arg6[%sub3A_511], %add3A_422 masked %gt3A_514 : memref<32768xi32, #tpu.memory_space<vmem>>[vector<16xi32>], vector<16xi32>, vector<16xi1>
        %add3A_515 = arith.addi %add3A_506, %all_reduce_population_count3A_430 : vector<16xi32>
        %broadcast_in_dim3A_516 = arith.constant true
        %broadcast_in_dim3A_517 = vector.broadcast %broadcast_in_dim3A_516 : i1 to vector<16xi1>
        %masked_cumsum3A_518 = tpu.scan <sum>, %select_n3A_441 masked %broadcast_in_dim3A_517 : vector<16xi32>, vector<16xi1> -> vector<16xi32>
        %add3A_519 = arith.addi %add3A_515, %masked_cumsum3A_518 : vector<16xi32>
        %sub3A_520 = arith.subi %add3A_519, %select_n3A_441 : vector<16xi32>
        %gt3A_521 = arith.constant 0 : i32
        %gt3A_522 = vector.broadcast %gt3A_521 : i32 to vector<16xi32>
        %gt3A_523 = arith.cmpi sgt, %select_n3A_441, %gt3A_522 : vector<16xi32>
        tpu.vector_store_idx %arg6[%sub3A_520], %add3A_434 masked %gt3A_523 : memref<32768xi32, #tpu.memory_space<vmem>>[vector<16xi32>], vector<16xi32>, vector<16xi1>
        %add3A_524 = arith.addi %add3A_515, %all_reduce_population_count3A_442 : vector<16xi32>
        %broadcast_in_dim3A_525 = arith.constant true
        %broadcast_in_dim3A_526 = vector.broadcast %broadcast_in_dim3A_525 : i1 to vector<16xi1>
        %masked_cumsum3A_527 = tpu.scan <sum>, %select_n3A_453 masked %broadcast_in_dim3A_526 : vector<16xi32>, vector<16xi1> -> vector<16xi32>
        %add3A_528 = arith.addi %add3A_524, %masked_cumsum3A_527 : vector<16xi32>
        %sub3A_529 = arith.subi %add3A_528, %select_n3A_453 : vector<16xi32>
        %gt3A_530 = arith.constant 0 : i32
        %gt3A_531 = vector.broadcast %gt3A_530 : i32 to vector<16xi32>
        %gt3A_532 = arith.cmpi sgt, %select_n3A_453, %gt3A_531 : vector<16xi32>
        tpu.vector_store_idx %arg6[%sub3A_529], %add3A_446 masked %gt3A_532 : memref<32768xi32, #tpu.memory_space<vmem>>[vector<16xi32>], vector<16xi32>, vector<16xi1>
        %add3A_533 = arith.addi %add3A_524, %all_reduce_population_count3A_454 : vector<16xi32>
        %broadcast_in_dim3A_534 = arith.constant true
        %broadcast_in_dim3A_535 = vector.broadcast %broadcast_in_dim3A_534 : i1 to vector<16xi1>
        %masked_cumsum3A_536 = tpu.scan <sum>, %select_n3A_465 masked %broadcast_in_dim3A_535 : vector<16xi32>, vector<16xi1> -> vector<16xi32>
        %add3A_537 = arith.addi %add3A_533, %masked_cumsum3A_536 : vector<16xi32>
        %sub3A_538 = arith.subi %add3A_537, %select_n3A_465 : vector<16xi32>
        %gt3A_539 = arith.constant 0 : i32
        %gt3A_540 = vector.broadcast %gt3A_539 : i32 to vector<16xi32>
        %gt3A_541 = arith.cmpi sgt, %select_n3A_465, %gt3A_540 : vector<16xi32>
        tpu.vector_store_idx %arg6[%sub3A_538], %add3A_458 masked %gt3A_541 : memref<32768xi32, #tpu.memory_space<vmem>>[vector<16xi32>], vector<16xi32>, vector<16xi1>
        %add3A_542 = arith.addi %add3A_533, %all_reduce_population_count3A_466 : vector<16xi32>
        %broadcast_in_dim3A_543 = arith.constant true
        %broadcast_in_dim3A_544 = vector.broadcast %broadcast_in_dim3A_543 : i1 to vector<16xi1>
        %masked_cumsum3A_545 = tpu.scan <sum>, %select_n3A_477 masked %broadcast_in_dim3A_544 : vector<16xi32>, vector<16xi1> -> vector<16xi32>
        %add3A_546 = arith.addi %add3A_542, %masked_cumsum3A_545 : vector<16xi32>
        %sub3A_547 = arith.subi %add3A_546, %select_n3A_477 : vector<16xi32>
        %gt3A_548 = arith.constant 0 : i32
        %gt3A_549 = vector.broadcast %gt3A_548 : i32 to vector<16xi32>
        %gt3A_550 = arith.cmpi sgt, %select_n3A_477, %gt3A_549 : vector<16xi32>
        tpu.vector_store_idx %arg6[%sub3A_547], %add3A_470 masked %gt3A_550 : memref<32768xi32, #tpu.memory_space<vmem>>[vector<16xi32>], vector<16xi32>, vector<16xi1>
        %add3A_551 = arith.addi %add3A_542, %all_reduce_population_count3A_478 : vector<16xi32>
        %broadcast_in_dim3A_552 = arith.constant true
        %broadcast_in_dim3A_553 = vector.broadcast %broadcast_in_dim3A_552 : i1 to vector<16xi1>
        %masked_cumsum3A_554 = tpu.scan <sum>, %select_n3A_489 masked %broadcast_in_dim3A_553 : vector<16xi32>, vector<16xi1> -> vector<16xi32>
        %add3A_555 = arith.addi %add3A_551, %masked_cumsum3A_554 : vector<16xi32>
        %sub3A_556 = arith.subi %add3A_555, %select_n3A_489 : vector<16xi32>
        %gt3A_557 = arith.constant 0 : i32
        %gt3A_558 = vector.broadcast %gt3A_557 : i32 to vector<16xi32>
        %gt3A_559 = arith.cmpi sgt, %select_n3A_489, %gt3A_558 : vector<16xi32>
        tpu.vector_store_idx %arg6[%sub3A_556], %add3A_482 masked %gt3A_559 : memref<32768xi32, #tpu.memory_space<vmem>>[vector<16xi32>], vector<16xi32>, vector<16xi1>
        %add3A_560 = arith.addi %add3A_551, %all_reduce_population_count3A_490 : vector<16xi32>
        %eq3A = arith.cmpi eq, %iota3A, %all_reduce_ffs3A : vector<16xi32>
        %broadcast_in_dim3A_561 = arith.constant 0xFF800000 : f32
        %broadcast_in_dim3A_562 = vector.broadcast %broadcast_in_dim3A_561 : f32 to vector<16xf32>
        %select_n3A_563 = arith.select %eq3A, %broadcast_in_dim3A_562, %while3A_386 : vector<16xi1>, vector<16xf32>
        scf.yield %select_n3A_563, %add3A_560 : vector<16xf32>, vector<16xi32>
      }
      %while3A_383 = arith.constant 1 : i32
      %while3A_384:2 = scf.for %while3A_385 = %while3A_380 to %while3A_376 step %while3A_383 iter_args(%while3A_386 = %while3A_382#0, %while3A_387 = %while3A_382#1) -> (vector<16xf32>, vector<16xi32>)  : i32 {
        %ge3A_388 = arith.cmpf oge, %while3A_386, %min3A_130 : vector<16xf32>
        %all_reduce_ffs3A = tpu.all_reduce %ge3A_388 {dim = 0 : i64, kind = #tpu.reduction_kind<find_first_set>} : vector<16xi1> -> vector<16xi32>
        %mul3A_389 = arith.constant 2048 : i32
        %mul3A_390 = arith.muli %scan3A_360, %mul3A_389 : i32
        %broadcast_in_dim3A_391 = vector.broadcast %mul3A_390 : i32 to vector<16xi32>
        %shift_left3A = arith.constant 7 : i32
        %shift_left3A_392 = vector.broadcast %shift_left3A : i32 to vector<16xi32>
        %shift_left3A_393 = arith.shli %all_reduce_ffs3A, %shift_left3A_392 : vector<16xi32>
        %add3A_394 = arith.addi %broadcast_in_dim3A_391, %shift_left3A_393 : vector<16xi32>
        %broadcast_in_dim3A_395 = arith.constant 0 : i32
        %broadcast_in_dim3A_396 = vector.broadcast %broadcast_in_dim3A_395 : i32 to vector<16xi32>
        %add3A_397 = arith.addi %add3A_394, %broadcast_in_dim3A_396 : vector<16xi32>
        %add3A_398 = arith.addi %add3A_397, %iota3A : vector<16xi32>
        %gather3A_399 = tpu.vector_load_idx %arg5[%broadcast_in_dim3A_42, %add3A_398] : memref<2x32768xf32, #tpu.memory_space<vmem>>[vector<16xi32>, vector<16xi32>], vector<16xf32>,
        %ge3A_400 = arith.cmpf oge, %gather3A_399, %min3A_130 : vector<16xf32>
        %broadcast_in_dim3A_401 = arith.constant 1 : i32
        %broadcast_in_dim3A_402 = vector.broadcast %broadcast_in_dim3A_401 : i32 to vector<16xi32>
        %broadcast_in_dim3A_403 = arith.constant 0 : i32
        %broadcast_in_dim3A_404 = vector.broadcast %broadcast_in_dim3A_403 : i32 to vector<16xi32>
        %select_n3A_405 = arith.select %ge3A_400, %broadcast_in_dim3A_402, %broadcast_in_dim3A_404 : vector<16xi1>, vector<16xi32>
        %all_reduce_population_count3A_406 = tpu.all_reduce %ge3A_400 {dim = 0 : i64, kind = #tpu.reduction_kind<sum>} : vector<16xi1> -> vector<16xi32>
        %broadcast_in_dim3A_407 = arith.constant 16 : i32
        %broadcast_in_dim3A_408 = vector.broadcast %broadcast_in_dim3A_407 : i32 to vector<16xi32>
        %add3A_409 = arith.addi %add3A_394, %broadcast_in_dim3A_408 : vector<16xi32>
        %add3A_410 = arith.addi %add3A_409, %iota3A : vector<16xi32>
        %gather3A_411 = tpu.vector_load_idx %arg5[%broadcast_in_dim3A_42, %add3A_410] : memref<2x32768xf32, #tpu.memory_space<vmem>>[vector<16xi32>, vector<16xi32>], vector<16xf32>,
        %ge3A_412 = arith.cmpf oge, %gather3A_411, %min3A_130 : vector<16xf32>
        %broadcast_in_dim3A_413 = arith.constant 1 : i32
        %broadcast_in_dim3A_414 = vector.broadcast %broadcast_in_dim3A_413 : i32 to vector<16xi32>
        %broadcast_in_dim3A_415 = arith.constant 0 : i32
        %broadcast_in_dim3A_416 = vector.broadcast %broadcast_in_dim3A_415 : i32 to vector<16xi32>
        %select_n3A_417 = arith.select %ge3A_412, %broadcast_in_dim3A_414, %broadcast_in_dim3A_416 : vector<16xi1>, vector<16xi32>
        %all_reduce_population_count3A_418 = tpu.all_reduce %ge3A_412 {dim = 0 : i64, kind = #tpu.reduction_kind<sum>} : vector<16xi1> -> vector<16xi32>
        %broadcast_in_dim3A_419 = arith.constant 32 : i32
        %broadcast_in_dim3A_420 = vector.broadcast %broadcast_in_dim3A_419 : i32 to vector<16xi32>
        %add3A_421 = arith.addi %add3A_394, %broadcast_in_dim3A_420 : vector<16xi32>
        %add3A_422 = arith.addi %add3A_421, %iota3A : vector<16xi32>
        %gather3A_423 = tpu.vector_load_idx %arg5[%broadcast_in_dim3A_42, %add3A_422] : memref<2x32768xf32, #tpu.memory_space<vmem>>[vector<16xi32>, vector<16xi32>], vector<16xf32>,
        %ge3A_424 = arith.cmpf oge, %gather3A_423, %min3A_130 : vector<16xf32>
        %broadcast_in_dim3A_425 = arith.constant 1 : i32
        %broadcast_in_dim3A_426 = vector.broadcast %broadcast_in_dim3A_425 : i32 to vector<16xi32>
        %broadcast_in_dim3A_427 = arith.constant 0 : i32
        %broadcast_in_dim3A_428 = vector.broadcast %broadcast_in_dim3A_427 : i32 to vector<16xi32>
        %select_n3A_429 = arith.select %ge3A_424, %broadcast_in_dim3A_426, %broadcast_in_dim3A_428 : vector<16xi1>, vector<16xi32>
        %all_reduce_population_count3A_430 = tpu.all_reduce %ge3A_424 {dim = 0 : i64, kind = #tpu.reduction_kind<sum>} : vector<16xi1> -> vector<16xi32>
        %broadcast_in_dim3A_431 = arith.constant 48 : i32
        %broadcast_in_dim3A_432 = vector.broadcast %broadcast_in_dim3A_431 : i32 to vector<16xi32>
        %add3A_433 = arith.addi %add3A_394, %broadcast_in_dim3A_432 : vector<16xi32>
        %add3A_434 = arith.addi %add3A_433, %iota3A : vector<16xi32>
        %gather3A_435 = tpu.vector_load_idx %arg5[%broadcast_in_dim3A_42, %add3A_434] : memref<2x32768xf32, #tpu.memory_space<vmem>>[vector<16xi32>, vector<16xi32>], vector<16xf32>,
        %ge3A_436 = arith.cmpf oge, %gather3A_435, %min3A_130 : vector<16xf32>
        %broadcast_in_dim3A_437 = arith.constant 1 : i32
        %broadcast_in_dim3A_438 = vector.broadcast %broadcast_in_dim3A_437 : i32 to vector<16xi32>
        %broadcast_in_dim3A_439 = arith.constant 0 : i32
        %broadcast_in_dim3A_440 = vector.broadcast %broadcast_in_dim3A_439 : i32 to vector<16xi32>
        %select_n3A_441 = arith.select %ge3A_436, %broadcast_in_dim3A_438, %broadcast_in_dim3A_440 : vector<16xi1>, vector<16xi32>
        %all_reduce_population_count3A_442 = tpu.all_reduce %ge3A_436 {dim = 0 : i64, kind = #tpu.reduction_kind<sum>} : vector<16xi1> -> vector<16xi32>
        %broadcast_in_dim3A_443 = arith.constant 64 : i32
        %broadcast_in_dim3A_444 = vector.broadcast %broadcast_in_dim3A_443 : i32 to vector<16xi32>
        %add3A_445 = arith.addi %add3A_394, %broadcast_in_dim3A_444 : vector<16xi32>
        %add3A_446 = arith.addi %add3A_445, %iota3A : vector<16xi32>
        %gather3A_447 = tpu.vector_load_idx %arg5[%broadcast_in_dim3A_42, %add3A_446] : memref<2x32768xf32, #tpu.memory_space<vmem>>[vector<16xi32>, vector<16xi32>], vector<16xf32>,
        %ge3A_448 = arith.cmpf oge, %gather3A_447, %min3A_130 : vector<16xf32>
        %broadcast_in_dim3A_449 = arith.constant 1 : i32
        %broadcast_in_dim3A_450 = vector.broadcast %broadcast_in_dim3A_449 : i32 to vector<16xi32>
        %broadcast_in_dim3A_451 = arith.constant 0 : i32
        %broadcast_in_dim3A_452 = vector.broadcast %broadcast_in_dim3A_451 : i32 to vector<16xi32>
        %select_n3A_453 = arith.select %ge3A_448, %broadcast_in_dim3A_450, %broadcast_in_dim3A_452 : vector<16xi1>, vector<16xi32>
        %all_reduce_population_count3A_454 = tpu.all_reduce %ge3A_448 {dim = 0 : i64, kind = #tpu.reduction_kind<sum>} : vector<16xi1> -> vector<16xi32>
        %broadcast_in_dim3A_455 = arith.constant 80 : i32
        %broadcast_in_dim3A_456 = vector.broadcast %broadcast_in_dim3A_455 : i32 to vector<16xi32>
        %add3A_457 = arith.addi %add3A_394, %broadcast_in_dim3A_456 : vector<16xi32>
        %add3A_458 = arith.addi %add3A_457, %iota3A : vector<16xi32>
        %gather3A_459 = tpu.vector_load_idx %arg5[%broadcast_in_dim3A_42, %add3A_458] : memref<2x32768xf32, #tpu.memory_space<vmem>>[vector<16xi32>, vector<16xi32>], vector<16xf32>,
        %ge3A_460 = arith.cmpf oge, %gather3A_459, %min3A_130 : vector<16xf32>
        %broadcast_in_dim3A_461 = arith.constant 1 : i32
        %broadcast_in_dim3A_462 = vector.broadcast %broadcast_in_dim3A_461 : i32 to vector<16xi32>
        %broadcast_in_dim3A_463 = arith.constant 0 : i32
        %broadcast_in_dim3A_464 = vector.broadcast %broadcast_in_dim3A_463 : i32 to vector<16xi32>
        %select_n3A_465 = arith.select %ge3A_460, %broadcast_in_dim3A_462, %broadcast_in_dim3A_464 : vector<16xi1>, vector<16xi32>
        %all_reduce_population_count3A_466 = tpu.all_reduce %ge3A_460 {dim = 0 : i64, kind = #tpu.reduction_kind<sum>} : vector<16xi1> -> vector<16xi32>
        %broadcast_in_dim3A_467 = arith.constant 96 : i32
        %broadcast_in_dim3A_468 = vector.broadcast %broadcast_in_dim3A_467 : i32 to vector<16xi32>
        %add3A_469 = arith.addi %add3A_394, %broadcast_in_dim3A_468 : vector<16xi32>
        %add3A_470 = arith.addi %add3A_469, %iota3A : vector<16xi32>
        %gather3A_471 = tpu.vector_load_idx %arg5[%broadcast_in_dim3A_42, %add3A_470] : memref<2x32768xf32, #tpu.memory_space<vmem>>[vector<16xi32>, vector<16xi32>], vector<16xf32>,
        %ge3A_472 = arith.cmpf oge, %gather3A_471, %min3A_130 : vector<16xf32>
        %broadcast_in_dim3A_473 = arith.constant 1 : i32
        %broadcast_in_dim3A_474 = vector.broadcast %broadcast_in_dim3A_473 : i32 to vector<16xi32>
        %broadcast_in_dim3A_475 = arith.constant 0 : i32
        %broadcast_in_dim3A_476 = vector.broadcast %broadcast_in_dim3A_475 : i32 to vector<16xi32>
        %select_n3A_477 = arith.select %ge3A_472, %broadcast_in_dim3A_474, %broadcast_in_dim3A_476 : vector<16xi1>, vector<16xi32>
        %all_reduce_population_count3A_478 = tpu.all_reduce %ge3A_472 {dim = 0 : i64, kind = #tpu.reduction_kind<sum>} : vector<16xi1> -> vector<16xi32>
        %broadcast_in_dim3A_479 = arith.constant 112 : i32
        %broadcast_in_dim3A_480 = vector.broadcast %broadcast_in_dim3A_479 : i32 to vector<16xi32>
        %add3A_481 = arith.addi %add3A_394, %broadcast_in_dim3A_480 : vector<16xi32>
        %add3A_482 = arith.addi %add3A_481, %iota3A : vector<16xi32>
        %gather3A_483 = tpu.vector_load_idx %arg5[%broadcast_in_dim3A_42, %add3A_482] : memref<2x32768xf32, #tpu.memory_space<vmem>>[vector<16xi32>, vector<16xi32>], vector<16xf32>,
        %ge3A_484 = arith.cmpf oge, %gather3A_483, %min3A_130 : vector<16xf32>
        %broadcast_in_dim3A_485 = arith.constant 1 : i32
        %broadcast_in_dim3A_486 = vector.broadcast %broadcast_in_dim3A_485 : i32 to vector<16xi32>
        %broadcast_in_dim3A_487 = arith.constant 0 : i32
        %broadcast_in_dim3A_488 = vector.broadcast %broadcast_in_dim3A_487 : i32 to vector<16xi32>
        %select_n3A_489 = arith.select %ge3A_484, %broadcast_in_dim3A_486, %broadcast_in_dim3A_488 : vector<16xi1>, vector<16xi32>
        %all_reduce_population_count3A_490 = tpu.all_reduce %ge3A_484 {dim = 0 : i64, kind = #tpu.reduction_kind<sum>} : vector<16xi1> -> vector<16xi32>
        %broadcast_in_dim3A_491 = arith.constant true
        %broadcast_in_dim3A_492 = vector.broadcast %broadcast_in_dim3A_491 : i1 to vector<16xi1>
        %masked_cumsum3A = tpu.scan <sum>, %select_n3A_405 masked %broadcast_in_dim3A_492 : vector<16xi32>, vector<16xi1> -> vector<16xi32>
        %add3A_493 = arith.addi %while3A_387, %masked_cumsum3A : vector<16xi32>
        %sub3A_494 = arith.subi %add3A_493, %select_n3A_405 : vector<16xi32>
        %gt3A = arith.constant 0 : i32
        %gt3A_495 = vector.broadcast %gt3A : i32 to vector<16xi32>
        %gt3A_496 = arith.cmpi sgt, %select_n3A_405, %gt3A_495 : vector<16xi32>
        tpu.vector_store_idx %arg6[%sub3A_494], %add3A_398 masked %gt3A_496 : memref<32768xi32, #tpu.memory_space<vmem>>[vector<16xi32>], vector<16xi32>, vector<16xi1>
        %add3A_497 = arith.addi %while3A_387, %all_reduce_population_count3A_406 : vector<16xi32>
        %broadcast_in_dim3A_498 = arith.constant true
        %broadcast_in_dim3A_499 = vector.broadcast %broadcast_in_dim3A_498 : i1 to vector<16xi1>
        %masked_cumsum3A_500 = tpu.scan <sum>, %select_n3A_417 masked %broadcast_in_dim3A_499 : vector<16xi32>, vector<16xi1> -> vector<16xi32>
        %add3A_501 = arith.addi %add3A_497, %masked_cumsum3A_500 : vector<16xi32>
        %sub3A_502 = arith.subi %add3A_501, %select_n3A_417 : vector<16xi32>
        %gt3A_503 = arith.constant 0 : i32
        %gt3A_504 = vector.broadcast %gt3A_503 : i32 to vector<16xi32>
        %gt3A_505 = arith.cmpi sgt, %select_n3A_417, %gt3A_504 : vector<16xi32>
        tpu.vector_store_idx %arg6[%sub3A_502], %add3A_410 masked %gt3A_505 : memref<32768xi32, #tpu.memory_space<vmem>>[vector<16xi32>], vector<16xi32>, vector<16xi1>
        %add3A_506 = arith.addi %add3A_497, %all_reduce_population_count3A_418 : vector<16xi32>
        %broadcast_in_dim3A_507 = arith.constant true
        %broadcast_in_dim3A_508 = vector.broadcast %broadcast_in_dim3A_507 : i1 to vector<16xi1>
        %masked_cumsum3A_509 = tpu.scan <sum>, %select_n3A_429 masked %broadcast_in_dim3A_508 : vector<16xi32>, vector<16xi1> -> vector<16xi32>
        %add3A_510 = arith.addi %add3A_506, %masked_cumsum3A_509 : vector<16xi32>
        %sub3A_511 = arith.subi %add3A_510, %select_n3A_429 : vector<16xi32>
        %gt3A_512 = arith.constant 0 : i32
        %gt3A_513 = vector.broadcast %gt3A_512 : i32 to vector<16xi32>
        %gt3A_514 = arith.cmpi sgt, %select_n3A_429, %gt3A_513 : vector<16xi32>
        tpu.vector_store_idx %arg6[%sub3A_511], %add3A_422 masked %gt3A_514 : memref<32768xi32, #tpu.memory_space<vmem>>[vector<16xi32>], vector<16xi32>, vector<16xi1>
        %add3A_515 = arith.addi %add3A_506, %all_reduce_population_count3A_430 : vector<16xi32>
        %broadcast_in_dim3A_516 = arith.constant true
        %broadcast_in_dim3A_517 = vector.broadcast %broadcast_in_dim3A_516 : i1 to vector<16xi1>
        %masked_cumsum3A_518 = tpu.scan <sum>, %select_n3A_441 masked %broadcast_in_dim3A_517 : vector<16xi32>, vector<16xi1> -> vector<16xi32>
        %add3A_519 = arith.addi %add3A_515, %masked_cumsum3A_518 : vector<16xi32>
        %sub3A_520 = arith.subi %add3A_519, %select_n3A_441 : vector<16xi32>
        %gt3A_521 = arith.constant 0 : i32
        %gt3A_522 = vector.broadcast %gt3A_521 : i32 to vector<16xi32>
        %gt3A_523 = arith.cmpi sgt, %select_n3A_441, %gt3A_522 : vector<16xi32>
        tpu.vector_store_idx %arg6[%sub3A_520], %add3A_434 masked %gt3A_523 : memref<32768xi32, #tpu.memory_space<vmem>>[vector<16xi32>], vector<16xi32>, vector<16xi1>
        %add3A_524 = arith.addi %add3A_515, %all_reduce_population_count3A_442 : vector<16xi32>
        %broadcast_in_dim3A_525 = arith.constant true
        %broadcast_in_dim3A_526 = vector.broadcast %broadcast_in_dim3A_525 : i1 to vector<16xi1>
        %masked_cumsum3A_527 = tpu.scan <sum>, %select_n3A_453 masked %broadcast_in_dim3A_526 : vector<16xi32>, vector<16xi1> -> vector<16xi32>
        %add3A_528 = arith.addi %add3A_524, %masked_cumsum3A_527 : vector<16xi32>
        %sub3A_529 = arith.subi %add3A_528, %select_n3A_453 : vector<16xi32>
        %gt3A_530 = arith.constant 0 : i32
        %gt3A_531 = vector.broadcast %gt3A_530 : i32 to vector<16xi32>
        %gt3A_532 = arith.cmpi sgt, %select_n3A_453, %gt3A_531 : vector<16xi32>
        tpu.vector_store_idx %arg6[%sub3A_529], %add3A_446 masked %gt3A_532 : memref<32768xi32, #tpu.memory_space<vmem>>[vector<16xi32>], vector<16xi32>, vector<16xi1>
        %add3A_533 = arith.addi %add3A_524, %all_reduce_population_count3A_454 : vector<16xi32>
        %broadcast_in_dim3A_534 = arith.constant true
        %broadcast_in_dim3A_535 = vector.broadcast %broadcast_in_dim3A_534 : i1 to vector<16xi1>
        %masked_cumsum3A_536 = tpu.scan <sum>, %select_n3A_465 masked %broadcast_in_dim3A_535 : vector<16xi32>, vector<16xi1> -> vector<16xi32>
        %add3A_537 = arith.addi %add3A_533, %masked_cumsum3A_536 : vector<16xi32>
        %sub3A_538 = arith.subi %add3A_537, %select_n3A_465 : vector<16xi32>
        %gt3A_539 = arith.constant 0 : i32
        %gt3A_540 = vector.broadcast %gt3A_539 : i32 to vector<16xi32>
        %gt3A_541 = arith.cmpi sgt, %select_n3A_465, %gt3A_540 : vector<16xi32>
        tpu.vector_store_idx %arg6[%sub3A_538], %add3A_458 masked %gt3A_541 : memref<32768xi32, #tpu.memory_space<vmem>>[vector<16xi32>], vector<16xi32>, vector<16xi1>
        %add3A_542 = arith.addi %add3A_533, %all_reduce_population_count3A_466 : vector<16xi32>
        %broadcast_in_dim3A_543 = arith.constant true
        %broadcast_in_dim3A_544 = vector.broadcast %broadcast_in_dim3A_543 : i1 to vector<16xi1>
        %masked_cumsum3A_545 = tpu.scan <sum>, %select_n3A_477 masked %broadcast_in_dim3A_544 : vector<16xi32>, vector<16xi1> -> vector<16xi32>
        %add3A_546 = arith.addi %add3A_542, %masked_cumsum3A_545 : vector<16xi32>
        %sub3A_547 = arith.subi %add3A_546, %select_n3A_477 : vector<16xi32>
        %gt3A_548 = arith.constant 0 : i32
        %gt3A_549 = vector.broadcast %gt3A_548 : i32 to vector<16xi32>
        %gt3A_550 = arith.cmpi sgt, %select_n3A_477, %gt3A_549 : vector<16xi32>
        tpu.vector_store_idx %arg6[%sub3A_547], %add3A_470 masked %gt3A_550 : memref<32768xi32, #tpu.memory_space<vmem>>[vector<16xi32>], vector<16xi32>, vector<16xi1>
        %add3A_551 = arith.addi %add3A_542, %all_reduce_population_count3A_478 : vector<16xi32>
        %broadcast_in_dim3A_552 = arith.constant true
        %broadcast_in_dim3A_553 = vector.broadcast %broadcast_in_dim3A_552 : i1 to vector<16xi1>
        %masked_cumsum3A_554 = tpu.scan <sum>, %select_n3A_489 masked %broadcast_in_dim3A_553 : vector<16xi32>, vector<16xi1> -> vector<16xi32>
        %add3A_555 = arith.addi %add3A_551, %masked_cumsum3A_554 : vector<16xi32>
        %sub3A_556 = arith.subi %add3A_555, %select_n3A_489 : vector<16xi32>
        %gt3A_557 = arith.constant 0 : i32
        %gt3A_558 = vector.broadcast %gt3A_557 : i32 to vector<16xi32>
        %gt3A_559 = arith.cmpi sgt, %select_n3A_489, %gt3A_558 : vector<16xi32>
        tpu.vector_store_idx %arg6[%sub3A_556], %add3A_482 masked %gt3A_559 : memref<32768xi32, #tpu.memory_space<vmem>>[vector<16xi32>], vector<16xi32>, vector<16xi1>
        %add3A_560 = arith.addi %add3A_551, %all_reduce_population_count3A_490 : vector<16xi32>
        %eq3A = arith.cmpi eq, %iota3A, %all_reduce_ffs3A : vector<16xi32>
        %broadcast_in_dim3A_561 = arith.constant 0xFF800000 : f32
        %broadcast_in_dim3A_562 = vector.broadcast %broadcast_in_dim3A_561 : f32 to vector<16xf32>
        %select_n3A_563 = arith.select %eq3A, %broadcast_in_dim3A_562, %while3A_386 : vector<16xi1>, vector<16xf32>
        scf.yield %select_n3A_563, %add3A_560 : vector<16xf32>, vector<16xi32>
      }
      scf.yield %while3A_384#1 : vector<16xi32>
    }
    %scan3A_138 = arith.constant 16 : i32
    %reduce_max3A = arith.constant true
    %reduce_max3A_139 = vector.broadcast %reduce_max3A : i1 to vector<16xi1>
    %reduce_max3A_140 = arith.constant -2147483648 : i32
    %reduce_max3A_141 = vector.broadcast %reduce_max3A_140 : i32 to vector<16xi32>
    %reduce_max3A_142 = arith.xori %scan3A_137, %reduce_max3A_141 : vector<16xi32>
    %reduce_max3A_143 = tpu.scan <max>, %reduce_max3A_142 masked %reduce_max3A_139 : vector<16xi32>, vector<16xi1> -> vector<16xi32>
    %reduce_max3A_144 = arith.xori %reduce_max3A_143, %reduce_max3A_141 : vector<16xi32>
    %reduce_max3A_145 = vector.extract %reduce_max3A_144[15] : i32 from vector<16xi32>
    %broadcast_in_dim3A_146 = arith.constant 0xFF800000 : f32
    %broadcast_in_dim3A_147 = vector.broadcast %broadcast_in_dim3A_146 : f32 to vector<16xf32>
    %broadcast_in_dim3A_148 = arith.constant 0 : i32
    %broadcast_in_dim3A_149 = vector.broadcast %broadcast_in_dim3A_148 : i32 to vector<16xi32>
    %add3A_150 = arith.constant 16 : i32
    %add3A_151 = arith.addi %reduce_max3A_145, %add3A_150 : i32
    %sub3A = arith.constant 1 : i32
    %sub3A_152 = arith.subi %add3A_151, %sub3A : i32
    %jit3A = arith.constant 16 : i32
    %div3A = arith.divsi %sub3A_152, %jit3A : i32
    %sign3A = arith.constant 0 : i32
    %sign3A_153 = arith.cmpi sgt, %sub3A_152, %sign3A : i32
    %sign3A_154 = arith.extui %sign3A_153 : i1 to i32
    %sign3A_155 = arith.constant 0 : i32
    %sign3A_156 = arith.cmpi slt, %sub3A_152, %sign3A_155 : i32
    %sign3A_157 = arith.extui %sign3A_156 : i1 to i32
    %sign3A_158 = arith.subi %sign3A_154, %sign3A_157 : i32
    %sign3A_159 = arith.constant 0 : i32
    %sign3A_160 = arith.cmpi sgt, %jit3A, %sign3A_159 : i32
    %sign3A_161 = arith.extui %sign3A_160 : i1 to i32
    %sign3A_162 = arith.constant 0 : i32
    %sign3A_163 = arith.cmpi slt, %jit3A, %sign3A_162 : i32
    %sign3A_164 = arith.extui %sign3A_163 : i1 to i32
    %sign3A_165 = arith.subi %sign3A_161, %sign3A_164 : i32
    %ne3A = arith.cmpi ne, %sign3A_158, %sign3A_165 : i32
    %rem3A = arith.remsi %sub3A_152, %jit3A : i32
    %ne3A_166 = arith.constant 0 : i32
    %ne3A_167 = arith.cmpi ne, %rem3A, %ne3A_166 : i32
    %and3A_168 = arith.andi %ne3A, %ne3A_167 : i1
    %sub3A_169 = arith.constant 1 : i32
    %sub3A_170 = arith.subi %div3A, %sub3A_169 : i32
    %select_n3A = arith.select %and3A_168, %sub3A_170, %div3A : i32
    %while3A = arith.constant 0 : i32
    %while3A_171 = arith.subi %select_n3A, %while3A : i32
    %while3A_172 = arith.addi %while3A, %while3A_171 : i32
    %while3A_173 = arith.constant 1 : i32
    %while3A_174 = arith.divsi %while3A_171, %while3A_173 : i32
    %while3A_175 = arith.muli %while3A_174, %while3A_173 : i32
    %while3A_176 = arith.addi %while3A, %while3A_175 : i32
    %while3A_177 = arith.constant 1 : i32
    %while3A_178:2 = scf.for %while3A_360 = %while3A to %while3A_176 step %while3A_177 iter_args(%while3A_361 = %broadcast_in_dim3A_147, %while3A_362 = %broadcast_in_dim3A_149) -> (vector<16xf32>, vector<16xi32>)  : i32 {
      %mul3A_363 = arith.constant 16 : i32
      %mul3A_364 = arith.muli %while3A_360, %mul3A_363 : i32
      %get3A_365 = arith.index_cast %mul3A_364 : i32 to index
      %get3A_366 = tpu.vector_load %arg6[%get3A_365] {strides = array<i32>} : memref<32768xi32, #tpu.memory_space<vmem>>, vector<16xi32>,
      %mul3A_367 = arith.constant 16 : i32
      %mul3A_368 = arith.muli %while3A_360, %mul3A_367 : i32
      %broadcast_in_dim3A_369 = vector.broadcast %mul3A_368 : i32 to vector<16xi32>
      %add3A_370 = arith.addi %broadcast_in_dim3A_369, %iota3A : vector<16xi32>
      %lt3A = arith.cmpi slt, %add3A_370, %scan3A_137 : vector<16xi32>
      %max3A_371 = arith.constant 0 : i32
      %max3A_372 = vector.broadcast %max3A_371 : i32 to vector<16xi32>
      %max3A_373 = arith.maxsi %get3A_366, %max3A_372 : vector<16xi32>
      %min3A_374 = arith.constant 32767 : i32
      %min3A_375 = vector.broadcast %min3A_374 : i32 to vector<16xi32>
      %min3A_376 = arith.minsi %max3A_373, %min3A_375 : vector<16xi32>
      %gather3A_377 = tpu.vector_load_idx %arg5[%broadcast_in_dim3A_42, %min3A_376] : memref<2x32768xf32, #tpu.memory_space<vmem>>[vector<16xi32>, vector<16xi32>], vector<16xf32>,
      %broadcast_in_dim3A_378 = arith.constant 0xFF800000 : f32
      %broadcast_in_dim3A_379 = vector.broadcast %broadcast_in_dim3A_378 : f32 to vector<16xf32>
      %select_n3A_380 = arith.select %lt3A, %gather3A_377, %broadcast_in_dim3A_379 : vector<16xi1>, vector<16xf32>
      %broadcast_in_dim3A_381 = arith.constant 0 : i32
      %broadcast_in_dim3A_382 = vector.broadcast %broadcast_in_dim3A_381 : i32 to vector<16xi32>
      %select_n3A_383 = arith.select %lt3A, %min3A_376, %broadcast_in_dim3A_382 : vector<16xi1>, vector<16xi32>
      %mul3A_384 = arith.constant 16 : i32
      %mul3A_385 = arith.muli %while3A_360, %mul3A_384 : i32
      %sub3A_386 = arith.subi %reduce_max3A_145, %mul3A_385 : i32
      %min3A_387 = arith.constant 16 : i32
      %min3A_388 = arith.minsi %sub3A_386, %min3A_387 : i32
      %while3A_389 = arith.constant 0 : i32
      %while3A_390 = arith.subi %min3A_388, %while3A_389 : i32
      %while3A_391 = arith.addi %while3A_389, %while3A_390 : i32
      %while3A_392 = arith.constant 1 : i32
      %while3A_393 = arith.divsi %while3A_390, %while3A_392 : i32
      %while3A_394 = arith.muli %while3A_393, %while3A_392 : i32
      %while3A_395 = arith.addi %while3A_389, %while3A_394 : i32
      %while3A_396 = arith.constant 1 : i32
      %while3A_397:3 = scf.for %while3A_400 = %while3A_389 to %while3A_395 step %while3A_396 iter_args(%while3A_401 = %select_n3A_380, %while3A_402 = %while3A_361, %while3A_403 = %while3A_362) -> (vector<16xf32>, vector<16xf32>, vector<16xi32>)  : i32 {
        %ge3A = arith.cmpf oge, %while3A_401, %min3A_130 : vector<16xf32>
        %all_reduce_ffs3A = tpu.all_reduce %ge3A {dim = 0 : i64, kind = #tpu.reduction_kind<find_first_set>} : vector<16xi1> -> vector<16xi32>
        %broadcast_in_dim3A_404 = vector.shape_cast %all_reduce_ffs3A : vector<16xi32> to vector<16x1xi32>
        %gather3A_405 = vector.shape_cast %broadcast_in_dim3A_404 : vector<16x1xi32> to vector<16xi32>
        %gather3A_406 = tpu.dynamic_gather %while3A_401[%gather3A_405] in [0] : vector<16xf32>, vector<16xi32> -> vector<16xf32>
        %broadcast_in_dim3A_407 = vector.shape_cast %all_reduce_ffs3A : vector<16xi32> to vector<16x1xi32>
        %gather3A_408 = vector.shape_cast %broadcast_in_dim3A_407 : vector<16x1xi32> to vector<16xi32>
        %gather3A_409 = tpu.dynamic_gather %select_n3A_383[%gather3A_408] in [0] : vector<16xi32>, vector<16xi32> -> vector<16xi32>
        %ge3A_410 = arith.cmpf oge, %while3A_402, %gather3A_406 : vector<16xf32>
        %all_reduce_population_count3A = tpu.all_reduce %ge3A_410 {dim = 0 : i64, kind = #tpu.reduction_kind<sum>} : vector<16xi1> -> vector<16xi32>
        %sub3A_411 = arith.constant 1 : i32
        %sub3A_412 = vector.broadcast %sub3A_411 : i32 to vector<16xi32>
        %sub3A_413 = arith.subi %iota3A, %sub3A_412 : vector<16xi32>
        %max3A_414 = arith.constant 0 : i32
        %max3A_415 = vector.broadcast %max3A_414 : i32 to vector<16xi32>
        %max3A_416 = arith.maxsi %sub3A_413, %max3A_415 : vector<16xi32>
        %broadcast_in_dim3A_417 = vector.shape_cast %max3A_416 : vector<16xi32> to vector<16x1xi32>
        %gather3A_418 = vector.shape_cast %broadcast_in_dim3A_417 : vector<16x1xi32> to vector<16xi32>
        %gather3A_419 = tpu.dynamic_gather %while3A_402[%gather3A_418] in [0] : vector<16xf32>, vector<16xi32> -> vector<16xf32>
        %sub3A_420 = arith.constant 1 : i32
        %sub3A_421 = vector.broadcast %sub3A_420 : i32 to vector<16xi32>
        %sub3A_422 = arith.subi %iota3A, %sub3A_421 : vector<16xi32>
        %max3A_423 = arith.constant 0 : i32
        %max3A_424 = vector.broadcast %max3A_423 : i32 to vector<16xi32>
        %max3A_425 = arith.maxsi %sub3A_422, %max3A_424 : vector<16xi32>
        %broadcast_in_dim3A_426 = vector.shape_cast %max3A_425 : vector<16xi32> to vector<16x1xi32>
        %gather3A_427 = vector.shape_cast %broadcast_in_dim3A_426 : vector<16x1xi32> to vector<16xi32>
        %gather3A_428 = tpu.dynamic_gather %while3A_403[%gather3A_427] in [0] : vector<16xi32>, vector<16xi32> -> vector<16xi32>
        %lt3A_429 = arith.cmpi slt, %iota3A, %all_reduce_population_count3A : vector<16xi32>
        %eq3A = arith.cmpi eq, %iota3A, %all_reduce_population_count3A : vector<16xi32>
        %select_n3A_430 = arith.select %eq3A, %gather3A_406, %gather3A_419 : vector<16xi1>, vector<16xf32>
        %select_n3A_431 = arith.select %lt3A_429, %while3A_402, %select_n3A_430 : vector<16xi1>, vector<16xf32>
        %lt3A_432 = arith.cmpi slt, %iota3A, %all_reduce_population_count3A : vector<16xi32>
        %eq3A_433 = arith.cmpi eq, %iota3A, %all_reduce_population_count3A : vector<16xi32>
        %select_n3A_434 = arith.select %eq3A_433, %gather3A_409, %gather3A_428 : vector<16xi1>, vector<16xi32>
        %select_n3A_435 = arith.select %lt3A_432, %while3A_403, %select_n3A_434 : vector<16xi1>, vector<16xi32>
        %eq3A_436 = arith.cmpi eq, %iota3A, %all_reduce_ffs3A : vector<16xi32>
        %broadcast_in_dim3A_437 = arith.constant 0xFF800000 : f32
        %broadcast_in_dim3A_438 = vector.broadcast %broadcast_in_dim3A_437 : f32 to vector<16xf32>
        %select_n3A_439 = arith.select %eq3A_436, %broadcast_in_dim3A_438, %while3A_401 : vector<16xi1>, vector<16xf32>
        scf.yield %select_n3A_439, %select_n3A_431, %select_n3A_435 : vector<16xf32>, vector<16xf32>, vector<16xi32>
      }
      %while3A_398 = arith.constant 1 : i32
      %while3A_399:3 = scf.for %while3A_400 = %while3A_395 to %while3A_391 step %while3A_398 iter_args(%while3A_401 = %while3A_397#0, %while3A_402 = %while3A_397#1, %while3A_403 = %while3A_397#2) -> (vector<16xf32>, vector<16xf32>, vector<16xi32>)  : i32 {
        %ge3A = arith.cmpf oge, %while3A_401, %min3A_130 : vector<16xf32>
        %all_reduce_ffs3A = tpu.all_reduce %ge3A {dim = 0 : i64, kind = #tpu.reduction_kind<find_first_set>} : vector<16xi1> -> vector<16xi32>
        %broadcast_in_dim3A_404 = vector.shape_cast %all_reduce_ffs3A : vector<16xi32> to vector<16x1xi32>
        %gather3A_405 = vector.shape_cast %broadcast_in_dim3A_404 : vector<16x1xi32> to vector<16xi32>
        %gather3A_406 = tpu.dynamic_gather %while3A_401[%gather3A_405] in [0] : vector<16xf32>, vector<16xi32> -> vector<16xf32>
        %broadcast_in_dim3A_407 = vector.shape_cast %all_reduce_ffs3A : vector<16xi32> to vector<16x1xi32>
        %gather3A_408 = vector.shape_cast %broadcast_in_dim3A_407 : vector<16x1xi32> to vector<16xi32>
        %gather3A_409 = tpu.dynamic_gather %select_n3A_383[%gather3A_408] in [0] : vector<16xi32>, vector<16xi32> -> vector<16xi32>
        %ge3A_410 = arith.cmpf oge, %while3A_402, %gather3A_406 : vector<16xf32>
        %all_reduce_population_count3A = tpu.all_reduce %ge3A_410 {dim = 0 : i64, kind = #tpu.reduction_kind<sum>} : vector<16xi1> -> vector<16xi32>
        %sub3A_411 = arith.constant 1 : i32
        %sub3A_412 = vector.broadcast %sub3A_411 : i32 to vector<16xi32>
        %sub3A_413 = arith.subi %iota3A, %sub3A_412 : vector<16xi32>
        %max3A_414 = arith.constant 0 : i32
        %max3A_415 = vector.broadcast %max3A_414 : i32 to vector<16xi32>
        %max3A_416 = arith.maxsi %sub3A_413, %max3A_415 : vector<16xi32>
        %broadcast_in_dim3A_417 = vector.shape_cast %max3A_416 : vector<16xi32> to vector<16x1xi32>
        %gather3A_418 = vector.shape_cast %broadcast_in_dim3A_417 : vector<16x1xi32> to vector<16xi32>
        %gather3A_419 = tpu.dynamic_gather %while3A_402[%gather3A_418] in [0] : vector<16xf32>, vector<16xi32> -> vector<16xf32>
        %sub3A_420 = arith.constant 1 : i32
        %sub3A_421 = vector.broadcast %sub3A_420 : i32 to vector<16xi32>
        %sub3A_422 = arith.subi %iota3A, %sub3A_421 : vector<16xi32>
        %max3A_423 = arith.constant 0 : i32
        %max3A_424 = vector.broadcast %max3A_423 : i32 to vector<16xi32>
        %max3A_425 = arith.maxsi %sub3A_422, %max3A_424 : vector<16xi32>
        %broadcast_in_dim3A_426 = vector.shape_cast %max3A_425 : vector<16xi32> to vector<16x1xi32>
        %gather3A_427 = vector.shape_cast %broadcast_in_dim3A_426 : vector<16x1xi32> to vector<16xi32>
        %gather3A_428 = tpu.dynamic_gather %while3A_403[%gather3A_427] in [0] : vector<16xi32>, vector<16xi32> -> vector<16xi32>
        %lt3A_429 = arith.cmpi slt, %iota3A, %all_reduce_population_count3A : vector<16xi32>
        %eq3A = arith.cmpi eq, %iota3A, %all_reduce_population_count3A : vector<16xi32>
        %select_n3A_430 = arith.select %eq3A, %gather3A_406, %gather3A_419 : vector<16xi1>, vector<16xf32>
        %select_n3A_431 = arith.select %lt3A_429, %while3A_402, %select_n3A_430 : vector<16xi1>, vector<16xf32>
        %lt3A_432 = arith.cmpi slt, %iota3A, %all_reduce_population_count3A : vector<16xi32>
        %eq3A_433 = arith.cmpi eq, %iota3A, %all_reduce_population_count3A : vector<16xi32>
        %select_n3A_434 = arith.select %eq3A_433, %gather3A_409, %gather3A_428 : vector<16xi1>, vector<16xi32>
        %select_n3A_435 = arith.select %lt3A_432, %while3A_403, %select_n3A_434 : vector<16xi1>, vector<16xi32>
        %eq3A_436 = arith.cmpi eq, %iota3A, %all_reduce_ffs3A : vector<16xi32>
        %broadcast_in_dim3A_437 = arith.constant 0xFF800000 : f32
        %broadcast_in_dim3A_438 = vector.broadcast %broadcast_in_dim3A_437 : f32 to vector<16xf32>
        %select_n3A_439 = arith.select %eq3A_436, %broadcast_in_dim3A_438, %while3A_401 : vector<16xi1>, vector<16xf32>
        scf.yield %select_n3A_439, %select_n3A_431, %select_n3A_435 : vector<16xf32>, vector<16xf32>, vector<16xi32>
      }
      scf.yield %while3A_399#1, %while3A_399#2 : vector<16xf32>, vector<16xi32>
    }
    %while3A_179 = arith.constant 1 : i32
    %while3A_180:2 = scf.for %while3A_360 = %while3A_176 to %while3A_172 step %while3A_179 iter_args(%while3A_361 = %while3A_178#0, %while3A_362 = %while3A_178#1) -> (vector<16xf32>, vector<16xi32>)  : i32 {
      %mul3A_363 = arith.constant 16 : i32
      %mul3A_364 = arith.muli %while3A_360, %mul3A_363 : i32
      %get3A_365 = arith.index_cast %mul3A_364 : i32 to index
      %get3A_366 = tpu.vector_load %arg6[%get3A_365] {strides = array<i32>} : memref<32768xi32, #tpu.memory_space<vmem>>, vector<16xi32>,
      %mul3A_367 = arith.constant 16 : i32
      %mul3A_368 = arith.muli %while3A_360, %mul3A_367 : i32
      %broadcast_in_dim3A_369 = vector.broadcast %mul3A_368 : i32 to vector<16xi32>
      %add3A_370 = arith.addi %broadcast_in_dim3A_369, %iota3A : vector<16xi32>
      %lt3A = arith.cmpi slt, %add3A_370, %scan3A_137 : vector<16xi32>
      %max3A_371 = arith.constant 0 : i32
      %max3A_372 = vector.broadcast %max3A_371 : i32 to vector<16xi32>
      %max3A_373 = arith.maxsi %get3A_366, %max3A_372 : vector<16xi32>
      %min3A_374 = arith.constant 32767 : i32
      %min3A_375 = vector.broadcast %min3A_374 : i32 to vector<16xi32>
      %min3A_376 = arith.minsi %max3A_373, %min3A_375 : vector<16xi32>
      %gather3A_377 = tpu.vector_load_idx %arg5[%broadcast_in_dim3A_42, %min3A_376] : memref<2x32768xf32, #tpu.memory_space<vmem>>[vector<16xi32>, vector<16xi32>], vector<16xf32>,
      %broadcast_in_dim3A_378 = arith.constant 0xFF800000 : f32
      %broadcast_in_dim3A_379 = vector.broadcast %broadcast_in_dim3A_378 : f32 to vector<16xf32>
      %select_n3A_380 = arith.select %lt3A, %gather3A_377, %broadcast_in_dim3A_379 : vector<16xi1>, vector<16xf32>
      %broadcast_in_dim3A_381 = arith.constant 0 : i32
      %broadcast_in_dim3A_382 = vector.broadcast %broadcast_in_dim3A_381 : i32 to vector<16xi32>
      %select_n3A_383 = arith.select %lt3A, %min3A_376, %broadcast_in_dim3A_382 : vector<16xi1>, vector<16xi32>
      %mul3A_384 = arith.constant 16 : i32
      %mul3A_385 = arith.muli %while3A_360, %mul3A_384 : i32
      %sub3A_386 = arith.subi %reduce_max3A_145, %mul3A_385 : i32
      %min3A_387 = arith.constant 16 : i32
      %min3A_388 = arith.minsi %sub3A_386, %min3A_387 : i32
      %while3A_389 = arith.constant 0 : i32
      %while3A_390 = arith.subi %min3A_388, %while3A_389 : i32
      %while3A_391 = arith.addi %while3A_389, %while3A_390 : i32
      %while3A_392 = arith.constant 1 : i32
      %while3A_393 = arith.divsi %while3A_390, %while3A_392 : i32
      %while3A_394 = arith.muli %while3A_393, %while3A_392 : i32
      %while3A_395 = arith.addi %while3A_389, %while3A_394 : i32
      %while3A_396 = arith.constant 1 : i32
      %while3A_397:3 = scf.for %while3A_400 = %while3A_389 to %while3A_395 step %while3A_396 iter_args(%while3A_401 = %select_n3A_380, %while3A_402 = %while3A_361, %while3A_403 = %while3A_362) -> (vector<16xf32>, vector<16xf32>, vector<16xi32>)  : i32 {
        %ge3A = arith.cmpf oge, %while3A_401, %min3A_130 : vector<16xf32>
        %all_reduce_ffs3A = tpu.all_reduce %ge3A {dim = 0 : i64, kind = #tpu.reduction_kind<find_first_set>} : vector<16xi1> -> vector<16xi32>
        %broadcast_in_dim3A_404 = vector.shape_cast %all_reduce_ffs3A : vector<16xi32> to vector<16x1xi32>
        %gather3A_405 = vector.shape_cast %broadcast_in_dim3A_404 : vector<16x1xi32> to vector<16xi32>
        %gather3A_406 = tpu.dynamic_gather %while3A_401[%gather3A_405] in [0] : vector<16xf32>, vector<16xi32> -> vector<16xf32>
        %broadcast_in_dim3A_407 = vector.shape_cast %all_reduce_ffs3A : vector<16xi32> to vector<16x1xi32>
        %gather3A_408 = vector.shape_cast %broadcast_in_dim3A_407 : vector<16x1xi32> to vector<16xi32>
        %gather3A_409 = tpu.dynamic_gather %select_n3A_383[%gather3A_408] in [0] : vector<16xi32>, vector<16xi32> -> vector<16xi32>
        %ge3A_410 = arith.cmpf oge, %while3A_402, %gather3A_406 : vector<16xf32>
        %all_reduce_population_count3A = tpu.all_reduce %ge3A_410 {dim = 0 : i64, kind = #tpu.reduction_kind<sum>} : vector<16xi1> -> vector<16xi32>
        %sub3A_411 = arith.constant 1 : i32
        %sub3A_412 = vector.broadcast %sub3A_411 : i32 to vector<16xi32>
        %sub3A_413 = arith.subi %iota3A, %sub3A_412 : vector<16xi32>
        %max3A_414 = arith.constant 0 : i32
        %max3A_415 = vector.broadcast %max3A_414 : i32 to vector<16xi32>
        %max3A_416 = arith.maxsi %sub3A_413, %max3A_415 : vector<16xi32>
        %broadcast_in_dim3A_417 = vector.shape_cast %max3A_416 : vector<16xi32> to vector<16x1xi32>
        %gather3A_418 = vector.shape_cast %broadcast_in_dim3A_417 : vector<16x1xi32> to vector<16xi32>
        %gather3A_419 = tpu.dynamic_gather %while3A_402[%gather3A_418] in [0] : vector<16xf32>, vector<16xi32> -> vector<16xf32>
        %sub3A_420 = arith.constant 1 : i32
        %sub3A_421 = vector.broadcast %sub3A_420 : i32 to vector<16xi32>
        %sub3A_422 = arith.subi %iota3A, %sub3A_421 : vector<16xi32>
        %max3A_423 = arith.constant 0 : i32
        %max3A_424 = vector.broadcast %max3A_423 : i32 to vector<16xi32>
        %max3A_425 = arith.maxsi %sub3A_422, %max3A_424 : vector<16xi32>
        %broadcast_in_dim3A_426 = vector.shape_cast %max3A_425 : vector<16xi32> to vector<16x1xi32>
        %gather3A_427 = vector.shape_cast %broadcast_in_dim3A_426 : vector<16x1xi32> to vector<16xi32>
        %gather3A_428 = tpu.dynamic_gather %while3A_403[%gather3A_427] in [0] : vector<16xi32>, vector<16xi32> -> vector<16xi32>
        %lt3A_429 = arith.cmpi slt, %iota3A, %all_reduce_population_count3A : vector<16xi32>
        %eq3A = arith.cmpi eq, %iota3A, %all_reduce_population_count3A : vector<16xi32>
        %select_n3A_430 = arith.select %eq3A, %gather3A_406, %gather3A_419 : vector<16xi1>, vector<16xf32>
        %select_n3A_431 = arith.select %lt3A_429, %while3A_402, %select_n3A_430 : vector<16xi1>, vector<16xf32>
        %lt3A_432 = arith.cmpi slt, %iota3A, %all_reduce_population_count3A : vector<16xi32>
        %eq3A_433 = arith.cmpi eq, %iota3A, %all_reduce_population_count3A : vector<16xi32>
        %select_n3A_434 = arith.select %eq3A_433, %gather3A_409, %gather3A_428 : vector<16xi1>, vector<16xi32>
        %select_n3A_435 = arith.select %lt3A_432, %while3A_403, %select_n3A_434 : vector<16xi1>, vector<16xi32>
        %eq3A_436 = arith.cmpi eq, %iota3A, %all_reduce_ffs3A : vector<16xi32>
        %broadcast_in_dim3A_437 = arith.constant 0xFF800000 : f32
        %broadcast_in_dim3A_438 = vector.broadcast %broadcast_in_dim3A_437 : f32 to vector<16xf32>
        %select_n3A_439 = arith.select %eq3A_436, %broadcast_in_dim3A_438, %while3A_401 : vector<16xi1>, vector<16xf32>
        scf.yield %select_n3A_439, %select_n3A_431, %select_n3A_435 : vector<16xf32>, vector<16xf32>, vector<16xi32>
      }
      %while3A_398 = arith.constant 1 : i32
      %while3A_399:3 = scf.for %while3A_400 = %while3A_395 to %while3A_391 step %while3A_398 iter_args(%while3A_401 = %while3A_397#0, %while3A_402 = %while3A_397#1, %while3A_403 = %while3A_397#2) -> (vector<16xf32>, vector<16xf32>, vector<16xi32>)  : i32 {
        %ge3A = arith.cmpf oge, %while3A_401, %min3A_130 : vector<16xf32>
        %all_reduce_ffs3A = tpu.all_reduce %ge3A {dim = 0 : i64, kind = #tpu.reduction_kind<find_first_set>} : vector<16xi1> -> vector<16xi32>
        %broadcast_in_dim3A_404 = vector.shape_cast %all_reduce_ffs3A : vector<16xi32> to vector<16x1xi32>
        %gather3A_405 = vector.shape_cast %broadcast_in_dim3A_404 : vector<16x1xi32> to vector<16xi32>
        %gather3A_406 = tpu.dynamic_gather %while3A_401[%gather3A_405] in [0] : vector<16xf32>, vector<16xi32> -> vector<16xf32>
        %broadcast_in_dim3A_407 = vector.shape_cast %all_reduce_ffs3A : vector<16xi32> to vector<16x1xi32>
        %gather3A_408 = vector.shape_cast %broadcast_in_dim3A_407 : vector<16x1xi32> to vector<16xi32>
        %gather3A_409 = tpu.dynamic_gather %select_n3A_383[%gather3A_408] in [0] : vector<16xi32>, vector<16xi32> -> vector<16xi32>
        %ge3A_410 = arith.cmpf oge, %while3A_402, %gather3A_406 : vector<16xf32>
        %all_reduce_population_count3A = tpu.all_reduce %ge3A_410 {dim = 0 : i64, kind = #tpu.reduction_kind<sum>} : vector<16xi1> -> vector<16xi32>
        %sub3A_411 = arith.constant 1 : i32
        %sub3A_412 = vector.broadcast %sub3A_411 : i32 to vector<16xi32>
        %sub3A_413 = arith.subi %iota3A, %sub3A_412 : vector<16xi32>
        %max3A_414 = arith.constant 0 : i32
        %max3A_415 = vector.broadcast %max3A_414 : i32 to vector<16xi32>
        %max3A_416 = arith.maxsi %sub3A_413, %max3A_415 : vector<16xi32>
        %broadcast_in_dim3A_417 = vector.shape_cast %max3A_416 : vector<16xi32> to vector<16x1xi32>
        %gather3A_418 = vector.shape_cast %broadcast_in_dim3A_417 : vector<16x1xi32> to vector<16xi32>
        %gather3A_419 = tpu.dynamic_gather %while3A_402[%gather3A_418] in [0] : vector<16xf32>, vector<16xi32> -> vector<16xf32>
        %sub3A_420 = arith.constant 1 : i32
        %sub3A_421 = vector.broadcast %sub3A_420 : i32 to vector<16xi32>
        %sub3A_422 = arith.subi %iota3A, %sub3A_421 : vector<16xi32>
        %max3A_423 = arith.constant 0 : i32
        %max3A_424 = vector.broadcast %max3A_423 : i32 to vector<16xi32>
        %max3A_425 = arith.maxsi %sub3A_422, %max3A_424 : vector<16xi32>
        %broadcast_in_dim3A_426 = vector.shape_cast %max3A_425 : vector<16xi32> to vector<16x1xi32>
        %gather3A_427 = vector.shape_cast %broadcast_in_dim3A_426 : vector<16x1xi32> to vector<16xi32>
        %gather3A_428 = tpu.dynamic_gather %while3A_403[%gather3A_427] in [0] : vector<16xi32>, vector<16xi32> -> vector<16xi32>
        %lt3A_429 = arith.cmpi slt, %iota3A, %all_reduce_population_count3A : vector<16xi32>
        %eq3A = arith.cmpi eq, %iota3A, %all_reduce_population_count3A : vector<16xi32>
        %select_n3A_430 = arith.select %eq3A, %gather3A_406, %gather3A_419 : vector<16xi1>, vector<16xf32>
        %select_n3A_431 = arith.select %lt3A_429, %while3A_402, %select_n3A_430 : vector<16xi1>, vector<16xf32>
        %lt3A_432 = arith.cmpi slt, %iota3A, %all_reduce_population_count3A : vector<16xi32>
        %eq3A_433 = arith.cmpi eq, %iota3A, %all_reduce_population_count3A : vector<16xi32>
        %select_n3A_434 = arith.select %eq3A_433, %gather3A_409, %gather3A_428 : vector<16xi1>, vector<16xi32>
        %select_n3A_435 = arith.select %lt3A_432, %while3A_403, %select_n3A_434 : vector<16xi1>, vector<16xi32>
        %eq3A_436 = arith.cmpi eq, %iota3A, %all_reduce_ffs3A : vector<16xi32>
        %broadcast_in_dim3A_437 = arith.constant 0xFF800000 : f32
        %broadcast_in_dim3A_438 = vector.broadcast %broadcast_in_dim3A_437 : f32 to vector<16xf32>
        %select_n3A_439 = arith.select %eq3A_436, %broadcast_in_dim3A_438, %while3A_401 : vector<16xi1>, vector<16xf32>
        scf.yield %select_n3A_439, %select_n3A_431, %select_n3A_435 : vector<16xf32>, vector<16xf32>, vector<16xi32>
      }
      scf.yield %while3A_399#1, %while3A_399#2 : vector<16xf32>, vector<16xi32>
    }
    %swap3A = arith.constant 0 : index
    %swap3A_181 = tpu.vector_load %arg8[%swap3A] {strides = array<i32>} : memref<16xf32, #tpu.memory_space<vmem>>, vector<16xf32>,
    tpu.vector_store %arg8[%swap3A], %while3A_180#0 {strides = array<i32>} : memref<16xf32, #tpu.memory_space<vmem>>, vector<16xf32>,
    %swap3A_182 = arith.constant 0 : index
    %swap3A_183 = tpu.vector_load %arg9[%swap3A_182] {strides = array<i32>} : memref<16xi32, #tpu.memory_space<vmem>>, vector<16xi32>,
    tpu.vector_store %arg9[%swap3A_182], %while3A_180#1 {strides = array<i32>} : memref<16xi32, #tpu.memory_space<vmem>>, vector<16xi32>,
    "tpu.region"() ({
      %run_scoped3A = tpu.sem_alloc : memref<!tpu.dma_semaphore, #tpu.memory_space<semaphore_mem>>
      %dma_start3A_360 = arith.constant 0 : i32
      %dma_start3A_361 = tpu.memref_slice %arg3[%mul3A_2, %dma_start3A_360] : memref<64x16xf32, #tpu.memory_space<hbm>> -> memref<1x16xf32, #tpu.memory_space<hbm>>
      %dma_start3A_362 = tpu.memref_squeeze %dma_start3A_361 : memref<1x16xf32, #tpu.memory_space<hbm>> -> memref<16xf32, #tpu.memory_space<hbm>>
      %dma_start3A_363 = arith.constant 0 : i32
      %dma_start3A_364 = tpu.memref_slice %arg3[%mul3A_2, %dma_start3A_363] : memref<64x16xf32, #tpu.memory_space<hbm>> -> memref<1x16xf32, #tpu.memory_space<hbm>>
      %dma_start3A_365 = tpu.memref_squeeze %dma_start3A_364 : memref<1x16xf32, #tpu.memory_space<hbm>> -> memref<16xf32, #tpu.memory_space<hbm>>
      tpu.enqueue_dma source(%arg8 : memref<16xf32, #tpu.memory_space<vmem>>) target(%dma_start3A_365 : memref<16xf32, #tpu.memory_space<hbm>>) target_semaphore(%run_scoped3A : memref<!tpu.dma_semaphore, #tpu.memory_space<semaphore_mem>>)
      %dma_wait3A_366 = arith.constant 0 : i32
      %dma_wait3A_367 = tpu.memref_slice %arg3[%mul3A_2, %dma_wait3A_366] : memref<64x16xf32, #tpu.memory_space<hbm>> -> memref<1x16xf32, #tpu.memory_space<hbm>>
      %dma_wait3A_368 = tpu.memref_squeeze %dma_wait3A_367 : memref<1x16xf32, #tpu.memory_space<hbm>> -> memref<16xf32, #tpu.memory_space<hbm>>
      %dma_wait3A_369 = arith.constant 0 : i32
      %dma_wait3A_370 = tpu.memref_slice %arg3[%mul3A_2, %dma_wait3A_369] : memref<64x16xf32, #tpu.memory_space<hbm>> -> memref<1x16xf32, #tpu.memory_space<hbm>>
      %dma_wait3A_371 = tpu.memref_squeeze %dma_wait3A_370 : memref<1x16xf32, #tpu.memory_space<hbm>> -> memref<16xf32, #tpu.memory_space<hbm>>
      tpu.wait_dma2 semaphore(%run_scoped3A : memref<!tpu.dma_semaphore, #tpu.memory_space<semaphore_mem>>) src(%arg8 : memref<16xf32, #tpu.memory_space<vmem>>) dst(%dma_wait3A_371 : memref<16xf32, #tpu.memory_space<hbm>>)
      tpu.yield
    }) : () -> ()
    "tpu.region"() ({
      %run_scoped3A = tpu.sem_alloc : memref<!tpu.dma_semaphore, #tpu.memory_space<semaphore_mem>>
      %dma_start3A_360 = arith.constant 0 : i32
      %dma_start3A_361 = tpu.memref_slice %arg4[%mul3A_2, %dma_start3A_360] : memref<64x16xi32, #tpu.memory_space<hbm>> -> memref<1x16xi32, #tpu.memory_space<hbm>>
      %dma_start3A_362 = tpu.memref_squeeze %dma_start3A_361 : memref<1x16xi32, #tpu.memory_space<hbm>> -> memref<16xi32, #tpu.memory_space<hbm>>
      %dma_start3A_363 = arith.constant 0 : i32
      %dma_start3A_364 = tpu.memref_slice %arg4[%mul3A_2, %dma_start3A_363] : memref<64x16xi32, #tpu.memory_space<hbm>> -> memref<1x16xi32, #tpu.memory_space<hbm>>
      %dma_start3A_365 = tpu.memref_squeeze %dma_start3A_364 : memref<1x16xi32, #tpu.memory_space<hbm>> -> memref<16xi32, #tpu.memory_space<hbm>>
      tpu.enqueue_dma source(%arg9 : memref<16xi32, #tpu.memory_space<vmem>>) target(%dma_start3A_365 : memref<16xi32, #tpu.memory_space<hbm>>) target_semaphore(%run_scoped3A : memref<!tpu.dma_semaphore, #tpu.memory_space<semaphore_mem>>)
      %dma_wait3A_366 = arith.constant 0 : i32
      %dma_wait3A_367 = tpu.memref_slice %arg4[%mul3A_2, %dma_wait3A_366] : memref<64x16xi32, #tpu.memory_space<hbm>> -> memref<1x16xi32, #tpu.memory_space<hbm>>
      %dma_wait3A_368 = tpu.memref_squeeze %dma_wait3A_367 : memref<1x16xi32, #tpu.memory_space<hbm>> -> memref<16xi32, #tpu.memory_space<hbm>>
      %dma_wait3A_369 = arith.constant 0 : i32
      %dma_wait3A_370 = tpu.memref_slice %arg4[%mul3A_2, %dma_wait3A_369] : memref<64x16xi32, #tpu.memory_space<hbm>> -> memref<1x16xi32, #tpu.memory_space<hbm>>
      %dma_wait3A_371 = tpu.memref_squeeze %dma_wait3A_370 : memref<1x16xi32, #tpu.memory_space<hbm>> -> memref<16xi32, #tpu.memory_space<hbm>>
      tpu.wait_dma2 semaphore(%run_scoped3A : memref<!tpu.dma_semaphore, #tpu.memory_space<semaphore_mem>>) src(%arg9 : memref<16xi32, #tpu.memory_space<vmem>>) dst(%dma_wait3A_371 : memref<16xi32, #tpu.memory_space<hbm>>)
      tpu.yield
    }) : () -> ()
    %dma_wait3A_184 = arith.constant 1 : i32
    %dma_wait3A_185 = arith.constant 0 : i32
    %dma_wait3A_186 = tpu.memref_slice %arg5[%dma_wait3A_184, %dma_wait3A_185] : memref<2x32768xf32, #tpu.memory_space<vmem>> -> memref<1x32768xf32, #tpu.memory_space<vmem>>
    %dma_wait3A_187 = tpu.memref_squeeze %dma_wait3A_186 : memref<1x32768xf32, #tpu.memory_space<vmem>> -> memref<32768xf32, #tpu.memory_space<vmem>>
    %dma_wait3A_188 = arith.constant 0 : i32
    %dma_wait3A_189 = tpu.memref_slice %arg2[%add3A_16, %dma_wait3A_188] : memref<64x32768xf32, #tpu.memory_space<hbm>> -> memref<1x32768xf32, #tpu.memory_space<hbm>>
    %dma_wait3A_190 = tpu.memref_squeeze %dma_wait3A_189 : memref<1x32768xf32, #tpu.memory_space<hbm>> -> memref<32768xf32, #tpu.memory_space<hbm>>
    %dma_wait3A_191 = arith.constant 0 : i32
    %dma_wait3A_192 = tpu.memref_slice %arg5[%dma_wait3A_184, %dma_wait3A_191] : memref<2x32768xf32, #tpu.memory_space<vmem>> -> memref<1x32768xf32, #tpu.memory_space<vmem>>
    %dma_wait3A_193 = tpu.memref_squeeze %dma_wait3A_192 : memref<1x32768xf32, #tpu.memory_space<vmem>> -> memref<32768xf32, #tpu.memory_space<vmem>>
    %dma_wait3A_194 = arith.constant 0 : i32
    %dma_wait3A_195 = tpu.memref_slice %arg2[%add3A_16, %dma_wait3A_194] : memref<64x32768xf32, #tpu.memory_space<hbm>> -> memref<1x32768xf32, #tpu.memory_space<hbm>>
    %dma_wait3A_196 = tpu.memref_squeeze %dma_wait3A_195 : memref<1x32768xf32, #tpu.memory_space<hbm>> -> memref<32768xf32, #tpu.memory_space<hbm>>
    tpu.wait_dma2 semaphore(%arg11 : memref<!tpu.dma_semaphore, #tpu.memory_space<semaphore_mem>>) src(%dma_wait3A_196 : memref<32768xf32, #tpu.memory_space<hbm>>) dst(%dma_wait3A_193 : memref<32768xf32, #tpu.memory_space<vmem>>)
    %broadcast_in_dim3A_197 = arith.constant 1 : i32
    %broadcast_in_dim3A_198 = vector.broadcast %broadcast_in_dim3A_197 : i32 to vector<16xi32>
    %scan3A_199 = arith.constant 0 : i32
    %scan3A_200 = arith.constant 0 : i32
    %scan3A_201 = arith.constant 16 : i32
    %scan3A_202 = arith.addi %scan3A_200, %scan3A_201 : i32
    %scan3A_203 = arith.constant 1 : i32
    %scan3A_204 = scf.for %scan3A_360 = %scan3A_200 to %scan3A_202 step %scan3A_203 iter_args(%scan3A_361 = %scan3A_199) -> (i32)  : i32 {
      %broadcast_in_dim3A_362 = arith.constant 0xFF800000 : f32
      %broadcast_in_dim3A_363 = vector.broadcast %broadcast_in_dim3A_362 : f32 to vector<16xf32>
      %mul3A_364 = arith.constant 2048 : i32
      %mul3A_365 = arith.muli %scan3A_360, %mul3A_364 : i32
      %add3A_366 = arith.constant 0 : i32
      %add3A_367 = arith.addi %mul3A_365, %add3A_366 : i32
      %get3A_368 = arith.constant 1 : i32
      %get3A_369 = arith.index_cast %get3A_368 : i32 to index
      %get3A_370 = arith.index_cast %add3A_367 : i32 to index
      %get3A_371 = tpu.vector_load %arg5[%get3A_369, %get3A_370] {strides = array<i32>} : memref<2x32768xf32, #tpu.memory_space<vmem>>, vector<16xf32>,
      %add3A_372 = arith.constant 16 : i32
      %add3A_373 = arith.addi %add3A_367, %add3A_372 : i32
      %get3A_374 = arith.constant 1 : i32
      %get3A_375 = arith.index_cast %get3A_374 : i32 to index
      %get3A_376 = arith.index_cast %add3A_373 : i32 to index
      %get3A_377 = tpu.vector_load %arg5[%get3A_375, %get3A_376] {strides = array<i32>} : memref<2x32768xf32, #tpu.memory_space<vmem>>, vector<16xf32>,
      %max3A_378 = arith.maximumf %get3A_371, %get3A_377 : vector<16xf32>
      %add3A_379 = arith.constant 32 : i32
      %add3A_380 = arith.addi %add3A_367, %add3A_379 : i32
      %get3A_381 = arith.constant 1 : i32
      %get3A_382 = arith.index_cast %get3A_381 : i32 to index
      %get3A_383 = arith.index_cast %add3A_380 : i32 to index
      %get3A_384 = tpu.vector_load %arg5[%get3A_382, %get3A_383] {strides = array<i32>} : memref<2x32768xf32, #tpu.memory_space<vmem>>, vector<16xf32>,
      %max3A_385 = arith.maximumf %max3A_378, %get3A_384 : vector<16xf32>
      %add3A_386 = arith.constant 48 : i32
      %add3A_387 = arith.addi %add3A_367, %add3A_386 : i32
      %get3A_388 = arith.constant 1 : i32
      %get3A_389 = arith.index_cast %get3A_388 : i32 to index
      %get3A_390 = arith.index_cast %add3A_387 : i32 to index
      %get3A_391 = tpu.vector_load %arg5[%get3A_389, %get3A_390] {strides = array<i32>} : memref<2x32768xf32, #tpu.memory_space<vmem>>, vector<16xf32>,
      %max3A_392 = arith.maximumf %max3A_385, %get3A_391 : vector<16xf32>
      %add3A_393 = arith.constant 64 : i32
      %add3A_394 = arith.addi %add3A_367, %add3A_393 : i32
      %get3A_395 = arith.constant 1 : i32
      %get3A_396 = arith.index_cast %get3A_395 : i32 to index
      %get3A_397 = arith.index_cast %add3A_394 : i32 to index
      %get3A_398 = tpu.vector_load %arg5[%get3A_396, %get3A_397] {strides = array<i32>} : memref<2x32768xf32, #tpu.memory_space<vmem>>, vector<16xf32>,
      %max3A_399 = arith.maximumf %max3A_392, %get3A_398 : vector<16xf32>
      %add3A_400 = arith.constant 80 : i32
      %add3A_401 = arith.addi %add3A_367, %add3A_400 : i32
      %get3A_402 = arith.constant 1 : i32
      %get3A_403 = arith.index_cast %get3A_402 : i32 to index
      %get3A_404 = arith.index_cast %add3A_401 : i32 to index
      %get3A_405 = tpu.vector_load %arg5[%get3A_403, %get3A_404] {strides = array<i32>} : memref<2x32768xf32, #tpu.memory_space<vmem>>, vector<16xf32>,
      %max3A_406 = arith.maximumf %max3A_399, %get3A_405 : vector<16xf32>
      %add3A_407 = arith.constant 96 : i32
      %add3A_408 = arith.addi %add3A_367, %add3A_407 : i32
      %get3A_409 = arith.constant 1 : i32
      %get3A_410 = arith.index_cast %get3A_409 : i32 to index
      %get3A_411 = arith.index_cast %add3A_408 : i32 to index
      %get3A_412 = tpu.vector_load %arg5[%get3A_410, %get3A_411] {strides = array<i32>} : memref<2x32768xf32, #tpu.memory_space<vmem>>, vector<16xf32>,
      %max3A_413 = arith.maximumf %max3A_406, %get3A_412 : vector<16xf32>
      %add3A_414 = arith.constant 112 : i32
      %add3A_415 = arith.addi %add3A_367, %add3A_414 : i32
      %get3A_416 = arith.constant 1 : i32
      %get3A_417 = arith.index_cast %get3A_416 : i32 to index
      %get3A_418 = arith.index_cast %add3A_415 : i32 to index
      %get3A_419 = tpu.vector_load %arg5[%get3A_417, %get3A_418] {strides = array<i32>} : memref<2x32768xf32, #tpu.memory_space<vmem>>, vector<16xf32>,
      %max3A_420 = arith.maximumf %max3A_413, %get3A_419 : vector<16xf32>
      %broadcast_in_dim3A_421 = arith.constant true
      %broadcast_in_dim3A_422 = vector.broadcast %broadcast_in_dim3A_421 : i1 to vector<16xi1>
      %masked_cummax3A = tpu.scan <max>, %max3A_420 masked %broadcast_in_dim3A_422 : vector<16xf32>, vector<16xi1> -> vector<16xf32>
      %broadcast_in_dim3A_423 = arith.constant 15 : i32
      %broadcast_in_dim3A_424 = vector.broadcast %broadcast_in_dim3A_423 : i32 to vector<16xi32>
      %broadcast_in_dim3A_425 = vector.shape_cast %broadcast_in_dim3A_424 : vector<16xi32> to vector<16x1xi32>
      %gather3A_426 = vector.shape_cast %broadcast_in_dim3A_425 : vector<16x1xi32> to vector<16xi32>
      %gather3A_427 = tpu.dynamic_gather %masked_cummax3A[%gather3A_426] in [0] : vector<16xf32>, vector<16xi32> -> vector<16xf32>
      %eq3A = arith.constant 0 : i32
      %eq3A_428 = vector.broadcast %eq3A : i32 to vector<16xi32>
      %eq3A_429 = arith.cmpi eq, %iota3A, %eq3A_428 : vector<16xi32>
      %select_n3A_430 = arith.select %eq3A_429, %gather3A_427, %broadcast_in_dim3A_363 : vector<16xi1>, vector<16xf32>
      %mul3A_431 = arith.constant 2048 : i32
      %mul3A_432 = arith.muli %scan3A_360, %mul3A_431 : i32
      %add3A_433 = arith.constant 128 : i32
      %add3A_434 = arith.addi %mul3A_432, %add3A_433 : i32
      %get3A_435 = arith.constant 1 : i32
      %get3A_436 = arith.index_cast %get3A_435 : i32 to index
      %get3A_437 = arith.index_cast %add3A_434 : i32 to index
      %get3A_438 = tpu.vector_load %arg5[%get3A_436, %get3A_437] {strides = array<i32>} : memref<2x32768xf32, #tpu.memory_space<vmem>>, vector<16xf32>,
      %add3A_439 = arith.constant 16 : i32
      %add3A_440 = arith.addi %add3A_434, %add3A_439 : i32
      %get3A_441 = arith.constant 1 : i32
      %get3A_442 = arith.index_cast %get3A_441 : i32 to index
      %get3A_443 = arith.index_cast %add3A_440 : i32 to index
      %get3A_444 = tpu.vector_load %arg5[%get3A_442, %get3A_443] {strides = array<i32>} : memref<2x32768xf32, #tpu.memory_space<vmem>>, vector<16xf32>,
      %max3A_445 = arith.maximumf %get3A_438, %get3A_444 : vector<16xf32>
      %add3A_446 = arith.constant 32 : i32
      %add3A_447 = arith.addi %add3A_434, %add3A_446 : i32
      %get3A_448 = arith.constant 1 : i32
      %get3A_449 = arith.index_cast %get3A_448 : i32 to index
      %get3A_450 = arith.index_cast %add3A_447 : i32 to index
      %get3A_451 = tpu.vector_load %arg5[%get3A_449, %get3A_450] {strides = array<i32>} : memref<2x32768xf32, #tpu.memory_space<vmem>>, vector<16xf32>,
      %max3A_452 = arith.maximumf %max3A_445, %get3A_451 : vector<16xf32>
      %add3A_453 = arith.constant 48 : i32
      %add3A_454 = arith.addi %add3A_434, %add3A_453 : i32
      %get3A_455 = arith.constant 1 : i32
      %get3A_456 = arith.index_cast %get3A_455 : i32 to index
      %get3A_457 = arith.index_cast %add3A_454 : i32 to index
      %get3A_458 = tpu.vector_load %arg5[%get3A_456, %get3A_457] {strides = array<i32>} : memref<2x32768xf32, #tpu.memory_space<vmem>>, vector<16xf32>,
      %max3A_459 = arith.maximumf %max3A_452, %get3A_458 : vector<16xf32>
      %add3A_460 = arith.constant 64 : i32
      %add3A_461 = arith.addi %add3A_434, %add3A_460 : i32
      %get3A_462 = arith.constant 1 : i32
      %get3A_463 = arith.index_cast %get3A_462 : i32 to index
      %get3A_464 = arith.index_cast %add3A_461 : i32 to index
      %get3A_465 = tpu.vector_load %arg5[%get3A_463, %get3A_464] {strides = array<i32>} : memref<2x32768xf32, #tpu.memory_space<vmem>>, vector<16xf32>,
      %max3A_466 = arith.maximumf %max3A_459, %get3A_465 : vector<16xf32>
      %add3A_467 = arith.constant 80 : i32
      %add3A_468 = arith.addi %add3A_434, %add3A_467 : i32
      %get3A_469 = arith.constant 1 : i32
      %get3A_470 = arith.index_cast %get3A_469 : i32 to index
      %get3A_471 = arith.index_cast %add3A_468 : i32 to index
      %get3A_472 = tpu.vector_load %arg5[%get3A_470, %get3A_471] {strides = array<i32>} : memref<2x32768xf32, #tpu.memory_space<vmem>>, vector<16xf32>,
      %max3A_473 = arith.maximumf %max3A_466, %get3A_472 : vector<16xf32>
      %add3A_474 = arith.constant 96 : i32
      %add3A_475 = arith.addi %add3A_434, %add3A_474 : i32
      %get3A_476 = arith.constant 1 : i32
      %get3A_477 = arith.index_cast %get3A_476 : i32 to index
      %get3A_478 = arith.index_cast %add3A_475 : i32 to index
      %get3A_479 = tpu.vector_load %arg5[%get3A_477, %get3A_478] {strides = array<i32>} : memref<2x32768xf32, #tpu.memory_space<vmem>>, vector<16xf32>,
      %max3A_480 = arith.maximumf %max3A_473, %get3A_479 : vector<16xf32>
      %add3A_481 = arith.constant 112 : i32
      %add3A_482 = arith.addi %add3A_434, %add3A_481 : i32
      %get3A_483 = arith.constant 1 : i32
      %get3A_484 = arith.index_cast %get3A_483 : i32 to index
      %get3A_485 = arith.index_cast %add3A_482 : i32 to index
      %get3A_486 = tpu.vector_load %arg5[%get3A_484, %get3A_485] {strides = array<i32>} : memref<2x32768xf32, #tpu.memory_space<vmem>>, vector<16xf32>,
      %max3A_487 = arith.maximumf %max3A_480, %get3A_486 : vector<16xf32>
      %broadcast_in_dim3A_488 = arith.constant true
      %broadcast_in_dim3A_489 = vector.broadcast %broadcast_in_dim3A_488 : i1 to vector<16xi1>
      %masked_cummax3A_490 = tpu.scan <max>, %max3A_487 masked %broadcast_in_dim3A_489 : vector<16xf32>, vector<16xi1> -> vector<16xf32>
      %broadcast_in_dim3A_491 = arith.constant 15 : i32
      %broadcast_in_dim3A_492 = vector.broadcast %broadcast_in_dim3A_491 : i32 to vector<16xi32>
      %broadcast_in_dim3A_493 = vector.shape_cast %broadcast_in_dim3A_492 : vector<16xi32> to vector<16x1xi32>
      %gather3A_494 = vector.shape_cast %broadcast_in_dim3A_493 : vector<16x1xi32> to vector<16xi32>
      %gather3A_495 = tpu.dynamic_gather %masked_cummax3A_490[%gather3A_494] in [0] : vector<16xf32>, vector<16xi32> -> vector<16xf32>
      %eq3A_496 = arith.constant 1 : i32
      %eq3A_497 = vector.broadcast %eq3A_496 : i32 to vector<16xi32>
      %eq3A_498 = arith.cmpi eq, %iota3A, %eq3A_497 : vector<16xi32>
      %select_n3A_499 = arith.select %eq3A_498, %gather3A_495, %select_n3A_430 : vector<16xi1>, vector<16xf32>
      %mul3A_500 = arith.constant 2048 : i32
      %mul3A_501 = arith.muli %scan3A_360, %mul3A_500 : i32
      %add3A_502 = arith.constant 256 : i32
      %add3A_503 = arith.addi %mul3A_501, %add3A_502 : i32
      %get3A_504 = arith.constant 1 : i32
      %get3A_505 = arith.index_cast %get3A_504 : i32 to index
      %get3A_506 = arith.index_cast %add3A_503 : i32 to index
      %get3A_507 = tpu.vector_load %arg5[%get3A_505, %get3A_506] {strides = array<i32>} : memref<2x32768xf32, #tpu.memory_space<vmem>>, vector<16xf32>,
      %add3A_508 = arith.constant 16 : i32
      %add3A_509 = arith.addi %add3A_503, %add3A_508 : i32
      %get3A_510 = arith.constant 1 : i32
      %get3A_511 = arith.index_cast %get3A_510 : i32 to index
      %get3A_512 = arith.index_cast %add3A_509 : i32 to index
      %get3A_513 = tpu.vector_load %arg5[%get3A_511, %get3A_512] {strides = array<i32>} : memref<2x32768xf32, #tpu.memory_space<vmem>>, vector<16xf32>,
      %max3A_514 = arith.maximumf %get3A_507, %get3A_513 : vector<16xf32>
      %add3A_515 = arith.constant 32 : i32
      %add3A_516 = arith.addi %add3A_503, %add3A_515 : i32
      %get3A_517 = arith.constant 1 : i32
      %get3A_518 = arith.index_cast %get3A_517 : i32 to index
      %get3A_519 = arith.index_cast %add3A_516 : i32 to index
      %get3A_520 = tpu.vector_load %arg5[%get3A_518, %get3A_519] {strides = array<i32>} : memref<2x32768xf32, #tpu.memory_space<vmem>>, vector<16xf32>,
      %max3A_521 = arith.maximumf %max3A_514, %get3A_520 : vector<16xf32>
      %add3A_522 = arith.constant 48 : i32
      %add3A_523 = arith.addi %add3A_503, %add3A_522 : i32
      %get3A_524 = arith.constant 1 : i32
      %get3A_525 = arith.index_cast %get3A_524 : i32 to index
      %get3A_526 = arith.index_cast %add3A_523 : i32 to index
      %get3A_527 = tpu.vector_load %arg5[%get3A_525, %get3A_526] {strides = array<i32>} : memref<2x32768xf32, #tpu.memory_space<vmem>>, vector<16xf32>,
      %max3A_528 = arith.maximumf %max3A_521, %get3A_527 : vector<16xf32>
      %add3A_529 = arith.constant 64 : i32
      %add3A_530 = arith.addi %add3A_503, %add3A_529 : i32
      %get3A_531 = arith.constant 1 : i32
      %get3A_532 = arith.index_cast %get3A_531 : i32 to index
      %get3A_533 = arith.index_cast %add3A_530 : i32 to index
      %get3A_534 = tpu.vector_load %arg5[%get3A_532, %get3A_533] {strides = array<i32>} : memref<2x32768xf32, #tpu.memory_space<vmem>>, vector<16xf32>,
      %max3A_535 = arith.maximumf %max3A_528, %get3A_534 : vector<16xf32>
      %add3A_536 = arith.constant 80 : i32
      %add3A_537 = arith.addi %add3A_503, %add3A_536 : i32
      %get3A_538 = arith.constant 1 : i32
      %get3A_539 = arith.index_cast %get3A_538 : i32 to index
      %get3A_540 = arith.index_cast %add3A_537 : i32 to index
      %get3A_541 = tpu.vector_load %arg5[%get3A_539, %get3A_540] {strides = array<i32>} : memref<2x32768xf32, #tpu.memory_space<vmem>>, vector<16xf32>,
      %max3A_542 = arith.maximumf %max3A_535, %get3A_541 : vector<16xf32>
      %add3A_543 = arith.constant 96 : i32
      %add3A_544 = arith.addi %add3A_503, %add3A_543 : i32
      %get3A_545 = arith.constant 1 : i32
      %get3A_546 = arith.index_cast %get3A_545 : i32 to index
      %get3A_547 = arith.index_cast %add3A_544 : i32 to index
      %get3A_548 = tpu.vector_load %arg5[%get3A_546, %get3A_547] {strides = array<i32>} : memref<2x32768xf32, #tpu.memory_space<vmem>>, vector<16xf32>,
      %max3A_549 = arith.maximumf %max3A_542, %get3A_548 : vector<16xf32>
      %add3A_550 = arith.constant 112 : i32
      %add3A_551 = arith.addi %add3A_503, %add3A_550 : i32
      %get3A_552 = arith.constant 1 : i32
      %get3A_553 = arith.index_cast %get3A_552 : i32 to index
      %get3A_554 = arith.index_cast %add3A_551 : i32 to index
      %get3A_555 = tpu.vector_load %arg5[%get3A_553, %get3A_554] {strides = array<i32>} : memref<2x32768xf32, #tpu.memory_space<vmem>>, vector<16xf32>,
      %max3A_556 = arith.maximumf %max3A_549, %get3A_555 : vector<16xf32>
      %broadcast_in_dim3A_557 = arith.constant true
      %broadcast_in_dim3A_558 = vector.broadcast %broadcast_in_dim3A_557 : i1 to vector<16xi1>
      %masked_cummax3A_559 = tpu.scan <max>, %max3A_556 masked %broadcast_in_dim3A_558 : vector<16xf32>, vector<16xi1> -> vector<16xf32>
      %broadcast_in_dim3A_560 = arith.constant 15 : i32
      %broadcast_in_dim3A_561 = vector.broadcast %broadcast_in_dim3A_560 : i32 to vector<16xi32>
      %broadcast_in_dim3A_562 = vector.shape_cast %broadcast_in_dim3A_561 : vector<16xi32> to vector<16x1xi32>
      %gather3A_563 = vector.shape_cast %broadcast_in_dim3A_562 : vector<16x1xi32> to vector<16xi32>
      %gather3A_564 = tpu.dynamic_gather %masked_cummax3A_559[%gather3A_563] in [0] : vector<16xf32>, vector<16xi32> -> vector<16xf32>
      %eq3A_565 = arith.constant 2 : i32
      %eq3A_566 = vector.broadcast %eq3A_565 : i32 to vector<16xi32>
      %eq3A_567 = arith.cmpi eq, %iota3A, %eq3A_566 : vector<16xi32>
      %select_n3A_568 = arith.select %eq3A_567, %gather3A_564, %select_n3A_499 : vector<16xi1>, vector<16xf32>
      %mul3A_569 = arith.constant 2048 : i32
      %mul3A_570 = arith.muli %scan3A_360, %mul3A_569 : i32
      %add3A_571 = arith.constant 384 : i32
      %add3A_572 = arith.addi %mul3A_570, %add3A_571 : i32
      %get3A_573 = arith.constant 1 : i32
      %get3A_574 = arith.index_cast %get3A_573 : i32 to index
      %get3A_575 = arith.index_cast %add3A_572 : i32 to index
      %get3A_576 = tpu.vector_load %arg5[%get3A_574, %get3A_575] {strides = array<i32>} : memref<2x32768xf32, #tpu.memory_space<vmem>>, vector<16xf32>,
      %add3A_577 = arith.constant 16 : i32
      %add3A_578 = arith.addi %add3A_572, %add3A_577 : i32
      %get3A_579 = arith.constant 1 : i32
      %get3A_580 = arith.index_cast %get3A_579 : i32 to index
      %get3A_581 = arith.index_cast %add3A_578 : i32 to index
      %get3A_582 = tpu.vector_load %arg5[%get3A_580, %get3A_581] {strides = array<i32>} : memref<2x32768xf32, #tpu.memory_space<vmem>>, vector<16xf32>,
      %max3A_583 = arith.maximumf %get3A_576, %get3A_582 : vector<16xf32>
      %add3A_584 = arith.constant 32 : i32
      %add3A_585 = arith.addi %add3A_572, %add3A_584 : i32
      %get3A_586 = arith.constant 1 : i32
      %get3A_587 = arith.index_cast %get3A_586 : i32 to index
      %get3A_588 = arith.index_cast %add3A_585 : i32 to index
      %get3A_589 = tpu.vector_load %arg5[%get3A_587, %get3A_588] {strides = array<i32>} : memref<2x32768xf32, #tpu.memory_space<vmem>>, vector<16xf32>,
      %max3A_590 = arith.maximumf %max3A_583, %get3A_589 : vector<16xf32>
      %add3A_591 = arith.constant 48 : i32
      %add3A_592 = arith.addi %add3A_572, %add3A_591 : i32
      %get3A_593 = arith.constant 1 : i32
      %get3A_594 = arith.index_cast %get3A_593 : i32 to index
      %get3A_595 = arith.index_cast %add3A_592 : i32 to index
      %get3A_596 = tpu.vector_load %arg5[%get3A_594, %get3A_595] {strides = array<i32>} : memref<2x32768xf32, #tpu.memory_space<vmem>>, vector<16xf32>,
      %max3A_597 = arith.maximumf %max3A_590, %get3A_596 : vector<16xf32>
      %add3A_598 = arith.constant 64 : i32
      %add3A_599 = arith.addi %add3A_572, %add3A_598 : i32
      %get3A_600 = arith.constant 1 : i32
      %get3A_601 = arith.index_cast %get3A_600 : i32 to index
      %get3A_602 = arith.index_cast %add3A_599 : i32 to index
      %get3A_603 = tpu.vector_load %arg5[%get3A_601, %get3A_602] {strides = array<i32>} : memref<2x32768xf32, #tpu.memory_space<vmem>>, vector<16xf32>,
      %max3A_604 = arith.maximumf %max3A_597, %get3A_603 : vector<16xf32>
      %add3A_605 = arith.constant 80 : i32
      %add3A_606 = arith.addi %add3A_572, %add3A_605 : i32
      %get3A_607 = arith.constant 1 : i32
      %get3A_608 = arith.index_cast %get3A_607 : i32 to index
      %get3A_609 = arith.index_cast %add3A_606 : i32 to index
      %get3A_610 = tpu.vector_load %arg5[%get3A_608, %get3A_609] {strides = array<i32>} : memref<2x32768xf32, #tpu.memory_space<vmem>>, vector<16xf32>,
      %max3A_611 = arith.maximumf %max3A_604, %get3A_610 : vector<16xf32>
      %add3A_612 = arith.constant 96 : i32
      %add3A_613 = arith.addi %add3A_572, %add3A_612 : i32
      %get3A_614 = arith.constant 1 : i32
      %get3A_615 = arith.index_cast %get3A_614 : i32 to index
      %get3A_616 = arith.index_cast %add3A_613 : i32 to index
      %get3A_617 = tpu.vector_load %arg5[%get3A_615, %get3A_616] {strides = array<i32>} : memref<2x32768xf32, #tpu.memory_space<vmem>>, vector<16xf32>,
      %max3A_618 = arith.maximumf %max3A_611, %get3A_617 : vector<16xf32>
      %add3A_619 = arith.constant 112 : i32
      %add3A_620 = arith.addi %add3A_572, %add3A_619 : i32
      %get3A_621 = arith.constant 1 : i32
      %get3A_622 = arith.index_cast %get3A_621 : i32 to index
      %get3A_623 = arith.index_cast %add3A_620 : i32 to index
      %get3A_624 = tpu.vector_load %arg5[%get3A_622, %get3A_623] {strides = array<i32>} : memref<2x32768xf32, #tpu.memory_space<vmem>>, vector<16xf32>,
      %max3A_625 = arith.maximumf %max3A_618, %get3A_624 : vector<16xf32>
      %broadcast_in_dim3A_626 = arith.constant true
      %broadcast_in_dim3A_627 = vector.broadcast %broadcast_in_dim3A_626 : i1 to vector<16xi1>
      %masked_cummax3A_628 = tpu.scan <max>, %max3A_625 masked %broadcast_in_dim3A_627 : vector<16xf32>, vector<16xi1> -> vector<16xf32>
      %broadcast_in_dim3A_629 = arith.constant 15 : i32
      %broadcast_in_dim3A_630 = vector.broadcast %broadcast_in_dim3A_629 : i32 to vector<16xi32>
      %broadcast_in_dim3A_631 = vector.shape_cast %broadcast_in_dim3A_630 : vector<16xi32> to vector<16x1xi32>
      %gather3A_632 = vector.shape_cast %broadcast_in_dim3A_631 : vector<16x1xi32> to vector<16xi32>
      %gather3A_633 = tpu.dynamic_gather %masked_cummax3A_628[%gather3A_632] in [0] : vector<16xf32>, vector<16xi32> -> vector<16xf32>
      %eq3A_634 = arith.constant 3 : i32
      %eq3A_635 = vector.broadcast %eq3A_634 : i32 to vector<16xi32>
      %eq3A_636 = arith.cmpi eq, %iota3A, %eq3A_635 : vector<16xi32>
      %select_n3A_637 = arith.select %eq3A_636, %gather3A_633, %select_n3A_568 : vector<16xi1>, vector<16xf32>
      %mul3A_638 = arith.constant 2048 : i32
      %mul3A_639 = arith.muli %scan3A_360, %mul3A_638 : i32
      %add3A_640 = arith.constant 512 : i32
      %add3A_641 = arith.addi %mul3A_639, %add3A_640 : i32
      %get3A_642 = arith.constant 1 : i32
      %get3A_643 = arith.index_cast %get3A_642 : i32 to index
      %get3A_644 = arith.index_cast %add3A_641 : i32 to index
      %get3A_645 = tpu.vector_load %arg5[%get3A_643, %get3A_644] {strides = array<i32>} : memref<2x32768xf32, #tpu.memory_space<vmem>>, vector<16xf32>,
      %add3A_646 = arith.constant 16 : i32
      %add3A_647 = arith.addi %add3A_641, %add3A_646 : i32
      %get3A_648 = arith.constant 1 : i32
      %get3A_649 = arith.index_cast %get3A_648 : i32 to index
      %get3A_650 = arith.index_cast %add3A_647 : i32 to index
      %get3A_651 = tpu.vector_load %arg5[%get3A_649, %get3A_650] {strides = array<i32>} : memref<2x32768xf32, #tpu.memory_space<vmem>>, vector<16xf32>,
      %max3A_652 = arith.maximumf %get3A_645, %get3A_651 : vector<16xf32>
      %add3A_653 = arith.constant 32 : i32
      %add3A_654 = arith.addi %add3A_641, %add3A_653 : i32
      %get3A_655 = arith.constant 1 : i32
      %get3A_656 = arith.index_cast %get3A_655 : i32 to index
      %get3A_657 = arith.index_cast %add3A_654 : i32 to index
      %get3A_658 = tpu.vector_load %arg5[%get3A_656, %get3A_657] {strides = array<i32>} : memref<2x32768xf32, #tpu.memory_space<vmem>>, vector<16xf32>,
      %max3A_659 = arith.maximumf %max3A_652, %get3A_658 : vector<16xf32>
      %add3A_660 = arith.constant 48 : i32
      %add3A_661 = arith.addi %add3A_641, %add3A_660 : i32
      %get3A_662 = arith.constant 1 : i32
      %get3A_663 = arith.index_cast %get3A_662 : i32 to index
      %get3A_664 = arith.index_cast %add3A_661 : i32 to index
      %get3A_665 = tpu.vector_load %arg5[%get3A_663, %get3A_664] {strides = array<i32>} : memref<2x32768xf32, #tpu.memory_space<vmem>>, vector<16xf32>,
      %max3A_666 = arith.maximumf %max3A_659, %get3A_665 : vector<16xf32>
      %add3A_667 = arith.constant 64 : i32
      %add3A_668 = arith.addi %add3A_641, %add3A_667 : i32
      %get3A_669 = arith.constant 1 : i32
      %get3A_670 = arith.index_cast %get3A_669 : i32 to index
      %get3A_671 = arith.index_cast %add3A_668 : i32 to index
      %get3A_672 = tpu.vector_load %arg5[%get3A_670, %get3A_671] {strides = array<i32>} : memref<2x32768xf32, #tpu.memory_space<vmem>>, vector<16xf32>,
      %max3A_673 = arith.maximumf %max3A_666, %get3A_672 : vector<16xf32>
      %add3A_674 = arith.constant 80 : i32
      %add3A_675 = arith.addi %add3A_641, %add3A_674 : i32
      %get3A_676 = arith.constant 1 : i32
      %get3A_677 = arith.index_cast %get3A_676 : i32 to index
      %get3A_678 = arith.index_cast %add3A_675 : i32 to index
      %get3A_679 = tpu.vector_load %arg5[%get3A_677, %get3A_678] {strides = array<i32>} : memref<2x32768xf32, #tpu.memory_space<vmem>>, vector<16xf32>,
      %max3A_680 = arith.maximumf %max3A_673, %get3A_679 : vector<16xf32>
      %add3A_681 = arith.constant 96 : i32
      %add3A_682 = arith.addi %add3A_641, %add3A_681 : i32
      %get3A_683 = arith.constant 1 : i32
      %get3A_684 = arith.index_cast %get3A_683 : i32 to index
      %get3A_685 = arith.index_cast %add3A_682 : i32 to index
      %get3A_686 = tpu.vector_load %arg5[%get3A_684, %get3A_685] {strides = array<i32>} : memref<2x32768xf32, #tpu.memory_space<vmem>>, vector<16xf32>,
      %max3A_687 = arith.maximumf %max3A_680, %get3A_686 : vector<16xf32>
      %add3A_688 = arith.constant 112 : i32
      %add3A_689 = arith.addi %add3A_641, %add3A_688 : i32
      %get3A_690 = arith.constant 1 : i32
      %get3A_691 = arith.index_cast %get3A_690 : i32 to index
      %get3A_692 = arith.index_cast %add3A_689 : i32 to index
      %get3A_693 = tpu.vector_load %arg5[%get3A_691, %get3A_692] {strides = array<i32>} : memref<2x32768xf32, #tpu.memory_space<vmem>>, vector<16xf32>,
      %max3A_694 = arith.maximumf %max3A_687, %get3A_693 : vector<16xf32>
      %broadcast_in_dim3A_695 = arith.constant true
      %broadcast_in_dim3A_696 = vector.broadcast %broadcast_in_dim3A_695 : i1 to vector<16xi1>
      %masked_cummax3A_697 = tpu.scan <max>, %max3A_694 masked %broadcast_in_dim3A_696 : vector<16xf32>, vector<16xi1> -> vector<16xf32>
      %broadcast_in_dim3A_698 = arith.constant 15 : i32
      %broadcast_in_dim3A_699 = vector.broadcast %broadcast_in_dim3A_698 : i32 to vector<16xi32>
      %broadcast_in_dim3A_700 = vector.shape_cast %broadcast_in_dim3A_699 : vector<16xi32> to vector<16x1xi32>
      %gather3A_701 = vector.shape_cast %broadcast_in_dim3A_700 : vector<16x1xi32> to vector<16xi32>
      %gather3A_702 = tpu.dynamic_gather %masked_cummax3A_697[%gather3A_701] in [0] : vector<16xf32>, vector<16xi32> -> vector<16xf32>
      %eq3A_703 = arith.constant 4 : i32
      %eq3A_704 = vector.broadcast %eq3A_703 : i32 to vector<16xi32>
      %eq3A_705 = arith.cmpi eq, %iota3A, %eq3A_704 : vector<16xi32>
      %select_n3A_706 = arith.select %eq3A_705, %gather3A_702, %select_n3A_637 : vector<16xi1>, vector<16xf32>
      %mul3A_707 = arith.constant 2048 : i32
      %mul3A_708 = arith.muli %scan3A_360, %mul3A_707 : i32
      %add3A_709 = arith.constant 640 : i32
      %add3A_710 = arith.addi %mul3A_708, %add3A_709 : i32
      %get3A_711 = arith.constant 1 : i32
      %get3A_712 = arith.index_cast %get3A_711 : i32 to index
      %get3A_713 = arith.index_cast %add3A_710 : i32 to index
      %get3A_714 = tpu.vector_load %arg5[%get3A_712, %get3A_713] {strides = array<i32>} : memref<2x32768xf32, #tpu.memory_space<vmem>>, vector<16xf32>,
      %add3A_715 = arith.constant 16 : i32
      %add3A_716 = arith.addi %add3A_710, %add3A_715 : i32
      %get3A_717 = arith.constant 1 : i32
      %get3A_718 = arith.index_cast %get3A_717 : i32 to index
      %get3A_719 = arith.index_cast %add3A_716 : i32 to index
      %get3A_720 = tpu.vector_load %arg5[%get3A_718, %get3A_719] {strides = array<i32>} : memref<2x32768xf32, #tpu.memory_space<vmem>>, vector<16xf32>,
      %max3A_721 = arith.maximumf %get3A_714, %get3A_720 : vector<16xf32>
      %add3A_722 = arith.constant 32 : i32
      %add3A_723 = arith.addi %add3A_710, %add3A_722 : i32
      %get3A_724 = arith.constant 1 : i32
      %get3A_725 = arith.index_cast %get3A_724 : i32 to index
      %get3A_726 = arith.index_cast %add3A_723 : i32 to index
      %get3A_727 = tpu.vector_load %arg5[%get3A_725, %get3A_726] {strides = array<i32>} : memref<2x32768xf32, #tpu.memory_space<vmem>>, vector<16xf32>,
      %max3A_728 = arith.maximumf %max3A_721, %get3A_727 : vector<16xf32>
      %add3A_729 = arith.constant 48 : i32
      %add3A_730 = arith.addi %add3A_710, %add3A_729 : i32
      %get3A_731 = arith.constant 1 : i32
      %get3A_732 = arith.index_cast %get3A_731 : i32 to index
      %get3A_733 = arith.index_cast %add3A_730 : i32 to index
      %get3A_734 = tpu.vector_load %arg5[%get3A_732, %get3A_733] {strides = array<i32>} : memref<2x32768xf32, #tpu.memory_space<vmem>>, vector<16xf32>,
      %max3A_735 = arith.maximumf %max3A_728, %get3A_734 : vector<16xf32>
      %add3A_736 = arith.constant 64 : i32
      %add3A_737 = arith.addi %add3A_710, %add3A_736 : i32
      %get3A_738 = arith.constant 1 : i32
      %get3A_739 = arith.index_cast %get3A_738 : i32 to index
      %get3A_740 = arith.index_cast %add3A_737 : i32 to index
      %get3A_741 = tpu.vector_load %arg5[%get3A_739, %get3A_740] {strides = array<i32>} : memref<2x32768xf32, #tpu.memory_space<vmem>>, vector<16xf32>,
      %max3A_742 = arith.maximumf %max3A_735, %get3A_741 : vector<16xf32>
      %add3A_743 = arith.constant 80 : i32
      %add3A_744 = arith.addi %add3A_710, %add3A_743 : i32
      %get3A_745 = arith.constant 1 : i32
      %get3A_746 = arith.index_cast %get3A_745 : i32 to index
      %get3A_747 = arith.index_cast %add3A_744 : i32 to index
      %get3A_748 = tpu.vector_load %arg5[%get3A_746, %get3A_747] {strides = array<i32>} : memref<2x32768xf32, #tpu.memory_space<vmem>>, vector<16xf32>,
      %max3A_749 = arith.maximumf %max3A_742, %get3A_748 : vector<16xf32>
      %add3A_750 = arith.constant 96 : i32
      %add3A_751 = arith.addi %add3A_710, %add3A_750 : i32
      %get3A_752 = arith.constant 1 : i32
      %get3A_753 = arith.index_cast %get3A_752 : i32 to index
      %get3A_754 = arith.index_cast %add3A_751 : i32 to index
      %get3A_755 = tpu.vector_load %arg5[%get3A_753, %get3A_754] {strides = array<i32>} : memref<2x32768xf32, #tpu.memory_space<vmem>>, vector<16xf32>,
      %max3A_756 = arith.maximumf %max3A_749, %get3A_755 : vector<16xf32>
      %add3A_757 = arith.constant 112 : i32
      %add3A_758 = arith.addi %add3A_710, %add3A_757 : i32
      %get3A_759 = arith.constant 1 : i32
      %get3A_760 = arith.index_cast %get3A_759 : i32 to index
      %get3A_761 = arith.index_cast %add3A_758 : i32 to index
      %get3A_762 = tpu.vector_load %arg5[%get3A_760, %get3A_761] {strides = array<i32>} : memref<2x32768xf32, #tpu.memory_space<vmem>>, vector<16xf32>,
      %max3A_763 = arith.maximumf %max3A_756, %get3A_762 : vector<16xf32>
      %broadcast_in_dim3A_764 = arith.constant true
      %broadcast_in_dim3A_765 = vector.broadcast %broadcast_in_dim3A_764 : i1 to vector<16xi1>
      %masked_cummax3A_766 = tpu.scan <max>, %max3A_763 masked %broadcast_in_dim3A_765 : vector<16xf32>, vector<16xi1> -> vector<16xf32>
      %broadcast_in_dim3A_767 = arith.constant 15 : i32
      %broadcast_in_dim3A_768 = vector.broadcast %broadcast_in_dim3A_767 : i32 to vector<16xi32>
      %broadcast_in_dim3A_769 = vector.shape_cast %broadcast_in_dim3A_768 : vector<16xi32> to vector<16x1xi32>
      %gather3A_770 = vector.shape_cast %broadcast_in_dim3A_769 : vector<16x1xi32> to vector<16xi32>
      %gather3A_771 = tpu.dynamic_gather %masked_cummax3A_766[%gather3A_770] in [0] : vector<16xf32>, vector<16xi32> -> vector<16xf32>
      %eq3A_772 = arith.constant 5 : i32
      %eq3A_773 = vector.broadcast %eq3A_772 : i32 to vector<16xi32>
      %eq3A_774 = arith.cmpi eq, %iota3A, %eq3A_773 : vector<16xi32>
      %select_n3A_775 = arith.select %eq3A_774, %gather3A_771, %select_n3A_706 : vector<16xi1>, vector<16xf32>
      %mul3A_776 = arith.constant 2048 : i32
      %mul3A_777 = arith.muli %scan3A_360, %mul3A_776 : i32
      %add3A_778 = arith.constant 768 : i32
      %add3A_779 = arith.addi %mul3A_777, %add3A_778 : i32
      %get3A_780 = arith.constant 1 : i32
      %get3A_781 = arith.index_cast %get3A_780 : i32 to index
      %get3A_782 = arith.index_cast %add3A_779 : i32 to index
      %get3A_783 = tpu.vector_load %arg5[%get3A_781, %get3A_782] {strides = array<i32>} : memref<2x32768xf32, #tpu.memory_space<vmem>>, vector<16xf32>,
      %add3A_784 = arith.constant 16 : i32
      %add3A_785 = arith.addi %add3A_779, %add3A_784 : i32
      %get3A_786 = arith.constant 1 : i32
      %get3A_787 = arith.index_cast %get3A_786 : i32 to index
      %get3A_788 = arith.index_cast %add3A_785 : i32 to index
      %get3A_789 = tpu.vector_load %arg5[%get3A_787, %get3A_788] {strides = array<i32>} : memref<2x32768xf32, #tpu.memory_space<vmem>>, vector<16xf32>,
      %max3A_790 = arith.maximumf %get3A_783, %get3A_789 : vector<16xf32>
      %add3A_791 = arith.constant 32 : i32
      %add3A_792 = arith.addi %add3A_779, %add3A_791 : i32
      %get3A_793 = arith.constant 1 : i32
      %get3A_794 = arith.index_cast %get3A_793 : i32 to index
      %get3A_795 = arith.index_cast %add3A_792 : i32 to index
      %get3A_796 = tpu.vector_load %arg5[%get3A_794, %get3A_795] {strides = array<i32>} : memref<2x32768xf32, #tpu.memory_space<vmem>>, vector<16xf32>,
      %max3A_797 = arith.maximumf %max3A_790, %get3A_796 : vector<16xf32>
      %add3A_798 = arith.constant 48 : i32
      %add3A_799 = arith.addi %add3A_779, %add3A_798 : i32
      %get3A_800 = arith.constant 1 : i32
      %get3A_801 = arith.index_cast %get3A_800 : i32 to index
      %get3A_802 = arith.index_cast %add3A_799 : i32 to index
      %get3A_803 = tpu.vector_load %arg5[%get3A_801, %get3A_802] {strides = array<i32>} : memref<2x32768xf32, #tpu.memory_space<vmem>>, vector<16xf32>,
      %max3A_804 = arith.maximumf %max3A_797, %get3A_803 : vector<16xf32>
      %add3A_805 = arith.constant 64 : i32
      %add3A_806 = arith.addi %add3A_779, %add3A_805 : i32
      %get3A_807 = arith.constant 1 : i32
      %get3A_808 = arith.index_cast %get3A_807 : i32 to index
      %get3A_809 = arith.index_cast %add3A_806 : i32 to index
      %get3A_810 = tpu.vector_load %arg5[%get3A_808, %get3A_809] {strides = array<i32>} : memref<2x32768xf32, #tpu.memory_space<vmem>>, vector<16xf32>,
      %max3A_811 = arith.maximumf %max3A_804, %get3A_810 : vector<16xf32>
      %add3A_812 = arith.constant 80 : i32
      %add3A_813 = arith.addi %add3A_779, %add3A_812 : i32
      %get3A_814 = arith.constant 1 : i32
      %get3A_815 = arith.index_cast %get3A_814 : i32 to index
      %get3A_816 = arith.index_cast %add3A_813 : i32 to index
      %get3A_817 = tpu.vector_load %arg5[%get3A_815, %get3A_816] {strides = array<i32>} : memref<2x32768xf32, #tpu.memory_space<vmem>>, vector<16xf32>,
      %max3A_818 = arith.maximumf %max3A_811, %get3A_817 : vector<16xf32>
      %add3A_819 = arith.constant 96 : i32
      %add3A_820 = arith.addi %add3A_779, %add3A_819 : i32
      %get3A_821 = arith.constant 1 : i32
      %get3A_822 = arith.index_cast %get3A_821 : i32 to index
      %get3A_823 = arith.index_cast %add3A_820 : i32 to index
      %get3A_824 = tpu.vector_load %arg5[%get3A_822, %get3A_823] {strides = array<i32>} : memref<2x32768xf32, #tpu.memory_space<vmem>>, vector<16xf32>,
      %max3A_825 = arith.maximumf %max3A_818, %get3A_824 : vector<16xf32>
      %add3A_826 = arith.constant 112 : i32
      %add3A_827 = arith.addi %add3A_779, %add3A_826 : i32
      %get3A_828 = arith.constant 1 : i32
      %get3A_829 = arith.index_cast %get3A_828 : i32 to index
      %get3A_830 = arith.index_cast %add3A_827 : i32 to index
      %get3A_831 = tpu.vector_load %arg5[%get3A_829, %get3A_830] {strides = array<i32>} : memref<2x32768xf32, #tpu.memory_space<vmem>>, vector<16xf32>,
      %max3A_832 = arith.maximumf %max3A_825, %get3A_831 : vector<16xf32>
      %broadcast_in_dim3A_833 = arith.constant true
      %broadcast_in_dim3A_834 = vector.broadcast %broadcast_in_dim3A_833 : i1 to vector<16xi1>
      %masked_cummax3A_835 = tpu.scan <max>, %max3A_832 masked %broadcast_in_dim3A_834 : vector<16xf32>, vector<16xi1> -> vector<16xf32>
      %broadcast_in_dim3A_836 = arith.constant 15 : i32
      %broadcast_in_dim3A_837 = vector.broadcast %broadcast_in_dim3A_836 : i32 to vector<16xi32>
      %broadcast_in_dim3A_838 = vector.shape_cast %broadcast_in_dim3A_837 : vector<16xi32> to vector<16x1xi32>
      %gather3A_839 = vector.shape_cast %broadcast_in_dim3A_838 : vector<16x1xi32> to vector<16xi32>
      %gather3A_840 = tpu.dynamic_gather %masked_cummax3A_835[%gather3A_839] in [0] : vector<16xf32>, vector<16xi32> -> vector<16xf32>
      %eq3A_841 = arith.constant 6 : i32
      %eq3A_842 = vector.broadcast %eq3A_841 : i32 to vector<16xi32>
      %eq3A_843 = arith.cmpi eq, %iota3A, %eq3A_842 : vector<16xi32>
      %select_n3A_844 = arith.select %eq3A_843, %gather3A_840, %select_n3A_775 : vector<16xi1>, vector<16xf32>
      %mul3A_845 = arith.constant 2048 : i32
      %mul3A_846 = arith.muli %scan3A_360, %mul3A_845 : i32
      %add3A_847 = arith.constant 896 : i32
      %add3A_848 = arith.addi %mul3A_846, %add3A_847 : i32
      %get3A_849 = arith.constant 1 : i32
      %get3A_850 = arith.index_cast %get3A_849 : i32 to index
      %get3A_851 = arith.index_cast %add3A_848 : i32 to index
      %get3A_852 = tpu.vector_load %arg5[%get3A_850, %get3A_851] {strides = array<i32>} : memref<2x32768xf32, #tpu.memory_space<vmem>>, vector<16xf32>,
      %add3A_853 = arith.constant 16 : i32
      %add3A_854 = arith.addi %add3A_848, %add3A_853 : i32
      %get3A_855 = arith.constant 1 : i32
      %get3A_856 = arith.index_cast %get3A_855 : i32 to index
      %get3A_857 = arith.index_cast %add3A_854 : i32 to index
      %get3A_858 = tpu.vector_load %arg5[%get3A_856, %get3A_857] {strides = array<i32>} : memref<2x32768xf32, #tpu.memory_space<vmem>>, vector<16xf32>,
      %max3A_859 = arith.maximumf %get3A_852, %get3A_858 : vector<16xf32>
      %add3A_860 = arith.constant 32 : i32
      %add3A_861 = arith.addi %add3A_848, %add3A_860 : i32
      %get3A_862 = arith.constant 1 : i32
      %get3A_863 = arith.index_cast %get3A_862 : i32 to index
      %get3A_864 = arith.index_cast %add3A_861 : i32 to index
      %get3A_865 = tpu.vector_load %arg5[%get3A_863, %get3A_864] {strides = array<i32>} : memref<2x32768xf32, #tpu.memory_space<vmem>>, vector<16xf32>,
      %max3A_866 = arith.maximumf %max3A_859, %get3A_865 : vector<16xf32>
      %add3A_867 = arith.constant 48 : i32
      %add3A_868 = arith.addi %add3A_848, %add3A_867 : i32
      %get3A_869 = arith.constant 1 : i32
      %get3A_870 = arith.index_cast %get3A_869 : i32 to index
      %get3A_871 = arith.index_cast %add3A_868 : i32 to index
      %get3A_872 = tpu.vector_load %arg5[%get3A_870, %get3A_871] {strides = array<i32>} : memref<2x32768xf32, #tpu.memory_space<vmem>>, vector<16xf32>,
      %max3A_873 = arith.maximumf %max3A_866, %get3A_872 : vector<16xf32>
      %add3A_874 = arith.constant 64 : i32
      %add3A_875 = arith.addi %add3A_848, %add3A_874 : i32
      %get3A_876 = arith.constant 1 : i32
      %get3A_877 = arith.index_cast %get3A_876 : i32 to index
      %get3A_878 = arith.index_cast %add3A_875 : i32 to index
      %get3A_879 = tpu.vector_load %arg5[%get3A_877, %get3A_878] {strides = array<i32>} : memref<2x32768xf32, #tpu.memory_space<vmem>>, vector<16xf32>,
      %max3A_880 = arith.maximumf %max3A_873, %get3A_879 : vector<16xf32>
      %add3A_881 = arith.constant 80 : i32
      %add3A_882 = arith.addi %add3A_848, %add3A_881 : i32
      %get3A_883 = arith.constant 1 : i32
      %get3A_884 = arith.index_cast %get3A_883 : i32 to index
      %get3A_885 = arith.index_cast %add3A_882 : i32 to index
      %get3A_886 = tpu.vector_load %arg5[%get3A_884, %get3A_885] {strides = array<i32>} : memref<2x32768xf32, #tpu.memory_space<vmem>>, vector<16xf32>,
      %max3A_887 = arith.maximumf %max3A_880, %get3A_886 : vector<16xf32>
      %add3A_888 = arith.constant 96 : i32
      %add3A_889 = arith.addi %add3A_848, %add3A_888 : i32
      %get3A_890 = arith.constant 1 : i32
      %get3A_891 = arith.index_cast %get3A_890 : i32 to index
      %get3A_892 = arith.index_cast %add3A_889 : i32 to index
      %get3A_893 = tpu.vector_load %arg5[%get3A_891, %get3A_892] {strides = array<i32>} : memref<2x32768xf32, #tpu.memory_space<vmem>>, vector<16xf32>,
      %max3A_894 = arith.maximumf %max3A_887, %get3A_893 : vector<16xf32>
      %add3A_895 = arith.constant 112 : i32
      %add3A_896 = arith.addi %add3A_848, %add3A_895 : i32
      %get3A_897 = arith.constant 1 : i32
      %get3A_898 = arith.index_cast %get3A_897 : i32 to index
      %get3A_899 = arith.index_cast %add3A_896 : i32 to index
      %get3A_900 = tpu.vector_load %arg5[%get3A_898, %get3A_899] {strides = array<i32>} : memref<2x32768xf32, #tpu.memory_space<vmem>>, vector<16xf32>,
      %max3A_901 = arith.maximumf %max3A_894, %get3A_900 : vector<16xf32>
      %broadcast_in_dim3A_902 = arith.constant true
      %broadcast_in_dim3A_903 = vector.broadcast %broadcast_in_dim3A_902 : i1 to vector<16xi1>
      %masked_cummax3A_904 = tpu.scan <max>, %max3A_901 masked %broadcast_in_dim3A_903 : vector<16xf32>, vector<16xi1> -> vector<16xf32>
      %broadcast_in_dim3A_905 = arith.constant 15 : i32
      %broadcast_in_dim3A_906 = vector.broadcast %broadcast_in_dim3A_905 : i32 to vector<16xi32>
      %broadcast_in_dim3A_907 = vector.shape_cast %broadcast_in_dim3A_906 : vector<16xi32> to vector<16x1xi32>
      %gather3A_908 = vector.shape_cast %broadcast_in_dim3A_907 : vector<16x1xi32> to vector<16xi32>
      %gather3A_909 = tpu.dynamic_gather %masked_cummax3A_904[%gather3A_908] in [0] : vector<16xf32>, vector<16xi32> -> vector<16xf32>
      %eq3A_910 = arith.constant 7 : i32
      %eq3A_911 = vector.broadcast %eq3A_910 : i32 to vector<16xi32>
      %eq3A_912 = arith.cmpi eq, %iota3A, %eq3A_911 : vector<16xi32>
      %select_n3A_913 = arith.select %eq3A_912, %gather3A_909, %select_n3A_844 : vector<16xi1>, vector<16xf32>
      %mul3A_914 = arith.constant 2048 : i32
      %mul3A_915 = arith.muli %scan3A_360, %mul3A_914 : i32
      %add3A_916 = arith.constant 1024 : i32
      %add3A_917 = arith.addi %mul3A_915, %add3A_916 : i32
      %get3A_918 = arith.constant 1 : i32
      %get3A_919 = arith.index_cast %get3A_918 : i32 to index
      %get3A_920 = arith.index_cast %add3A_917 : i32 to index
      %get3A_921 = tpu.vector_load %arg5[%get3A_919, %get3A_920] {strides = array<i32>} : memref<2x32768xf32, #tpu.memory_space<vmem>>, vector<16xf32>,
      %add3A_922 = arith.constant 16 : i32
      %add3A_923 = arith.addi %add3A_917, %add3A_922 : i32
      %get3A_924 = arith.constant 1 : i32
      %get3A_925 = arith.index_cast %get3A_924 : i32 to index
      %get3A_926 = arith.index_cast %add3A_923 : i32 to index
      %get3A_927 = tpu.vector_load %arg5[%get3A_925, %get3A_926] {strides = array<i32>} : memref<2x32768xf32, #tpu.memory_space<vmem>>, vector<16xf32>,
      %max3A_928 = arith.maximumf %get3A_921, %get3A_927 : vector<16xf32>
      %add3A_929 = arith.constant 32 : i32
      %add3A_930 = arith.addi %add3A_917, %add3A_929 : i32
      %get3A_931 = arith.constant 1 : i32
      %get3A_932 = arith.index_cast %get3A_931 : i32 to index
      %get3A_933 = arith.index_cast %add3A_930 : i32 to index
      %get3A_934 = tpu.vector_load %arg5[%get3A_932, %get3A_933] {strides = array<i32>} : memref<2x32768xf32, #tpu.memory_space<vmem>>, vector<16xf32>,
      %max3A_935 = arith.maximumf %max3A_928, %get3A_934 : vector<16xf32>
      %add3A_936 = arith.constant 48 : i32
      %add3A_937 = arith.addi %add3A_917, %add3A_936 : i32
      %get3A_938 = arith.constant 1 : i32
      %get3A_939 = arith.index_cast %get3A_938 : i32 to index
      %get3A_940 = arith.index_cast %add3A_937 : i32 to index
      %get3A_941 = tpu.vector_load %arg5[%get3A_939, %get3A_940] {strides = array<i32>} : memref<2x32768xf32, #tpu.memory_space<vmem>>, vector<16xf32>,
      %max3A_942 = arith.maximumf %max3A_935, %get3A_941 : vector<16xf32>
      %add3A_943 = arith.constant 64 : i32
      %add3A_944 = arith.addi %add3A_917, %add3A_943 : i32
      %get3A_945 = arith.constant 1 : i32
      %get3A_946 = arith.index_cast %get3A_945 : i32 to index
      %get3A_947 = arith.index_cast %add3A_944 : i32 to index
      %get3A_948 = tpu.vector_load %arg5[%get3A_946, %get3A_947] {strides = array<i32>} : memref<2x32768xf32, #tpu.memory_space<vmem>>, vector<16xf32>,
      %max3A_949 = arith.maximumf %max3A_942, %get3A_948 : vector<16xf32>
      %add3A_950 = arith.constant 80 : i32
      %add3A_951 = arith.addi %add3A_917, %add3A_950 : i32
      %get3A_952 = arith.constant 1 : i32
      %get3A_953 = arith.index_cast %get3A_952 : i32 to index
      %get3A_954 = arith.index_cast %add3A_951 : i32 to index
      %get3A_955 = tpu.vector_load %arg5[%get3A_953, %get3A_954] {strides = array<i32>} : memref<2x32768xf32, #tpu.memory_space<vmem>>, vector<16xf32>,
      %max3A_956 = arith.maximumf %max3A_949, %get3A_955 : vector<16xf32>
      %add3A_957 = arith.constant 96 : i32
      %add3A_958 = arith.addi %add3A_917, %add3A_957 : i32
      %get3A_959 = arith.constant 1 : i32
      %get3A_960 = arith.index_cast %get3A_959 : i32 to index
      %get3A_961 = arith.index_cast %add3A_958 : i32 to index
      %get3A_962 = tpu.vector_load %arg5[%get3A_960, %get3A_961] {strides = array<i32>} : memref<2x32768xf32, #tpu.memory_space<vmem>>, vector<16xf32>,
      %max3A_963 = arith.maximumf %max3A_956, %get3A_962 : vector<16xf32>
      %add3A_964 = arith.constant 112 : i32
      %add3A_965 = arith.addi %add3A_917, %add3A_964 : i32
      %get3A_966 = arith.constant 1 : i32
      %get3A_967 = arith.index_cast %get3A_966 : i32 to index
      %get3A_968 = arith.index_cast %add3A_965 : i32 to index
      %get3A_969 = tpu.vector_load %arg5[%get3A_967, %get3A_968] {strides = array<i32>} : memref<2x32768xf32, #tpu.memory_space<vmem>>, vector<16xf32>,
      %max3A_970 = arith.maximumf %max3A_963, %get3A_969 : vector<16xf32>
      %broadcast_in_dim3A_971 = arith.constant true
      %broadcast_in_dim3A_972 = vector.broadcast %broadcast_in_dim3A_971 : i1 to vector<16xi1>
      %masked_cummax3A_973 = tpu.scan <max>, %max3A_970 masked %broadcast_in_dim3A_972 : vector<16xf32>, vector<16xi1> -> vector<16xf32>
      %broadcast_in_dim3A_974 = arith.constant 15 : i32
      %broadcast_in_dim3A_975 = vector.broadcast %broadcast_in_dim3A_974 : i32 to vector<16xi32>
      %broadcast_in_dim3A_976 = vector.shape_cast %broadcast_in_dim3A_975 : vector<16xi32> to vector<16x1xi32>
      %gather3A_977 = vector.shape_cast %broadcast_in_dim3A_976 : vector<16x1xi32> to vector<16xi32>
      %gather3A_978 = tpu.dynamic_gather %masked_cummax3A_973[%gather3A_977] in [0] : vector<16xf32>, vector<16xi32> -> vector<16xf32>
      %eq3A_979 = arith.constant 8 : i32
      %eq3A_980 = vector.broadcast %eq3A_979 : i32 to vector<16xi32>
      %eq3A_981 = arith.cmpi eq, %iota3A, %eq3A_980 : vector<16xi32>
      %select_n3A_982 = arith.select %eq3A_981, %gather3A_978, %select_n3A_913 : vector<16xi1>, vector<16xf32>
      %mul3A_983 = arith.constant 2048 : i32
      %mul3A_984 = arith.muli %scan3A_360, %mul3A_983 : i32
      %add3A_985 = arith.constant 1152 : i32
      %add3A_986 = arith.addi %mul3A_984, %add3A_985 : i32
      %get3A_987 = arith.constant 1 : i32
      %get3A_988 = arith.index_cast %get3A_987 : i32 to index
      %get3A_989 = arith.index_cast %add3A_986 : i32 to index
      %get3A_990 = tpu.vector_load %arg5[%get3A_988, %get3A_989] {strides = array<i32>} : memref<2x32768xf32, #tpu.memory_space<vmem>>, vector<16xf32>,
      %add3A_991 = arith.constant 16 : i32
      %add3A_992 = arith.addi %add3A_986, %add3A_991 : i32
      %get3A_993 = arith.constant 1 : i32
      %get3A_994 = arith.index_cast %get3A_993 : i32 to index
      %get3A_995 = arith.index_cast %add3A_992 : i32 to index
      %get3A_996 = tpu.vector_load %arg5[%get3A_994, %get3A_995] {strides = array<i32>} : memref<2x32768xf32, #tpu.memory_space<vmem>>, vector<16xf32>,
      %max3A_997 = arith.maximumf %get3A_990, %get3A_996 : vector<16xf32>
      %add3A_998 = arith.constant 32 : i32
      %add3A_999 = arith.addi %add3A_986, %add3A_998 : i32
      %get3A_1000 = arith.constant 1 : i32
      %get3A_1001 = arith.index_cast %get3A_1000 : i32 to index
      %get3A_1002 = arith.index_cast %add3A_999 : i32 to index
      %get3A_1003 = tpu.vector_load %arg5[%get3A_1001, %get3A_1002] {strides = array<i32>} : memref<2x32768xf32, #tpu.memory_space<vmem>>, vector<16xf32>,
      %max3A_1004 = arith.maximumf %max3A_997, %get3A_1003 : vector<16xf32>
      %add3A_1005 = arith.constant 48 : i32
      %add3A_1006 = arith.addi %add3A_986, %add3A_1005 : i32
      %get3A_1007 = arith.constant 1 : i32
      %get3A_1008 = arith.index_cast %get3A_1007 : i32 to index
      %get3A_1009 = arith.index_cast %add3A_1006 : i32 to index
      %get3A_1010 = tpu.vector_load %arg5[%get3A_1008, %get3A_1009] {strides = array<i32>} : memref<2x32768xf32, #tpu.memory_space<vmem>>, vector<16xf32>,
      %max3A_1011 = arith.maximumf %max3A_1004, %get3A_1010 : vector<16xf32>
      %add3A_1012 = arith.constant 64 : i32
      %add3A_1013 = arith.addi %add3A_986, %add3A_1012 : i32
      %get3A_1014 = arith.constant 1 : i32
      %get3A_1015 = arith.index_cast %get3A_1014 : i32 to index
      %get3A_1016 = arith.index_cast %add3A_1013 : i32 to index
      %get3A_1017 = tpu.vector_load %arg5[%get3A_1015, %get3A_1016] {strides = array<i32>} : memref<2x32768xf32, #tpu.memory_space<vmem>>, vector<16xf32>,
      %max3A_1018 = arith.maximumf %max3A_1011, %get3A_1017 : vector<16xf32>
      %add3A_1019 = arith.constant 80 : i32
      %add3A_1020 = arith.addi %add3A_986, %add3A_1019 : i32
      %get3A_1021 = arith.constant 1 : i32
      %get3A_1022 = arith.index_cast %get3A_1021 : i32 to index
      %get3A_1023 = arith.index_cast %add3A_1020 : i32 to index
      %get3A_1024 = tpu.vector_load %arg5[%get3A_1022, %get3A_1023] {strides = array<i32>} : memref<2x32768xf32, #tpu.memory_space<vmem>>, vector<16xf32>,
      %max3A_1025 = arith.maximumf %max3A_1018, %get3A_1024 : vector<16xf32>
      %add3A_1026 = arith.constant 96 : i32
      %add3A_1027 = arith.addi %add3A_986, %add3A_1026 : i32
      %get3A_1028 = arith.constant 1 : i32
      %get3A_1029 = arith.index_cast %get3A_1028 : i32 to index
      %get3A_1030 = arith.index_cast %add3A_1027 : i32 to index
      %get3A_1031 = tpu.vector_load %arg5[%get3A_1029, %get3A_1030] {strides = array<i32>} : memref<2x32768xf32, #tpu.memory_space<vmem>>, vector<16xf32>,
      %max3A_1032 = arith.maximumf %max3A_1025, %get3A_1031 : vector<16xf32>
      %add3A_1033 = arith.constant 112 : i32
      %add3A_1034 = arith.addi %add3A_986, %add3A_1033 : i32
      %get3A_1035 = arith.constant 1 : i32
      %get3A_1036 = arith.index_cast %get3A_1035 : i32 to index
      %get3A_1037 = arith.index_cast %add3A_1034 : i32 to index
      %get3A_1038 = tpu.vector_load %arg5[%get3A_1036, %get3A_1037] {strides = array<i32>} : memref<2x32768xf32, #tpu.memory_space<vmem>>, vector<16xf32>,
      %max3A_1039 = arith.maximumf %max3A_1032, %get3A_1038 : vector<16xf32>
      %broadcast_in_dim3A_1040 = arith.constant true
      %broadcast_in_dim3A_1041 = vector.broadcast %broadcast_in_dim3A_1040 : i1 to vector<16xi1>
      %masked_cummax3A_1042 = tpu.scan <max>, %max3A_1039 masked %broadcast_in_dim3A_1041 : vector<16xf32>, vector<16xi1> -> vector<16xf32>
      %broadcast_in_dim3A_1043 = arith.constant 15 : i32
      %broadcast_in_dim3A_1044 = vector.broadcast %broadcast_in_dim3A_1043 : i32 to vector<16xi32>
      %broadcast_in_dim3A_1045 = vector.shape_cast %broadcast_in_dim3A_1044 : vector<16xi32> to vector<16x1xi32>
      %gather3A_1046 = vector.shape_cast %broadcast_in_dim3A_1045 : vector<16x1xi32> to vector<16xi32>
      %gather3A_1047 = tpu.dynamic_gather %masked_cummax3A_1042[%gather3A_1046] in [0] : vector<16xf32>, vector<16xi32> -> vector<16xf32>
      %eq3A_1048 = arith.constant 9 : i32
      %eq3A_1049 = vector.broadcast %eq3A_1048 : i32 to vector<16xi32>
      %eq3A_1050 = arith.cmpi eq, %iota3A, %eq3A_1049 : vector<16xi32>
      %select_n3A_1051 = arith.select %eq3A_1050, %gather3A_1047, %select_n3A_982 : vector<16xi1>, vector<16xf32>
      %mul3A_1052 = arith.constant 2048 : i32
      %mul3A_1053 = arith.muli %scan3A_360, %mul3A_1052 : i32
      %add3A_1054 = arith.constant 1280 : i32
      %add3A_1055 = arith.addi %mul3A_1053, %add3A_1054 : i32
      %get3A_1056 = arith.constant 1 : i32
      %get3A_1057 = arith.index_cast %get3A_1056 : i32 to index
      %get3A_1058 = arith.index_cast %add3A_1055 : i32 to index
      %get3A_1059 = tpu.vector_load %arg5[%get3A_1057, %get3A_1058] {strides = array<i32>} : memref<2x32768xf32, #tpu.memory_space<vmem>>, vector<16xf32>,
      %add3A_1060 = arith.constant 16 : i32
      %add3A_1061 = arith.addi %add3A_1055, %add3A_1060 : i32
      %get3A_1062 = arith.constant 1 : i32
      %get3A_1063 = arith.index_cast %get3A_1062 : i32 to index
      %get3A_1064 = arith.index_cast %add3A_1061 : i32 to index
      %get3A_1065 = tpu.vector_load %arg5[%get3A_1063, %get3A_1064] {strides = array<i32>} : memref<2x32768xf32, #tpu.memory_space<vmem>>, vector<16xf32>,
      %max3A_1066 = arith.maximumf %get3A_1059, %get3A_1065 : vector<16xf32>
      %add3A_1067 = arith.constant 32 : i32
      %add3A_1068 = arith.addi %add3A_1055, %add3A_1067 : i32
      %get3A_1069 = arith.constant 1 : i32
      %get3A_1070 = arith.index_cast %get3A_1069 : i32 to index
      %get3A_1071 = arith.index_cast %add3A_1068 : i32 to index
      %get3A_1072 = tpu.vector_load %arg5[%get3A_1070, %get3A_1071] {strides = array<i32>} : memref<2x32768xf32, #tpu.memory_space<vmem>>, vector<16xf32>,
      %max3A_1073 = arith.maximumf %max3A_1066, %get3A_1072 : vector<16xf32>
      %add3A_1074 = arith.constant 48 : i32
      %add3A_1075 = arith.addi %add3A_1055, %add3A_1074 : i32
      %get3A_1076 = arith.constant 1 : i32
      %get3A_1077 = arith.index_cast %get3A_1076 : i32 to index
      %get3A_1078 = arith.index_cast %add3A_1075 : i32 to index
      %get3A_1079 = tpu.vector_load %arg5[%get3A_1077, %get3A_1078] {strides = array<i32>} : memref<2x32768xf32, #tpu.memory_space<vmem>>, vector<16xf32>,
      %max3A_1080 = arith.maximumf %max3A_1073, %get3A_1079 : vector<16xf32>
      %add3A_1081 = arith.constant 64 : i32
      %add3A_1082 = arith.addi %add3A_1055, %add3A_1081 : i32
      %get3A_1083 = arith.constant 1 : i32
      %get3A_1084 = arith.index_cast %get3A_1083 : i32 to index
      %get3A_1085 = arith.index_cast %add3A_1082 : i32 to index
      %get3A_1086 = tpu.vector_load %arg5[%get3A_1084, %get3A_1085] {strides = array<i32>} : memref<2x32768xf32, #tpu.memory_space<vmem>>, vector<16xf32>,
      %max3A_1087 = arith.maximumf %max3A_1080, %get3A_1086 : vector<16xf32>
      %add3A_1088 = arith.constant 80 : i32
      %add3A_1089 = arith.addi %add3A_1055, %add3A_1088 : i32
      %get3A_1090 = arith.constant 1 : i32
      %get3A_1091 = arith.index_cast %get3A_1090 : i32 to index
      %get3A_1092 = arith.index_cast %add3A_1089 : i32 to index
      %get3A_1093 = tpu.vector_load %arg5[%get3A_1091, %get3A_1092] {strides = array<i32>} : memref<2x32768xf32, #tpu.memory_space<vmem>>, vector<16xf32>,
      %max3A_1094 = arith.maximumf %max3A_1087, %get3A_1093 : vector<16xf32>
      %add3A_1095 = arith.constant 96 : i32
      %add3A_1096 = arith.addi %add3A_1055, %add3A_1095 : i32
      %get3A_1097 = arith.constant 1 : i32
      %get3A_1098 = arith.index_cast %get3A_1097 : i32 to index
      %get3A_1099 = arith.index_cast %add3A_1096 : i32 to index
      %get3A_1100 = tpu.vector_load %arg5[%get3A_1098, %get3A_1099] {strides = array<i32>} : memref<2x32768xf32, #tpu.memory_space<vmem>>, vector<16xf32>,
      %max3A_1101 = arith.maximumf %max3A_1094, %get3A_1100 : vector<16xf32>
      %add3A_1102 = arith.constant 112 : i32
      %add3A_1103 = arith.addi %add3A_1055, %add3A_1102 : i32
      %get3A_1104 = arith.constant 1 : i32
      %get3A_1105 = arith.index_cast %get3A_1104 : i32 to index
      %get3A_1106 = arith.index_cast %add3A_1103 : i32 to index
      %get3A_1107 = tpu.vector_load %arg5[%get3A_1105, %get3A_1106] {strides = array<i32>} : memref<2x32768xf32, #tpu.memory_space<vmem>>, vector<16xf32>,
      %max3A_1108 = arith.maximumf %max3A_1101, %get3A_1107 : vector<16xf32>
      %broadcast_in_dim3A_1109 = arith.constant true
      %broadcast_in_dim3A_1110 = vector.broadcast %broadcast_in_dim3A_1109 : i1 to vector<16xi1>
      %masked_cummax3A_1111 = tpu.scan <max>, %max3A_1108 masked %broadcast_in_dim3A_1110 : vector<16xf32>, vector<16xi1> -> vector<16xf32>
      %broadcast_in_dim3A_1112 = arith.constant 15 : i32
      %broadcast_in_dim3A_1113 = vector.broadcast %broadcast_in_dim3A_1112 : i32 to vector<16xi32>
      %broadcast_in_dim3A_1114 = vector.shape_cast %broadcast_in_dim3A_1113 : vector<16xi32> to vector<16x1xi32>
      %gather3A_1115 = vector.shape_cast %broadcast_in_dim3A_1114 : vector<16x1xi32> to vector<16xi32>
      %gather3A_1116 = tpu.dynamic_gather %masked_cummax3A_1111[%gather3A_1115] in [0] : vector<16xf32>, vector<16xi32> -> vector<16xf32>
      %eq3A_1117 = arith.constant 10 : i32
      %eq3A_1118 = vector.broadcast %eq3A_1117 : i32 to vector<16xi32>
      %eq3A_1119 = arith.cmpi eq, %iota3A, %eq3A_1118 : vector<16xi32>
      %select_n3A_1120 = arith.select %eq3A_1119, %gather3A_1116, %select_n3A_1051 : vector<16xi1>, vector<16xf32>
      %mul3A_1121 = arith.constant 2048 : i32
      %mul3A_1122 = arith.muli %scan3A_360, %mul3A_1121 : i32
      %add3A_1123 = arith.constant 1408 : i32
      %add3A_1124 = arith.addi %mul3A_1122, %add3A_1123 : i32
      %get3A_1125 = arith.constant 1 : i32
      %get3A_1126 = arith.index_cast %get3A_1125 : i32 to index
      %get3A_1127 = arith.index_cast %add3A_1124 : i32 to index
      %get3A_1128 = tpu.vector_load %arg5[%get3A_1126, %get3A_1127] {strides = array<i32>} : memref<2x32768xf32, #tpu.memory_space<vmem>>, vector<16xf32>,
      %add3A_1129 = arith.constant 16 : i32
      %add3A_1130 = arith.addi %add3A_1124, %add3A_1129 : i32
      %get3A_1131 = arith.constant 1 : i32
      %get3A_1132 = arith.index_cast %get3A_1131 : i32 to index
      %get3A_1133 = arith.index_cast %add3A_1130 : i32 to index
      %get3A_1134 = tpu.vector_load %arg5[%get3A_1132, %get3A_1133] {strides = array<i32>} : memref<2x32768xf32, #tpu.memory_space<vmem>>, vector<16xf32>,
      %max3A_1135 = arith.maximumf %get3A_1128, %get3A_1134 : vector<16xf32>
      %add3A_1136 = arith.constant 32 : i32
      %add3A_1137 = arith.addi %add3A_1124, %add3A_1136 : i32
      %get3A_1138 = arith.constant 1 : i32
      %get3A_1139 = arith.index_cast %get3A_1138 : i32 to index
      %get3A_1140 = arith.index_cast %add3A_1137 : i32 to index
      %get3A_1141 = tpu.vector_load %arg5[%get3A_1139, %get3A_1140] {strides = array<i32>} : memref<2x32768xf32, #tpu.memory_space<vmem>>, vector<16xf32>,
      %max3A_1142 = arith.maximumf %max3A_1135, %get3A_1141 : vector<16xf32>
      %add3A_1143 = arith.constant 48 : i32
      %add3A_1144 = arith.addi %add3A_1124, %add3A_1143 : i32
      %get3A_1145 = arith.constant 1 : i32
      %get3A_1146 = arith.index_cast %get3A_1145 : i32 to index
      %get3A_1147 = arith.index_cast %add3A_1144 : i32 to index
      %get3A_1148 = tpu.vector_load %arg5[%get3A_1146, %get3A_1147] {strides = array<i32>} : memref<2x32768xf32, #tpu.memory_space<vmem>>, vector<16xf32>,
      %max3A_1149 = arith.maximumf %max3A_1142, %get3A_1148 : vector<16xf32>
      %add3A_1150 = arith.constant 64 : i32
      %add3A_1151 = arith.addi %add3A_1124, %add3A_1150 : i32
      %get3A_1152 = arith.constant 1 : i32
      %get3A_1153 = arith.index_cast %get3A_1152 : i32 to index
      %get3A_1154 = arith.index_cast %add3A_1151 : i32 to index
      %get3A_1155 = tpu.vector_load %arg5[%get3A_1153, %get3A_1154] {strides = array<i32>} : memref<2x32768xf32, #tpu.memory_space<vmem>>, vector<16xf32>,
      %max3A_1156 = arith.maximumf %max3A_1149, %get3A_1155 : vector<16xf32>
      %add3A_1157 = arith.constant 80 : i32
      %add3A_1158 = arith.addi %add3A_1124, %add3A_1157 : i32
      %get3A_1159 = arith.constant 1 : i32
      %get3A_1160 = arith.index_cast %get3A_1159 : i32 to index
      %get3A_1161 = arith.index_cast %add3A_1158 : i32 to index
      %get3A_1162 = tpu.vector_load %arg5[%get3A_1160, %get3A_1161] {strides = array<i32>} : memref<2x32768xf32, #tpu.memory_space<vmem>>, vector<16xf32>,
      %max3A_1163 = arith.maximumf %max3A_1156, %get3A_1162 : vector<16xf32>
      %add3A_1164 = arith.constant 96 : i32
      %add3A_1165 = arith.addi %add3A_1124, %add3A_1164 : i32
      %get3A_1166 = arith.constant 1 : i32
      %get3A_1167 = arith.index_cast %get3A_1166 : i32 to index
      %get3A_1168 = arith.index_cast %add3A_1165 : i32 to index
      %get3A_1169 = tpu.vector_load %arg5[%get3A_1167, %get3A_1168] {strides = array<i32>} : memref<2x32768xf32, #tpu.memory_space<vmem>>, vector<16xf32>,
      %max3A_1170 = arith.maximumf %max3A_1163, %get3A_1169 : vector<16xf32>
      %add3A_1171 = arith.constant 112 : i32
      %add3A_1172 = arith.addi %add3A_1124, %add3A_1171 : i32
      %get3A_1173 = arith.constant 1 : i32
      %get3A_1174 = arith.index_cast %get3A_1173 : i32 to index
      %get3A_1175 = arith.index_cast %add3A_1172 : i32 to index
      %get3A_1176 = tpu.vector_load %arg5[%get3A_1174, %get3A_1175] {strides = array<i32>} : memref<2x32768xf32, #tpu.memory_space<vmem>>, vector<16xf32>,
      %max3A_1177 = arith.maximumf %max3A_1170, %get3A_1176 : vector<16xf32>
      %broadcast_in_dim3A_1178 = arith.constant true
      %broadcast_in_dim3A_1179 = vector.broadcast %broadcast_in_dim3A_1178 : i1 to vector<16xi1>
      %masked_cummax3A_1180 = tpu.scan <max>, %max3A_1177 masked %broadcast_in_dim3A_1179 : vector<16xf32>, vector<16xi1> -> vector<16xf32>
      %broadcast_in_dim3A_1181 = arith.constant 15 : i32
      %broadcast_in_dim3A_1182 = vector.broadcast %broadcast_in_dim3A_1181 : i32 to vector<16xi32>
      %broadcast_in_dim3A_1183 = vector.shape_cast %broadcast_in_dim3A_1182 : vector<16xi32> to vector<16x1xi32>
      %gather3A_1184 = vector.shape_cast %broadcast_in_dim3A_1183 : vector<16x1xi32> to vector<16xi32>
      %gather3A_1185 = tpu.dynamic_gather %masked_cummax3A_1180[%gather3A_1184] in [0] : vector<16xf32>, vector<16xi32> -> vector<16xf32>
      %eq3A_1186 = arith.constant 11 : i32
      %eq3A_1187 = vector.broadcast %eq3A_1186 : i32 to vector<16xi32>
      %eq3A_1188 = arith.cmpi eq, %iota3A, %eq3A_1187 : vector<16xi32>
      %select_n3A_1189 = arith.select %eq3A_1188, %gather3A_1185, %select_n3A_1120 : vector<16xi1>, vector<16xf32>
      %mul3A_1190 = arith.constant 2048 : i32
      %mul3A_1191 = arith.muli %scan3A_360, %mul3A_1190 : i32
      %add3A_1192 = arith.constant 1536 : i32
      %add3A_1193 = arith.addi %mul3A_1191, %add3A_1192 : i32
      %get3A_1194 = arith.constant 1 : i32
      %get3A_1195 = arith.index_cast %get3A_1194 : i32 to index
      %get3A_1196 = arith.index_cast %add3A_1193 : i32 to index
      %get3A_1197 = tpu.vector_load %arg5[%get3A_1195, %get3A_1196] {strides = array<i32>} : memref<2x32768xf32, #tpu.memory_space<vmem>>, vector<16xf32>,
      %add3A_1198 = arith.constant 16 : i32
      %add3A_1199 = arith.addi %add3A_1193, %add3A_1198 : i32
      %get3A_1200 = arith.constant 1 : i32
      %get3A_1201 = arith.index_cast %get3A_1200 : i32 to index
      %get3A_1202 = arith.index_cast %add3A_1199 : i32 to index
      %get3A_1203 = tpu.vector_load %arg5[%get3A_1201, %get3A_1202] {strides = array<i32>} : memref<2x32768xf32, #tpu.memory_space<vmem>>, vector<16xf32>,
      %max3A_1204 = arith.maximumf %get3A_1197, %get3A_1203 : vector<16xf32>
      %add3A_1205 = arith.constant 32 : i32
      %add3A_1206 = arith.addi %add3A_1193, %add3A_1205 : i32
      %get3A_1207 = arith.constant 1 : i32
      %get3A_1208 = arith.index_cast %get3A_1207 : i32 to index
      %get3A_1209 = arith.index_cast %add3A_1206 : i32 to index
      %get3A_1210 = tpu.vector_load %arg5[%get3A_1208, %get3A_1209] {strides = array<i32>} : memref<2x32768xf32, #tpu.memory_space<vmem>>, vector<16xf32>,
      %max3A_1211 = arith.maximumf %max3A_1204, %get3A_1210 : vector<16xf32>
      %add3A_1212 = arith.constant 48 : i32
      %add3A_1213 = arith.addi %add3A_1193, %add3A_1212 : i32
      %get3A_1214 = arith.constant 1 : i32
      %get3A_1215 = arith.index_cast %get3A_1214 : i32 to index
      %get3A_1216 = arith.index_cast %add3A_1213 : i32 to index
      %get3A_1217 = tpu.vector_load %arg5[%get3A_1215, %get3A_1216] {strides = array<i32>} : memref<2x32768xf32, #tpu.memory_space<vmem>>, vector<16xf32>,
      %max3A_1218 = arith.maximumf %max3A_1211, %get3A_1217 : vector<16xf32>
      %add3A_1219 = arith.constant 64 : i32
      %add3A_1220 = arith.addi %add3A_1193, %add3A_1219 : i32
      %get3A_1221 = arith.constant 1 : i32
      %get3A_1222 = arith.index_cast %get3A_1221 : i32 to index
      %get3A_1223 = arith.index_cast %add3A_1220 : i32 to index
      %get3A_1224 = tpu.vector_load %arg5[%get3A_1222, %get3A_1223] {strides = array<i32>} : memref<2x32768xf32, #tpu.memory_space<vmem>>, vector<16xf32>,
      %max3A_1225 = arith.maximumf %max3A_1218, %get3A_1224 : vector<16xf32>
      %add3A_1226 = arith.constant 80 : i32
      %add3A_1227 = arith.addi %add3A_1193, %add3A_1226 : i32
      %get3A_1228 = arith.constant 1 : i32
      %get3A_1229 = arith.index_cast %get3A_1228 : i32 to index
      %get3A_1230 = arith.index_cast %add3A_1227 : i32 to index
      %get3A_1231 = tpu.vector_load %arg5[%get3A_1229, %get3A_1230] {strides = array<i32>} : memref<2x32768xf32, #tpu.memory_space<vmem>>, vector<16xf32>,
      %max3A_1232 = arith.maximumf %max3A_1225, %get3A_1231 : vector<16xf32>
      %add3A_1233 = arith.constant 96 : i32
      %add3A_1234 = arith.addi %add3A_1193, %add3A_1233 : i32
      %get3A_1235 = arith.constant 1 : i32
      %get3A_1236 = arith.index_cast %get3A_1235 : i32 to index
      %get3A_1237 = arith.index_cast %add3A_1234 : i32 to index
      %get3A_1238 = tpu.vector_load %arg5[%get3A_1236, %get3A_1237] {strides = array<i32>} : memref<2x32768xf32, #tpu.memory_space<vmem>>, vector<16xf32>,
      %max3A_1239 = arith.maximumf %max3A_1232, %get3A_1238 : vector<16xf32>
      %add3A_1240 = arith.constant 112 : i32
      %add3A_1241 = arith.addi %add3A_1193, %add3A_1240 : i32
      %get3A_1242 = arith.constant 1 : i32
      %get3A_1243 = arith.index_cast %get3A_1242 : i32 to index
      %get3A_1244 = arith.index_cast %add3A_1241 : i32 to index
      %get3A_1245 = tpu.vector_load %arg5[%get3A_1243, %get3A_1244] {strides = array<i32>} : memref<2x32768xf32, #tpu.memory_space<vmem>>, vector<16xf32>,
      %max3A_1246 = arith.maximumf %max3A_1239, %get3A_1245 : vector<16xf32>
      %broadcast_in_dim3A_1247 = arith.constant true
      %broadcast_in_dim3A_1248 = vector.broadcast %broadcast_in_dim3A_1247 : i1 to vector<16xi1>
      %masked_cummax3A_1249 = tpu.scan <max>, %max3A_1246 masked %broadcast_in_dim3A_1248 : vector<16xf32>, vector<16xi1> -> vector<16xf32>
      %broadcast_in_dim3A_1250 = arith.constant 15 : i32
      %broadcast_in_dim3A_1251 = vector.broadcast %broadcast_in_dim3A_1250 : i32 to vector<16xi32>
      %broadcast_in_dim3A_1252 = vector.shape_cast %broadcast_in_dim3A_1251 : vector<16xi32> to vector<16x1xi32>
      %gather3A_1253 = vector.shape_cast %broadcast_in_dim3A_1252 : vector<16x1xi32> to vector<16xi32>
      %gather3A_1254 = tpu.dynamic_gather %masked_cummax3A_1249[%gather3A_1253] in [0] : vector<16xf32>, vector<16xi32> -> vector<16xf32>
      %eq3A_1255 = arith.constant 12 : i32
      %eq3A_1256 = vector.broadcast %eq3A_1255 : i32 to vector<16xi32>
      %eq3A_1257 = arith.cmpi eq, %iota3A, %eq3A_1256 : vector<16xi32>
      %select_n3A_1258 = arith.select %eq3A_1257, %gather3A_1254, %select_n3A_1189 : vector<16xi1>, vector<16xf32>
      %mul3A_1259 = arith.constant 2048 : i32
      %mul3A_1260 = arith.muli %scan3A_360, %mul3A_1259 : i32
      %add3A_1261 = arith.constant 1664 : i32
      %add3A_1262 = arith.addi %mul3A_1260, %add3A_1261 : i32
      %get3A_1263 = arith.constant 1 : i32
      %get3A_1264 = arith.index_cast %get3A_1263 : i32 to index
      %get3A_1265 = arith.index_cast %add3A_1262 : i32 to index
      %get3A_1266 = tpu.vector_load %arg5[%get3A_1264, %get3A_1265] {strides = array<i32>} : memref<2x32768xf32, #tpu.memory_space<vmem>>, vector<16xf32>,
      %add3A_1267 = arith.constant 16 : i32
      %add3A_1268 = arith.addi %add3A_1262, %add3A_1267 : i32
      %get3A_1269 = arith.constant 1 : i32
      %get3A_1270 = arith.index_cast %get3A_1269 : i32 to index
      %get3A_1271 = arith.index_cast %add3A_1268 : i32 to index
      %get3A_1272 = tpu.vector_load %arg5[%get3A_1270, %get3A_1271] {strides = array<i32>} : memref<2x32768xf32, #tpu.memory_space<vmem>>, vector<16xf32>,
      %max3A_1273 = arith.maximumf %get3A_1266, %get3A_1272 : vector<16xf32>
      %add3A_1274 = arith.constant 32 : i32
      %add3A_1275 = arith.addi %add3A_1262, %add3A_1274 : i32
      %get3A_1276 = arith.constant 1 : i32
      %get3A_1277 = arith.index_cast %get3A_1276 : i32 to index
      %get3A_1278 = arith.index_cast %add3A_1275 : i32 to index
      %get3A_1279 = tpu.vector_load %arg5[%get3A_1277, %get3A_1278] {strides = array<i32>} : memref<2x32768xf32, #tpu.memory_space<vmem>>, vector<16xf32>,
      %max3A_1280 = arith.maximumf %max3A_1273, %get3A_1279 : vector<16xf32>
      %add3A_1281 = arith.constant 48 : i32
      %add3A_1282 = arith.addi %add3A_1262, %add3A_1281 : i32
      %get3A_1283 = arith.constant 1 : i32
      %get3A_1284 = arith.index_cast %get3A_1283 : i32 to index
      %get3A_1285 = arith.index_cast %add3A_1282 : i32 to index
      %get3A_1286 = tpu.vector_load %arg5[%get3A_1284, %get3A_1285] {strides = array<i32>} : memref<2x32768xf32, #tpu.memory_space<vmem>>, vector<16xf32>,
      %max3A_1287 = arith.maximumf %max3A_1280, %get3A_1286 : vector<16xf32>
      %add3A_1288 = arith.constant 64 : i32
      %add3A_1289 = arith.addi %add3A_1262, %add3A_1288 : i32
      %get3A_1290 = arith.constant 1 : i32
      %get3A_1291 = arith.index_cast %get3A_1290 : i32 to index
      %get3A_1292 = arith.index_cast %add3A_1289 : i32 to index
      %get3A_1293 = tpu.vector_load %arg5[%get3A_1291, %get3A_1292] {strides = array<i32>} : memref<2x32768xf32, #tpu.memory_space<vmem>>, vector<16xf32>,
      %max3A_1294 = arith.maximumf %max3A_1287, %get3A_1293 : vector<16xf32>
      %add3A_1295 = arith.constant 80 : i32
      %add3A_1296 = arith.addi %add3A_1262, %add3A_1295 : i32
      %get3A_1297 = arith.constant 1 : i32
      %get3A_1298 = arith.index_cast %get3A_1297 : i32 to index
      %get3A_1299 = arith.index_cast %add3A_1296 : i32 to index
      %get3A_1300 = tpu.vector_load %arg5[%get3A_1298, %get3A_1299] {strides = array<i32>} : memref<2x32768xf32, #tpu.memory_space<vmem>>, vector<16xf32>,
      %max3A_1301 = arith.maximumf %max3A_1294, %get3A_1300 : vector<16xf32>
      %add3A_1302 = arith.constant 96 : i32
      %add3A_1303 = arith.addi %add3A_1262, %add3A_1302 : i32
      %get3A_1304 = arith.constant 1 : i32
      %get3A_1305 = arith.index_cast %get3A_1304 : i32 to index
      %get3A_1306 = arith.index_cast %add3A_1303 : i32 to index
      %get3A_1307 = tpu.vector_load %arg5[%get3A_1305, %get3A_1306] {strides = array<i32>} : memref<2x32768xf32, #tpu.memory_space<vmem>>, vector<16xf32>,
      %max3A_1308 = arith.maximumf %max3A_1301, %get3A_1307 : vector<16xf32>
      %add3A_1309 = arith.constant 112 : i32
      %add3A_1310 = arith.addi %add3A_1262, %add3A_1309 : i32
      %get3A_1311 = arith.constant 1 : i32
      %get3A_1312 = arith.index_cast %get3A_1311 : i32 to index
      %get3A_1313 = arith.index_cast %add3A_1310 : i32 to index
      %get3A_1314 = tpu.vector_load %arg5[%get3A_1312, %get3A_1313] {strides = array<i32>} : memref<2x32768xf32, #tpu.memory_space<vmem>>, vector<16xf32>,
      %max3A_1315 = arith.maximumf %max3A_1308, %get3A_1314 : vector<16xf32>
      %broadcast_in_dim3A_1316 = arith.constant true
      %broadcast_in_dim3A_1317 = vector.broadcast %broadcast_in_dim3A_1316 : i1 to vector<16xi1>
      %masked_cummax3A_1318 = tpu.scan <max>, %max3A_1315 masked %broadcast_in_dim3A_1317 : vector<16xf32>, vector<16xi1> -> vector<16xf32>
      %broadcast_in_dim3A_1319 = arith.constant 15 : i32
      %broadcast_in_dim3A_1320 = vector.broadcast %broadcast_in_dim3A_1319 : i32 to vector<16xi32>
      %broadcast_in_dim3A_1321 = vector.shape_cast %broadcast_in_dim3A_1320 : vector<16xi32> to vector<16x1xi32>
      %gather3A_1322 = vector.shape_cast %broadcast_in_dim3A_1321 : vector<16x1xi32> to vector<16xi32>
      %gather3A_1323 = tpu.dynamic_gather %masked_cummax3A_1318[%gather3A_1322] in [0] : vector<16xf32>, vector<16xi32> -> vector<16xf32>
      %eq3A_1324 = arith.constant 13 : i32
      %eq3A_1325 = vector.broadcast %eq3A_1324 : i32 to vector<16xi32>
      %eq3A_1326 = arith.cmpi eq, %iota3A, %eq3A_1325 : vector<16xi32>
      %select_n3A_1327 = arith.select %eq3A_1326, %gather3A_1323, %select_n3A_1258 : vector<16xi1>, vector<16xf32>
      %mul3A_1328 = arith.constant 2048 : i32
      %mul3A_1329 = arith.muli %scan3A_360, %mul3A_1328 : i32
      %add3A_1330 = arith.constant 1792 : i32
      %add3A_1331 = arith.addi %mul3A_1329, %add3A_1330 : i32
      %get3A_1332 = arith.constant 1 : i32
      %get3A_1333 = arith.index_cast %get3A_1332 : i32 to index
      %get3A_1334 = arith.index_cast %add3A_1331 : i32 to index
      %get3A_1335 = tpu.vector_load %arg5[%get3A_1333, %get3A_1334] {strides = array<i32>} : memref<2x32768xf32, #tpu.memory_space<vmem>>, vector<16xf32>,
      %add3A_1336 = arith.constant 16 : i32
      %add3A_1337 = arith.addi %add3A_1331, %add3A_1336 : i32
      %get3A_1338 = arith.constant 1 : i32
      %get3A_1339 = arith.index_cast %get3A_1338 : i32 to index
      %get3A_1340 = arith.index_cast %add3A_1337 : i32 to index
      %get3A_1341 = tpu.vector_load %arg5[%get3A_1339, %get3A_1340] {strides = array<i32>} : memref<2x32768xf32, #tpu.memory_space<vmem>>, vector<16xf32>,
      %max3A_1342 = arith.maximumf %get3A_1335, %get3A_1341 : vector<16xf32>
      %add3A_1343 = arith.constant 32 : i32
      %add3A_1344 = arith.addi %add3A_1331, %add3A_1343 : i32
      %get3A_1345 = arith.constant 1 : i32
      %get3A_1346 = arith.index_cast %get3A_1345 : i32 to index
      %get3A_1347 = arith.index_cast %add3A_1344 : i32 to index
      %get3A_1348 = tpu.vector_load %arg5[%get3A_1346, %get3A_1347] {strides = array<i32>} : memref<2x32768xf32, #tpu.memory_space<vmem>>, vector<16xf32>,
      %max3A_1349 = arith.maximumf %max3A_1342, %get3A_1348 : vector<16xf32>
      %add3A_1350 = arith.constant 48 : i32
      %add3A_1351 = arith.addi %add3A_1331, %add3A_1350 : i32
      %get3A_1352 = arith.constant 1 : i32
      %get3A_1353 = arith.index_cast %get3A_1352 : i32 to index
      %get3A_1354 = arith.index_cast %add3A_1351 : i32 to index
      %get3A_1355 = tpu.vector_load %arg5[%get3A_1353, %get3A_1354] {strides = array<i32>} : memref<2x32768xf32, #tpu.memory_space<vmem>>, vector<16xf32>,
      %max3A_1356 = arith.maximumf %max3A_1349, %get3A_1355 : vector<16xf32>
      %add3A_1357 = arith.constant 64 : i32
      %add3A_1358 = arith.addi %add3A_1331, %add3A_1357 : i32
      %get3A_1359 = arith.constant 1 : i32
      %get3A_1360 = arith.index_cast %get3A_1359 : i32 to index
      %get3A_1361 = arith.index_cast %add3A_1358 : i32 to index
      %get3A_1362 = tpu.vector_load %arg5[%get3A_1360, %get3A_1361] {strides = array<i32>} : memref<2x32768xf32, #tpu.memory_space<vmem>>, vector<16xf32>,
      %max3A_1363 = arith.maximumf %max3A_1356, %get3A_1362 : vector<16xf32>
      %add3A_1364 = arith.constant 80 : i32
      %add3A_1365 = arith.addi %add3A_1331, %add3A_1364 : i32
      %get3A_1366 = arith.constant 1 : i32
      %get3A_1367 = arith.index_cast %get3A_1366 : i32 to index
      %get3A_1368 = arith.index_cast %add3A_1365 : i32 to index
      %get3A_1369 = tpu.vector_load %arg5[%get3A_1367, %get3A_1368] {strides = array<i32>} : memref<2x32768xf32, #tpu.memory_space<vmem>>, vector<16xf32>,
      %max3A_1370 = arith.maximumf %max3A_1363, %get3A_1369 : vector<16xf32>
      %add3A_1371 = arith.constant 96 : i32
      %add3A_1372 = arith.addi %add3A_1331, %add3A_1371 : i32
      %get3A_1373 = arith.constant 1 : i32
      %get3A_1374 = arith.index_cast %get3A_1373 : i32 to index
      %get3A_1375 = arith.index_cast %add3A_1372 : i32 to index
      %get3A_1376 = tpu.vector_load %arg5[%get3A_1374, %get3A_1375] {strides = array<i32>} : memref<2x32768xf32, #tpu.memory_space<vmem>>, vector<16xf32>,
      %max3A_1377 = arith.maximumf %max3A_1370, %get3A_1376 : vector<16xf32>
      %add3A_1378 = arith.constant 112 : i32
      %add3A_1379 = arith.addi %add3A_1331, %add3A_1378 : i32
      %get3A_1380 = arith.constant 1 : i32
      %get3A_1381 = arith.index_cast %get3A_1380 : i32 to index
      %get3A_1382 = arith.index_cast %add3A_1379 : i32 to index
      %get3A_1383 = tpu.vector_load %arg5[%get3A_1381, %get3A_1382] {strides = array<i32>} : memref<2x32768xf32, #tpu.memory_space<vmem>>, vector<16xf32>,
      %max3A_1384 = arith.maximumf %max3A_1377, %get3A_1383 : vector<16xf32>
      %broadcast_in_dim3A_1385 = arith.constant true
      %broadcast_in_dim3A_1386 = vector.broadcast %broadcast_in_dim3A_1385 : i1 to vector<16xi1>
      %masked_cummax3A_1387 = tpu.scan <max>, %max3A_1384 masked %broadcast_in_dim3A_1386 : vector<16xf32>, vector<16xi1> -> vector<16xf32>
      %broadcast_in_dim3A_1388 = arith.constant 15 : i32
      %broadcast_in_dim3A_1389 = vector.broadcast %broadcast_in_dim3A_1388 : i32 to vector<16xi32>
      %broadcast_in_dim3A_1390 = vector.shape_cast %broadcast_in_dim3A_1389 : vector<16xi32> to vector<16x1xi32>
      %gather3A_1391 = vector.shape_cast %broadcast_in_dim3A_1390 : vector<16x1xi32> to vector<16xi32>
      %gather3A_1392 = tpu.dynamic_gather %masked_cummax3A_1387[%gather3A_1391] in [0] : vector<16xf32>, vector<16xi32> -> vector<16xf32>
      %eq3A_1393 = arith.constant 14 : i32
      %eq3A_1394 = vector.broadcast %eq3A_1393 : i32 to vector<16xi32>
      %eq3A_1395 = arith.cmpi eq, %iota3A, %eq3A_1394 : vector<16xi32>
      %select_n3A_1396 = arith.select %eq3A_1395, %gather3A_1392, %select_n3A_1327 : vector<16xi1>, vector<16xf32>
      %mul3A_1397 = arith.constant 2048 : i32
      %mul3A_1398 = arith.muli %scan3A_360, %mul3A_1397 : i32
      %add3A_1399 = arith.constant 1920 : i32
      %add3A_1400 = arith.addi %mul3A_1398, %add3A_1399 : i32
      %get3A_1401 = arith.constant 1 : i32
      %get3A_1402 = arith.index_cast %get3A_1401 : i32 to index
      %get3A_1403 = arith.index_cast %add3A_1400 : i32 to index
      %get3A_1404 = tpu.vector_load %arg5[%get3A_1402, %get3A_1403] {strides = array<i32>} : memref<2x32768xf32, #tpu.memory_space<vmem>>, vector<16xf32>,
      %add3A_1405 = arith.constant 16 : i32
      %add3A_1406 = arith.addi %add3A_1400, %add3A_1405 : i32
      %get3A_1407 = arith.constant 1 : i32
      %get3A_1408 = arith.index_cast %get3A_1407 : i32 to index
      %get3A_1409 = arith.index_cast %add3A_1406 : i32 to index
      %get3A_1410 = tpu.vector_load %arg5[%get3A_1408, %get3A_1409] {strides = array<i32>} : memref<2x32768xf32, #tpu.memory_space<vmem>>, vector<16xf32>,
      %max3A_1411 = arith.maximumf %get3A_1404, %get3A_1410 : vector<16xf32>
      %add3A_1412 = arith.constant 32 : i32
      %add3A_1413 = arith.addi %add3A_1400, %add3A_1412 : i32
      %get3A_1414 = arith.constant 1 : i32
      %get3A_1415 = arith.index_cast %get3A_1414 : i32 to index
      %get3A_1416 = arith.index_cast %add3A_1413 : i32 to index
      %get3A_1417 = tpu.vector_load %arg5[%get3A_1415, %get3A_1416] {strides = array<i32>} : memref<2x32768xf32, #tpu.memory_space<vmem>>, vector<16xf32>,
      %max3A_1418 = arith.maximumf %max3A_1411, %get3A_1417 : vector<16xf32>
      %add3A_1419 = arith.constant 48 : i32
      %add3A_1420 = arith.addi %add3A_1400, %add3A_1419 : i32
      %get3A_1421 = arith.constant 1 : i32
      %get3A_1422 = arith.index_cast %get3A_1421 : i32 to index
      %get3A_1423 = arith.index_cast %add3A_1420 : i32 to index
      %get3A_1424 = tpu.vector_load %arg5[%get3A_1422, %get3A_1423] {strides = array<i32>} : memref<2x32768xf32, #tpu.memory_space<vmem>>, vector<16xf32>,
      %max3A_1425 = arith.maximumf %max3A_1418, %get3A_1424 : vector<16xf32>
      %add3A_1426 = arith.constant 64 : i32
      %add3A_1427 = arith.addi %add3A_1400, %add3A_1426 : i32
      %get3A_1428 = arith.constant 1 : i32
      %get3A_1429 = arith.index_cast %get3A_1428 : i32 to index
      %get3A_1430 = arith.index_cast %add3A_1427 : i32 to index
      %get3A_1431 = tpu.vector_load %arg5[%get3A_1429, %get3A_1430] {strides = array<i32>} : memref<2x32768xf32, #tpu.memory_space<vmem>>, vector<16xf32>,
      %max3A_1432 = arith.maximumf %max3A_1425, %get3A_1431 : vector<16xf32>
      %add3A_1433 = arith.constant 80 : i32
      %add3A_1434 = arith.addi %add3A_1400, %add3A_1433 : i32
      %get3A_1435 = arith.constant 1 : i32
      %get3A_1436 = arith.index_cast %get3A_1435 : i32 to index
      %get3A_1437 = arith.index_cast %add3A_1434 : i32 to index
      %get3A_1438 = tpu.vector_load %arg5[%get3A_1436, %get3A_1437] {strides = array<i32>} : memref<2x32768xf32, #tpu.memory_space<vmem>>, vector<16xf32>,
      %max3A_1439 = arith.maximumf %max3A_1432, %get3A_1438 : vector<16xf32>
      %add3A_1440 = arith.constant 96 : i32
      %add3A_1441 = arith.addi %add3A_1400, %add3A_1440 : i32
      %get3A_1442 = arith.constant 1 : i32
      %get3A_1443 = arith.index_cast %get3A_1442 : i32 to index
      %get3A_1444 = arith.index_cast %add3A_1441 : i32 to index
      %get3A_1445 = tpu.vector_load %arg5[%get3A_1443, %get3A_1444] {strides = array<i32>} : memref<2x32768xf32, #tpu.memory_space<vmem>>, vector<16xf32>,
      %max3A_1446 = arith.maximumf %max3A_1439, %get3A_1445 : vector<16xf32>
      %add3A_1447 = arith.constant 112 : i32
      %add3A_1448 = arith.addi %add3A_1400, %add3A_1447 : i32
      %get3A_1449 = arith.constant 1 : i32
      %get3A_1450 = arith.index_cast %get3A_1449 : i32 to index
      %get3A_1451 = arith.index_cast %add3A_1448 : i32 to index
      %get3A_1452 = tpu.vector_load %arg5[%get3A_1450, %get3A_1451] {strides = array<i32>} : memref<2x32768xf32, #tpu.memory_space<vmem>>, vector<16xf32>,
      %max3A_1453 = arith.maximumf %max3A_1446, %get3A_1452 : vector<16xf32>
      %broadcast_in_dim3A_1454 = arith.constant true
      %broadcast_in_dim3A_1455 = vector.broadcast %broadcast_in_dim3A_1454 : i1 to vector<16xi1>
      %masked_cummax3A_1456 = tpu.scan <max>, %max3A_1453 masked %broadcast_in_dim3A_1455 : vector<16xf32>, vector<16xi1> -> vector<16xf32>
      %broadcast_in_dim3A_1457 = arith.constant 15 : i32
      %broadcast_in_dim3A_1458 = vector.broadcast %broadcast_in_dim3A_1457 : i32 to vector<16xi32>
      %broadcast_in_dim3A_1459 = vector.shape_cast %broadcast_in_dim3A_1458 : vector<16xi32> to vector<16x1xi32>
      %gather3A_1460 = vector.shape_cast %broadcast_in_dim3A_1459 : vector<16x1xi32> to vector<16xi32>
      %gather3A_1461 = tpu.dynamic_gather %masked_cummax3A_1456[%gather3A_1460] in [0] : vector<16xf32>, vector<16xi32> -> vector<16xf32>
      %eq3A_1462 = arith.constant 15 : i32
      %eq3A_1463 = vector.broadcast %eq3A_1462 : i32 to vector<16xi32>
      %eq3A_1464 = arith.cmpi eq, %iota3A, %eq3A_1463 : vector<16xi32>
      %select_n3A_1465 = arith.select %eq3A_1464, %gather3A_1461, %select_n3A_1396 : vector<16xi1>, vector<16xf32>
      %mul3A_1466 = arith.constant 16 : i32
      %mul3A_1467 = arith.muli %scan3A_360, %mul3A_1466 : i32
      %swap3A_1468 = arith.index_cast %mul3A_1467 : i32 to index
      %swap3A_1469 = tpu.vector_load %arg7[%swap3A_1468] {strides = array<i32>} : memref<256xf32, #tpu.memory_space<vmem>>, vector<16xf32>,
      tpu.vector_store %arg7[%swap3A_1468], %select_n3A_1465 {strides = array<i32>} : memref<256xf32, #tpu.memory_space<vmem>>, vector<16xf32>,
      %scan3A_1470 = arith.constant 0 : i32
      scf.yield %scan3A_1470 : i32
    }
    %scan3A_205 = arith.constant 16 : i32
    %get3A_206 = arith.constant 0 : index
    %get3A_207 = tpu.vector_load %arg7[%get3A_206] {strides = array<i32>} : memref<256xf32, #tpu.memory_space<vmem>>, vector<16xf32>,
    %get3A_208 = arith.constant 16 : index
    %get3A_209 = tpu.vector_load %arg7[%get3A_208] {strides = array<i32>} : memref<256xf32, #tpu.memory_space<vmem>>, vector<16xf32>,
    %max3A_210 = arith.maximumf %get3A_207, %get3A_209 : vector<16xf32>
    %get3A_211 = arith.constant 32 : index
    %get3A_212 = tpu.vector_load %arg7[%get3A_211] {strides = array<i32>} : memref<256xf32, #tpu.memory_space<vmem>>, vector<16xf32>,
    %max3A_213 = arith.maximumf %max3A_210, %get3A_212 : vector<16xf32>
    %get3A_214 = arith.constant 48 : index
    %get3A_215 = tpu.vector_load %arg7[%get3A_214] {strides = array<i32>} : memref<256xf32, #tpu.memory_space<vmem>>, vector<16xf32>,
    %max3A_216 = arith.maximumf %max3A_213, %get3A_215 : vector<16xf32>
    %get3A_217 = arith.constant 64 : index
    %get3A_218 = tpu.vector_load %arg7[%get3A_217] {strides = array<i32>} : memref<256xf32, #tpu.memory_space<vmem>>, vector<16xf32>,
    %max3A_219 = arith.maximumf %max3A_216, %get3A_218 : vector<16xf32>
    %get3A_220 = arith.constant 80 : index
    %get3A_221 = tpu.vector_load %arg7[%get3A_220] {strides = array<i32>} : memref<256xf32, #tpu.memory_space<vmem>>, vector<16xf32>,
    %max3A_222 = arith.maximumf %max3A_219, %get3A_221 : vector<16xf32>
    %get3A_223 = arith.constant 96 : index
    %get3A_224 = tpu.vector_load %arg7[%get3A_223] {strides = array<i32>} : memref<256xf32, #tpu.memory_space<vmem>>, vector<16xf32>,
    %max3A_225 = arith.maximumf %max3A_222, %get3A_224 : vector<16xf32>
    %get3A_226 = arith.constant 112 : index
    %get3A_227 = tpu.vector_load %arg7[%get3A_226] {strides = array<i32>} : memref<256xf32, #tpu.memory_space<vmem>>, vector<16xf32>,
    %max3A_228 = arith.maximumf %max3A_225, %get3A_227 : vector<16xf32>
    %get3A_229 = arith.constant 128 : index
    %get3A_230 = tpu.vector_load %arg7[%get3A_229] {strides = array<i32>} : memref<256xf32, #tpu.memory_space<vmem>>, vector<16xf32>,
    %max3A_231 = arith.maximumf %max3A_228, %get3A_230 : vector<16xf32>
    %get3A_232 = arith.constant 144 : index
    %get3A_233 = tpu.vector_load %arg7[%get3A_232] {strides = array<i32>} : memref<256xf32, #tpu.memory_space<vmem>>, vector<16xf32>,
    %max3A_234 = arith.maximumf %max3A_231, %get3A_233 : vector<16xf32>
    %get3A_235 = arith.constant 160 : index
    %get3A_236 = tpu.vector_load %arg7[%get3A_235] {strides = array<i32>} : memref<256xf32, #tpu.memory_space<vmem>>, vector<16xf32>,
    %max3A_237 = arith.maximumf %max3A_234, %get3A_236 : vector<16xf32>
    %get3A_238 = arith.constant 176 : index
    %get3A_239 = tpu.vector_load %arg7[%get3A_238] {strides = array<i32>} : memref<256xf32, #tpu.memory_space<vmem>>, vector<16xf32>,
    %max3A_240 = arith.maximumf %max3A_237, %get3A_239 : vector<16xf32>
    %get3A_241 = arith.constant 192 : index
    %get3A_242 = tpu.vector_load %arg7[%get3A_241] {strides = array<i32>} : memref<256xf32, #tpu.memory_space<vmem>>, vector<16xf32>,
    %max3A_243 = arith.maximumf %max3A_240, %get3A_242 : vector<16xf32>
    %get3A_244 = arith.constant 208 : index
    %get3A_245 = tpu.vector_load %arg7[%get3A_244] {strides = array<i32>} : memref<256xf32, #tpu.memory_space<vmem>>, vector<16xf32>,
    %max3A_246 = arith.maximumf %max3A_243, %get3A_245 : vector<16xf32>
    %get3A_247 = arith.constant 224 : index
    %get3A_248 = tpu.vector_load %arg7[%get3A_247] {strides = array<i32>} : memref<256xf32, #tpu.memory_space<vmem>>, vector<16xf32>,
    %max3A_249 = arith.maximumf %max3A_246, %get3A_248 : vector<16xf32>
    %get3A_250 = arith.constant 240 : index
    %get3A_251 = tpu.vector_load %arg7[%get3A_250] {strides = array<i32>} : memref<256xf32, #tpu.memory_space<vmem>>, vector<16xf32>,
    %max3A_252 = arith.maximumf %max3A_249, %get3A_251 : vector<16xf32>
    %add3A_253 = arith.constant 1 : i32
    %add3A_254 = vector.broadcast %add3A_253 : i32 to vector<16xi32>
    %add3A_255 = arith.addi %iota3A, %add3A_254 : vector<16xi32>
    %and3A_256 = arith.constant 15 : i32
    %and3A_257 = vector.broadcast %and3A_256 : i32 to vector<16xi32>
    %and3A_258 = arith.andi %add3A_255, %and3A_257 : vector<16xi32>
    %broadcast_in_dim3A_259 = vector.shape_cast %and3A_258 : vector<16xi32> to vector<16x1xi32>
    %gather3A_260 = vector.shape_cast %broadcast_in_dim3A_259 : vector<16x1xi32> to vector<16xi32>
    %gather3A_261 = tpu.dynamic_gather %max3A_252[%gather3A_260] in [0] : vector<16xf32>, vector<16xi32> -> vector<16xf32>
    %min3A_262 = arith.minimumf %max3A_252, %gather3A_261 : vector<16xf32>
    %add3A_263 = arith.constant 2 : i32
    %add3A_264 = vector.broadcast %add3A_263 : i32 to vector<16xi32>
    %add3A_265 = arith.addi %iota3A, %add3A_264 : vector<16xi32>
    %and3A_266 = arith.constant 15 : i32
    %and3A_267 = vector.broadcast %and3A_266 : i32 to vector<16xi32>
    %and3A_268 = arith.andi %add3A_265, %and3A_267 : vector<16xi32>
    %broadcast_in_dim3A_269 = vector.shape_cast %and3A_268 : vector<16xi32> to vector<16x1xi32>
    %gather3A_270 = vector.shape_cast %broadcast_in_dim3A_269 : vector<16x1xi32> to vector<16xi32>
    %gather3A_271 = tpu.dynamic_gather %min3A_262[%gather3A_270] in [0] : vector<16xf32>, vector<16xi32> -> vector<16xf32>
    %min3A_272 = arith.minimumf %min3A_262, %gather3A_271 : vector<16xf32>
    %add3A_273 = arith.constant 4 : i32
    %add3A_274 = vector.broadcast %add3A_273 : i32 to vector<16xi32>
    %add3A_275 = arith.addi %iota3A, %add3A_274 : vector<16xi32>
    %and3A_276 = arith.constant 15 : i32
    %and3A_277 = vector.broadcast %and3A_276 : i32 to vector<16xi32>
    %and3A_278 = arith.andi %add3A_275, %and3A_277 : vector<16xi32>
    %broadcast_in_dim3A_279 = vector.shape_cast %and3A_278 : vector<16xi32> to vector<16x1xi32>
    %gather3A_280 = vector.shape_cast %broadcast_in_dim3A_279 : vector<16x1xi32> to vector<16xi32>
    %gather3A_281 = tpu.dynamic_gather %min3A_272[%gather3A_280] in [0] : vector<16xf32>, vector<16xi32> -> vector<16xf32>
    %min3A_282 = arith.minimumf %min3A_272, %gather3A_281 : vector<16xf32>
    %add3A_283 = arith.constant 8 : i32
    %add3A_284 = vector.broadcast %add3A_283 : i32 to vector<16xi32>
    %add3A_285 = arith.addi %iota3A, %add3A_284 : vector<16xi32>
    %and3A_286 = arith.constant 15 : i32
    %and3A_287 = vector.broadcast %and3A_286 : i32 to vector<16xi32>
    %and3A_288 = arith.andi %add3A_285, %and3A_287 : vector<16xi32>
    %broadcast_in_dim3A_289 = vector.shape_cast %and3A_288 : vector<16xi32> to vector<16x1xi32>
    %gather3A_290 = vector.shape_cast %broadcast_in_dim3A_289 : vector<16x1xi32> to vector<16xi32>
    %gather3A_291 = tpu.dynamic_gather %min3A_282[%gather3A_290] in [0] : vector<16xf32>, vector<16xi32> -> vector<16xf32>
    %min3A_292 = arith.minimumf %min3A_282, %gather3A_291 : vector<16xf32>
    %broadcast_in_dim3A_293 = arith.constant 0 : i32
    %broadcast_in_dim3A_294 = vector.broadcast %broadcast_in_dim3A_293 : i32 to vector<16xi32>
    %scan3A_295 = arith.constant 0 : i32
    %scan3A_296 = arith.constant 16 : i32
    %scan3A_297 = arith.addi %scan3A_295, %scan3A_296 : i32
    %scan3A_298 = arith.constant 1 : i32
    %scan3A_299 = scf.for %scan3A_360 = %scan3A_295 to %scan3A_297 step %scan3A_298 iter_args(%scan3A_361 = %broadcast_in_dim3A_294) -> (vector<16xi32>)  : i32 {
      %mul3A_362 = arith.constant 16 : i32
      %mul3A_363 = arith.muli %scan3A_360, %mul3A_362 : i32
      %get3A_364 = arith.index_cast %mul3A_363 : i32 to index
      %get3A_365 = tpu.vector_load %arg7[%get3A_364] {strides = array<i32>} : memref<256xf32, #tpu.memory_space<vmem>>, vector<16xf32>,
      %ge3A = arith.cmpf oge, %get3A_365, %min3A_292 : vector<16xf32>
      %all_reduce_population_count3A = tpu.all_reduce %ge3A {dim = 0 : i64, kind = #tpu.reduction_kind<sum>} : vector<16xi1> -> vector<16xi32>
      %reduce_max3A_366 = arith.constant true
      %reduce_max3A_367 = vector.broadcast %reduce_max3A_366 : i1 to vector<16xi1>
      %reduce_max3A_368 = arith.constant -2147483648 : i32
      %reduce_max3A_369 = vector.broadcast %reduce_max3A_368 : i32 to vector<16xi32>
      %reduce_max3A_370 = arith.xori %all_reduce_population_count3A, %reduce_max3A_369 : vector<16xi32>
      %reduce_max3A_371 = tpu.scan <max>, %reduce_max3A_370 masked %reduce_max3A_367 : vector<16xi32>, vector<16xi1> -> vector<16xi32>
      %reduce_max3A_372 = arith.xori %reduce_max3A_371, %reduce_max3A_369 : vector<16xi32>
      %reduce_max3A_373 = vector.extract %reduce_max3A_372[15] : i32 from vector<16xi32>
      %while3A_374 = arith.constant 0 : i32
      %while3A_375 = arith.subi %reduce_max3A_373, %while3A_374 : i32
      %while3A_376 = arith.addi %while3A_374, %while3A_375 : i32
      %while3A_377 = arith.constant 1 : i32
      %while3A_378 = arith.divsi %while3A_375, %while3A_377 : i32
      %while3A_379 = arith.muli %while3A_378, %while3A_377 : i32
      %while3A_380 = arith.addi %while3A_374, %while3A_379 : i32
      %while3A_381 = arith.constant 1 : i32
      %while3A_382:2 = scf.for %while3A_385 = %while3A_374 to %while3A_380 step %while3A_381 iter_args(%while3A_386 = %get3A_365, %while3A_387 = %scan3A_361) -> (vector<16xf32>, vector<16xi32>)  : i32 {
        %ge3A_388 = arith.cmpf oge, %while3A_386, %min3A_292 : vector<16xf32>
        %all_reduce_ffs3A = tpu.all_reduce %ge3A_388 {dim = 0 : i64, kind = #tpu.reduction_kind<find_first_set>} : vector<16xi1> -> vector<16xi32>
        %mul3A_389 = arith.constant 2048 : i32
        %mul3A_390 = arith.muli %scan3A_360, %mul3A_389 : i32
        %broadcast_in_dim3A_391 = vector.broadcast %mul3A_390 : i32 to vector<16xi32>
        %shift_left3A = arith.constant 7 : i32
        %shift_left3A_392 = vector.broadcast %shift_left3A : i32 to vector<16xi32>
        %shift_left3A_393 = arith.shli %all_reduce_ffs3A, %shift_left3A_392 : vector<16xi32>
        %add3A_394 = arith.addi %broadcast_in_dim3A_391, %shift_left3A_393 : vector<16xi32>
        %broadcast_in_dim3A_395 = arith.constant 0 : i32
        %broadcast_in_dim3A_396 = vector.broadcast %broadcast_in_dim3A_395 : i32 to vector<16xi32>
        %add3A_397 = arith.addi %add3A_394, %broadcast_in_dim3A_396 : vector<16xi32>
        %add3A_398 = arith.addi %add3A_397, %iota3A : vector<16xi32>
        %gather3A_399 = tpu.vector_load_idx %arg5[%broadcast_in_dim3A_198, %add3A_398] : memref<2x32768xf32, #tpu.memory_space<vmem>>[vector<16xi32>, vector<16xi32>], vector<16xf32>,
        %ge3A_400 = arith.cmpf oge, %gather3A_399, %min3A_292 : vector<16xf32>
        %broadcast_in_dim3A_401 = arith.constant 1 : i32
        %broadcast_in_dim3A_402 = vector.broadcast %broadcast_in_dim3A_401 : i32 to vector<16xi32>
        %broadcast_in_dim3A_403 = arith.constant 0 : i32
        %broadcast_in_dim3A_404 = vector.broadcast %broadcast_in_dim3A_403 : i32 to vector<16xi32>
        %select_n3A_405 = arith.select %ge3A_400, %broadcast_in_dim3A_402, %broadcast_in_dim3A_404 : vector<16xi1>, vector<16xi32>
        %all_reduce_population_count3A_406 = tpu.all_reduce %ge3A_400 {dim = 0 : i64, kind = #tpu.reduction_kind<sum>} : vector<16xi1> -> vector<16xi32>
        %broadcast_in_dim3A_407 = arith.constant 16 : i32
        %broadcast_in_dim3A_408 = vector.broadcast %broadcast_in_dim3A_407 : i32 to vector<16xi32>
        %add3A_409 = arith.addi %add3A_394, %broadcast_in_dim3A_408 : vector<16xi32>
        %add3A_410 = arith.addi %add3A_409, %iota3A : vector<16xi32>
        %gather3A_411 = tpu.vector_load_idx %arg5[%broadcast_in_dim3A_198, %add3A_410] : memref<2x32768xf32, #tpu.memory_space<vmem>>[vector<16xi32>, vector<16xi32>], vector<16xf32>,
        %ge3A_412 = arith.cmpf oge, %gather3A_411, %min3A_292 : vector<16xf32>
        %broadcast_in_dim3A_413 = arith.constant 1 : i32
        %broadcast_in_dim3A_414 = vector.broadcast %broadcast_in_dim3A_413 : i32 to vector<16xi32>
        %broadcast_in_dim3A_415 = arith.constant 0 : i32
        %broadcast_in_dim3A_416 = vector.broadcast %broadcast_in_dim3A_415 : i32 to vector<16xi32>
        %select_n3A_417 = arith.select %ge3A_412, %broadcast_in_dim3A_414, %broadcast_in_dim3A_416 : vector<16xi1>, vector<16xi32>
        %all_reduce_population_count3A_418 = tpu.all_reduce %ge3A_412 {dim = 0 : i64, kind = #tpu.reduction_kind<sum>} : vector<16xi1> -> vector<16xi32>
        %broadcast_in_dim3A_419 = arith.constant 32 : i32
        %broadcast_in_dim3A_420 = vector.broadcast %broadcast_in_dim3A_419 : i32 to vector<16xi32>
        %add3A_421 = arith.addi %add3A_394, %broadcast_in_dim3A_420 : vector<16xi32>
        %add3A_422 = arith.addi %add3A_421, %iota3A : vector<16xi32>
        %gather3A_423 = tpu.vector_load_idx %arg5[%broadcast_in_dim3A_198, %add3A_422] : memref<2x32768xf32, #tpu.memory_space<vmem>>[vector<16xi32>, vector<16xi32>], vector<16xf32>,
        %ge3A_424 = arith.cmpf oge, %gather3A_423, %min3A_292 : vector<16xf32>
        %broadcast_in_dim3A_425 = arith.constant 1 : i32
        %broadcast_in_dim3A_426 = vector.broadcast %broadcast_in_dim3A_425 : i32 to vector<16xi32>
        %broadcast_in_dim3A_427 = arith.constant 0 : i32
        %broadcast_in_dim3A_428 = vector.broadcast %broadcast_in_dim3A_427 : i32 to vector<16xi32>
        %select_n3A_429 = arith.select %ge3A_424, %broadcast_in_dim3A_426, %broadcast_in_dim3A_428 : vector<16xi1>, vector<16xi32>
        %all_reduce_population_count3A_430 = tpu.all_reduce %ge3A_424 {dim = 0 : i64, kind = #tpu.reduction_kind<sum>} : vector<16xi1> -> vector<16xi32>
        %broadcast_in_dim3A_431 = arith.constant 48 : i32
        %broadcast_in_dim3A_432 = vector.broadcast %broadcast_in_dim3A_431 : i32 to vector<16xi32>
        %add3A_433 = arith.addi %add3A_394, %broadcast_in_dim3A_432 : vector<16xi32>
        %add3A_434 = arith.addi %add3A_433, %iota3A : vector<16xi32>
        %gather3A_435 = tpu.vector_load_idx %arg5[%broadcast_in_dim3A_198, %add3A_434] : memref<2x32768xf32, #tpu.memory_space<vmem>>[vector<16xi32>, vector<16xi32>], vector<16xf32>,
        %ge3A_436 = arith.cmpf oge, %gather3A_435, %min3A_292 : vector<16xf32>
        %broadcast_in_dim3A_437 = arith.constant 1 : i32
        %broadcast_in_dim3A_438 = vector.broadcast %broadcast_in_dim3A_437 : i32 to vector<16xi32>
        %broadcast_in_dim3A_439 = arith.constant 0 : i32
        %broadcast_in_dim3A_440 = vector.broadcast %broadcast_in_dim3A_439 : i32 to vector<16xi32>
        %select_n3A_441 = arith.select %ge3A_436, %broadcast_in_dim3A_438, %broadcast_in_dim3A_440 : vector<16xi1>, vector<16xi32>
        %all_reduce_population_count3A_442 = tpu.all_reduce %ge3A_436 {dim = 0 : i64, kind = #tpu.reduction_kind<sum>} : vector<16xi1> -> vector<16xi32>
        %broadcast_in_dim3A_443 = arith.constant 64 : i32
        %broadcast_in_dim3A_444 = vector.broadcast %broadcast_in_dim3A_443 : i32 to vector<16xi32>
        %add3A_445 = arith.addi %add3A_394, %broadcast_in_dim3A_444 : vector<16xi32>
        %add3A_446 = arith.addi %add3A_445, %iota3A : vector<16xi32>
        %gather3A_447 = tpu.vector_load_idx %arg5[%broadcast_in_dim3A_198, %add3A_446] : memref<2x32768xf32, #tpu.memory_space<vmem>>[vector<16xi32>, vector<16xi32>], vector<16xf32>,
        %ge3A_448 = arith.cmpf oge, %gather3A_447, %min3A_292 : vector<16xf32>
        %broadcast_in_dim3A_449 = arith.constant 1 : i32
        %broadcast_in_dim3A_450 = vector.broadcast %broadcast_in_dim3A_449 : i32 to vector<16xi32>
        %broadcast_in_dim3A_451 = arith.constant 0 : i32
        %broadcast_in_dim3A_452 = vector.broadcast %broadcast_in_dim3A_451 : i32 to vector<16xi32>
        %select_n3A_453 = arith.select %ge3A_448, %broadcast_in_dim3A_450, %broadcast_in_dim3A_452 : vector<16xi1>, vector<16xi32>
        %all_reduce_population_count3A_454 = tpu.all_reduce %ge3A_448 {dim = 0 : i64, kind = #tpu.reduction_kind<sum>} : vector<16xi1> -> vector<16xi32>
        %broadcast_in_dim3A_455 = arith.constant 80 : i32
        %broadcast_in_dim3A_456 = vector.broadcast %broadcast_in_dim3A_455 : i32 to vector<16xi32>
        %add3A_457 = arith.addi %add3A_394, %broadcast_in_dim3A_456 : vector<16xi32>
        %add3A_458 = arith.addi %add3A_457, %iota3A : vector<16xi32>
        %gather3A_459 = tpu.vector_load_idx %arg5[%broadcast_in_dim3A_198, %add3A_458] : memref<2x32768xf32, #tpu.memory_space<vmem>>[vector<16xi32>, vector<16xi32>], vector<16xf32>,
        %ge3A_460 = arith.cmpf oge, %gather3A_459, %min3A_292 : vector<16xf32>
        %broadcast_in_dim3A_461 = arith.constant 1 : i32
        %broadcast_in_dim3A_462 = vector.broadcast %broadcast_in_dim3A_461 : i32 to vector<16xi32>
        %broadcast_in_dim3A_463 = arith.constant 0 : i32
        %broadcast_in_dim3A_464 = vector.broadcast %broadcast_in_dim3A_463 : i32 to vector<16xi32>
        %select_n3A_465 = arith.select %ge3A_460, %broadcast_in_dim3A_462, %broadcast_in_dim3A_464 : vector<16xi1>, vector<16xi32>
        %all_reduce_population_count3A_466 = tpu.all_reduce %ge3A_460 {dim = 0 : i64, kind = #tpu.reduction_kind<sum>} : vector<16xi1> -> vector<16xi32>
        %broadcast_in_dim3A_467 = arith.constant 96 : i32
        %broadcast_in_dim3A_468 = vector.broadcast %broadcast_in_dim3A_467 : i32 to vector<16xi32>
        %add3A_469 = arith.addi %add3A_394, %broadcast_in_dim3A_468 : vector<16xi32>
        %add3A_470 = arith.addi %add3A_469, %iota3A : vector<16xi32>
        %gather3A_471 = tpu.vector_load_idx %arg5[%broadcast_in_dim3A_198, %add3A_470] : memref<2x32768xf32, #tpu.memory_space<vmem>>[vector<16xi32>, vector<16xi32>], vector<16xf32>,
        %ge3A_472 = arith.cmpf oge, %gather3A_471, %min3A_292 : vector<16xf32>
        %broadcast_in_dim3A_473 = arith.constant 1 : i32
        %broadcast_in_dim3A_474 = vector.broadcast %broadcast_in_dim3A_473 : i32 to vector<16xi32>
        %broadcast_in_dim3A_475 = arith.constant 0 : i32
        %broadcast_in_dim3A_476 = vector.broadcast %broadcast_in_dim3A_475 : i32 to vector<16xi32>
        %select_n3A_477 = arith.select %ge3A_472, %broadcast_in_dim3A_474, %broadcast_in_dim3A_476 : vector<16xi1>, vector<16xi32>
        %all_reduce_population_count3A_478 = tpu.all_reduce %ge3A_472 {dim = 0 : i64, kind = #tpu.reduction_kind<sum>} : vector<16xi1> -> vector<16xi32>
        %broadcast_in_dim3A_479 = arith.constant 112 : i32
        %broadcast_in_dim3A_480 = vector.broadcast %broadcast_in_dim3A_479 : i32 to vector<16xi32>
        %add3A_481 = arith.addi %add3A_394, %broadcast_in_dim3A_480 : vector<16xi32>
        %add3A_482 = arith.addi %add3A_481, %iota3A : vector<16xi32>
        %gather3A_483 = tpu.vector_load_idx %arg5[%broadcast_in_dim3A_198, %add3A_482] : memref<2x32768xf32, #tpu.memory_space<vmem>>[vector<16xi32>, vector<16xi32>], vector<16xf32>,
        %ge3A_484 = arith.cmpf oge, %gather3A_483, %min3A_292 : vector<16xf32>
        %broadcast_in_dim3A_485 = arith.constant 1 : i32
        %broadcast_in_dim3A_486 = vector.broadcast %broadcast_in_dim3A_485 : i32 to vector<16xi32>
        %broadcast_in_dim3A_487 = arith.constant 0 : i32
        %broadcast_in_dim3A_488 = vector.broadcast %broadcast_in_dim3A_487 : i32 to vector<16xi32>
        %select_n3A_489 = arith.select %ge3A_484, %broadcast_in_dim3A_486, %broadcast_in_dim3A_488 : vector<16xi1>, vector<16xi32>
        %all_reduce_population_count3A_490 = tpu.all_reduce %ge3A_484 {dim = 0 : i64, kind = #tpu.reduction_kind<sum>} : vector<16xi1> -> vector<16xi32>
        %broadcast_in_dim3A_491 = arith.constant true
        %broadcast_in_dim3A_492 = vector.broadcast %broadcast_in_dim3A_491 : i1 to vector<16xi1>
        %masked_cumsum3A = tpu.scan <sum>, %select_n3A_405 masked %broadcast_in_dim3A_492 : vector<16xi32>, vector<16xi1> -> vector<16xi32>
        %add3A_493 = arith.addi %while3A_387, %masked_cumsum3A : vector<16xi32>
        %sub3A_494 = arith.subi %add3A_493, %select_n3A_405 : vector<16xi32>
        %gt3A = arith.constant 0 : i32
        %gt3A_495 = vector.broadcast %gt3A : i32 to vector<16xi32>
        %gt3A_496 = arith.cmpi sgt, %select_n3A_405, %gt3A_495 : vector<16xi32>
        tpu.vector_store_idx %arg6[%sub3A_494], %add3A_398 masked %gt3A_496 : memref<32768xi32, #tpu.memory_space<vmem>>[vector<16xi32>], vector<16xi32>, vector<16xi1>
        %add3A_497 = arith.addi %while3A_387, %all_reduce_population_count3A_406 : vector<16xi32>
        %broadcast_in_dim3A_498 = arith.constant true
        %broadcast_in_dim3A_499 = vector.broadcast %broadcast_in_dim3A_498 : i1 to vector<16xi1>
        %masked_cumsum3A_500 = tpu.scan <sum>, %select_n3A_417 masked %broadcast_in_dim3A_499 : vector<16xi32>, vector<16xi1> -> vector<16xi32>
        %add3A_501 = arith.addi %add3A_497, %masked_cumsum3A_500 : vector<16xi32>
        %sub3A_502 = arith.subi %add3A_501, %select_n3A_417 : vector<16xi32>
        %gt3A_503 = arith.constant 0 : i32
        %gt3A_504 = vector.broadcast %gt3A_503 : i32 to vector<16xi32>
        %gt3A_505 = arith.cmpi sgt, %select_n3A_417, %gt3A_504 : vector<16xi32>
        tpu.vector_store_idx %arg6[%sub3A_502], %add3A_410 masked %gt3A_505 : memref<32768xi32, #tpu.memory_space<vmem>>[vector<16xi32>], vector<16xi32>, vector<16xi1>
        %add3A_506 = arith.addi %add3A_497, %all_reduce_population_count3A_418 : vector<16xi32>
        %broadcast_in_dim3A_507 = arith.constant true
        %broadcast_in_dim3A_508 = vector.broadcast %broadcast_in_dim3A_507 : i1 to vector<16xi1>
        %masked_cumsum3A_509 = tpu.scan <sum>, %select_n3A_429 masked %broadcast_in_dim3A_508 : vector<16xi32>, vector<16xi1> -> vector<16xi32>
        %add3A_510 = arith.addi %add3A_506, %masked_cumsum3A_509 : vector<16xi32>
        %sub3A_511 = arith.subi %add3A_510, %select_n3A_429 : vector<16xi32>
        %gt3A_512 = arith.constant 0 : i32
        %gt3A_513 = vector.broadcast %gt3A_512 : i32 to vector<16xi32>
        %gt3A_514 = arith.cmpi sgt, %select_n3A_429, %gt3A_513 : vector<16xi32>
        tpu.vector_store_idx %arg6[%sub3A_511], %add3A_422 masked %gt3A_514 : memref<32768xi32, #tpu.memory_space<vmem>>[vector<16xi32>], vector<16xi32>, vector<16xi1>
        %add3A_515 = arith.addi %add3A_506, %all_reduce_population_count3A_430 : vector<16xi32>
        %broadcast_in_dim3A_516 = arith.constant true
        %broadcast_in_dim3A_517 = vector.broadcast %broadcast_in_dim3A_516 : i1 to vector<16xi1>
        %masked_cumsum3A_518 = tpu.scan <sum>, %select_n3A_441 masked %broadcast_in_dim3A_517 : vector<16xi32>, vector<16xi1> -> vector<16xi32>
        %add3A_519 = arith.addi %add3A_515, %masked_cumsum3A_518 : vector<16xi32>
        %sub3A_520 = arith.subi %add3A_519, %select_n3A_441 : vector<16xi32>
        %gt3A_521 = arith.constant 0 : i32
        %gt3A_522 = vector.broadcast %gt3A_521 : i32 to vector<16xi32>
        %gt3A_523 = arith.cmpi sgt, %select_n3A_441, %gt3A_522 : vector<16xi32>
        tpu.vector_store_idx %arg6[%sub3A_520], %add3A_434 masked %gt3A_523 : memref<32768xi32, #tpu.memory_space<vmem>>[vector<16xi32>], vector<16xi32>, vector<16xi1>
        %add3A_524 = arith.addi %add3A_515, %all_reduce_population_count3A_442 : vector<16xi32>
        %broadcast_in_dim3A_525 = arith.constant true
        %broadcast_in_dim3A_526 = vector.broadcast %broadcast_in_dim3A_525 : i1 to vector<16xi1>
        %masked_cumsum3A_527 = tpu.scan <sum>, %select_n3A_453 masked %broadcast_in_dim3A_526 : vector<16xi32>, vector<16xi1> -> vector<16xi32>
        %add3A_528 = arith.addi %add3A_524, %masked_cumsum3A_527 : vector<16xi32>
        %sub3A_529 = arith.subi %add3A_528, %select_n3A_453 : vector<16xi32>
        %gt3A_530 = arith.constant 0 : i32
        %gt3A_531 = vector.broadcast %gt3A_530 : i32 to vector<16xi32>
        %gt3A_532 = arith.cmpi sgt, %select_n3A_453, %gt3A_531 : vector<16xi32>
        tpu.vector_store_idx %arg6[%sub3A_529], %add3A_446 masked %gt3A_532 : memref<32768xi32, #tpu.memory_space<vmem>>[vector<16xi32>], vector<16xi32>, vector<16xi1>
        %add3A_533 = arith.addi %add3A_524, %all_reduce_population_count3A_454 : vector<16xi32>
        %broadcast_in_dim3A_534 = arith.constant true
        %broadcast_in_dim3A_535 = vector.broadcast %broadcast_in_dim3A_534 : i1 to vector<16xi1>
        %masked_cumsum3A_536 = tpu.scan <sum>, %select_n3A_465 masked %broadcast_in_dim3A_535 : vector<16xi32>, vector<16xi1> -> vector<16xi32>
        %add3A_537 = arith.addi %add3A_533, %masked_cumsum3A_536 : vector<16xi32>
        %sub3A_538 = arith.subi %add3A_537, %select_n3A_465 : vector<16xi32>
        %gt3A_539 = arith.constant 0 : i32
        %gt3A_540 = vector.broadcast %gt3A_539 : i32 to vector<16xi32>
        %gt3A_541 = arith.cmpi sgt, %select_n3A_465, %gt3A_540 : vector<16xi32>
        tpu.vector_store_idx %arg6[%sub3A_538], %add3A_458 masked %gt3A_541 : memref<32768xi32, #tpu.memory_space<vmem>>[vector<16xi32>], vector<16xi32>, vector<16xi1>
        %add3A_542 = arith.addi %add3A_533, %all_reduce_population_count3A_466 : vector<16xi32>
        %broadcast_in_dim3A_543 = arith.constant true
        %broadcast_in_dim3A_544 = vector.broadcast %broadcast_in_dim3A_543 : i1 to vector<16xi1>
        %masked_cumsum3A_545 = tpu.scan <sum>, %select_n3A_477 masked %broadcast_in_dim3A_544 : vector<16xi32>, vector<16xi1> -> vector<16xi32>
        %add3A_546 = arith.addi %add3A_542, %masked_cumsum3A_545 : vector<16xi32>
        %sub3A_547 = arith.subi %add3A_546, %select_n3A_477 : vector<16xi32>
        %gt3A_548 = arith.constant 0 : i32
        %gt3A_549 = vector.broadcast %gt3A_548 : i32 to vector<16xi32>
        %gt3A_550 = arith.cmpi sgt, %select_n3A_477, %gt3A_549 : vector<16xi32>
        tpu.vector_store_idx %arg6[%sub3A_547], %add3A_470 masked %gt3A_550 : memref<32768xi32, #tpu.memory_space<vmem>>[vector<16xi32>], vector<16xi32>, vector<16xi1>
        %add3A_551 = arith.addi %add3A_542, %all_reduce_population_count3A_478 : vector<16xi32>
        %broadcast_in_dim3A_552 = arith.constant true
        %broadcast_in_dim3A_553 = vector.broadcast %broadcast_in_dim3A_552 : i1 to vector<16xi1>
        %masked_cumsum3A_554 = tpu.scan <sum>, %select_n3A_489 masked %broadcast_in_dim3A_553 : vector<16xi32>, vector<16xi1> -> vector<16xi32>
        %add3A_555 = arith.addi %add3A_551, %masked_cumsum3A_554 : vector<16xi32>
        %sub3A_556 = arith.subi %add3A_555, %select_n3A_489 : vector<16xi32>
        %gt3A_557 = arith.constant 0 : i32
        %gt3A_558 = vector.broadcast %gt3A_557 : i32 to vector<16xi32>
        %gt3A_559 = arith.cmpi sgt, %select_n3A_489, %gt3A_558 : vector<16xi32>
        tpu.vector_store_idx %arg6[%sub3A_556], %add3A_482 masked %gt3A_559 : memref<32768xi32, #tpu.memory_space<vmem>>[vector<16xi32>], vector<16xi32>, vector<16xi1>
        %add3A_560 = arith.addi %add3A_551, %all_reduce_population_count3A_490 : vector<16xi32>
        %eq3A = arith.cmpi eq, %iota3A, %all_reduce_ffs3A : vector<16xi32>
        %broadcast_in_dim3A_561 = arith.constant 0xFF800000 : f32
        %broadcast_in_dim3A_562 = vector.broadcast %broadcast_in_dim3A_561 : f32 to vector<16xf32>
        %select_n3A_563 = arith.select %eq3A, %broadcast_in_dim3A_562, %while3A_386 : vector<16xi1>, vector<16xf32>
        scf.yield %select_n3A_563, %add3A_560 : vector<16xf32>, vector<16xi32>
      }
      %while3A_383 = arith.constant 1 : i32
      %while3A_384:2 = scf.for %while3A_385 = %while3A_380 to %while3A_376 step %while3A_383 iter_args(%while3A_386 = %while3A_382#0, %while3A_387 = %while3A_382#1) -> (vector<16xf32>, vector<16xi32>)  : i32 {
        %ge3A_388 = arith.cmpf oge, %while3A_386, %min3A_292 : vector<16xf32>
        %all_reduce_ffs3A = tpu.all_reduce %ge3A_388 {dim = 0 : i64, kind = #tpu.reduction_kind<find_first_set>} : vector<16xi1> -> vector<16xi32>
        %mul3A_389 = arith.constant 2048 : i32
        %mul3A_390 = arith.muli %scan3A_360, %mul3A_389 : i32
        %broadcast_in_dim3A_391 = vector.broadcast %mul3A_390 : i32 to vector<16xi32>
        %shift_left3A = arith.constant 7 : i32
        %shift_left3A_392 = vector.broadcast %shift_left3A : i32 to vector<16xi32>
        %shift_left3A_393 = arith.shli %all_reduce_ffs3A, %shift_left3A_392 : vector<16xi32>
        %add3A_394 = arith.addi %broadcast_in_dim3A_391, %shift_left3A_393 : vector<16xi32>
        %broadcast_in_dim3A_395 = arith.constant 0 : i32
        %broadcast_in_dim3A_396 = vector.broadcast %broadcast_in_dim3A_395 : i32 to vector<16xi32>
        %add3A_397 = arith.addi %add3A_394, %broadcast_in_dim3A_396 : vector<16xi32>
        %add3A_398 = arith.addi %add3A_397, %iota3A : vector<16xi32>
        %gather3A_399 = tpu.vector_load_idx %arg5[%broadcast_in_dim3A_198, %add3A_398] : memref<2x32768xf32, #tpu.memory_space<vmem>>[vector<16xi32>, vector<16xi32>], vector<16xf32>,
        %ge3A_400 = arith.cmpf oge, %gather3A_399, %min3A_292 : vector<16xf32>
        %broadcast_in_dim3A_401 = arith.constant 1 : i32
        %broadcast_in_dim3A_402 = vector.broadcast %broadcast_in_dim3A_401 : i32 to vector<16xi32>
        %broadcast_in_dim3A_403 = arith.constant 0 : i32
        %broadcast_in_dim3A_404 = vector.broadcast %broadcast_in_dim3A_403 : i32 to vector<16xi32>
        %select_n3A_405 = arith.select %ge3A_400, %broadcast_in_dim3A_402, %broadcast_in_dim3A_404 : vector<16xi1>, vector<16xi32>
        %all_reduce_population_count3A_406 = tpu.all_reduce %ge3A_400 {dim = 0 : i64, kind = #tpu.reduction_kind<sum>} : vector<16xi1> -> vector<16xi32>
        %broadcast_in_dim3A_407 = arith.constant 16 : i32
        %broadcast_in_dim3A_408 = vector.broadcast %broadcast_in_dim3A_407 : i32 to vector<16xi32>
        %add3A_409 = arith.addi %add3A_394, %broadcast_in_dim3A_408 : vector<16xi32>
        %add3A_410 = arith.addi %add3A_409, %iota3A : vector<16xi32>
        %gather3A_411 = tpu.vector_load_idx %arg5[%broadcast_in_dim3A_198, %add3A_410] : memref<2x32768xf32, #tpu.memory_space<vmem>>[vector<16xi32>, vector<16xi32>], vector<16xf32>,
        %ge3A_412 = arith.cmpf oge, %gather3A_411, %min3A_292 : vector<16xf32>
        %broadcast_in_dim3A_413 = arith.constant 1 : i32
        %broadcast_in_dim3A_414 = vector.broadcast %broadcast_in_dim3A_413 : i32 to vector<16xi32>
        %broadcast_in_dim3A_415 = arith.constant 0 : i32
        %broadcast_in_dim3A_416 = vector.broadcast %broadcast_in_dim3A_415 : i32 to vector<16xi32>
        %select_n3A_417 = arith.select %ge3A_412, %broadcast_in_dim3A_414, %broadcast_in_dim3A_416 : vector<16xi1>, vector<16xi32>
        %all_reduce_population_count3A_418 = tpu.all_reduce %ge3A_412 {dim = 0 : i64, kind = #tpu.reduction_kind<sum>} : vector<16xi1> -> vector<16xi32>
        %broadcast_in_dim3A_419 = arith.constant 32 : i32
        %broadcast_in_dim3A_420 = vector.broadcast %broadcast_in_dim3A_419 : i32 to vector<16xi32>
        %add3A_421 = arith.addi %add3A_394, %broadcast_in_dim3A_420 : vector<16xi32>
        %add3A_422 = arith.addi %add3A_421, %iota3A : vector<16xi32>
        %gather3A_423 = tpu.vector_load_idx %arg5[%broadcast_in_dim3A_198, %add3A_422] : memref<2x32768xf32, #tpu.memory_space<vmem>>[vector<16xi32>, vector<16xi32>], vector<16xf32>,
        %ge3A_424 = arith.cmpf oge, %gather3A_423, %min3A_292 : vector<16xf32>
        %broadcast_in_dim3A_425 = arith.constant 1 : i32
        %broadcast_in_dim3A_426 = vector.broadcast %broadcast_in_dim3A_425 : i32 to vector<16xi32>
        %broadcast_in_dim3A_427 = arith.constant 0 : i32
        %broadcast_in_dim3A_428 = vector.broadcast %broadcast_in_dim3A_427 : i32 to vector<16xi32>
        %select_n3A_429 = arith.select %ge3A_424, %broadcast_in_dim3A_426, %broadcast_in_dim3A_428 : vector<16xi1>, vector<16xi32>
        %all_reduce_population_count3A_430 = tpu.all_reduce %ge3A_424 {dim = 0 : i64, kind = #tpu.reduction_kind<sum>} : vector<16xi1> -> vector<16xi32>
        %broadcast_in_dim3A_431 = arith.constant 48 : i32
        %broadcast_in_dim3A_432 = vector.broadcast %broadcast_in_dim3A_431 : i32 to vector<16xi32>
        %add3A_433 = arith.addi %add3A_394, %broadcast_in_dim3A_432 : vector<16xi32>
        %add3A_434 = arith.addi %add3A_433, %iota3A : vector<16xi32>
        %gather3A_435 = tpu.vector_load_idx %arg5[%broadcast_in_dim3A_198, %add3A_434] : memref<2x32768xf32, #tpu.memory_space<vmem>>[vector<16xi32>, vector<16xi32>], vector<16xf32>,
        %ge3A_436 = arith.cmpf oge, %gather3A_435, %min3A_292 : vector<16xf32>
        %broadcast_in_dim3A_437 = arith.constant 1 : i32
        %broadcast_in_dim3A_438 = vector.broadcast %broadcast_in_dim3A_437 : i32 to vector<16xi32>
        %broadcast_in_dim3A_439 = arith.constant 0 : i32
        %broadcast_in_dim3A_440 = vector.broadcast %broadcast_in_dim3A_439 : i32 to vector<16xi32>
        %select_n3A_441 = arith.select %ge3A_436, %broadcast_in_dim3A_438, %broadcast_in_dim3A_440 : vector<16xi1>, vector<16xi32>
        %all_reduce_population_count3A_442 = tpu.all_reduce %ge3A_436 {dim = 0 : i64, kind = #tpu.reduction_kind<sum>} : vector<16xi1> -> vector<16xi32>
        %broadcast_in_dim3A_443 = arith.constant 64 : i32
        %broadcast_in_dim3A_444 = vector.broadcast %broadcast_in_dim3A_443 : i32 to vector<16xi32>
        %add3A_445 = arith.addi %add3A_394, %broadcast_in_dim3A_444 : vector<16xi32>
        %add3A_446 = arith.addi %add3A_445, %iota3A : vector<16xi32>
        %gather3A_447 = tpu.vector_load_idx %arg5[%broadcast_in_dim3A_198, %add3A_446] : memref<2x32768xf32, #tpu.memory_space<vmem>>[vector<16xi32>, vector<16xi32>], vector<16xf32>,
        %ge3A_448 = arith.cmpf oge, %gather3A_447, %min3A_292 : vector<16xf32>
        %broadcast_in_dim3A_449 = arith.constant 1 : i32
        %broadcast_in_dim3A_450 = vector.broadcast %broadcast_in_dim3A_449 : i32 to vector<16xi32>
        %broadcast_in_dim3A_451 = arith.constant 0 : i32
        %broadcast_in_dim3A_452 = vector.broadcast %broadcast_in_dim3A_451 : i32 to vector<16xi32>
        %select_n3A_453 = arith.select %ge3A_448, %broadcast_in_dim3A_450, %broadcast_in_dim3A_452 : vector<16xi1>, vector<16xi32>
        %all_reduce_population_count3A_454 = tpu.all_reduce %ge3A_448 {dim = 0 : i64, kind = #tpu.reduction_kind<sum>} : vector<16xi1> -> vector<16xi32>
        %broadcast_in_dim3A_455 = arith.constant 80 : i32
        %broadcast_in_dim3A_456 = vector.broadcast %broadcast_in_dim3A_455 : i32 to vector<16xi32>
        %add3A_457 = arith.addi %add3A_394, %broadcast_in_dim3A_456 : vector<16xi32>
        %add3A_458 = arith.addi %add3A_457, %iota3A : vector<16xi32>
        %gather3A_459 = tpu.vector_load_idx %arg5[%broadcast_in_dim3A_198, %add3A_458] : memref<2x32768xf32, #tpu.memory_space<vmem>>[vector<16xi32>, vector<16xi32>], vector<16xf32>,
        %ge3A_460 = arith.cmpf oge, %gather3A_459, %min3A_292 : vector<16xf32>
        %broadcast_in_dim3A_461 = arith.constant 1 : i32
        %broadcast_in_dim3A_462 = vector.broadcast %broadcast_in_dim3A_461 : i32 to vector<16xi32>
        %broadcast_in_dim3A_463 = arith.constant 0 : i32
        %broadcast_in_dim3A_464 = vector.broadcast %broadcast_in_dim3A_463 : i32 to vector<16xi32>
        %select_n3A_465 = arith.select %ge3A_460, %broadcast_in_dim3A_462, %broadcast_in_dim3A_464 : vector<16xi1>, vector<16xi32>
        %all_reduce_population_count3A_466 = tpu.all_reduce %ge3A_460 {dim = 0 : i64, kind = #tpu.reduction_kind<sum>} : vector<16xi1> -> vector<16xi32>
        %broadcast_in_dim3A_467 = arith.constant 96 : i32
        %broadcast_in_dim3A_468 = vector.broadcast %broadcast_in_dim3A_467 : i32 to vector<16xi32>
        %add3A_469 = arith.addi %add3A_394, %broadcast_in_dim3A_468 : vector<16xi32>
        %add3A_470 = arith.addi %add3A_469, %iota3A : vector<16xi32>
        %gather3A_471 = tpu.vector_load_idx %arg5[%broadcast_in_dim3A_198, %add3A_470] : memref<2x32768xf32, #tpu.memory_space<vmem>>[vector<16xi32>, vector<16xi32>], vector<16xf32>,
        %ge3A_472 = arith.cmpf oge, %gather3A_471, %min3A_292 : vector<16xf32>
        %broadcast_in_dim3A_473 = arith.constant 1 : i32
        %broadcast_in_dim3A_474 = vector.broadcast %broadcast_in_dim3A_473 : i32 to vector<16xi32>
        %broadcast_in_dim3A_475 = arith.constant 0 : i32
        %broadcast_in_dim3A_476 = vector.broadcast %broadcast_in_dim3A_475 : i32 to vector<16xi32>
        %select_n3A_477 = arith.select %ge3A_472, %broadcast_in_dim3A_474, %broadcast_in_dim3A_476 : vector<16xi1>, vector<16xi32>
        %all_reduce_population_count3A_478 = tpu.all_reduce %ge3A_472 {dim = 0 : i64, kind = #tpu.reduction_kind<sum>} : vector<16xi1> -> vector<16xi32>
        %broadcast_in_dim3A_479 = arith.constant 112 : i32
        %broadcast_in_dim3A_480 = vector.broadcast %broadcast_in_dim3A_479 : i32 to vector<16xi32>
        %add3A_481 = arith.addi %add3A_394, %broadcast_in_dim3A_480 : vector<16xi32>
        %add3A_482 = arith.addi %add3A_481, %iota3A : vector<16xi32>
        %gather3A_483 = tpu.vector_load_idx %arg5[%broadcast_in_dim3A_198, %add3A_482] : memref<2x32768xf32, #tpu.memory_space<vmem>>[vector<16xi32>, vector<16xi32>], vector<16xf32>,
        %ge3A_484 = arith.cmpf oge, %gather3A_483, %min3A_292 : vector<16xf32>
        %broadcast_in_dim3A_485 = arith.constant 1 : i32
        %broadcast_in_dim3A_486 = vector.broadcast %broadcast_in_dim3A_485 : i32 to vector<16xi32>
        %broadcast_in_dim3A_487 = arith.constant 0 : i32
        %broadcast_in_dim3A_488 = vector.broadcast %broadcast_in_dim3A_487 : i32 to vector<16xi32>
        %select_n3A_489 = arith.select %ge3A_484, %broadcast_in_dim3A_486, %broadcast_in_dim3A_488 : vector<16xi1>, vector<16xi32>
        %all_reduce_population_count3A_490 = tpu.all_reduce %ge3A_484 {dim = 0 : i64, kind = #tpu.reduction_kind<sum>} : vector<16xi1> -> vector<16xi32>
        %broadcast_in_dim3A_491 = arith.constant true
        %broadcast_in_dim3A_492 = vector.broadcast %broadcast_in_dim3A_491 : i1 to vector<16xi1>
        %masked_cumsum3A = tpu.scan <sum>, %select_n3A_405 masked %broadcast_in_dim3A_492 : vector<16xi32>, vector<16xi1> -> vector<16xi32>
        %add3A_493 = arith.addi %while3A_387, %masked_cumsum3A : vector<16xi32>
        %sub3A_494 = arith.subi %add3A_493, %select_n3A_405 : vector<16xi32>
        %gt3A = arith.constant 0 : i32
        %gt3A_495 = vector.broadcast %gt3A : i32 to vector<16xi32>
        %gt3A_496 = arith.cmpi sgt, %select_n3A_405, %gt3A_495 : vector<16xi32>
        tpu.vector_store_idx %arg6[%sub3A_494], %add3A_398 masked %gt3A_496 : memref<32768xi32, #tpu.memory_space<vmem>>[vector<16xi32>], vector<16xi32>, vector<16xi1>
        %add3A_497 = arith.addi %while3A_387, %all_reduce_population_count3A_406 : vector<16xi32>
        %broadcast_in_dim3A_498 = arith.constant true
        %broadcast_in_dim3A_499 = vector.broadcast %broadcast_in_dim3A_498 : i1 to vector<16xi1>
        %masked_cumsum3A_500 = tpu.scan <sum>, %select_n3A_417 masked %broadcast_in_dim3A_499 : vector<16xi32>, vector<16xi1> -> vector<16xi32>
        %add3A_501 = arith.addi %add3A_497, %masked_cumsum3A_500 : vector<16xi32>
        %sub3A_502 = arith.subi %add3A_501, %select_n3A_417 : vector<16xi32>
        %gt3A_503 = arith.constant 0 : i32
        %gt3A_504 = vector.broadcast %gt3A_503 : i32 to vector<16xi32>
        %gt3A_505 = arith.cmpi sgt, %select_n3A_417, %gt3A_504 : vector<16xi32>
        tpu.vector_store_idx %arg6[%sub3A_502], %add3A_410 masked %gt3A_505 : memref<32768xi32, #tpu.memory_space<vmem>>[vector<16xi32>], vector<16xi32>, vector<16xi1>
        %add3A_506 = arith.addi %add3A_497, %all_reduce_population_count3A_418 : vector<16xi32>
        %broadcast_in_dim3A_507 = arith.constant true
        %broadcast_in_dim3A_508 = vector.broadcast %broadcast_in_dim3A_507 : i1 to vector<16xi1>
        %masked_cumsum3A_509 = tpu.scan <sum>, %select_n3A_429 masked %broadcast_in_dim3A_508 : vector<16xi32>, vector<16xi1> -> vector<16xi32>
        %add3A_510 = arith.addi %add3A_506, %masked_cumsum3A_509 : vector<16xi32>
        %sub3A_511 = arith.subi %add3A_510, %select_n3A_429 : vector<16xi32>
        %gt3A_512 = arith.constant 0 : i32
        %gt3A_513 = vector.broadcast %gt3A_512 : i32 to vector<16xi32>
        %gt3A_514 = arith.cmpi sgt, %select_n3A_429, %gt3A_513 : vector<16xi32>
        tpu.vector_store_idx %arg6[%sub3A_511], %add3A_422 masked %gt3A_514 : memref<32768xi32, #tpu.memory_space<vmem>>[vector<16xi32>], vector<16xi32>, vector<16xi1>
        %add3A_515 = arith.addi %add3A_506, %all_reduce_population_count3A_430 : vector<16xi32>
        %broadcast_in_dim3A_516 = arith.constant true
        %broadcast_in_dim3A_517 = vector.broadcast %broadcast_in_dim3A_516 : i1 to vector<16xi1>
        %masked_cumsum3A_518 = tpu.scan <sum>, %select_n3A_441 masked %broadcast_in_dim3A_517 : vector<16xi32>, vector<16xi1> -> vector<16xi32>
        %add3A_519 = arith.addi %add3A_515, %masked_cumsum3A_518 : vector<16xi32>
        %sub3A_520 = arith.subi %add3A_519, %select_n3A_441 : vector<16xi32>
        %gt3A_521 = arith.constant 0 : i32
        %gt3A_522 = vector.broadcast %gt3A_521 : i32 to vector<16xi32>
        %gt3A_523 = arith.cmpi sgt, %select_n3A_441, %gt3A_522 : vector<16xi32>
        tpu.vector_store_idx %arg6[%sub3A_520], %add3A_434 masked %gt3A_523 : memref<32768xi32, #tpu.memory_space<vmem>>[vector<16xi32>], vector<16xi32>, vector<16xi1>
        %add3A_524 = arith.addi %add3A_515, %all_reduce_population_count3A_442 : vector<16xi32>
        %broadcast_in_dim3A_525 = arith.constant true
        %broadcast_in_dim3A_526 = vector.broadcast %broadcast_in_dim3A_525 : i1 to vector<16xi1>
        %masked_cumsum3A_527 = tpu.scan <sum>, %select_n3A_453 masked %broadcast_in_dim3A_526 : vector<16xi32>, vector<16xi1> -> vector<16xi32>
        %add3A_528 = arith.addi %add3A_524, %masked_cumsum3A_527 : vector<16xi32>
        %sub3A_529 = arith.subi %add3A_528, %select_n3A_453 : vector<16xi32>
        %gt3A_530 = arith.constant 0 : i32
        %gt3A_531 = vector.broadcast %gt3A_530 : i32 to vector<16xi32>
        %gt3A_532 = arith.cmpi sgt, %select_n3A_453, %gt3A_531 : vector<16xi32>
        tpu.vector_store_idx %arg6[%sub3A_529], %add3A_446 masked %gt3A_532 : memref<32768xi32, #tpu.memory_space<vmem>>[vector<16xi32>], vector<16xi32>, vector<16xi1>
        %add3A_533 = arith.addi %add3A_524, %all_reduce_population_count3A_454 : vector<16xi32>
        %broadcast_in_dim3A_534 = arith.constant true
        %broadcast_in_dim3A_535 = vector.broadcast %broadcast_in_dim3A_534 : i1 to vector<16xi1>
        %masked_cumsum3A_536 = tpu.scan <sum>, %select_n3A_465 masked %broadcast_in_dim3A_535 : vector<16xi32>, vector<16xi1> -> vector<16xi32>
        %add3A_537 = arith.addi %add3A_533, %masked_cumsum3A_536 : vector<16xi32>
        %sub3A_538 = arith.subi %add3A_537, %select_n3A_465 : vector<16xi32>
        %gt3A_539 = arith.constant 0 : i32
        %gt3A_540 = vector.broadcast %gt3A_539 : i32 to vector<16xi32>
        %gt3A_541 = arith.cmpi sgt, %select_n3A_465, %gt3A_540 : vector<16xi32>
        tpu.vector_store_idx %arg6[%sub3A_538], %add3A_458 masked %gt3A_541 : memref<32768xi32, #tpu.memory_space<vmem>>[vector<16xi32>], vector<16xi32>, vector<16xi1>
        %add3A_542 = arith.addi %add3A_533, %all_reduce_population_count3A_466 : vector<16xi32>
        %broadcast_in_dim3A_543 = arith.constant true
        %broadcast_in_dim3A_544 = vector.broadcast %broadcast_in_dim3A_543 : i1 to vector<16xi1>
        %masked_cumsum3A_545 = tpu.scan <sum>, %select_n3A_477 masked %broadcast_in_dim3A_544 : vector<16xi32>, vector<16xi1> -> vector<16xi32>
        %add3A_546 = arith.addi %add3A_542, %masked_cumsum3A_545 : vector<16xi32>
        %sub3A_547 = arith.subi %add3A_546, %select_n3A_477 : vector<16xi32>
        %gt3A_548 = arith.constant 0 : i32
        %gt3A_549 = vector.broadcast %gt3A_548 : i32 to vector<16xi32>
        %gt3A_550 = arith.cmpi sgt, %select_n3A_477, %gt3A_549 : vector<16xi32>
        tpu.vector_store_idx %arg6[%sub3A_547], %add3A_470 masked %gt3A_550 : memref<32768xi32, #tpu.memory_space<vmem>>[vector<16xi32>], vector<16xi32>, vector<16xi1>
        %add3A_551 = arith.addi %add3A_542, %all_reduce_population_count3A_478 : vector<16xi32>
        %broadcast_in_dim3A_552 = arith.constant true
        %broadcast_in_dim3A_553 = vector.broadcast %broadcast_in_dim3A_552 : i1 to vector<16xi1>
        %masked_cumsum3A_554 = tpu.scan <sum>, %select_n3A_489 masked %broadcast_in_dim3A_553 : vector<16xi32>, vector<16xi1> -> vector<16xi32>
        %add3A_555 = arith.addi %add3A_551, %masked_cumsum3A_554 : vector<16xi32>
        %sub3A_556 = arith.subi %add3A_555, %select_n3A_489 : vector<16xi32>
        %gt3A_557 = arith.constant 0 : i32
        %gt3A_558 = vector.broadcast %gt3A_557 : i32 to vector<16xi32>
        %gt3A_559 = arith.cmpi sgt, %select_n3A_489, %gt3A_558 : vector<16xi32>
        tpu.vector_store_idx %arg6[%sub3A_556], %add3A_482 masked %gt3A_559 : memref<32768xi32, #tpu.memory_space<vmem>>[vector<16xi32>], vector<16xi32>, vector<16xi1>
        %add3A_560 = arith.addi %add3A_551, %all_reduce_population_count3A_490 : vector<16xi32>
        %eq3A = arith.cmpi eq, %iota3A, %all_reduce_ffs3A : vector<16xi32>
        %broadcast_in_dim3A_561 = arith.constant 0xFF800000 : f32
        %broadcast_in_dim3A_562 = vector.broadcast %broadcast_in_dim3A_561 : f32 to vector<16xf32>
        %select_n3A_563 = arith.select %eq3A, %broadcast_in_dim3A_562, %while3A_386 : vector<16xi1>, vector<16xf32>
        scf.yield %select_n3A_563, %add3A_560 : vector<16xf32>, vector<16xi32>
      }
      scf.yield %while3A_384#1 : vector<16xi32>
    }
    %scan3A_300 = arith.constant 16 : i32
    %reduce_max3A_301 = arith.constant true
    %reduce_max3A_302 = vector.broadcast %reduce_max3A_301 : i1 to vector<16xi1>
    %reduce_max3A_303 = arith.constant -2147483648 : i32
    %reduce_max3A_304 = vector.broadcast %reduce_max3A_303 : i32 to vector<16xi32>
    %reduce_max3A_305 = arith.xori %scan3A_299, %reduce_max3A_304 : vector<16xi32>
    %reduce_max3A_306 = tpu.scan <max>, %reduce_max3A_305 masked %reduce_max3A_302 : vector<16xi32>, vector<16xi1> -> vector<16xi32>
    %reduce_max3A_307 = arith.xori %reduce_max3A_306, %reduce_max3A_304 : vector<16xi32>
    %reduce_max3A_308 = vector.extract %reduce_max3A_307[15] : i32 from vector<16xi32>
    %broadcast_in_dim3A_309 = arith.constant 0xFF800000 : f32
    %broadcast_in_dim3A_310 = vector.broadcast %broadcast_in_dim3A_309 : f32 to vector<16xf32>
    %broadcast_in_dim3A_311 = arith.constant 0 : i32
    %broadcast_in_dim3A_312 = vector.broadcast %broadcast_in_dim3A_311 : i32 to vector<16xi32>
    %add3A_313 = arith.constant 16 : i32
    %add3A_314 = arith.addi %reduce_max3A_308, %add3A_313 : i32
    %sub3A_315 = arith.constant 1 : i32
    %sub3A_316 = arith.subi %add3A_314, %sub3A_315 : i32
    %jit3A_317 = arith.constant 16 : i32
    %div3A_318 = arith.divsi %sub3A_316, %jit3A_317 : i32
    %sign3A_319 = arith.constant 0 : i32
    %sign3A_320 = arith.cmpi sgt, %sub3A_316, %sign3A_319 : i32
    %sign3A_321 = arith.extui %sign3A_320 : i1 to i32
    %sign3A_322 = arith.constant 0 : i32
    %sign3A_323 = arith.cmpi slt, %sub3A_316, %sign3A_322 : i32
    %sign3A_324 = arith.extui %sign3A_323 : i1 to i32
    %sign3A_325 = arith.subi %sign3A_321, %sign3A_324 : i32
    %sign3A_326 = arith.constant 0 : i32
    %sign3A_327 = arith.cmpi sgt, %jit3A_317, %sign3A_326 : i32
    %sign3A_328 = arith.extui %sign3A_327 : i1 to i32
    %sign3A_329 = arith.constant 0 : i32
    %sign3A_330 = arith.cmpi slt, %jit3A_317, %sign3A_329 : i32
    %sign3A_331 = arith.extui %sign3A_330 : i1 to i32
    %sign3A_332 = arith.subi %sign3A_328, %sign3A_331 : i32
    %ne3A_333 = arith.cmpi ne, %sign3A_325, %sign3A_332 : i32
    %rem3A_334 = arith.remsi %sub3A_316, %jit3A_317 : i32
    %ne3A_335 = arith.constant 0 : i32
    %ne3A_336 = arith.cmpi ne, %rem3A_334, %ne3A_335 : i32
    %and3A_337 = arith.andi %ne3A_333, %ne3A_336 : i1
    %sub3A_338 = arith.constant 1 : i32
    %sub3A_339 = arith.subi %div3A_318, %sub3A_338 : i32
    %select_n3A_340 = arith.select %and3A_337, %sub3A_339, %div3A_318 : i32
    %while3A_341 = arith.constant 0 : i32
    %while3A_342 = arith.subi %select_n3A_340, %while3A_341 : i32
    %while3A_343 = arith.addi %while3A_341, %while3A_342 : i32
    %while3A_344 = arith.constant 1 : i32
    %while3A_345 = arith.divsi %while3A_342, %while3A_344 : i32
    %while3A_346 = arith.muli %while3A_345, %while3A_344 : i32
    %while3A_347 = arith.addi %while3A_341, %while3A_346 : i32
    %while3A_348 = arith.constant 1 : i32
    %while3A_349:2 = scf.for %while3A_360 = %while3A_341 to %while3A_347 step %while3A_348 iter_args(%while3A_361 = %broadcast_in_dim3A_310, %while3A_362 = %broadcast_in_dim3A_312) -> (vector<16xf32>, vector<16xi32>)  : i32 {
      %mul3A_363 = arith.constant 16 : i32
      %mul3A_364 = arith.muli %while3A_360, %mul3A_363 : i32
      %get3A_365 = arith.index_cast %mul3A_364 : i32 to index
      %get3A_366 = tpu.vector_load %arg6[%get3A_365] {strides = array<i32>} : memref<32768xi32, #tpu.memory_space<vmem>>, vector<16xi32>,
      %mul3A_367 = arith.constant 16 : i32
      %mul3A_368 = arith.muli %while3A_360, %mul3A_367 : i32
      %broadcast_in_dim3A_369 = vector.broadcast %mul3A_368 : i32 to vector<16xi32>
      %add3A_370 = arith.addi %broadcast_in_dim3A_369, %iota3A : vector<16xi32>
      %lt3A = arith.cmpi slt, %add3A_370, %scan3A_299 : vector<16xi32>
      %max3A_371 = arith.constant 0 : i32
      %max3A_372 = vector.broadcast %max3A_371 : i32 to vector<16xi32>
      %max3A_373 = arith.maxsi %get3A_366, %max3A_372 : vector<16xi32>
      %min3A_374 = arith.constant 32767 : i32
      %min3A_375 = vector.broadcast %min3A_374 : i32 to vector<16xi32>
      %min3A_376 = arith.minsi %max3A_373, %min3A_375 : vector<16xi32>
      %gather3A_377 = tpu.vector_load_idx %arg5[%broadcast_in_dim3A_198, %min3A_376] : memref<2x32768xf32, #tpu.memory_space<vmem>>[vector<16xi32>, vector<16xi32>], vector<16xf32>,
      %broadcast_in_dim3A_378 = arith.constant 0xFF800000 : f32
      %broadcast_in_dim3A_379 = vector.broadcast %broadcast_in_dim3A_378 : f32 to vector<16xf32>
      %select_n3A_380 = arith.select %lt3A, %gather3A_377, %broadcast_in_dim3A_379 : vector<16xi1>, vector<16xf32>
      %broadcast_in_dim3A_381 = arith.constant 0 : i32
      %broadcast_in_dim3A_382 = vector.broadcast %broadcast_in_dim3A_381 : i32 to vector<16xi32>
      %select_n3A_383 = arith.select %lt3A, %min3A_376, %broadcast_in_dim3A_382 : vector<16xi1>, vector<16xi32>
      %mul3A_384 = arith.constant 16 : i32
      %mul3A_385 = arith.muli %while3A_360, %mul3A_384 : i32
      %sub3A_386 = arith.subi %reduce_max3A_308, %mul3A_385 : i32
      %min3A_387 = arith.constant 16 : i32
      %min3A_388 = arith.minsi %sub3A_386, %min3A_387 : i32
      %while3A_389 = arith.constant 0 : i32
      %while3A_390 = arith.subi %min3A_388, %while3A_389 : i32
      %while3A_391 = arith.addi %while3A_389, %while3A_390 : i32
      %while3A_392 = arith.constant 1 : i32
      %while3A_393 = arith.divsi %while3A_390, %while3A_392 : i32
      %while3A_394 = arith.muli %while3A_393, %while3A_392 : i32
      %while3A_395 = arith.addi %while3A_389, %while3A_394 : i32
      %while3A_396 = arith.constant 1 : i32
      %while3A_397:3 = scf.for %while3A_400 = %while3A_389 to %while3A_395 step %while3A_396 iter_args(%while3A_401 = %select_n3A_380, %while3A_402 = %while3A_361, %while3A_403 = %while3A_362) -> (vector<16xf32>, vector<16xf32>, vector<16xi32>)  : i32 {
        %ge3A = arith.cmpf oge, %while3A_401, %min3A_292 : vector<16xf32>
        %all_reduce_ffs3A = tpu.all_reduce %ge3A {dim = 0 : i64, kind = #tpu.reduction_kind<find_first_set>} : vector<16xi1> -> vector<16xi32>
        %broadcast_in_dim3A_404 = vector.shape_cast %all_reduce_ffs3A : vector<16xi32> to vector<16x1xi32>
        %gather3A_405 = vector.shape_cast %broadcast_in_dim3A_404 : vector<16x1xi32> to vector<16xi32>
        %gather3A_406 = tpu.dynamic_gather %while3A_401[%gather3A_405] in [0] : vector<16xf32>, vector<16xi32> -> vector<16xf32>
        %broadcast_in_dim3A_407 = vector.shape_cast %all_reduce_ffs3A : vector<16xi32> to vector<16x1xi32>
        %gather3A_408 = vector.shape_cast %broadcast_in_dim3A_407 : vector<16x1xi32> to vector<16xi32>
        %gather3A_409 = tpu.dynamic_gather %select_n3A_383[%gather3A_408] in [0] : vector<16xi32>, vector<16xi32> -> vector<16xi32>
        %ge3A_410 = arith.cmpf oge, %while3A_402, %gather3A_406 : vector<16xf32>
        %all_reduce_population_count3A = tpu.all_reduce %ge3A_410 {dim = 0 : i64, kind = #tpu.reduction_kind<sum>} : vector<16xi1> -> vector<16xi32>
        %sub3A_411 = arith.constant 1 : i32
        %sub3A_412 = vector.broadcast %sub3A_411 : i32 to vector<16xi32>
        %sub3A_413 = arith.subi %iota3A, %sub3A_412 : vector<16xi32>
        %max3A_414 = arith.constant 0 : i32
        %max3A_415 = vector.broadcast %max3A_414 : i32 to vector<16xi32>
        %max3A_416 = arith.maxsi %sub3A_413, %max3A_415 : vector<16xi32>
        %broadcast_in_dim3A_417 = vector.shape_cast %max3A_416 : vector<16xi32> to vector<16x1xi32>
        %gather3A_418 = vector.shape_cast %broadcast_in_dim3A_417 : vector<16x1xi32> to vector<16xi32>
        %gather3A_419 = tpu.dynamic_gather %while3A_402[%gather3A_418] in [0] : vector<16xf32>, vector<16xi32> -> vector<16xf32>
        %sub3A_420 = arith.constant 1 : i32
        %sub3A_421 = vector.broadcast %sub3A_420 : i32 to vector<16xi32>
        %sub3A_422 = arith.subi %iota3A, %sub3A_421 : vector<16xi32>
        %max3A_423 = arith.constant 0 : i32
        %max3A_424 = vector.broadcast %max3A_423 : i32 to vector<16xi32>
        %max3A_425 = arith.maxsi %sub3A_422, %max3A_424 : vector<16xi32>
        %broadcast_in_dim3A_426 = vector.shape_cast %max3A_425 : vector<16xi32> to vector<16x1xi32>
        %gather3A_427 = vector.shape_cast %broadcast_in_dim3A_426 : vector<16x1xi32> to vector<16xi32>
        %gather3A_428 = tpu.dynamic_gather %while3A_403[%gather3A_427] in [0] : vector<16xi32>, vector<16xi32> -> vector<16xi32>
        %lt3A_429 = arith.cmpi slt, %iota3A, %all_reduce_population_count3A : vector<16xi32>
        %eq3A = arith.cmpi eq, %iota3A, %all_reduce_population_count3A : vector<16xi32>
        %select_n3A_430 = arith.select %eq3A, %gather3A_406, %gather3A_419 : vector<16xi1>, vector<16xf32>
        %select_n3A_431 = arith.select %lt3A_429, %while3A_402, %select_n3A_430 : vector<16xi1>, vector<16xf32>
        %lt3A_432 = arith.cmpi slt, %iota3A, %all_reduce_population_count3A : vector<16xi32>
        %eq3A_433 = arith.cmpi eq, %iota3A, %all_reduce_population_count3A : vector<16xi32>
        %select_n3A_434 = arith.select %eq3A_433, %gather3A_409, %gather3A_428 : vector<16xi1>, vector<16xi32>
        %select_n3A_435 = arith.select %lt3A_432, %while3A_403, %select_n3A_434 : vector<16xi1>, vector<16xi32>
        %eq3A_436 = arith.cmpi eq, %iota3A, %all_reduce_ffs3A : vector<16xi32>
        %broadcast_in_dim3A_437 = arith.constant 0xFF800000 : f32
        %broadcast_in_dim3A_438 = vector.broadcast %broadcast_in_dim3A_437 : f32 to vector<16xf32>
        %select_n3A_439 = arith.select %eq3A_436, %broadcast_in_dim3A_438, %while3A_401 : vector<16xi1>, vector<16xf32>
        scf.yield %select_n3A_439, %select_n3A_431, %select_n3A_435 : vector<16xf32>, vector<16xf32>, vector<16xi32>
      }
      %while3A_398 = arith.constant 1 : i32
      %while3A_399:3 = scf.for %while3A_400 = %while3A_395 to %while3A_391 step %while3A_398 iter_args(%while3A_401 = %while3A_397#0, %while3A_402 = %while3A_397#1, %while3A_403 = %while3A_397#2) -> (vector<16xf32>, vector<16xf32>, vector<16xi32>)  : i32 {
        %ge3A = arith.cmpf oge, %while3A_401, %min3A_292 : vector<16xf32>
        %all_reduce_ffs3A = tpu.all_reduce %ge3A {dim = 0 : i64, kind = #tpu.reduction_kind<find_first_set>} : vector<16xi1> -> vector<16xi32>
        %broadcast_in_dim3A_404 = vector.shape_cast %all_reduce_ffs3A : vector<16xi32> to vector<16x1xi32>
        %gather3A_405 = vector.shape_cast %broadcast_in_dim3A_404 : vector<16x1xi32> to vector<16xi32>
        %gather3A_406 = tpu.dynamic_gather %while3A_401[%gather3A_405] in [0] : vector<16xf32>, vector<16xi32> -> vector<16xf32>
        %broadcast_in_dim3A_407 = vector.shape_cast %all_reduce_ffs3A : vector<16xi32> to vector<16x1xi32>
        %gather3A_408 = vector.shape_cast %broadcast_in_dim3A_407 : vector<16x1xi32> to vector<16xi32>
        %gather3A_409 = tpu.dynamic_gather %select_n3A_383[%gather3A_408] in [0] : vector<16xi32>, vector<16xi32> -> vector<16xi32>
        %ge3A_410 = arith.cmpf oge, %while3A_402, %gather3A_406 : vector<16xf32>
        %all_reduce_population_count3A = tpu.all_reduce %ge3A_410 {dim = 0 : i64, kind = #tpu.reduction_kind<sum>} : vector<16xi1> -> vector<16xi32>
        %sub3A_411 = arith.constant 1 : i32
        %sub3A_412 = vector.broadcast %sub3A_411 : i32 to vector<16xi32>
        %sub3A_413 = arith.subi %iota3A, %sub3A_412 : vector<16xi32>
        %max3A_414 = arith.constant 0 : i32
        %max3A_415 = vector.broadcast %max3A_414 : i32 to vector<16xi32>
        %max3A_416 = arith.maxsi %sub3A_413, %max3A_415 : vector<16xi32>
        %broadcast_in_dim3A_417 = vector.shape_cast %max3A_416 : vector<16xi32> to vector<16x1xi32>
        %gather3A_418 = vector.shape_cast %broadcast_in_dim3A_417 : vector<16x1xi32> to vector<16xi32>
        %gather3A_419 = tpu.dynamic_gather %while3A_402[%gather3A_418] in [0] : vector<16xf32>, vector<16xi32> -> vector<16xf32>
        %sub3A_420 = arith.constant 1 : i32
        %sub3A_421 = vector.broadcast %sub3A_420 : i32 to vector<16xi32>
        %sub3A_422 = arith.subi %iota3A, %sub3A_421 : vector<16xi32>
        %max3A_423 = arith.constant 0 : i32
        %max3A_424 = vector.broadcast %max3A_423 : i32 to vector<16xi32>
        %max3A_425 = arith.maxsi %sub3A_422, %max3A_424 : vector<16xi32>
        %broadcast_in_dim3A_426 = vector.shape_cast %max3A_425 : vector<16xi32> to vector<16x1xi32>
        %gather3A_427 = vector.shape_cast %broadcast_in_dim3A_426 : vector<16x1xi32> to vector<16xi32>
        %gather3A_428 = tpu.dynamic_gather %while3A_403[%gather3A_427] in [0] : vector<16xi32>, vector<16xi32> -> vector<16xi32>
        %lt3A_429 = arith.cmpi slt, %iota3A, %all_reduce_population_count3A : vector<16xi32>
        %eq3A = arith.cmpi eq, %iota3A, %all_reduce_population_count3A : vector<16xi32>
        %select_n3A_430 = arith.select %eq3A, %gather3A_406, %gather3A_419 : vector<16xi1>, vector<16xf32>
        %select_n3A_431 = arith.select %lt3A_429, %while3A_402, %select_n3A_430 : vector<16xi1>, vector<16xf32>
        %lt3A_432 = arith.cmpi slt, %iota3A, %all_reduce_population_count3A : vector<16xi32>
        %eq3A_433 = arith.cmpi eq, %iota3A, %all_reduce_population_count3A : vector<16xi32>
        %select_n3A_434 = arith.select %eq3A_433, %gather3A_409, %gather3A_428 : vector<16xi1>, vector<16xi32>
        %select_n3A_435 = arith.select %lt3A_432, %while3A_403, %select_n3A_434 : vector<16xi1>, vector<16xi32>
        %eq3A_436 = arith.cmpi eq, %iota3A, %all_reduce_ffs3A : vector<16xi32>
        %broadcast_in_dim3A_437 = arith.constant 0xFF800000 : f32
        %broadcast_in_dim3A_438 = vector.broadcast %broadcast_in_dim3A_437 : f32 to vector<16xf32>
        %select_n3A_439 = arith.select %eq3A_436, %broadcast_in_dim3A_438, %while3A_401 : vector<16xi1>, vector<16xf32>
        scf.yield %select_n3A_439, %select_n3A_431, %select_n3A_435 : vector<16xf32>, vector<16xf32>, vector<16xi32>
      }
      scf.yield %while3A_399#1, %while3A_399#2 : vector<16xf32>, vector<16xi32>
    }
    %while3A_350 = arith.constant 1 : i32
    %while3A_351:2 = scf.for %while3A_360 = %while3A_347 to %while3A_343 step %while3A_350 iter_args(%while3A_361 = %while3A_349#0, %while3A_362 = %while3A_349#1) -> (vector<16xf32>, vector<16xi32>)  : i32 {
      %mul3A_363 = arith.constant 16 : i32
      %mul3A_364 = arith.muli %while3A_360, %mul3A_363 : i32
      %get3A_365 = arith.index_cast %mul3A_364 : i32 to index
      %get3A_366 = tpu.vector_load %arg6[%get3A_365] {strides = array<i32>} : memref<32768xi32, #tpu.memory_space<vmem>>, vector<16xi32>,
      %mul3A_367 = arith.constant 16 : i32
      %mul3A_368 = arith.muli %while3A_360, %mul3A_367 : i32
      %broadcast_in_dim3A_369 = vector.broadcast %mul3A_368 : i32 to vector<16xi32>
      %add3A_370 = arith.addi %broadcast_in_dim3A_369, %iota3A : vector<16xi32>
      %lt3A = arith.cmpi slt, %add3A_370, %scan3A_299 : vector<16xi32>
      %max3A_371 = arith.constant 0 : i32
      %max3A_372 = vector.broadcast %max3A_371 : i32 to vector<16xi32>
      %max3A_373 = arith.maxsi %get3A_366, %max3A_372 : vector<16xi32>
      %min3A_374 = arith.constant 32767 : i32
      %min3A_375 = vector.broadcast %min3A_374 : i32 to vector<16xi32>
      %min3A_376 = arith.minsi %max3A_373, %min3A_375 : vector<16xi32>
      %gather3A_377 = tpu.vector_load_idx %arg5[%broadcast_in_dim3A_198, %min3A_376] : memref<2x32768xf32, #tpu.memory_space<vmem>>[vector<16xi32>, vector<16xi32>], vector<16xf32>,
      %broadcast_in_dim3A_378 = arith.constant 0xFF800000 : f32
      %broadcast_in_dim3A_379 = vector.broadcast %broadcast_in_dim3A_378 : f32 to vector<16xf32>
      %select_n3A_380 = arith.select %lt3A, %gather3A_377, %broadcast_in_dim3A_379 : vector<16xi1>, vector<16xf32>
      %broadcast_in_dim3A_381 = arith.constant 0 : i32
      %broadcast_in_dim3A_382 = vector.broadcast %broadcast_in_dim3A_381 : i32 to vector<16xi32>
      %select_n3A_383 = arith.select %lt3A, %min3A_376, %broadcast_in_dim3A_382 : vector<16xi1>, vector<16xi32>
      %mul3A_384 = arith.constant 16 : i32
      %mul3A_385 = arith.muli %while3A_360, %mul3A_384 : i32
      %sub3A_386 = arith.subi %reduce_max3A_308, %mul3A_385 : i32
      %min3A_387 = arith.constant 16 : i32
      %min3A_388 = arith.minsi %sub3A_386, %min3A_387 : i32
      %while3A_389 = arith.constant 0 : i32
      %while3A_390 = arith.subi %min3A_388, %while3A_389 : i32
      %while3A_391 = arith.addi %while3A_389, %while3A_390 : i32
      %while3A_392 = arith.constant 1 : i32
      %while3A_393 = arith.divsi %while3A_390, %while3A_392 : i32
      %while3A_394 = arith.muli %while3A_393, %while3A_392 : i32
      %while3A_395 = arith.addi %while3A_389, %while3A_394 : i32
      %while3A_396 = arith.constant 1 : i32
      %while3A_397:3 = scf.for %while3A_400 = %while3A_389 to %while3A_395 step %while3A_396 iter_args(%while3A_401 = %select_n3A_380, %while3A_402 = %while3A_361, %while3A_403 = %while3A_362) -> (vector<16xf32>, vector<16xf32>, vector<16xi32>)  : i32 {
        %ge3A = arith.cmpf oge, %while3A_401, %min3A_292 : vector<16xf32>
        %all_reduce_ffs3A = tpu.all_reduce %ge3A {dim = 0 : i64, kind = #tpu.reduction_kind<find_first_set>} : vector<16xi1> -> vector<16xi32>
        %broadcast_in_dim3A_404 = vector.shape_cast %all_reduce_ffs3A : vector<16xi32> to vector<16x1xi32>
        %gather3A_405 = vector.shape_cast %broadcast_in_dim3A_404 : vector<16x1xi32> to vector<16xi32>
        %gather3A_406 = tpu.dynamic_gather %while3A_401[%gather3A_405] in [0] : vector<16xf32>, vector<16xi32> -> vector<16xf32>
        %broadcast_in_dim3A_407 = vector.shape_cast %all_reduce_ffs3A : vector<16xi32> to vector<16x1xi32>
        %gather3A_408 = vector.shape_cast %broadcast_in_dim3A_407 : vector<16x1xi32> to vector<16xi32>
        %gather3A_409 = tpu.dynamic_gather %select_n3A_383[%gather3A_408] in [0] : vector<16xi32>, vector<16xi32> -> vector<16xi32>
        %ge3A_410 = arith.cmpf oge, %while3A_402, %gather3A_406 : vector<16xf32>
        %all_reduce_population_count3A = tpu.all_reduce %ge3A_410 {dim = 0 : i64, kind = #tpu.reduction_kind<sum>} : vector<16xi1> -> vector<16xi32>
        %sub3A_411 = arith.constant 1 : i32
        %sub3A_412 = vector.broadcast %sub3A_411 : i32 to vector<16xi32>
        %sub3A_413 = arith.subi %iota3A, %sub3A_412 : vector<16xi32>
        %max3A_414 = arith.constant 0 : i32
        %max3A_415 = vector.broadcast %max3A_414 : i32 to vector<16xi32>
        %max3A_416 = arith.maxsi %sub3A_413, %max3A_415 : vector<16xi32>
        %broadcast_in_dim3A_417 = vector.shape_cast %max3A_416 : vector<16xi32> to vector<16x1xi32>
        %gather3A_418 = vector.shape_cast %broadcast_in_dim3A_417 : vector<16x1xi32> to vector<16xi32>
        %gather3A_419 = tpu.dynamic_gather %while3A_402[%gather3A_418] in [0] : vector<16xf32>, vector<16xi32> -> vector<16xf32>
        %sub3A_420 = arith.constant 1 : i32
        %sub3A_421 = vector.broadcast %sub3A_420 : i32 to vector<16xi32>
        %sub3A_422 = arith.subi %iota3A, %sub3A_421 : vector<16xi32>
        %max3A_423 = arith.constant 0 : i32
        %max3A_424 = vector.broadcast %max3A_423 : i32 to vector<16xi32>
        %max3A_425 = arith.maxsi %sub3A_422, %max3A_424 : vector<16xi32>
        %broadcast_in_dim3A_426 = vector.shape_cast %max3A_425 : vector<16xi32> to vector<16x1xi32>
        %gather3A_427 = vector.shape_cast %broadcast_in_dim3A_426 : vector<16x1xi32> to vector<16xi32>
        %gather3A_428 = tpu.dynamic_gather %while3A_403[%gather3A_427] in [0] : vector<16xi32>, vector<16xi32> -> vector<16xi32>
        %lt3A_429 = arith.cmpi slt, %iota3A, %all_reduce_population_count3A : vector<16xi32>
        %eq3A = arith.cmpi eq, %iota3A, %all_reduce_population_count3A : vector<16xi32>
        %select_n3A_430 = arith.select %eq3A, %gather3A_406, %gather3A_419 : vector<16xi1>, vector<16xf32>
        %select_n3A_431 = arith.select %lt3A_429, %while3A_402, %select_n3A_430 : vector<16xi1>, vector<16xf32>
        %lt3A_432 = arith.cmpi slt, %iota3A, %all_reduce_population_count3A : vector<16xi32>
        %eq3A_433 = arith.cmpi eq, %iota3A, %all_reduce_population_count3A : vector<16xi32>
        %select_n3A_434 = arith.select %eq3A_433, %gather3A_409, %gather3A_428 : vector<16xi1>, vector<16xi32>
        %select_n3A_435 = arith.select %lt3A_432, %while3A_403, %select_n3A_434 : vector<16xi1>, vector<16xi32>
        %eq3A_436 = arith.cmpi eq, %iota3A, %all_reduce_ffs3A : vector<16xi32>
        %broadcast_in_dim3A_437 = arith.constant 0xFF800000 : f32
        %broadcast_in_dim3A_438 = vector.broadcast %broadcast_in_dim3A_437 : f32 to vector<16xf32>
        %select_n3A_439 = arith.select %eq3A_436, %broadcast_in_dim3A_438, %while3A_401 : vector<16xi1>, vector<16xf32>
        scf.yield %select_n3A_439, %select_n3A_431, %select_n3A_435 : vector<16xf32>, vector<16xf32>, vector<16xi32>
      }
      %while3A_398 = arith.constant 1 : i32
      %while3A_399:3 = scf.for %while3A_400 = %while3A_395 to %while3A_391 step %while3A_398 iter_args(%while3A_401 = %while3A_397#0, %while3A_402 = %while3A_397#1, %while3A_403 = %while3A_397#2) -> (vector<16xf32>, vector<16xf32>, vector<16xi32>)  : i32 {
        %ge3A = arith.cmpf oge, %while3A_401, %min3A_292 : vector<16xf32>
        %all_reduce_ffs3A = tpu.all_reduce %ge3A {dim = 0 : i64, kind = #tpu.reduction_kind<find_first_set>} : vector<16xi1> -> vector<16xi32>
        %broadcast_in_dim3A_404 = vector.shape_cast %all_reduce_ffs3A : vector<16xi32> to vector<16x1xi32>
        %gather3A_405 = vector.shape_cast %broadcast_in_dim3A_404 : vector<16x1xi32> to vector<16xi32>
        %gather3A_406 = tpu.dynamic_gather %while3A_401[%gather3A_405] in [0] : vector<16xf32>, vector<16xi32> -> vector<16xf32>
        %broadcast_in_dim3A_407 = vector.shape_cast %all_reduce_ffs3A : vector<16xi32> to vector<16x1xi32>
        %gather3A_408 = vector.shape_cast %broadcast_in_dim3A_407 : vector<16x1xi32> to vector<16xi32>
        %gather3A_409 = tpu.dynamic_gather %select_n3A_383[%gather3A_408] in [0] : vector<16xi32>, vector<16xi32> -> vector<16xi32>
        %ge3A_410 = arith.cmpf oge, %while3A_402, %gather3A_406 : vector<16xf32>
        %all_reduce_population_count3A = tpu.all_reduce %ge3A_410 {dim = 0 : i64, kind = #tpu.reduction_kind<sum>} : vector<16xi1> -> vector<16xi32>
        %sub3A_411 = arith.constant 1 : i32
        %sub3A_412 = vector.broadcast %sub3A_411 : i32 to vector<16xi32>
        %sub3A_413 = arith.subi %iota3A, %sub3A_412 : vector<16xi32>
        %max3A_414 = arith.constant 0 : i32
        %max3A_415 = vector.broadcast %max3A_414 : i32 to vector<16xi32>
        %max3A_416 = arith.maxsi %sub3A_413, %max3A_415 : vector<16xi32>
        %broadcast_in_dim3A_417 = vector.shape_cast %max3A_416 : vector<16xi32> to vector<16x1xi32>
        %gather3A_418 = vector.shape_cast %broadcast_in_dim3A_417 : vector<16x1xi32> to vector<16xi32>
        %gather3A_419 = tpu.dynamic_gather %while3A_402[%gather3A_418] in [0] : vector<16xf32>, vector<16xi32> -> vector<16xf32>
        %sub3A_420 = arith.constant 1 : i32
        %sub3A_421 = vector.broadcast %sub3A_420 : i32 to vector<16xi32>
        %sub3A_422 = arith.subi %iota3A, %sub3A_421 : vector<16xi32>
        %max3A_423 = arith.constant 0 : i32
        %max3A_424 = vector.broadcast %max3A_423 : i32 to vector<16xi32>
        %max3A_425 = arith.maxsi %sub3A_422, %max3A_424 : vector<16xi32>
        %broadcast_in_dim3A_426 = vector.shape_cast %max3A_425 : vector<16xi32> to vector<16x1xi32>
        %gather3A_427 = vector.shape_cast %broadcast_in_dim3A_426 : vector<16x1xi32> to vector<16xi32>
        %gather3A_428 = tpu.dynamic_gather %while3A_403[%gather3A_427] in [0] : vector<16xi32>, vector<16xi32> -> vector<16xi32>
        %lt3A_429 = arith.cmpi slt, %iota3A, %all_reduce_population_count3A : vector<16xi32>
        %eq3A = arith.cmpi eq, %iota3A, %all_reduce_population_count3A : vector<16xi32>
        %select_n3A_430 = arith.select %eq3A, %gather3A_406, %gather3A_419 : vector<16xi1>, vector<16xf32>
        %select_n3A_431 = arith.select %lt3A_429, %while3A_402, %select_n3A_430 : vector<16xi1>, vector<16xf32>
        %lt3A_432 = arith.cmpi slt, %iota3A, %all_reduce_population_count3A : vector<16xi32>
        %eq3A_433 = arith.cmpi eq, %iota3A, %all_reduce_population_count3A : vector<16xi32>
        %select_n3A_434 = arith.select %eq3A_433, %gather3A_409, %gather3A_428 : vector<16xi1>, vector<16xi32>
        %select_n3A_435 = arith.select %lt3A_432, %while3A_403, %select_n3A_434 : vector<16xi1>, vector<16xi32>
        %eq3A_436 = arith.cmpi eq, %iota3A, %all_reduce_ffs3A : vector<16xi32>
        %broadcast_in_dim3A_437 = arith.constant 0xFF800000 : f32
        %broadcast_in_dim3A_438 = vector.broadcast %broadcast_in_dim3A_437 : f32 to vector<16xf32>
        %select_n3A_439 = arith.select %eq3A_436, %broadcast_in_dim3A_438, %while3A_401 : vector<16xi1>, vector<16xf32>
        scf.yield %select_n3A_439, %select_n3A_431, %select_n3A_435 : vector<16xf32>, vector<16xf32>, vector<16xi32>
      }
      scf.yield %while3A_399#1, %while3A_399#2 : vector<16xf32>, vector<16xi32>
    }
    %swap3A_352 = arith.constant 0 : index
    %swap3A_353 = tpu.vector_load %arg8[%swap3A_352] {strides = array<i32>} : memref<16xf32, #tpu.memory_space<vmem>>, vector<16xf32>,
    tpu.vector_store %arg8[%swap3A_352], %while3A_351#0 {strides = array<i32>} : memref<16xf32, #tpu.memory_space<vmem>>, vector<16xf32>,
    %swap3A_354 = arith.constant 0 : index
    %swap3A_355 = tpu.vector_load %arg9[%swap3A_354] {strides = array<i32>} : memref<16xi32, #tpu.memory_space<vmem>>, vector<16xi32>,
    tpu.vector_store %arg9[%swap3A_354], %while3A_351#1 {strides = array<i32>} : memref<16xi32, #tpu.memory_space<vmem>>, vector<16xi32>,
    %add3A_356 = arith.constant 1 : i32
    %add3A_357 = arith.addi %mul3A_2, %add3A_356 : i32
    "tpu.region"() ({
      %run_scoped3A = tpu.sem_alloc : memref<!tpu.dma_semaphore, #tpu.memory_space<semaphore_mem>>
      %dma_start3A_360 = arith.constant 0 : i32
      %dma_start3A_361 = tpu.memref_slice %arg3[%add3A_357, %dma_start3A_360] : memref<64x16xf32, #tpu.memory_space<hbm>> -> memref<1x16xf32, #tpu.memory_space<hbm>>
      %dma_start3A_362 = tpu.memref_squeeze %dma_start3A_361 : memref<1x16xf32, #tpu.memory_space<hbm>> -> memref<16xf32, #tpu.memory_space<hbm>>
      %dma_start3A_363 = arith.constant 0 : i32
      %dma_start3A_364 = tpu.memref_slice %arg3[%add3A_357, %dma_start3A_363] : memref<64x16xf32, #tpu.memory_space<hbm>> -> memref<1x16xf32, #tpu.memory_space<hbm>>
      %dma_start3A_365 = tpu.memref_squeeze %dma_start3A_364 : memref<1x16xf32, #tpu.memory_space<hbm>> -> memref<16xf32, #tpu.memory_space<hbm>>
      tpu.enqueue_dma source(%arg8 : memref<16xf32, #tpu.memory_space<vmem>>) target(%dma_start3A_365 : memref<16xf32, #tpu.memory_space<hbm>>) target_semaphore(%run_scoped3A : memref<!tpu.dma_semaphore, #tpu.memory_space<semaphore_mem>>)
      %dma_wait3A_366 = arith.constant 0 : i32
      %dma_wait3A_367 = tpu.memref_slice %arg3[%add3A_357, %dma_wait3A_366] : memref<64x16xf32, #tpu.memory_space<hbm>> -> memref<1x16xf32, #tpu.memory_space<hbm>>
      %dma_wait3A_368 = tpu.memref_squeeze %dma_wait3A_367 : memref<1x16xf32, #tpu.memory_space<hbm>> -> memref<16xf32, #tpu.memory_space<hbm>>
      %dma_wait3A_369 = arith.constant 0 : i32
      %dma_wait3A_370 = tpu.memref_slice %arg3[%add3A_357, %dma_wait3A_369] : memref<64x16xf32, #tpu.memory_space<hbm>> -> memref<1x16xf32, #tpu.memory_space<hbm>>
      %dma_wait3A_371 = tpu.memref_squeeze %dma_wait3A_370 : memref<1x16xf32, #tpu.memory_space<hbm>> -> memref<16xf32, #tpu.memory_space<hbm>>
      tpu.wait_dma2 semaphore(%run_scoped3A : memref<!tpu.dma_semaphore, #tpu.memory_space<semaphore_mem>>) src(%arg8 : memref<16xf32, #tpu.memory_space<vmem>>) dst(%dma_wait3A_371 : memref<16xf32, #tpu.memory_space<hbm>>)
      tpu.yield
    }) : () -> ()
    %add3A_358 = arith.constant 1 : i32
    %add3A_359 = arith.addi %mul3A_2, %add3A_358 : i32
    "tpu.region"() ({
      %run_scoped3A = tpu.sem_alloc : memref<!tpu.dma_semaphore, #tpu.memory_space<semaphore_mem>>
      %dma_start3A_360 = arith.constant 0 : i32
      %dma_start3A_361 = tpu.memref_slice %arg4[%add3A_359, %dma_start3A_360] : memref<64x16xi32, #tpu.memory_space<hbm>> -> memref<1x16xi32, #tpu.memory_space<hbm>>
      %dma_start3A_362 = tpu.memref_squeeze %dma_start3A_361 : memref<1x16xi32, #tpu.memory_space<hbm>> -> memref<16xi32, #tpu.memory_space<hbm>>
      %dma_start3A_363 = arith.constant 0 : i32
      %dma_start3A_364 = tpu.memref_slice %arg4[%add3A_359, %dma_start3A_363] : memref<64x16xi32, #tpu.memory_space<hbm>> -> memref<1x16xi32, #tpu.memory_space<hbm>>
      %dma_start3A_365 = tpu.memref_squeeze %dma_start3A_364 : memref<1x16xi32, #tpu.memory_space<hbm>> -> memref<16xi32, #tpu.memory_space<hbm>>
      tpu.enqueue_dma source(%arg9 : memref<16xi32, #tpu.memory_space<vmem>>) target(%dma_start3A_365 : memref<16xi32, #tpu.memory_space<hbm>>) target_semaphore(%run_scoped3A : memref<!tpu.dma_semaphore, #tpu.memory_space<semaphore_mem>>)
      %dma_wait3A_366 = arith.constant 0 : i32
      %dma_wait3A_367 = tpu.memref_slice %arg4[%add3A_359, %dma_wait3A_366] : memref<64x16xi32, #tpu.memory_space<hbm>> -> memref<1x16xi32, #tpu.memory_space<hbm>>
      %dma_wait3A_368 = tpu.memref_squeeze %dma_wait3A_367 : memref<1x16xi32, #tpu.memory_space<hbm>> -> memref<16xi32, #tpu.memory_space<hbm>>
      %dma_wait3A_369 = arith.constant 0 : i32
      %dma_wait3A_370 = tpu.memref_slice %arg4[%add3A_359, %dma_wait3A_369] : memref<64x16xi32, #tpu.memory_space<hbm>> -> memref<1x16xi32, #tpu.memory_space<hbm>>
      %dma_wait3A_371 = tpu.memref_squeeze %dma_wait3A_370 : memref<1x16xi32, #tpu.memory_space<hbm>> -> memref<16xi32, #tpu.memory_space<hbm>>
      tpu.wait_dma2 semaphore(%run_scoped3A : memref<!tpu.dma_semaphore, #tpu.memory_space<semaphore_mem>>) src(%arg9 : memref<16xi32, #tpu.memory_space<vmem>>) dst(%dma_wait3A_371 : memref<16xi32, #tpu.memory_space<hbm>>)
      tpu.yield
    }) : () -> ()
    return
  }
}

</mosaic_0001>

<sc_bundles>
// kernel: kernel.3.cloned.1.call-start
scs
__scs_entry_jumppad:
0x0: {  	(pc) =	sbr.rel $0x88, $3  }
0x1: {  	(tag) =	ssettag $0x0;
	lr =	simm.s32 $0x1  }
0x2: {  	[smem:$0x3FA0] =	sst lr;
	_ =	strace $0xD0000000  }
0x3: {  	_ = 	snop  }
0x4: {  	_ = 	snop  }
0x5: {  	_ = 	snop  }
0x6: {  	_ = 	snop  }
0x7: {  	_ = 	snop  }
__scs_overlays_trampoline_lowered:
0x8: {  	[smem:$0x3FAF] =	sst s0  }
0x9: {  	[smem:$0x3FB0] =	sst s1  }
0xa: {  	[smem:$0x3FB1] =	sst s2  }
0xb: {  	[smem:$0x3FB2] =	sst s3  }
0xc: {  	[smem:$0x3FB3] =	sst s4  }
0xd: {  	[smem:$0x3FB4] =	sst s5  }
0xe: {  	[smem:$0x3FB5] =	sst s6  }
0xf: {  	[smem:$0x3FB6] =	sst s7  }
0x10: {  	[smem:$0x3FB7] =	sst s8  }
0x11: {  	[smem:$0x3FB8] =	sst s9;
	s0 =	simm.s32 @!p0 $0x0  }
0x12: {  	s1 =	sld [smem:$0x3F9E];
	s0 =	simm.s32 @p0 $0x1  }
0x13: {  	[smem:$0x3FB9] =	sst s0;
	s0 =	simm.s32 @!p1 $0x0  }
0x14: {  	s2 =	sld [smem:$0x3F9D];
	s0 =	simm.s32 @p1 $0x1  }
0x15: {  	[smem:$0x3FBA] =	sst s0;
	s0 =	simm.s32 @!p2 $0x0  }
0x16: {  	s3 =	sld [smem:$0x3FDB];
	s0 =	simm.s32 @p2 $0x1  }
0x17: {  	s4 =	simm.s32 $0x1BF5;
	[smem:$0x3FBC] =	sst s0  }
0x18: {  	s0 =	sld [smem:$0x3F9F];
	_ =	swait.ge [sflag:s4], $0x0  }
0x19: {  	s7 =	sld [smem:$0x3FA0]  }
0x1a: {  	s8 =	sadd.s32 $0xFFFFE003, lr  }
0x1b: {  	s9 =	sadd.s32 $0xFFFFFEF7, lr;
	s5 =	simm.s32 $0xFFFFFFFF;
	p2 =	slt.u32 s8, $0xFFFFF086  }
0x1c: {  	p1 =	slt.u32 s9, $0xF7A;
	s5 =	simm.s32 @!p2 $0x0  }
0x1d: {  	s5 =	simm.s32 @p1 $0x1;
	p0 =	seq.s32 s7, s2  }
0x1e: {  	s7 =	smul.u32 @!p0 $0xF7A, s2;
	p2 =	seq.s32 @!p0 s5, $0x0  }
0x1f: {  	s9 =	smul.u32 $0xF7A, s1;
	s8 =	simm.s32 @!p0 $0x1BF5;
	p2 =	por !p2, p0  }
0x20: {  	[sflag:s8] =	ssyncset.s32 @!p0 $0xFFFFF086;
	s6 =	sadd.s32 @!p0 s3, s7;
	s7 =	simm.s32 @!p0 $0x108  }
0x21: {  	s3 =	sadd.s32 s3, s9;
	s6 =	sadd.s32 @!p0 $0x88, s6;
	s7 =	simm.s32 @p2 $0x1082  }
0x22: {  	[simem:s7], [sflag:s8] =	dma.local @!p0 [hbm:s6], $0xF7A  }
0x23: {  	s9 =	sor.u32 $0xD0000000, s2;
	s6 =	simm.s32 $0x108;
	_ =	swait.ge @!p0 [sflag:s8], $0x0  }
0x24: {  	s3 =	sadd.s32 $0x88, s3;
	s6 =	simm.s32 @!p1 $0x1082;
	[sflag:s4] =	ssyncset.s32 $0xFFFFF086  }
0x25: {  	[simem:s6], [sflag:s4] =	dma.local [hbm:s3], $0xF7A  }
0x26: {  	[smem:$0x3FA0] =	sst s1;
	(tag) =	ssettag s2;
	_ =	strace s9  }
0x27: {  	s1 =	sld [smem:$0x3FB0]  }
0x28: {  	s2 =	sld [smem:$0x3FB1]  }
0x29: {  	s4 =	sld [smem:$0x3FB3]  }
0x2a: {  	p0 =	seq.s32 s5, $0x0;
	s5 =	sld [smem:$0x3FB4]  }
0x2b: {  	s6 =	sld [smem:$0x3FB5]  }
0x2c: {  	s7 =	sld [smem:$0x3FB6]  }
0x2d: {  	s3 =	simm.s32 $0x108;
	s8 =	sld [smem:$0x3FB7]  }
0x2e: {  	s3 =	simm.s32 @!p0 $0x1082;
	s9 =	sld [smem:$0x3FB8]  }
0x2f: {  	lr =	sadd.s32 s0, s3;
	s0 =	sld [smem:$0x3FAF]  }
0x30: {  	s3 =	sld [smem:$0x3FB2]  }
0x31: {  	[smem:$0x3FBB] =	sst s10  }
0x32: {  	s10 =	sld [smem:$0x3FB9];
	_ =	sdelay $0x3  }
0x33: {  	p0 =	seq.s32 s10, $0x1;
	s10 =	sld [smem:$0x3FBB];
	_ =	sdelay $0x3  }
0x34: {  	[smem:$0x3FBB] =	sst s10  }
0x35: {  	s10 =	sld [smem:$0x3FBA];
	_ =	sdelay $0x3  }
0x36: {  	p1 =	seq.s32 s10, $0x1;
	s10 =	sld [smem:$0x3FBB];
	_ =	sdelay $0x3  }
0x37: {  	[smem:$0x3FBB] =	sst s10  }
0x38: {  	s10 =	sld [smem:$0x3FBC]  }
0x39: {  	_ = 	snop;
	(pc) =	sbr.ind lr, $3  }
0x3a: {  	_ = 	snop  }
0x3b: {  	_ = 	snop  }
0x3c: {  	p2 =	seq.s32 s10, $0x1;
	s10 =	sld [smem:$0x3FBB]  }
0x3d: {  	_ =	shalt  }
0x3e: {  	_ =	shalt  }
0x3f: {  	_ =	shalt  }
0x40: {  	_ =	shalt  }
0x41: {  	_ =	shalt  }
0x42: {  	_ =	shalt  }
0x43: {  	_ =	shalt  }
0x44: {  	_ =	shalt  }
0x45: {  	_ =	shalt  }
0x46: {  	_ =	shalt  }
0x47: {  	_ =	shalt  }
0x48: {  	_ =	shalt  }
0x49: {  	_ =	shalt  }
0x4a: {  	_ =	shalt  }
0x4b: {  	_ =	shalt  }
0x4c: {  	_ =	shalt  }
0x4d: {  	_ =	shalt  }
0x4e: {  	_ =	shalt  }
0x4f: {  	_ =	shalt  }
0x50: {  	_ =	shalt  }
0x51: {  	_ =	shalt  }
0x52: {  	_ =	shalt  }
0x53: {  	_ =	shalt  }
0x54: {  	_ =	shalt  }
0x55: {  	_ =	shalt  }
0x56: {  	_ =	shalt  }
0x57: {  	_ =	shalt  }
0x58: {  	_ =	shalt  }
0x59: {  	_ =	shalt  }
0x5a: {  	_ =	shalt  }
0x5b: {  	_ =	shalt  }
0x5c: {  	_ =	shalt  }
0x5d: {  	_ =	shalt  }
0x5e: {  	_ =	shalt  }
0x5f: {  	_ =	shalt  }
0x60: {  	_ =	shalt  }
0x61: {  	_ =	shalt  }
0x62: {  	_ =	shalt  }
0x63: {  	_ =	shalt  }
0x64: {  	_ =	shalt  }
0x65: {  	_ =	shalt  }
0x66: {  	_ =	shalt  }
0x67: {  	_ =	shalt  }
0x68: {  	_ =	shalt  }
0x69: {  	_ =	shalt  }
0x6a: {  	_ =	shalt  }
0x6b: {  	_ =	shalt  }
0x6c: {  	_ =	shalt  }
0x6d: {  	_ =	shalt  }
0x6e: {  	_ =	shalt  }
0x6f: {  	_ =	shalt  }
0x70: {  	_ =	shalt  }
0x71: {  	_ =	shalt  }
0x72: {  	_ =	shalt  }
0x73: {  	_ =	shalt  }
0x74: {  	_ =	shalt  }
0x75: {  	_ =	shalt  }
0x76: {  	_ =	shalt  }
0x77: {  	_ =	shalt  }
0x78: {  	_ =	shalt  }
0x79: {  	_ =	shalt  }
0x7a: {  	_ =	shalt  }
0x7b: {  	_ =	shalt  }
0x7c: {  	_ =	shalt  }
0x7d: {  	_ =	shalt  }
0x7e: {  	_ =	shalt  }
0x7f: {  	_ =	shalt  }
0x80: {  	_ =	shalt  }
0x81: {  	_ =	shalt  }
0x82: {  	_ =	shalt  }
0x83: {  	_ =	shalt  }
0x84: {  	_ =	shalt  }
0x85: {  	_ =	shalt  }
0x86: {  	_ =	shalt  }
0x87: {  	_ =	shalt  }
.Lfunc_end0:
.L_simem_size_0:
called_computation_lowered:
.L_overlay_start_0:
0x88: {  	s2 =	sld [smem:$0x3FD9]  }
0x89: {  	s3 =	sld [smem:$0x3FFE];
	_ =	sdelay $0x1  }
0x8a: {  	s1 =	srdreg.scid  }
0x8b: {  	s0 =	sand.u32 $0x1, s1  }
0x8c: {  	s17 =	sshll.u32 s0, $0xA;
	s2 =	sadd.s32 s3, s2  }
0x8d: {  	s2 =	sadd.s32 s2, s17  }
0x8e: {  	[smem:$0x3FC7] =	sst s2  }
0x8f: {  	_ = 	snop  }
0x90: {  	s2 =	sld [smem:$0x3FC9];
	(tm) =	ssettm $0x1  }
0x91: {  	s18 =	sld [smem:$0x3FFB];
	_ =	sdelay $0x3  }
0x92: {  	_ =	strace s18  }
0x93: {  	s3 =	sld [smem:$0x3FFC];
	_ =	sdelay $0x3  }
0x94: {  	_ =	strace s3  }
0x95: {  	s3 =	sld [smem:$0x3FFD];
	_ =	sdelay $0x3  }
0x96: {  	_ =	strace s3  }
0x97: {  	_ =	strace $0x8FFFFFFF  }
0x98: {  	s19 =	sld [smem:$0x3FDB];
	_ =	sdelay $0x1  }
0x99: {  	s4 =	simm.s32 $_scs_section_size  }
0x9a: {  	s5 =	simm.s32 $_size__tile_overlayer_lowered;
	s6 =	simm.s32 $_tile_overlayer_lowered  }
0x9b: {  	s22 =	simm.s32 $0x1BFF;
	s21 =	sshll.u32 s6, $0x1;
	s3 =	sadd.s32 s4, s19  }
0x9c: {  	s7 =	simm.s32 $0x0;
	s20 =	sshll.u32 s5, $0x1;
	s5 =	sadd.s32 s21, s3  }
0x9d: {  	[timem:s7], [sflag:s22] =	dma.local [hbm:s5], s20  }
0x9e: {  	_ =	swait.ge [sflag:s22], s20  }
0x9f: {  	s4 =	ssub.s32 $0x0, s20;
	[sflag:s22] =	ssyncset.done $0x0  }
0xa0: {  	[sflag:s22] =	ssyncadd.s32 s4;
	_ =	sdelay $0x1  }
0xa1: {  	s23 =	simm.s32 $0x1B8B  }
0xa2: {  	_ =	swait.ge [sflag:s23], $0x1  }
0xa3: {  	[sflag:s23] =	ssyncset.done $0x0  }
0xa4: {  	s25 =	simm.s32 $0x1B8E;
	s24 =	sld [smem:$0x3FFE];
	[sflag:s23] =	ssyncadd.s32 $0xFFFFFFFF  }
0xa5: {  	s26 =	simm.s32 $execute0_lowered;
	[smem:$0x3FD2] =	sst s25  }
0xa6: {  	s5 =	sshll.u32 s26, $0x1;
	_ =	strace $0x80000046;
	[dreg:$0x1] =	wrdreg $0xFFFFFFFF  }
0xa7: {  	s28 =	simm.s32 $_size_execute0_lowered;
	s3 =	sadd.s32 s3, s5;
	[dreg:$0x0] =	wrdreg $0x0  }
0xa8: {  	s5 =	sshll.u32 s28, $0x1;
	[dreg:$0x2] =	wrdreg s3  }
0xa9: {  	[dreg:$0x3] =	wrdreg s5  }
0xaa: {  	[dreg:$0x4] =	wrdreg $0xC0  }
0xab: {  	_ =	task [dreg:s7], $0x5FFFF  }
0xac: {  	[dreg:$0x1] =	wrdreg $0xFFFFFFFF  }
0xad: {  	[dreg:$0x0] =	wrdreg $0x60  }
0xae: {  	[dreg:$0x2] =	wrdreg s2  }
0xaf: {  	[dreg:$0x3] =	wrdreg s24  }
0xb0: {  	[dreg:$0x4] =	wrdreg $0x9  }
0xb1: {  	_ =	task.clear_ibuf [dreg:s7], $0x5FFFF;
	_ =	strace $0x90000046  }
0xb2: {  	s29 =	simm.s32 $0x9;
	_ =	strace $0x80000048  }
0xb3: {  	_ =	swait.ge [sflag:s29], $0x1  }
0xb4: {  	[sflag:s29] =	ssyncadd.s32 $0xFFFFFFFF  }
0xb5: {  	_ =	strace $0x90000048  }
0xb6: {  	_ =	sfence  }
0xb7: {  	s30 =	sld [smem:$0x0];
	_ =	sdelay $0x2  }
0xb8: {  	s31 =	sshll.u32 s1, $0xD;
	s1 =	sshrl.u32 s1, $0x2  }
0xb9: {  	s3 =	sand.u32 $0x4000, s31;
	s1 =	sadd.s32 s1, s30  }
0xba: {  	s0 =	sor.u32 s3, s0;
	s1 =	sshll.u32 s1, $0x11  }
0xbb: {  	s0 =	sor.u32 s1, s0  }
0xbc: {  	s0 =	sadd.s32 $0x8F2B, s0  }
0xbd: {  	[sflag:s0] =	ssyncadd.remote.s32 $0x1  }
0xbe: {  	_ =	sfence.sel $0xFFFF  }
0xbf: {  	[dreg:$0x0] =	wrdreg $0xFFFFFFFF;
	(pc) =	sbr.abs _section_cstart, $3  }
0xc0: {  	[dreg:$0x1] =	wrdreg $0xFFFFFFFF  }
0xc1: {  	_ =	task.clear_ibuf [dreg:s7], $0x2FFFF;
	_ =	strace $0x9FFFFFFF  }
0xc2: {  	(tm) =	ssettm $0x7FFFFFFF  }
0xc3: {  	_ =	shalt  }
tec
execute0_lowered:
.L_overlay_start_1:
0x0: {  	(tag) =	ssettag $0x1  }
0x1: {  	v55 =	vimm.s32 $0xF;
	vm7 =	vmmov $0x1;
	vm0 =	vmmov $0x3  }
0x2: {  	vm3 =	vmmov $0x7;
	vm4 =	vmmov $0xf;
	vm5 =	vmmov $0x1f  }
0x3: {  	vm6 =	vmmov $0x3f;
	vm15 =	vmmov $0x7f;
	vm2 =	vmmov $0xff  }
0x4: {  	vm8 =	vmmov $0x1ff;
	v0 =	vimm.s32 $0xFEDCBA9;
	v1 =	vimm.s32 $0x87654321  }
0x5: {  	v2 =	vimm.s32 $0x10FEDCBA;
	v3 =	vimm.s32 $0x98765432;
	v4 =	vimm.s32 $0x3210FEDC  }
0x6: {  	v5 =	vimm.s32 $0xBA987654;
	v6 =	vimm.s32 $0xFEDCBA98;
	v7 =	vimm.s32 $0x76543210  }
0x7: {  	v52 =	vimm.s32 $0xEDCBA987;
	v0 =	vunpack.c.l.s4.s8 v0;
	v1 =	vunpack.c.l.s4.s8 v1  }
0x8: {  	v2 =	vunpack.c.l.s4.s8 v2;
	v3 =	vunpack.c.l.s4.s8 v3;
	v4 =	vunpack.c.l.s4.s8 v4  }
0x9: {  	v6 =	vunpack.c.l.s4.s8 v6;
	v0 =	vunpack.c.0.s8.s32 v0;
	v1 =	vunpack.c.0.s8.s32 v1  }
0xa: {  	s4 =	rddreg [dreg:$0x0];
	v7 =	vunpack.c.l.s4.s8 v7;
	v2 =	vunpack.c.0.s8.s32 v2;
	v3 =	vunpack.c.0.s8.s32 v3  }
0xb: {  	s3 =	rddreg [dreg:$0x1];
	s1 =	simm.s32 $0x0;
	v5 =	vunpack.c.l.s4.s8 v5;
	v49 =	vunpack.c.0.s8.s32 v6;
	v0 =	vcombine.low v1, v0  }
0xc: {  	[smem:$0x7FF] =	sst s1;
	v4 =	vunpack.c.0.s8.s32 v4;
	v51 =	vunpack.c.0.s8.s32 v7;
	v48 =	vcombine.low v3, v2  }
0xd: {  	s0 =	rddreg [dreg:$0x2];
	_ =	strace $0x80000047;
	v3 =	vimm.s32 $0x65432100;
	v2 =	vunpack.c.l.s4.s8 v52;
	[tilespmem:$0x1FF40] =	vst v0;
	v0 =	vand.u32 $0xF, v49  }
0xe: {  	s5 =	srdreg.scid;
	s2 =	stileid.u32;
	s13 =	simm.s32 $0x3;
	v5 =	vunpack.c.0.s8.s32 v5;
	v53 =	vunpack.c.l.s4.s8 v3;
	v0 =	vcombine.low v0, v51  }
0xf: {  	vm9 =	vmmov $0x3ff;
	vm10 =	vmmov $0x7ff;
	s14 =	simm.s32 $0x18180;
	s15 =	simm.s32 $0x2;
	s16 =	simm.s32 $0x0;
	v54 =	vunpack.c.0.s8.s32 v2  }
0x10: {  	vm11 =	vmmov $0xfff;
	s7 =	sadd.s32 $0x800, s3;
	s5 =	sand.u32 $0x1, s5;
	s6 =	sshll.u32 s2, $0x9;
	v50 =	vcombine.low v5, v4;
	[tilespmem:$0x1FF70] =	vst v0;
	v0 =	vunpack.c.0.s8.s32 v53  }
0x11: {  	vm12 =	vmmov $0x1fff;
	v56 =	vimm.s32 $0x0;
	s9 =	sshrl.u32 s2, $0x1;
	s10 =	sadd.s32 $0xC00, s3;
	s8 =	sshll.u32 s5, $0x8;
	[tilespmem:$0x1FF50] =	vst v48;
	v1 =	vand.u32 $0xF, v54  }
0x12: {  	v57 =	vimm.s32 $0x0;
	s6 =	sand.u32 $0x200, s6;
	s5 =	ssub.s32 $0x2, s5;
	s26 =	sshll.u32 s9, $0x12;
	[tilespmem:$0x1FF60] =	vst v50;
	v14 =	vcombine.low v0, v1;
	v0 =	vsel vm3, $0xFFFFFFFF, v56  }
0x13: {  	vm13 =	vmmov $0x3fff;
	v58 =	vimm.s32 $0x0;
	s9 =	sshll.u32 s9, $0xA;
	s6 =	sor.u32 s8, s6;
	s28 =	sshrl.u32 s5, $0x1;
	[tilespmem:$0x1FF80] =	vst v0;
	v0 =	vsel vm4, $0xFFFFFFFF, v57  }
0x14: {  	vm14 =	vmmov $0x7fff;
	v59 =	vimm.s32 $0x0;
	s11 =	sor.u32 s26, s6;
	s12 =	ssub.s32 s5, s28;
	s30 =	sor.u32 $0x80, s6;
	[tilespmem:$0x1FF90] =	vst v0;
	v0 =	vsel vm5, $0xFFFFFFFF, v58  }
0x15: {  	v60 =	vimm.s32 $0x0;
	v61 =	vimm.s32 $0x0;
	s6 =	sor.u32 s9, s6;
	s29 =	sshrl.u32 s11, $0x3;
	s8 =	sor.u32 s26, s30;
	[tilespmem:$0x1FFA0] =	vst v0;
	v0 =	vsel vm6, $0xFFFFFFFF, v59  }
.Ltmp0:
0x16: {  	v62 =	vimm.s32 $0x0;
	v63 =	vimm.s32 $0x0;
	s5 =	sor.u32 s9, s30;
	s6 =	sshrl.u32 s6, $0x3;
	[tilespmem:$0x1FFB0] =	vst v0;
	v0 =	vsel vm15, $0xFFFFFFFF, v60;
	(pc) =	sbr.rel .LBB2_1-.Ltmp0, $4  }
0x17: {  	v6 =	vimm.s32 $0x0;
	v5 =	vlaneseq.u32;
	s9 =	smax.u32 s12, $0x1;
	s11 =	simm.s32 $0x10000;
	s12 =	simm.s32 $0x18100;
	[tilespmem:$0x1FFC0] =	vst v0;
	v0 =	vsel vm2, $0xFFFFFFFF, v61  }
0x18: {  	s3 =	sadd.s32 s4, s29;
	s8 =	sshrl.u32 s8, $0x3;
	s31 =	sshrl.u32 s5, $0x3;
	v7 =	vor.u32 $0x10, v5;
	v8 =	vor.u32 $0x20, v5;
	[tilespmem:$0x1FFD0] =	vst v0;
	v0 =	vsel vm7, $0xFFFFFFFF, v62  }
0x19: {  	s5 =	sadd.s32 s7, s6;
	s6 =	sadd.s32 s10, s6;
	v9 =	vor.u32 $0x30, v5;
	v10 =	vor.u32 $0x40, v5;
	s4 =	sadd.s32 s4, s8;
	[tilespmem:$0x1FFE0] =	vst v0;
	v0 =	vsel vm0, $0xFFFFFFFF, v63  }
0x1a: {  	v11 =	vor.u32 $0x50, v5;
	v12 =	vor.u32 $0x60, v5;
	v13 =	vor.u32 $0x70, v5;
	s7 =	sadd.s32 s7, s31;
	s8 =	sadd.s32 s10, s31;
	s10 =	simm.s32 $0x1;
	[tilespmem:$0x1FFF0] =	vst v0  }
.LBB2_47:
0x1b: {  	[tilespmem:$0x18100] =	vst v1  }
0x1c: {  	[tilespmem:$0x18180] =	vst v0  }
0x1d: {  	[hbm4b:s7+s1] =	stream.linear.scatter [tilespmem:s12], [sflag:$0x3], $0x80, $0x38;
	[tilespmem:$0x18200] =	vst v63  }
0x1e: {  	s16 =	sadd.s32 $0x1, s16;
	_ =	swait.ge [sflag:s13], $0x80  }
0x1f: {  	p0 =	sne.s32 s16, s9;
	[sflag:s13] =	ssyncset.done $0x0  }
.Ltmp1:
0x20: {  	[sflag:s13] =	ssyncadd.s32 $0xFFFFFF80;
	(pc) =	sbr.rel @!p0 .LBB2_48-.Ltmp1, $4  }
0x21: {  	[hbm4b:s8+s1] =	stream.linear.scatter [tilespmem:s14], [sflag:$0x3], $0x80, $0x38;
	[tilespmem:$0x18200] =	vst v63  }
0x22: {  	_ =	swait.ge [sflag:s13], $0x80  }
0x23: {  	[sflag:s13] =	ssyncset.done $0x0  }
0x24: {  	[sflag:s13] =	ssyncadd.s32 $0xFFFFFF80  }
.LBB2_1:
0x25: {  	s17 =	simm.s32 $0x80  }
0x26: {  	s20 =	sadd.s32 $0x0, s3;
	s18 =	simm.s32 $0x100;
	s19 =	simm.s32 $0x0  }
.LBB2_2:
0x27: {  	[tilespmem:s19], [sflag:$0x1] =	stream.linear.gather [hbm4b:s20+s1], $0x80, $0x38;
	[tilespmem:$0x18200] =	vst v63  }
0x28: {  	s20 =	smov.u32 s17;
	s19 =	smov.u32 s18;
	p0 =	sne.s32 s17, $0x7F80  }
.Ltmp2:
0x29: {  	s17 =	sadd.s32 $0x80, s17;
	(pc) =	sbr.rel @p0 .LBB2_2-.Ltmp2, $2  }
0x2a: {  	_ =	sdelay $0x2  }
0x2b: {  	s18 =	sadd.s32 $0x100, s18;
	s20 =	sadd.s32 s20, s3  }
0x2c: {  	[tilespmem:s19], [sflag:$0x1] =	stream.linear.gather [hbm4b:s20+s1], $0x80, $0x38;
	[tilespmem:$0x18200] =	vst v63  }
0x2d: {  	s17 =	simm.s32 $0x80  }
0x2e: {  	s18 =	simm.s32 $0x80;
	s20 =	sadd.s32 $0x0, s4;
	s19 =	simm.s32 $0x180  }
.LBB2_4:
0x2f: {  	[tilespmem:s17], [sflag:$0x2] =	stream.linear.gather [hbm4b:s20+s1], $0x80, $0x38;
	[tilespmem:$0x18200] =	vst v63  }
0x30: {  	s20 =	smov.u32 s18;
	s17 =	smov.u32 s19;
	p0 =	sne.s32 s18, $0x7F80  }
.Ltmp3:
0x31: {  	s18 =	sadd.s32 $0x80, s18;
	(pc) =	sbr.rel @p0 .LBB2_4-.Ltmp3, $2  }
0x32: {  	_ =	sdelay $0x2  }
0x33: {  	s19 =	sadd.s32 $0x100, s19;
	s20 =	sadd.s32 s20, s4  }
0x34: {  	[tilespmem:s17], [sflag:$0x2] =	stream.linear.gather [hbm4b:s20+s1], $0x80, $0x38;
	[tilespmem:$0x18200] =	vst v63  }
0x35: {  	_ =	swait.ge [sflag:s10], $0x8000  }
0x36: {  	[sflag:s10] =	ssyncset.done $0x0  }
0x37: {  	s17 =	simm.s32 $0x800;
	[sflag:s10] =	ssyncadd.s32 $0xFFFF8000  }
0x38: {  	v0 =	vld [tilespmem:s17+$0x760];
	_ =	sdelay $0x1  }
0x39: {  	v62 =	vld [tilespmem:s17+$0x660]  }
0x3a: {  	v2 =	vld [tilespmem:s17+$0x730]  }
0x3b: {  	v35 =	vld [tilespmem:s17+$0x270]  }
0x3c: {  	[tilespmem:$0x1FDE0] =	vst v0;
	v0 =	vld [tilespmem:s17+$0x750]  }
0x3d: {  	v21 =	vld [tilespmem:s17+$0x630]  }
0x3e: {  	v3 =	vld [tilespmem:s17+$0x720]  }
0x3f: {  	v36 =	vld [tilespmem:s17+$0x260]  }
0x40: {  	v18 =	vld [tilespmem:s17+$0x530]  }
0x41: {  	[tilespmem:$0x1FDD0] =	vst v0;
	v0 =	vld [tilespmem:s17+$0x560]  }
0x42: {  	v60 =	vld [tilespmem:s17+$0x620]  }
0x43: {  	v61 =	vld [tilespmem:s17+$0x700]  }
0x44: {  	v15 =	vld [tilespmem:s17+$0x710]  }
0x45: {  	v37 =	vld [tilespmem:s17+$0x70]  }
0x46: {  	[tilespmem:$0x1FE50] =	vst v0;
	v0 =	vld [tilespmem:s17+$0x650]  }
0x47: {  	v17 =	vld [tilespmem:s17+$0x520]  }
0x48: {  	v49 =	vld [tilespmem:s17+$0x600]  }
0x49: {  	v50 =	vld [tilespmem:s17+$0x610]  }
0x4a: {  	v56 =	vld [tilespmem:s17+$0xFFFFFF70]  }
0x4b: {  	[tilespmem:$0x1FE10] =	vst v0;
	v0 =	vld [tilespmem:s17+$0x740]  }
0x4c: {  	v63 =	vld [tilespmem:s17+$0x60]  }
0x4d: {  	v32 =	vld [tilespmem:s17+$0x420]  }
0x4e: {  	v1 =	vld [tilespmem:s17+$0xFFFFFD70]  }
0x4f: {  	v33 =	vld [tilespmem:s17+$0x500]  }
0x50: {  	[tilespmem:$0x1FDC0] =	vst v0;
	v0 =	vld [tilespmem:s17+$0x460]  }
0x51: {  	v34 =	vld [tilespmem:s17+$0x510]  }
0x52: {  	v28 =	vld [tilespmem:s17+$0x320]  }
0x53: {  	[tilespmem:$0x1FD10] =	vst v1;
	v1 =	vld [tilespmem:s17+$0xFFFFFE60]  }
0x54: {  	v30 =	vld [tilespmem:s17+$0x410]  }
0x55: {  	[tilespmem:$0x1FE80] =	vst v0;
	v0 =	vld [tilespmem:s17+$0x550]  }
0x56: {  	v31 =	vld [tilespmem:s17+$0x220]  }
0x57: {  	v24 =	vld [tilespmem:s17+$0x300]  }
0x58: {  	[tilespmem:$0x1FD20] =	vst v1;
	v1 =	vld [tilespmem:s17+$0x40]  }
0x59: {  	v23 =	vld [tilespmem:s17+$0x310]  }
0x5a: {  	[tilespmem:$0x1FE30] =	vst v0;
	v0 =	vld [tilespmem:s17+$0x640]  }
0x5b: {  	v41 =	vld [tilespmem:s17+$0x120]  }
0x5c: {  	v22 =	vld [tilespmem:s17+$0x200]  }
0x5d: {  	[tilespmem:$0x1FF20] =	vst v1;
	v1 =	vld [tilespmem:s17+$0x130]  }
0x5e: {  	v4 =	vld [tilespmem:s17+$0x210]  }
0x5f: {  	[tilespmem:$0x1FDF0] =	vst v0;
	v0 =	vld [tilespmem:s17+$0x450]  }
0x60: {  	v39 =	vld [tilespmem:s17+$0xFFFFFE40]  }
0x61: {  	v59 =	vld [tilespmem:s17+$0x20]  }
0x62: {  	[tilespmem:$0x1FED0] =	vst v1;
	v1 =	vld [tilespmem:s17+$0xFFFFFC70]  }
0x63: {  	v27 =	vld [tilespmem:s17+$0x100]  }
0x64: {  	[tilespmem:$0x1FE60] =	vst v0;
	v0 =	vld [tilespmem:s17+$0x540]  }
0x65: {  	v16 =	vld [tilespmem:s17+$0x110]  }
0x66: {  	v40 =	vld [tilespmem:s17+$0xFFFFFD40]  }
0x67: {  	[tilespmem:$0x1FD30] =	vst v1;
	v1 =	vld [tilespmem:s17+$0xFFFFFD60]  }
0x68: {  	v29 =	vld [tilespmem:s17+$0xFFFFFE30]  }
0x69: {  	[tilespmem:$0x1FE00] =	vst v0;
	v0 =	vld [tilespmem:s17+$0x350]  }
0x6a: {  	v54 =	vld [tilespmem:s17+$0xFFFFFF20]  }
0x6b: {  	v51 =	vld [tilespmem:s17+$0x0]  }
0x6c: {  	[tilespmem:$0x1FD40] =	vst v1;
	v1 =	vld [tilespmem:s17+$0xFFFFFF40]  }
0x6d: {  	v47 =	vld [tilespmem:s17+$0x10]  }
0x6e: {  	[tilespmem:$0x1FEC0] =	vst v0;
	v0 =	vld [tilespmem:s17+$0x440]  }
0x6f: {  	v43 =	vld [tilespmem:s17+$0xFFFFFC40]  }
0x70: {  	v46 =	vld [tilespmem:s17+$0xFFFFFD30]  }
0x71: {  	[tilespmem:$0x1FF30] =	vst v1;
	v1 =	vld [tilespmem:s17+$0x30]  }
0x72: {  	v52 =	vld [tilespmem:s17+$0xFFFFFE20]  }
0x73: {  	[tilespmem:$0x1FE40] =	vst v0;
	v0 =	vld [tilespmem:s17+$0x250]  }
0x74: {  	v25 =	vld [tilespmem:s17+$0xFFFFFF00]  }
0x75: {  	v19 =	vld [tilespmem:s17+$0xFFFFFF10]  }
0x76: {  	[tilespmem:$0x1FF00] =	vst v1;
	v1 =	vld [tilespmem:s17+$0xFFFFFB70]  }
0x77: {  	v38 =	vld [tilespmem:s17+$0xFFFFF860]  }
0x78: {  	[tilespmem:$0x1FEE0] =	vst v0;
	v0 =	vld [tilespmem:s17+$0x340]  }
0x79: {  	v58 =	vld [tilespmem:s17+$0xFFFFF960]  }
0x7a: {  	v45 =	vld [tilespmem:s17+$0xFFFFFB40]  }
0x7b: {  	[tilespmem:$0x1FD50] =	vst v1;
	v1 =	vld [tilespmem:s17+$0xFFFFFC60]  }
0x7c: {  	v48 =	vld [tilespmem:s17+$0xFFFFFC30]  }
0x7d: {  	[tilespmem:$0x1FEA0] =	vst v0;
	v0 =	vld [tilespmem:s17+$0x430]  }
0x7e: {  	v57 =	vld [tilespmem:s17+$0xFFFFFD20]  }
0x7f: {  	v20 =	vld [tilespmem:s17+$0xFFFFFE00]  }
0x80: {  	[tilespmem:$0x1FD60] =	vst v1;
	v1 =	vld [tilespmem:s17+$0xFFFFFF30]  }
0x81: {  	v44 =	vld [tilespmem:s17+$0xFFFFF850]  }
0x82: {  	[tilespmem:$0x1FE20] =	vst v0;
	v0 =	vld [tilespmem:s17+$0x240]  }
0x83: {  	v42 =	vld [tilespmem:s17+$0xFFFFF950]  }
0x84: {  	v53 =	vld [tilespmem:s17+$0xFFFFFB30]  }
0x85: {  	[tilespmem:$0x1FF10] =	vst v1;
	v1 =	vld [tilespmem:s17+$0xFFFFFA70]  }
0x86: {  	v15 =	vmax.f32 v61, v15;
	v61 =	vld [tilespmem:s17+$0xFFFFFC20]  }
0x87: {  	[tilespmem:$0x1FEB0] =	vst v0;
	v0 =	vld [tilespmem:s17+$0x330]  }
0x88: {  	v26 =	vmax.f32 v49, v50;
	v50 =	vld [tilespmem:s17+$0xFFFFF840]  }
0x89: {  	v49 =	vld [tilespmem:$0x1FDC0]  }
0x8a: {  	[tilespmem:$0x1FD70] =	vst v1;
	v1 =	vld [tilespmem:s17+$0xFFFFFB60]  }
0x8b: {  	v60 =	vmax.f32 v26, v60;
	v26 =	vld [tilespmem:$0x1FDD0]  }
0x8c: {  	[tilespmem:$0x1FE70] =	vst v0;
	v0 =	vld [tilespmem:s17+$0xFFFFFE70]  }
0x8d: {  	v3 =	vmax.f32 v15, v3;
	v15 =	vld [tilespmem:s17+$0xFFFFFD00]  }
0x8e: {  	v3 =	vmax.f32 v3, v2;
	v2 =	vld [tilespmem:s17+$0xFFFFFD10]  }
0x8f: {  	v33 =	vmax.f32 v33, v34;
	v3 =	vmax.f32 v3, v49;
	[tilespmem:$0x1FD80] =	vst v1;
	v1 =	vld [tilespmem:s17+$0xFFFFF870]  }
0x90: {  	v3 =	vmax.f32 v3, v26;
	v26 =	vmax.f32 v33, v17;
	v17 =	vld [tilespmem:$0x1FDE0]  }
0x91: {  	v4 =	vmax.f32 v22, v4;
	[tilespmem:$0x1FCF0] =	vst v0;
	v0 =	vld [tilespmem:s17+$0xFFFFFF60]  }
0x92: {  	v4 =	vmax.f32 v4, v31;
	v31 =	vld [tilespmem:$0x1FED0]  }
0x93: {  	v49 =	vld [tilespmem:s17+$0xFFFFF940]  }
0x94: {  	[tilespmem:$0x1FD90] =	vst v1;
	v1 =	vld [tilespmem:s17+$0xFFFFF970]  }
0x95: {  	v21 =	vmax.f32 v60, v21;
	v60 =	vmax.f32 v3, v17;
	v3 =	vmax.f32 v26, v18;
	v18 =	vld [tilespmem:$0x1FDF0]  }
0x96: {  	[tilespmem:$0x1FD00] =	vst v0;
	v0 =	vld [tilespmem:s17+$0x140]  }
0x97: {  	v17 =	vld [tilespmem:s17+$0xFFFFFB20]  }
0x98: {  	v26 =	vld [tilespmem:$0x1FE00]  }
0x99: {  	[tilespmem:$0x1FDA0] =	vst v1;
	v1 =	vld [tilespmem:s17+$0xFFFFFA60]  }
0x9a: {  	v21 =	vmax.f32 v21, v18;
	v18 =	vld [tilespmem:s17+$0xFFFFFC00]  }
0x9b: {  	v23 =	vmax.f32 v24, v23;
	[tilespmem:$0x1FEF0] =	vst v0;
	v0 =	vld [tilespmem:s17+$0x230]  }
0x9c: {  	v22 =	vmax.f32 v23, v28;
	v23 =	vld [tilespmem:$0x1FE60]  }
0x9d: {  	v3 =	vmax.f32 v3, v26;
	v26 =	vld [tilespmem:$0x1FE10]  }
0x9e: {  	[tilespmem:$0x1FDB0] =	vst v1;
	v1 =	vld [tilespmem:s17+$0xFFFFFE10]  }
0x9f: {  	v28 =	vld [tilespmem:$0x1FE70]  }
0xa0: {  	v16 =	vmax.f32 v27, v16;
	[tilespmem:$0x1FE90] =	vst v0;
	v0 =	vld [tilespmem:s17+$0x400]  }
0xa1: {  	v16 =	vmax.f32 v16, v41;
	v24 =	vld [tilespmem:$0x1FE40]  }
0xa2: {  	v25 =	vmax.f32 v25, v19;
	v34 =	vmax.f32 v16, v31;
	v16 =	vld [tilespmem:$0x1FEE0]  }
0xa3: {  	v1 =	vmax.f32 v20, v1;
	v20 =	vmax.f32 v25, v54;
	v25 =	vld [tilespmem:$0x1FF00]  }
0xa4: {  	v27 =	vld [tilespmem:$0x1FE90]  }
0xa5: {  	v22 =	vmax.f32 v22, v28;
	v28 =	vld [tilespmem:$0x1FE80];
	v0 =	vmax.f32 v0, v30;
	v30 =	vmax.f32 v21, v26  }
0xa6: {  	v62 =	vmax.f32 v30, v62;
	v30 =	vld [tilespmem:$0x1FEB0]  }
0xa7: {  	v26 =	vld [tilespmem:$0x1FE20]  }
0xa8: {  	v19 =	vld [tilespmem:$0x1FEF0]  }
0xa9: {  	v4 =	vmax.f32 v4, v27;
	v27 =	vld [tilespmem:$0x1FEA0]  }
0xaa: {  	v21 =	vld [tilespmem:s17+$0xFFFFFC10]  }
0xab: {  	v0 =	vmax.f32 v0, v32;
	v30 =	vmax.f32 v4, v30;
	v4 =	vld [tilespmem:$0x1FEC0]  }
0xac: {  	v0 =	vmax.f32 v0, v26;
	v26 =	vld [tilespmem:$0x1FE30]  }
0xad: {  	v24 =	vmax.f32 v0, v24;
	v0 =	vld [tilespmem:$0x1FE50]  }
0xae: {  	v27 =	vmax.f32 v22, v27;
	v22 =	vld [tilespmem:s17+$0xFFFFF820]  }
0xaf: {  	v24 =	vmax.f32 v24, v23;
	v23 =	vld [tilespmem:s17+$0xFFFFFB00]  }
0xb0: {  	v28 =	vmax.f32 v24, v28;
	v24 =	vld [tilespmem:s17+$0xFFFFFB10];
	v41 =	vmax.f32 v27, v4;
	v27 =	vmax.f32 v51, v47  }
0xb1: {  	v27 =	vmax.f32 v27, v59;
	v59 =	vmax.f32 v1, v52;
	v1 =	vld [tilespmem:$0x1FF10]  }
0xb2: {  	v26 =	vmax.f32 v3, v26;
	v3 =	vld [tilespmem:s17+$0xFFFFF830]  }
0xb3: {  	v26 =	vmax.f32 v26, v0;
	v0 =	vld [tilespmem:s17+$0xFFFFF930]  }
0xb4: {  	v4 =	vld [tilespmem:s17+$0xFFFFF920]  }
0xb5: {  	v52 =	vmax.f32 v15, v2;
	v2 =	vld [tilespmem:$0x1FF30]  }
0xb6: {  	v47 =	vmax.f32 v30, v16;
	v30 =	vmax.f32 v20, v1;
	v1 =	vld [tilespmem:$0x1FF20]  }
0xb7: {  	v16 =	vld [tilespmem:s17+$0xFFFFFA00]  }
0xb8: {  	v51 =	vmax.f32 v34, v19;
	v19 =	vld [tilespmem:s17+$0xFFFFF810]  }
0xb9: {  	v27 =	vmax.f32 v27, v25;
	v25 =	vld [tilespmem:s17+$0xFFFFF800]  }
0xba: {  	v20 =	vld [tilespmem:s17+$0xFFFFF900]  }
0xbb: {  	s18 =	simm.s32 $0x0;
	s19 =	simm.s32 $0x40;
	v54 =	vmax.f32 v59, v29;
	v2 =	vmax.f32 v30, v2;
	v1 =	vmax.f32 v27, v1;
	v27 =	vld [tilespmem:s17+$0xFFFFF910]  }
.LBB2_6:
0xbc: {  	v15 =	vld [tilespmem:s17+$0xFFFFFA10]  }
0xbd: {  	v59 =	vld [tilespmem:s17+$0xFFFFFA20]  }
0xbe: {  	v23 =	vmax.f32 v23, v24;
	v24 =	vld [tilespmem:s17+$0xFFFFFA30]  }
0xbf: {  	v17 =	vmax.f32 v23, v17;
	v23 =	vld [tilespmem:s17+$0xFFFFFA40]  }
0xc0: {  	v20 =	vmax.f32 v20, v27  }
0xc1: {  	v4 =	vmax.f32 v20, v4;
	v15 =	vmax.f32 v16, v15  }
0xc2: {  	v0 =	vmax.f32 v4, v0;
	v4 =	vmax.f32 v15, v59  }
0xc3: {  	v19 =	vmax.f32 v25, v19;
	v4 =	vmax.f32 v4, v24  }
0xc4: {  	v19 =	vmax.f32 v19, v22;
	v4 =	vmax.f32 v4, v23;
	v23 =	vld [tilespmem:$0x1FD90]  }
0xc5: {  	v3 =	vmax.f32 v19, v3  }
0xc6: {  	v3 =	vmax.f32 v3, v50  }
0xc7: {  	v3 =	vmax.f32 v3, v44  }
0xc8: {  	v3 =	vmax.f32 v3, v38  }
0xc9: {  	v3 =	vmax.f32 v3, v23;
	v23 =	vld [tilespmem:$0x1FDA0];
	_ =	sdelay $0x1  }
0xca: {  	v0 =	vmax.f32 v0, v49  }
0xcb: {  	v0 =	vmax.f32 v0, v42  }
0xcc: {  	v22 =	vld [tilespmem:s17+$0xFFFFFA50];
	v0 =	vmax.f32 v0, v58  }
0xcd: {  	v0 =	vmax.f32 v0, v23;
	v23 =	vld [tilespmem:$0x1FDB0]  }
0xce: {  	(xrf0) =	vmax.scan.msk.f32 $0xffff, v3;
	v3 =	vld [tilespmem:$0x1FD70];
	_ =	sdelay $0x2  }
0xcf: {  	v4 =	vmax.f32 v4, v22  }
0xd0: {  	v16 =	vld [tilespmem:s17+$0xFFFFFB50];
	v4 =	vmax.f32 v4, v23  }
0xd1: {  	v3 =	vmax.f32 v4, v3;
	v4 =	vld [tilespmem:$0x1FD80]  }
0xd2: {  	(xrf0) =	vmax.scan.msk.f32 $0xffff, v0;
	v0 =	vld [tilespmem:$0x1FD50]  }
0xd3: {  	v17 =	vmax.f32 v17, v53  }
0xd4: {  	v17 =	vmax.f32 v17, v45  }
0xd5: {  	v16 =	vmax.f32 v17, v16  }
0xd6: {  	v15 =	vld [tilespmem:s17+$0xFFFFFC50];
	v4 =	vmax.f32 v16, v4  }
0xd7: {  	v18 =	vmax.f32 v18, v21;
	v0 =	vmax.f32 v4, v0;
	v4 =	vld [tilespmem:$0x1FD60]  }
0xd8: {  	v18 =	vmax.f32 v18, v61;
	(xrf0) =	vmax.scan.msk.f32 $0xffff, v3;
	v3 =	vld [tilespmem:$0x1FD30]  }
0xd9: {  	v18 =	vmax.f32 v18, v48  }
0xda: {  	v18 =	vmax.f32 v18, v43  }
0xdb: {  	v15 =	vmax.f32 v18, v15  }
0xdc: {  	v19 =	vld [tilespmem:s17+$0xFFFFFD50];
	v4 =	vmax.f32 v15, v4  }
0xdd: {  	v3 =	vmax.f32 v4, v3;
	v4 =	vld [tilespmem:$0x1FD40]  }
0xde: {  	v21 =	vmax.f32 v52, v57;
	(xrf0) =	vmax.scan.msk.f32 $0xffff, v0;
	v0 =	vld [tilespmem:$0x1FD10]  }
0xdf: {  	v21 =	vmax.f32 v21, v46  }
0xe0: {  	v21 =	vmax.f32 v21, v40  }
0xe1: {  	v15 =	vmax.f32 v21, v19  }
0xe2: {  	v20 =	vld [tilespmem:s17+$0xFFFFFE50];
	v4 =	vmax.f32 v15, v4  }
0xe3: {  	v0 =	vmax.f32 v4, v0;
	v4 =	vld [tilespmem:$0x1FD20]  }
0xe4: {  	(xrf0) =	vmax.scan.msk.f32 $0xffff, v3;
	v3 =	vld [tilespmem:$0x1FCF0];
	_ =	sdelay $0x1  }
0xe5: {  	v39 =	vmax.f32 v54, v39  }
0xe6: {  	v17 =	vld [tilespmem:s17+$0x50];
	v15 =	vmax.f32 v39, v20  }
0xe7: {  	v22 =	vld [tilespmem:s17+$0xFFFFFF50];
	v4 =	vmax.f32 v15, v4  }
0xe8: {  	v3 =	vmax.f32 v4, v3;
	v4 =	vld [tilespmem:$0x1FD00]  }
0xe9: {  	v16 =	vld [tilespmem:s17+$0x150]  }
0xea: {  	v18 =	vld [tilespmem:s17+$0x160]  }
0xeb: {  	v19 =	vld [tilespmem:s17+$0x170]  }
0xec: {  	v2 =	vmax.f32 v2, v22;
	v15 =	vld [tilespmem:s17+$0x360]  }
0xed: {  	v1 =	vmax.f32 v1, v17;
	(xrf0) =	vmax.scan.msk.f32 $0xffff, v0;
	v2 =	vmax.f32 v2, v4;
	v4 =	vld [tilespmem:s17+$0x370]  }
0xee: {  	v1 =	vmax.f32 v1, v63;
	v17, _, _ =	vpop (xrf0);
	(xrf0) =	vmax.scan.msk.f32 $0xffff, v3;
	v0 =	vmax.f32 v2, v56;
	v2 =	vmax.f32 v51, v16;
	v16 =	vld [tilespmem:s17+$0x470]  }
0xef: {  	v1 =	vmax.f32 v1, v37;
	v20, _, _ =	vpop (xrf0);
	v3 =	vmax.f32 v47, v36;
	v2 =	vmax.f32 v2, v18;
	v18 =	vld [tilespmem:s17+$0x570];
	(xrf0) =	vmax.scan.msk.f32 $0xffff, v0  }
0xf0: {  	v0 =	vperm.xlane v17, v55;
	v17 =	vperm.xlane v20, v55;
	v20, _, _ =	vpop (xrf0);
	v2 =	vmax.f32 v2, v19;
	v19 =	vld [tilespmem:s17+$0x670];
	(xrf0) =	vmax.scan.msk.f32 $0xffff, v1  }
0xf1: {  	v3 =	vmax.f32 v3, v35;
	v22 =	vmax.f32 v41, v15;
	v1 =	vperm.xlane v20, v55;
	v20 =	vld [tilespmem:s17+$0x770];
	v21, _, _ =	vpop (xrf0);
	(xrf0) =	vmax.scan.msk.f32 $0xffff, v2  }
0xf2: {  	v0 =	vsel vm7, v0, v17;
	v2 =	vperm.xlane v21, v55;
	v15, _, _ =	vpop (xrf0);
	v4 =	vmax.f32 v22, v4;
	(xrf0) =	vmax.scan.msk.f32 $0xffff, v3  }
0xf3: {  	v0 =	vsel vm0, v0, v1;
	v1 =	vperm.xlane v15, v55;
	v15, _, _ =	vpop (xrf0);
	v3 =	vmax.f32 v28, v16;
	(xrf0) =	vmax.scan.msk.f32 $0xffff, v4  }
0xf4: {  	v0 =	vsel vm3, v0, v2;
	v2 =	vperm.xlane v15, v55;
	v15, _, _ =	vpop (xrf0);
	v4 =	vmax.f32 v26, v18;
	(xrf0) =	vmax.scan.msk.f32 $0xffff, v3  }
0xf5: {  	v0 =	vsel vm4, v0, v1;
	v1 =	vperm.xlane v15, v55;
	v16 =	vmax.f32 v62, v19;
	v15, _, _ =	vpop (xrf0);
	(xrf0) =	vmax.scan.msk.f32 $0xffff, v4  }
0xf6: {  	v0 =	vsel vm5, v0, v2;
	v4 =	vmax.f32 v60, v20;
	v2 =	vperm.xlane v15, v55;
	v15, _, _ =	vpop (xrf0);
	(xrf0) =	vmax.scan.msk.f32 $0xffff, v16  }
0xf7: {  	v0 =	vsel vm6, v0, v1;
	v1 =	vperm.xlane v15, v55;
	v3, _, _ =	vpop (xrf0);
	(xrf0) =	vmax.scan.msk.f32 $0xffff, v4  }
0xf8: {  	v0 =	vsel vm15, v0, v2;
	v2 =	vperm.xlane v3, v55;
	v3, _, _ =	vpop (xrf0)  }
0xf9: {  	v0 =	vsel vm2, v0, v1;
	v1 =	vperm.xlane v3, v55;
	v3, _, _ =	vpop (xrf0)  }
0xfa: {  	v0 =	vsel vm8, v0, v2;
	v2 =	vperm.xlane v3, v55;
	v3, _, _ =	vpop (xrf0)  }
0xfb: {  	v0 =	vsel vm9, v0, v1;
	v1 =	vperm.xlane v3, v55;
	v3, _, _ =	vpop (xrf0)  }
0xfc: {  	v0 =	vsel vm10, v0, v2;
	v2 =	vperm.xlane v3, v55;
	v3, _, _ =	vpop (xrf0)  }
0xfd: {  	v0 =	vsel vm11, v0, v1;
	v1 =	vperm.xlane v3, v55;
	v3, _, _ =	vpop (xrf0)  }
0xfe: {  	v0 =	vsel vm12, v0, v2;
	v2 =	vperm.xlane v3, v55  }
0xff: {  	v0 =	vsel vm13, v0, v1  }
0x100: {  	s20 =	sshra.s32 s18, $0x2;
	v0 =	vsel vm14, v0, v2  }
0x101: {  	s17 =	sadd.s32 $0x1000, s17;
	[tilespmem:s20+$0x18000] =	vst v0  }
0x102: {  	v0 =	vld [tilespmem:s17+$0x760];
	_ =	sdelay $0x4  }
0x103: {  	[tilespmem:$0x1FB90] =	vst v0;
	v0 =	vld [tilespmem:s17+$0x660];
	_ =	sdelay $0x4  }
0x104: {  	[tilespmem:$0x1FBE0] =	vst v0;
	v0 =	vld [tilespmem:s17+$0x750];
	_ =	sdelay $0x4  }
0x105: {  	[tilespmem:$0x1FB70] =	vst v0;
	v0 =	vld [tilespmem:s17+$0x560];
	_ =	sdelay $0x4  }
0x106: {  	[tilespmem:$0x1FC00] =	vst v0;
	v0 =	vld [tilespmem:s17+$0x650];
	_ =	sdelay $0x4  }
0x107: {  	[tilespmem:$0x1FBC0] =	vst v0;
	v0 =	vld [tilespmem:s17+$0x460];
	_ =	sdelay $0x2  }
0x108: {  	v49 =	vld [tilespmem:s17+$0x740]  }
0x109: {  	v50 =	vld [tilespmem:s17+$0x730]  }
0x10a: {  	[tilespmem:$0x1FC20] =	vst v0;
	v0 =	vld [tilespmem:s17+$0x550]  }
0x10b: {  	v18 =	vld [tilespmem:s17+$0x720]  }
0x10c: {  	v3 =	vld [tilespmem:s17+$0x530]  }
0x10d: {  	v17 =	vld [tilespmem:s17+$0x620]  }
0x10e: {  	v24 =	vld [tilespmem:s17+$0x700]  }
0x10f: {  	[tilespmem:$0x1FBD0] =	vst v0;
	v0 =	vld [tilespmem:s17+$0x640]  }
0x110: {  	v54 =	vld [tilespmem:s17+$0x710]  }
0x111: {  	v47 =	vld [tilespmem:s17+$0x430]  }
0x112: {  	v21 =	vld [tilespmem:s17+$0x520]  }
0x113: {  	v27 =	vld [tilespmem:s17+$0x610]  }
0x114: {  	[tilespmem:$0x1FBA0] =	vst v0;
	v0 =	vld [tilespmem:s17+$0x270]  }
0x115: {  	v1 =	vld [tilespmem:s17+$0xFFFFFF70]  }
0x116: {  	v41 =	vld [tilespmem:s17+$0x60]  }
0x117: {  	v51 =	vld [tilespmem:s17+$0x330]  }
0x118: {  	v23 =	vld [tilespmem:s17+$0x420]  }
0x119: {  	[tilespmem:$0x1FCB0] =	vst v0;
	v0 =	vld [tilespmem:s17+$0x450]  }
0x11a: {  	v59 =	vld [tilespmem:s17+$0x500]  }
0x11b: {  	v60 =	vld [tilespmem:s17+$0x510]  }
0x11c: {  	v4 =	vld [tilespmem:s17+$0x230]  }
0x11d: {  	v22 =	vld [tilespmem:s17+$0x320]  }
0x11e: {  	[tilespmem:$0x1FC10] =	vst v0;
	v0 =	vld [tilespmem:s17+$0x540]  }
0x11f: {  	v26 =	vld [tilespmem:s17+$0x400]  }
0x120: {  	v62 =	vld [tilespmem:s17+$0x410]  }
0x121: {  	v19 =	vld [tilespmem:s17+$0x130]  }
0x122: {  	v25 =	vld [tilespmem:s17+$0x220]  }
0x123: {  	[tilespmem:$0x1FBB0] =	vst v0;
	v0 =	vld [tilespmem:s17+$0x630]  }
0x124: {  	v28 =	vld [tilespmem:s17+$0x300]  }
0x125: {  	v2 =	vld [tilespmem:s17+$0xFFFFFC70]  }
0x126: {  	v20 =	vld [tilespmem:s17+$0x30]  }
0x127: {  	v16 =	vld [tilespmem:s17+$0x120]  }
0x128: {  	[tilespmem:$0x1FB80] =	vst v0;
	v0 =	vld [tilespmem:s17+$0x260]  }
0x129: {  	v30 =	vld [tilespmem:s17+$0x200]  }
0x12a: {  	v63 =	vld [tilespmem:s17+$0x210]  }
0x12b: {  	v39 =	vld [tilespmem:s17+$0xFFFFFE40]  }
0x12c: {  	v52 =	vld [tilespmem:s17+$0xFFFFFF30]  }
0x12d: {  	[tilespmem:$0x1FC80] =	vst v0;
	v0 =	vld [tilespmem:s17+$0x350]  }
0x12e: {  	v15 =	vld [tilespmem:s17+$0x20]  }
0x12f: {  	v29 =	vld [tilespmem:s17+$0x100]  }
0x130: {  	v31 =	vld [tilespmem:s17+$0x110]  }
0x131: {  	[tilespmem:$0x1FCA0] =	vst v1;
	v1 =	vld [tilespmem:s17+$0x240]  }
0x132: {  	[tilespmem:$0x1FC50] =	vst v0;
	v0 =	vld [tilespmem:s17+$0x440]  }
0x133: {  	v40 =	vld [tilespmem:s17+$0xFFFFFD40]  }
0x134: {  	v33 =	vld [tilespmem:s17+$0xFFFFFF20]  }
0x135: {  	[tilespmem:$0x1FD30] =	vst v2;
	v2 =	vld [tilespmem:s17+$0xFFFFFD60]  }
0x136: {  	[tilespmem:$0x1FC40] =	vst v1;
	v1 =	vld [tilespmem:s17+$0xFFFFFE70]  }
0x137: {  	[tilespmem:$0x1FBF0] =	vst v0;
	v0 =	vld [tilespmem:s17+$0x70]  }
0x138: {  	v32 =	vld [tilespmem:s17+$0x0]  }
0x139: {  	v34 =	vld [tilespmem:s17+$0x10]  }
0x13a: {  	[tilespmem:$0x1FD40] =	vst v2;
	v2 =	vld [tilespmem:s17+$0xFFFFFF40]  }
0x13b: {  	[tilespmem:$0x1FCF0] =	vst v1;
	v1 =	vld [tilespmem:s17+$0xFFFFFF60]  }
0x13c: {  	[tilespmem:$0x1FC70] =	vst v0;
	v0 =	vld [tilespmem:s17+$0x250]  }
0x13d: {  	v43 =	vld [tilespmem:s17+$0xFFFFFC40]  }
0x13e: {  	v46 =	vld [tilespmem:s17+$0xFFFFFD30]  }
0x13f: {  	[tilespmem:$0x1FCE0] =	vst v2;
	v2 =	vld [tilespmem:s17+$0xFFFFFB70]  }
0x140: {  	[tilespmem:$0x1FD00] =	vst v1;
	v1 =	vld [tilespmem:s17+$0x140]  }
0x141: {  	[tilespmem:$0x1FC60] =	vst v0;
	v0 =	vld [tilespmem:s17+$0x340]  }
0x142: {  	v35 =	vld [tilespmem:s17+$0xFFFFFE20]  }
0x143: {  	v37 =	vld [tilespmem:s17+$0xFFFFFF00]  }
0x144: {  	[tilespmem:$0x1FD50] =	vst v2;
	v2 =	vld [tilespmem:s17+$0xFFFFFC60]  }
0x145: {  	[tilespmem:$0x1FC90] =	vst v1;
	v1 =	vld [tilespmem:s17+$0xFFFFFD70]  }
0x146: {  	v24 =	vmax.f32 v24, v54;
	[tilespmem:$0x1FC30] =	vst v0;
	v0 =	vld [tilespmem:s17+$0x600]  }
0x147: {  	v36 =	vld [tilespmem:s17+$0xFFFFFF10];
	v18 =	vmax.f32 v24, v18;
	v24 =	vmax.f32 v59, v60  }
0x148: {  	v21 =	vmax.f32 v24, v21;
	v24 =	vld [tilespmem:$0x1FB80]  }
0x149: {  	v38 =	vld [tilespmem:s17+$0xFFFFF860]  }
0x14a: {  	[tilespmem:$0x1FD60] =	vst v2;
	v2 =	vld [tilespmem:s17+$0xFFFFFA70]  }
0x14b: {  	[tilespmem:$0x1FD10] =	vst v1;
	v1 =	vld [tilespmem:s17+$0xFFFFFE60];
	v0 =	vmax.f32 v0, v27  }
0x14c: {  	v0 =	vmax.f32 v0, v17;
	v17 =	vld [tilespmem:$0x1FB70]  }
0x14d: {  	v0 =	vmax.f32 v0, v24;
	v24 =	vld [tilespmem:$0x1FB90]  }
0x14e: {  	v58 =	vld [tilespmem:s17+$0xFFFFF960]  }
0x14f: {  	v45 =	vld [tilespmem:s17+$0xFFFFFB40];
	v18 =	vmax.f32 v18, v50  }
0x150: {  	v18 =	vmax.f32 v18, v49;
	[tilespmem:$0x1FD70] =	vst v2;
	v2 =	vld [tilespmem:s17+$0xFFFFFB60]  }
0x151: {  	[tilespmem:$0x1FD20] =	vst v1;
	v1 =	vld [tilespmem:s17+$0x40];
	v18 =	vmax.f32 v18, v17  }
0x152: {  	v48 =	vld [tilespmem:s17+$0xFFFFFC30];
	v60 =	vmax.f32 v18, v24;
	v24 =	vmax.f32 v26, v62  }
0x153: {  	v23 =	vmax.f32 v24, v23;
	v24 =	vld [tilespmem:$0x1FBB0]  }
0x154: {  	v26 =	vld [tilespmem:$0x1FBD0]  }
0x155: {  	[tilespmem:$0x1FD80] =	vst v2;
	v2 =	vld [tilespmem:s17+$0xFFFFFE30]  }
0x156: {  	[tilespmem:$0x1FCC0] =	vst v1;
	v1 =	vld [tilespmem:s17+$0x310]  }
0x157: {  	v3 =	vmax.f32 v21, v3;
	v21 =	vld [tilespmem:$0x1FBA0]  }
0x158: {  	v24 =	vmax.f32 v3, v24;
	v3 =	vld [tilespmem:$0x1FBC0]  }
0x159: {  	v24 =	vmax.f32 v24, v26;
	v26 =	vld [tilespmem:$0x1FBE0]  }
0x15a: {  	v57 =	vld [tilespmem:s17+$0xFFFFFD20]  }
0x15b: {  	v55 =	vld [tilespmem:s17+$0xFFFFFE00]  }
0x15c: {  	v56 =	vld [tilespmem:s17+$0xFFFFFE10];
	v0 =	vmax.f32 v0, v21  }
0x15d: {  	[tilespmem:$0x1FCD0] =	vst v2;
	v2 =	vld [tilespmem:s17+$0xFFFFF870];
	v0 =	vmax.f32 v0, v3  }
0x15e: {  	v1 =	vmax.f32 v28, v1;
	v62 =	vmax.f32 v0, v26;
	v26 =	vld [tilespmem:$0x1FBF0]  }
0x15f: {  	v1 =	vmax.f32 v1, v22;
	v22 =	vld [tilespmem:$0x1FC10]  }
0x160: {  	v44 =	vld [tilespmem:s17+$0xFFFFF850]  }
0x161: {  	v42 =	vld [tilespmem:s17+$0xFFFFF950]  }
0x162: {  	[tilespmem:$0x1FD90] =	vst v2;
	v2 =	vld [tilespmem:s17+$0xFFFFF970];
	v23 =	vmax.f32 v23, v47  }
0x163: {  	v53 =	vld [tilespmem:s17+$0xFFFFFB30];
	v27 =	vmax.f32 v23, v26  }
0x164: {  	v22 =	vmax.f32 v27, v22;
	v27 =	vld [tilespmem:$0x1FC20]  }
0x165: {  	v61 =	vld [tilespmem:s17+$0xFFFFFC20]  }
0x166: {  	v54 =	vld [tilespmem:s17+$0xFFFFFD00];
	v28 =	vmax.f32 v30, v63  }
0x167: {  	v25 =	vmax.f32 v28, v25;
	[tilespmem:$0x1FDA0] =	vst v2;
	v2 =	vld [tilespmem:s17+$0xFFFFFA60]  }
0x168: {  	v25 =	vmax.f32 v25, v4;
	v4 =	vld [tilespmem:$0x1FC30]  }
0x169: {  	v50 =	vld [tilespmem:s17+$0xFFFFF840];
	v28 =	vmax.f32 v22, v27;
	v27 =	vmax.f32 v29, v31  }
0x16a: {  	v27 =	vmax.f32 v27, v16;
	v16 =	vld [tilespmem:$0x1FC40]  }
0x16b: {  	v49 =	vld [tilespmem:s17+$0xFFFFF940]  }
0x16c: {  	v1 =	vmax.f32 v1, v51;
	[tilespmem:$0x1FDB0] =	vst v2;
	v2 =	vld [tilespmem:s17+$0xFFFFFD10]  }
0x16d: {  	v1 =	vmax.f32 v1, v4;
	v4 =	vld [tilespmem:s17+$0xFFFFF920]  }
0x16e: {  	v21 =	vld [tilespmem:s17+$0xFFFFFC10]  }
0x16f: {  	v25 =	vmax.f32 v25, v16;
	v16 =	vld [tilespmem:$0x1FC50]  }
0x170: {  	v17 =	vld [tilespmem:s17+$0xFFFFFB20]  }
0x171: {  	v23 =	vld [tilespmem:$0x1FC00]  }
0x172: {  	v18 =	vld [tilespmem:s17+$0xFFFFFC00]  }
0x173: {  	v3 =	vld [tilespmem:s17+$0xFFFFF830]  }
0x174: {  	v63 =	vmov v41;
	v0 =	vld [tilespmem:s17+$0xFFFFF930];
	v41 =	vmax.f32 v1, v16;
	v1 =	vmax.f32 v32, v34  }
0x175: {  	v1 =	vmax.f32 v1, v15;
	v15 =	vld [tilespmem:$0x1FC90]  }
0x176: {  	v26 =	vmax.f32 v24, v23;
	v23 =	vld [tilespmem:s17+$0xFFFFFB00]  }
0x177: {  	v24 =	vld [tilespmem:s17+$0xFFFFFB10]  }
0x178: {  	v27 =	vmax.f32 v27, v19;
	v19 =	vld [tilespmem:$0x1FC60]  }
0x179: {  	v22 =	vld [tilespmem:s17+$0xFFFFF820];
	v29 =	vmax.f32 v37, v36  }
0x17a: {  	v37 =	vld [tilespmem:$0x1FC70];
	v51 =	vmax.f32 v27, v15;
	v27 =	vmax.f32 v29, v33  }
0x17b: {  	v29 =	vmax.f32 v27, v52;
	v52 =	vmax.f32 v54, v2;
	v2 =	vld [tilespmem:$0x1FCD0]  }
0x17c: {  	v36 =	vld [tilespmem:$0x1FC80]  }
0x17d: {  	v47 =	vmax.f32 v25, v19;
	v19 =	vld [tilespmem:s17+$0xFFFFF810]  }
0x17e: {  	v25 =	vld [tilespmem:s17+$0xFFFFF800];
	v15 =	vmax.f32 v55, v56  }
0x17f: {  	v15 =	vmax.f32 v15, v35;
	v27 =	vld [tilespmem:$0x1FCC0]  }
0x180: {  	p0 =	sne.s32 s19, $0x3C0;
	v54 =	vmax.f32 v15, v2;
	v2 =	vld [tilespmem:$0x1FCE0]  }
.Ltmp4:
0x181: {  	v16 =	vld [tilespmem:s17+$0xFFFFFA00];
	(pc) =	sbr.rel @p0 .LBB2_6-.Ltmp4, $4  }
0x182: {  	v1 =	vmax.f32 v1, v20;
	v20 =	vld [tilespmem:s17+$0xFFFFF900]  }
0x183: {  	v56 =	vld [tilespmem:$0x1FCA0]  }
0x184: {  	v35 =	vld [tilespmem:$0x1FCB0]  }
0x185: {  	s18 =	smov.u32 s19;
	s19 =	sadd.s32 $0x40, s19;
	v55 =	vimm.s32 $0xF;
	v1 =	vmax.f32 v1, v27;
	v27 =	vld [tilespmem:s17+$0xFFFFF910];
	v2 =	vmax.f32 v29, v2  }
0x186: {  	v15 =	vld [tilespmem:s17+$0xFFFFFA10];
	v19 =	vmax.f32 v25, v19  }
0x187: {  	v59 =	vld [tilespmem:$0x1FD90];
	v19 =	vmax.f32 v19, v22  }
0x188: {  	v34 =	vmax.f32 v52, v57;
	v30 =	vld [tilespmem:s17+$0xFFFFFA20];
	v3 =	vmax.f32 v19, v3  }
0x189: {  	v18 =	vmax.f32 v18, v21;
	v21 =	vmax.f32 v34, v46;
	v46 =	vld [tilespmem:s17+$0xFFFFFA30];
	v3 =	vmax.f32 v3, v50  }
0x18a: {  	v52 =	vld [tilespmem:s17+$0xFFFFFA40];
	v3 =	vmax.f32 v3, v44  }
0x18b: {  	v29 =	vmax.f32 v54, v39;
	v54 =	vld [tilespmem:s17+$0xFFFFFA50];
	v20 =	vmax.f32 v20, v27;
	v3 =	vmax.f32 v3, v38  }
0x18c: {  	v25 =	vld [tilespmem:$0x1FDB0];
	v4 =	vmax.f32 v20, v4;
	v15 =	vmax.f32 v16, v15;
	v3 =	vmax.f32 v3, v59  }
0x18d: {  	v0 =	vmax.f32 v4, v0;
	v4 =	vmax.f32 v15, v30;
	(xrf0) =	vmax.scan.msk.f32 $0xffff, v3;
	v3 =	vld [tilespmem:$0x1FD70]  }
0x18e: {  	v4 =	vmax.f32 v4, v46  }
0x18f: {  	v4 =	vmax.f32 v4, v52  }
0x190: {  	v23 =	vmax.f32 v23, v24;
	v24 =	vld [tilespmem:$0x1FDA0];
	v4 =	vmax.f32 v4, v54  }
0x191: {  	v16 =	vld [tilespmem:s17+$0xFFFFFB50];
	v4 =	vmax.f32 v4, v25  }
0x192: {  	v3 =	vmax.f32 v4, v3;
	v4 =	vld [tilespmem:$0x1FD80]  }
0x193: {  	v17 =	vmax.f32 v23, v17;
	v27 =	vld [tilespmem:$0x1FD50]  }
0x194: {  	v17 =	vmax.f32 v17, v53;
	v0 =	vmax.f32 v0, v49  }
0x195: {  	v17 =	vmax.f32 v17, v45;
	v0 =	vmax.f32 v0, v42  }
0x196: {  	v0 =	vmax.f32 v0, v58;
	v16 =	vmax.f32 v17, v16  }
0x197: {  	v15 =	vld [tilespmem:s17+$0xFFFFFC50];
	v0 =	vmax.f32 v0, v24;
	v4 =	vmax.f32 v16, v4  }
0x198: {  	(xrf0) =	vmax.scan.msk.f32 $0xffff, v0;
	v0 =	vmax.f32 v4, v27;
	v4 =	vld [tilespmem:$0x1FD60]  }
0x199: {  	v18 =	vmax.f32 v18, v61;
	(xrf0) =	vmax.scan.msk.f32 $0xffff, v3;
	v3 =	vld [tilespmem:$0x1FD30]  }
0x19a: {  	v18 =	vmax.f32 v18, v48  }
0x19b: {  	v18 =	vmax.f32 v18, v43  }
0x19c: {  	v15 =	vmax.f32 v18, v15  }
0x19d: {  	v19 =	vld [tilespmem:s17+$0xFFFFFD50];
	v4 =	vmax.f32 v15, v4  }
0x19e: {  	v3 =	vmax.f32 v4, v3;
	v4 =	vld [tilespmem:$0x1FD40]  }
0x19f: {  	v30 =	vld [tilespmem:$0x1FD10];
	_ =	sdelay $0x1  }
0x1a0: {  	v21 =	vmax.f32 v21, v40  }
0x1a1: {  	v15 =	vmax.f32 v21, v19  }
0x1a2: {  	v57 =	vld [tilespmem:s17+$0xFFFFFE50];
	v4 =	vmax.f32 v15, v4  }
0x1a3: {  	(xrf0) =	vmax.scan.msk.f32 $0xffff, v0;
	v0 =	vmax.f32 v4, v30;
	v4 =	vld [tilespmem:$0x1FD20]  }
0x1a4: {  	(xrf0) =	vmax.scan.msk.f32 $0xffff, v3;
	v3 =	vld [tilespmem:$0x1FCF0]  }
0x1a5: {  	v61 =	vld [tilespmem:s17+$0xFFFFFF50]  }
0x1a6: {  	v17 =	vld [tilespmem:s17+$0x50]  }
0x1a7: {  	v18 =	vld [tilespmem:s17+$0x160];
	v15 =	vmax.f32 v29, v57  }
0x1a8: {  	v16 =	vld [tilespmem:s17+$0x150];
	v4 =	vmax.f32 v15, v4  }
0x1a9: {  	v3 =	vmax.f32 v4, v3;
	v4 =	vld [tilespmem:$0x1FD00]  }
0x1aa: {  	v19 =	vld [tilespmem:s17+$0x170]  }
0x1ab: {  	v15 =	vld [tilespmem:s17+$0x360]  }
0x1ac: {  	v1 =	vmax.f32 v1, v17  }
0x1ad: {  	v2 =	vmax.f32 v2, v61;
	v17, _, _ =	vpop (xrf0);
	v1 =	vmax.f32 v1, v63;
	v32 =	vmax.f32 v51, v16;
	v16 =	vld [tilespmem:s17+$0x470]  }
0x1ae: {  	v34 =	vperm.xlane v17, v55;
	v1 =	vmax.f32 v1, v37;
	v33, _, _ =	vpop (xrf0);
	(xrf0) =	vmax.scan.msk.f32 $0xffff, v0;
	v2 =	vmax.f32 v2, v4;
	v4 =	vld [tilespmem:s17+$0x370]  }
0x1af: {  	v17 =	vperm.xlane v33, v55;
	(xrf0) =	vmax.scan.msk.f32 $0xffff, v3;
	v31 =	vmax.f32 v2, v56;
	v2 =	vmax.f32 v32, v18;
	v18 =	vld [tilespmem:s17+$0x570]  }
0x1b0: {  	v3 =	vmax.f32 v47, v36;
	v36, _, _ =	vpop (xrf0);
	v15 =	vmax.f32 v41, v15;
	(xrf0) =	vmax.scan.msk.f32 $0xffff, v31;
	v2 =	vmax.f32 v2, v19;
	v19 =	vld [tilespmem:s17+$0x670]  }
0x1b1: {  	v37 =	vperm.xlane v36, v55;
	v39, _, _ =	vpop (xrf0);
	(xrf0) =	vmax.scan.msk.f32 $0xffff, v1  }
0x1b2: {  	v38 =	vld [tilespmem:s17+$0x770];
	v0 =	vsel vm7, v34, v17;
	v3 =	vmax.f32 v3, v35;
	v40 =	vperm.xlane v39, v55;
	(xrf0) =	vmax.scan.msk.f32 $0xffff, v2  }
0x1b3: {  	v0 =	vsel vm0, v0, v37;
	v4 =	vmax.f32 v15, v4;
	v15, _, _ =	vpop (xrf0);
	(xrf0) =	vmax.scan.msk.f32 $0xffff, v3  }
0x1b4: {  	v0 =	vsel vm3, v0, v40;
	v3 =	vmax.f32 v28, v16;
	v41 =	vperm.xlane v15, v55;
	v15, _, _ =	vpop (xrf0);
	(xrf0) =	vmax.scan.msk.f32 $0xffff, v4  }
0x1b5: {  	v4 =	vmax.f32 v26, v18;
	v42 =	vperm.xlane v15, v55;
	v15, _, _ =	vpop (xrf0);
	(xrf0) =	vmax.scan.msk.f32 $0xffff, v3;
	v3 =	vmax.f32 v62, v19  }
0x1b6: {  	v0 =	vsel vm4, v0, v41;
	v43 =	vperm.xlane v15, v55;
	v15, _, _ =	vpop (xrf0);
	(xrf0) =	vmax.scan.msk.f32 $0xffff, v4  }
0x1b7: {  	v4 =	vmax.f32 v60, v38;
	v0 =	vsel vm5, v0, v42;
	v44 =	vperm.xlane v15, v55;
	v15, _, _ =	vpop (xrf0);
	(xrf0) =	vmax.scan.msk.f32 $0xffff, v3  }
0x1b8: {  	v0 =	vsel vm6, v0, v43;
	v45 =	vperm.xlane v15, v55;
	v3, _, _ =	vpop (xrf0);
	(xrf0) =	vmax.scan.msk.f32 $0xffff, v4  }
0x1b9: {  	v0 =	vsel vm15, v0, v44;
	v46 =	vperm.xlane v3, v55;
	v3, _, _ =	vpop (xrf0)  }
0x1ba: {  	v0 =	vsel vm2, v0, v45;
	v47 =	vperm.xlane v3, v55;
	v3, _, _ =	vpop (xrf0)  }
0x1bb: {  	v0 =	vsel vm8, v0, v46;
	v48 =	vperm.xlane v3, v55;
	v3, _, _ =	vpop (xrf0)  }
0x1bc: {  	v0 =	vsel vm9, v0, v47;
	v49 =	vperm.xlane v3, v55;
	v3, _, _ =	vpop (xrf0)  }
0x1bd: {  	v0 =	vsel vm10, v0, v48;
	v50 =	vperm.xlane v3, v55;
	v3, _, _ =	vpop (xrf0)  }
0x1be: {  	v0 =	vsel vm11, v0, v49;
	v51 =	vperm.xlane v3, v55;
	v3, _, _ =	vpop (xrf0)  }
0x1bf: {  	v0 =	vsel vm12, v0, v50;
	v52 =	vperm.xlane v3, v55  }
0x1c0: {  	v0 =	vsel vm13, v0, v51  }
0x1c1: {  	s31 =	sshra.s32 s18, $0x2;
	v0 =	vsel vm14, v0, v52  }
0x1c2: {  	[tilespmem:s31+$0x18000] =	vst v0  }
0x1c3: {  	v0 =	vld [tilespmem:$0x18000]  }
0x1c4: {  	v53 =	vld [tilespmem:$0x18010]  }
0x1c5: {  	v54 =	vld [tilespmem:$0x18020]  }
0x1c6: {  	v3 =	vld [tilespmem:$0x18030]  }
0x1c7: {  	v4 =	vld [tilespmem:$0x18040]  }
0x1c8: {  	v15 =	vld [tilespmem:$0x18050]  }
0x1c9: {  	v56 =	vld [tilespmem:$0x18060];
	v0 =	vmax.f32 v0, v53  }
0x1ca: {  	v57 =	vld [tilespmem:$0x18070];
	v0 =	vmax.f32 v0, v54  }
0x1cb: {  	v0 =	vmax.f32 v0, v3;
	v3 =	vld [tilespmem:$0x18080]  }
0x1cc: {  	v0 =	vmax.f32 v0, v4;
	v4 =	vld [tilespmem:$0x18090]  }
0x1cd: {  	v0 =	vmax.f32 v0, v15;
	v15 =	vld [tilespmem:$0x180A0]  }
0x1ce: {  	v58 =	vld [tilespmem:$0x180B0];
	v0 =	vmax.f32 v0, v56  }
0x1cf: {  	v59 =	vld [tilespmem:$0x180C0];
	v0 =	vmax.f32 v0, v57  }
0x1d0: {  	v0 =	vmax.f32 v0, v3;
	v3 =	vld [tilespmem:$0x180D0]  }
0x1d1: {  	v0 =	vmax.f32 v0, v4;
	v4 =	vld [tilespmem:$0x180E0]  }
0x1d2: {  	v0 =	vmax.f32 v0, v15;
	v15 =	vld [tilespmem:$0x180F0]  }
0x1d3: {  	v60 =	vld [tilespmem:$0x1FF40];
	v0 =	vmax.f32 v0, v58  }
0x1d4: {  	v0 =	vmax.f32 v0, v59  }
0x1d5: {  	v0 =	vmax.f32 v0, v3  }
0x1d6: {  	v61 =	vld [tilespmem:$0x1FF50];
	v0 =	vmax.f32 v0, v4  }
0x1d7: {  	v0 =	vmax.f32 v0, v15  }
0x1d8: {  	v1 =	vperm.xlane v0, v60  }
0x1d9: {  	v62 =	vld [tilespmem:$0x1FF60]  }
0x1da: {  	v0 =	vmin.f32 v0, v1  }
0x1db: {  	v1 =	vperm.xlane v0, v61  }
0x1dc: {  	v63 =	vld [tilespmem:$0x1FF70]  }
0x1dd: {  	v0 =	vmin.f32 v0, v1  }
0x1de: {  	v1 =	vperm.xlane v0, v62  }
.Ltmp5:
0x1df: {  	_ = 	snop;
	(pc) =	sbr.rel .LBB2_8-.Ltmp5, $3  }
0x1e0: {  	v0 =	vmin.f32 v0, v1  }
0x1e1: {  	v1 =	vperm.xlane v0, v63;
	_ =	sdelay $0x1  }
0x1e2: {  	s17 =	simm.s32 $0x0;
	v16 =	vimm.s32 $0x0;
	v15 =	vmin.f32 v0, v1  }
.LBB2_10:
0x1e3: {  	v1 =	vmov v17  }
.LBB2_15:
0x1e4: {  	_ =	sdelay $0x4  }
0x1e5: {  	v18 =	vor.u32 v5, v0;
	[tilespmem:v2+s11+$0x0] =	vst.idx.msk @p0 vm15, v22  }
0x1e6: {  	v33 =	vor.u32 v7, v0;
	[tilespmem:v3+s11+$0x0] =	vst.idx.msk @p0 vm0, v19  }
0x1e7: {  	v20 =	vor.u32 v12, v0;
	v19 =	vor.u32 @p0 v12, v17;
	[tilespmem:v4+s11+$0x0] =	vst.idx.msk @p0 vm1, v21  }
0x1e8: {  	v34 =	vor.u32 v13, v0;
	v17 =	vor.u32 @p0 v13, v17;
	[tilespmem:v23+s11+$0x0] =	vst.idx.msk @p0 vm2, v19  }
0x1e9: {  	v3 =	vor.u32 v8, v0;
	[tilespmem:v25+s11+$0x0] =	vst.idx.msk @p0 vm3, v17  }
0x1ea: {  	v17 =	vld.idx.msk [tilespmem:v18+s1+$0x0], $0xffff  }
0x1eb: {  	v4 =	vor.u32 v9, v0;
	v2 =	vld.idx.msk [tilespmem:v33+s1+$0x0], $0xffff  }
0x1ec: {  	v19 =	vor.u32 v10, v0;
	v20 =	vld.idx.msk [tilespmem:v20+s1+$0x0], $0xffff  }
0x1ed: {  	v18 =	vor.u32 v11, v0;
	v0 =	vld.idx.msk [tilespmem:v34+s1+$0x0], $0xffff  }
0x1ee: {  	v3 =	vld.idx.msk [tilespmem:v3+s1+$0x0], $0xffff;
	_ =	sdelay $0x1  }
0x1ef: {  	v35 =	vor.u32 v8, v1;
	v36 =	vor.u32 v5, v1;
	v4 =	vld.idx.msk [tilespmem:v4+s1+$0x0], $0xffff;
	vm5 =	vge.f32 v17, v15  }
0x1f0: {  	v19 =	vld.idx.msk [tilespmem:v19+s1+$0x0], $0xffff;
	v17 =	vor.u32 v7, v1;
	vm2 =	vge.f32 v2, v15;
	vm6 =	vge.f32 v20, v15  }
0x1f1: {  	vm15 =	vge.f32 v0, v15;
	v37 =	vsel vm5, $0x1, v6;
	v38 =	vmpcnt.ones.xlane vm5  }
0x1f2: {  	v18 =	vld.idx.msk [tilespmem:v18+s1+$0x0], $0xffff;
	v24 =	vsel vm2, $0xFFFFFFFF, v6;
	vm0 =	vge.f32 v3, v15;
	v3 =	vsel vm2, $0x1, v6  }
0x1f3: {  	v40 =	vmpcnt.ones.xlane vm2;
	v42 =	vsel vm6, $0x1, v6;
	v27 =	vmpcnt.ones.xlane vm6;
	(xrf0) =	vadd.scan.msk.s32 $0xffff, v37  }
0x1f4: {  	v44 =	vsel vm15, $0x1, v6;
	vm1 =	vge.f32 v4, v15;
	v4 =	vsel vm0, $0x1, v6;
	(xrf0) =	vadd.scan.msk.s32 $0xffff, v3  }
0x1f5: {  	v49 =	vsel vm6, $0xFFFFFFFF, v6;
	v26 =	vsel vm1, $0x1, v6;
	vm4 =	vge.f32 v19, v15;
	(xrf0) =	vadd.scan.msk.s32 $0xffff, v4  }
0x1f6: {  	v39 =	vsel vm0, $0xFFFFFFFF, v6;
	v3 =	vsel vm5, $0xFFFFFFFF, v6;
	v4 =	vsel vm4, $0x1, v6;
	(xrf0) =	vadd.scan.msk.s32 $0xffff, v26  }
0x1f7: {  	v28 =	vmpcnt.ones.xlane vm0;
	v3 =	vadd.s32 v3, v16;
	vm3 =	vge.f32 v18, v15;
	(xrf0) =	vadd.scan.msk.s32 $0xffff, v4  }
0x1f8: {  	v2 =	vadd.s32 v16, v38;
	v29 =	vmpcnt.ones.xlane vm4;
	v19 =	vsel vm3, $0x1, v6  }
0x1f9: {  	v47 =	vsel vm4, $0xFFFFFFFF, v6;
	v41 =	vmpcnt.ones.xlane vm3;
	v4 =	vmpcnt.ones.xlane vm1;
	v16, _, _ =	vpop (xrf0);
	(xrf0) =	vadd.scan.msk.s32 $0xffff, v19  }
0x1fa: {  	v19 =	vadd.s32 v2, v40;
	v2 =	vadd.s32 v24, v2;
	v43 =	vadd.s32 v16, v3;
	(xrf0) =	vadd.scan.msk.s32 $0xffff, v42;
	v3, _, _ =	vpop (xrf0)  }
0x1fb: {  	v16 =	vsel vm1, $0xFFFFFFFF, v6;
	v46 =	vadd.s32 v19, v28;
	v19 =	vadd.s32 v39, v19;
	v45, _, _ =	vpop (xrf0);
	(xrf0) =	vadd.scan.msk.s32 $0xffff, v44  }
0x1fc: {  	v2 =	vadd.s32 v3, v2;
	v16 =	vadd.s32 v16, v46;
	v4 =	vadd.s32 v46, v4;
	v3, _, _ =	vpop (xrf0)  }
0x1fd: {  	v58 =	vld [tilespmem:$0x1FF80];
	v19 =	vadd.s32 v45, v19;
	v48, _, _ =	vpop (xrf0);
	v3 =	vadd.s32 v3, v16;
	v16 =	vadd.s32 v47, v4  }
0x1fe: {  	v59 =	vld [tilespmem:$0x1FF90];
	v18 =	vsel vm3, $0xFFFFFFFF, v6;
	v4 =	vadd.s32 v4, v29;
	v16 =	vadd.s32 v48, v16  }
0x1ff: {  	v60 =	vld [tilespmem:$0x1FFA0];
	v51 =	vadd.s32 v18, v4;
	v18 =	vsel vm15, $0xFFFFFFFF, v6;
	v4 =	vadd.s32 v4, v41;
	v50, _, _ =	vpop (xrf0);
	[tilespmem:v43+s11+$0x0] =	vst.idx.msk vm5, v36  }
0x200: {  	v61 =	vld [tilespmem:$0x1FFB0];
	v53 =	vadd.s32 v49, v4;
	v4 =	vadd.s32 v4, v27;
	v52, _, _ =	vpop (xrf0);
	v0 =	vadd.s32 v50, v51  }
0x201: {  	v63 =	vld [tilespmem:$0x1FFD0];
	[tilespmem:v2+s11+$0x0] =	vst.idx.msk vm2, v17;
	v18 =	vadd.s32 v18, v4;
	v54, _, _ =	vpop (xrf0);
	v17 =	vadd.s32 v52, v53  }
0x202: {  	v56 =	vor.u32 v9, v1;
	v62 =	vld [tilespmem:$0x1FFC0];
	[tilespmem:v19+s11+$0x0] =	vst.idx.msk vm0, v35;
	v2 =	vadd.s32 v54, v18  }
0x203: {  	v18 =	vor.u32 v10, v1;
	[tilespmem:v3+s11+$0x0] =	vst.idx.msk vm1, v56  }
0x204: {  	v3 =	vor.u32 v11, v1;
	[tilespmem:v16+s11+$0x0] =	vst.idx.msk vm4, v18;
	v16 =	vmpcnt.ones.xlane vm15  }
0x205: {  	v57 =	vor.u32 v13, v1;
	vm5 =	vnez.u8 v60;
	v18 =	vor.u32 v12, v1;
	[tilespmem:v0+s11+$0x0] =	vst.idx.msk vm3, v3  }
0x206: {  	vm2 =	vnez.u8 v63;
	vm4 =	vnez.u8 v59;
	v16 =	vadd.s32 v4, v16;
	[tilespmem:v17+s11+$0x0] =	vst.idx.msk vm6, v18  }
0x207: {  	vm3 =	vnez.u8 v58;
	vm6 =	vnez.u8 v61;
	[tilespmem:v2+s11+$0x0] =	vst.idx.msk vm15, v57;
	vm15 =	vnez.u8 v62  }
.LBB2_16:
0x208: {  	s17 =	sadd.s32 $0x1, s17  }
0x209: {  	p0 =	sne.s32 s17, $0x10  }
.Ltmp6:
0x20a: {  	_ = 	snop;
	(pc) =	sbr.rel @!p0 .LBB2_17-.Ltmp6, $1  }
0x20b: {  	_ =	sdelay $0x3  }
.LBB2_8:
0x20c: {  	s18 =	sshll.u32 s17, $0x4  }
0x20d: {  	s18 =	sand.u32 $0x3FFFFFF0, s18  }
0x20e: {  	v1 =	vld [tilespmem:s18+$0x18000];
	_ =	sdelay $0x4  }
0x20f: {  	vm0 =	vge.f32 v1, v15  }
0x210: {  	v0 =	vmpcnt.ones.xlane vm0;
	_ =	sdelay $0x1  }
0x211: {  	v0 =	vxor.u32 $0x80000000, v0  }
0x212: {  	(xrf0) =	vmax.scan.msk.u32 $0xffff, v0;
	_ =	sdelay $0x5  }
0x213: {  	v0, _, _ =	vpop (xrf0)  }
0x214: {  	(v2sf) =	vpush v0, $0xF;
	_ =	sdelay $0xe  }
0x215: {  	s31 =	spop (v2sf)  }
0x216: {  	s18 =	sxor.u32 $0x80000000, s31  }
0x217: {  	p0 =	slt.s32 s18, $0x1  }
.Ltmp7:
0x218: {  	_ = 	snop;
	(pc) =	sbr.rel @p0 .LBB2_16-.Ltmp7, $1  }
0x219: {  	_ =	sdelay $0x3  }
0x21a: {  	p1 =	sne.s32 s18, $0x1  }
.Ltmp8:
0x21b: {  	v2 =	vmctz.xlane vm0;
	(pc) =	sbr.rel @!p1 .LBB2_10-.Ltmp8, $4  }
0x21c: {  	s19 =	sshll.u32 s17, $0xB  }
0x21d: {  	v18 =	vmov s19;
	v0 =	vshll.u32 v2, $0x7  }
0x21e: {  	v17 =	vadd.s32 v18, v0  }
0x21f: {  	s18 =	sadd.s32 $0xFFFFFFFF, s18;
	p0 =	por $0x0, $0x0;
	v0 =	vshll.u32 v17, $0x1  }
0x220: {  	v3 =	vor.u32 v5, v0  }
0x221: {  	v4 =	vor.u32 v7, v0  }
0x222: {  	v19 =	vor.u32 v8, v0  }
0x223: {  	v21 =	vor.u32 v9, v0  }
0x224: {  	v22 =	vor.u32 v10, v0  }
0x225: {  	v23 =	vor.u32 v11, v0;
	v3 =	vld.idx.msk [tilespmem:v3+s1+$0x0], $0xffff  }
0x226: {  	v24 =	vor.u32 v12, v0;
	v0 =	vor.u32 v13, v0;
	v4 =	vld.idx.msk [tilespmem:v4+s1+$0x0], $0xffff  }
0x227: {  	vm0 =	veq.s32 v2, v5;
	v2 =	vld.idx.msk [tilespmem:v19+s1+$0x0], $0xffff  }
0x228: {  	v20 =	vsel vm0, $0xFF800000, v1;
	v1 =	vld.idx.msk [tilespmem:v21+s1+$0x0], $0xffff  }
0x229: {  	v25 =	vld.idx.msk [tilespmem:v22+s1+$0x0], $0xffff  }
0x22a: {  	v26 =	vor.u32 v8, v17;
	v23 =	vld.idx.msk [tilespmem:v23+s1+$0x0], $0xffff  }
0x22b: {  	v27 =	vor.u32 v5, v17;
	v28 =	vor.u32 v7, v17;
	vm7 =	vge.f32 v20, v15;
	v0 =	vld.idx.msk [tilespmem:v0+s1+$0x0], $0xffff  }
0x22c: {  	v19 =	vor.u32 v10, v17;
	v22 =	vor.u32 v9, v17;
	vm5 =	vge.f32 v3, v15  }
0x22d: {  	v21 =	vor.u32 v11, v17;
	v3 =	vld.idx.msk [tilespmem:v24+s1+$0x0], $0xffff;
	vm6 =	vge.f32 v4, v15;
	v24 =	vsel vm5, $0x1, v6  }
0x22e: {  	vm4 =	vge.f32 v2, v15;
	vm15 =	vge.f32 v1, v15;
	v30 =	vsel vm6, $0x1, v6;
	(xrf0) =	vadd.scan.msk.s32 $0xffff, v24  }
0x22f: {  	vm0 =	vge.f32 v25, v15;
	vm1 =	vge.f32 v23, v15;
	v24 =	vsel vm4, $0x1, v6;
	(xrf0) =	vadd.scan.msk.s32 $0xffff, v30  }
0x230: {  	vm3 =	vge.f32 v0, v15;
	v29 =	vmpcnt.ones.xlane vm5;
	v56 =	vsel vm15, $0x1, v6;
	(xrf0) =	vadd.scan.msk.s32 $0xffff, v24  }
0x231: {  	v4 =	vsel vm6, $0xFFFFFFFF, v6;
	v2 =	vsel vm4, $0xFFFFFFFF, v6;
	v25 =	vsel vm0, $0x1, v6;
	(xrf0) =	vadd.scan.msk.s32 $0xffff, v56  }
0x232: {  	v1 =	vmpcnt.ones.xlane vm6;
	v23 =	vsel vm1, $0xFFFFFFFF, v6;
	v24 =	vsel vm5, $0xFFFFFFFF, v6  }
0x233: {  	vm2 =	vge.f32 v3, v15;
	v24 =	vadd.s32 v24, v16;
	v16 =	vadd.s32 v16, v29  }
0x234: {  	v57 =	vsel vm1, $0x1, v6;
	v58 =	vmpcnt.ones.xlane vm4;
	v3 =	vsel vm2, $0x1, v6;
	(xrf0) =	vadd.scan.msk.s32 $0xffff, v25;
	v25, _, _ =	vpop (xrf0)  }
0x235: {  	v32 =	vmpcnt.ones.xlane vm15;
	v1 =	vadd.s32 v16, v1;
	v4 =	vadd.s32 v4, v16;
	v59, _, _ =	vpop (xrf0)  }
0x236: {  	v29 =	vadd.s32 v1, v58;
	(xrf0) =	vadd.scan.msk.s32 $0xffff, v57;
	v0 =	vadd.s32 v25, v24;
	v24 =	vsel vm15, $0xFFFFFFFF, v6;
	v16, _, _ =	vpop (xrf0)  }
0x237: {  	v1 =	vadd.s32 v2, v1;
	(xrf0) =	vadd.scan.msk.s32 $0xffff, v3;
	v30 =	vadd.s32 v59, v4;
	v4 =	vadd.s32 v24, v29;
	v3, _, _ =	vpop (xrf0)  }
0x238: {  	v25 =	vsel vm3, $0x1, v6;
	v2 =	vadd.s32 v3, v4;
	v3 =	vadd.s32 v29, v32  }
0x239: {  	v31 =	vmpcnt.ones.xlane vm1;
	v34 =	vmpcnt.ones.xlane vm0;
	v35 =	vsel vm0, $0xFFFFFFFF, v6;
	(xrf0) =	vadd.scan.msk.s32 $0xffff, v25  }
0x23a: {  	v60 =	vmpcnt.ones.xlane vm3;
	v33 =	vmpcnt.ones.xlane vm2;
	v61 =	vsel vm2, $0xFFFFFFFF, v6  }
0x23b: {  	p1 =	sne.s32 s18, $0x1;
	v16 =	vadd.s32 v16, v1;
	v4 =	vadd.s32 v35, v3;
	v25 =	vadd.s32 v3, v34;
	v3, _, _ =	vpop (xrf0)  }
.Ltmp9:
0x23c: {  	v24 =	vmctz.xlane vm7;
	v1, _, _ =	vpop (xrf0);
	v3 =	vadd.s32 v3, v4;
	v4 =	vadd.s32 v23, v25;
	(pc) =	sbr.rel @!p1 .LBB2_12-.Ltmp9, $4  }
0x23d: {  	[tilespmem:v0+s11+$0x0] =	vst.idx.msk vm5, v27;
	v0 =	vsel vm3, $0xFFFFFFFF, v6;
	v4 =	vadd.s32 v1, v4;
	v1 =	vadd.s32 v25, v31  }
0x23e: {  	[tilespmem:v30+s11+$0x0] =	vst.idx.msk vm6, v28;
	v23, _, _ =	vpop (xrf0);
	v25 =	vshll.u32 v24, $0x7;
	v27 =	vadd.s32 v61, v1;
	v62 =	vadd.s32 v1, v33  }
0x23f: {  	v63, _, _ =	vpop (xrf0);
	v1 =	vadd.s32 v18, v25;
	v23 =	vadd.s32 v23, v27;
	v25 =	vadd.s32 v0, v62  }
0x240: {  	s18 =	sadd.s32 $0xFFFFFFFF, s18;
	p0 =	por $0x1, $0x1;
	[tilespmem:v16+s11+$0x0] =	vst.idx.msk vm4, v26;
	v0 =	vshll.u32 v1, $0x1;
	v16 =	vadd.s32 v62, v60;
	v25 =	vadd.s32 v63, v25  }
.LBB2_13:
0x241: {  	p1 =	sne.s32 s18, $0x1;
	s18 =	sadd.s32 $0xFFFFFFFF, s18;
	v26 =	vor.u32 v5, v0;
	vm4 =	veq.s32 v24, v5;
	[tilespmem:v2+s11+$0x0] =	vst.idx.msk vm15, v22  }
0x242: {  	v2 =	vor.u32 v7, v0;
	v20 =	vsel vm4, $0xFF800000, v20;
	[tilespmem:v3+s11+$0x0] =	vst.idx.msk vm0, v19;
	v19 =	vor.u32 v10, v1  }
0x243: {  	v22 =	vor.u32 v12, v17;
	v3 =	vor.u32 v8, v0;
	[tilespmem:v4+s11+$0x0] =	vst.idx.msk vm1, v21  }
0x244: {  	v4 =	vor.u32 v9, v0;
	v21 =	vor.u32 v13, v17;
	v17 =	vmov v1;
	[tilespmem:v23+s11+$0x0] =	vst.idx.msk vm2, v22  }
0x245: {  	v1 =	vor.u32 v10, v0;
	[tilespmem:v25+s11+$0x0] =	vst.idx.msk vm3, v21  }
0x246: {  	v24 =	vor.u32 v11, v0;
	v23 =	vld.idx.msk [tilespmem:v26+s1+$0x0], $0xffff  }
0x247: {  	v25 =	vor.u32 v12, v0;
	v2 =	vld.idx.msk [tilespmem:v2+s1+$0x0], $0xffff  }
0x248: {  	v3 =	vld.idx.msk [tilespmem:v3+s1+$0x0], $0xffff  }
0x249: {  	v4 =	vld.idx.msk [tilespmem:v4+s1+$0x0], $0xffff  }
0x24a: {  	v0 =	vor.u32 v13, v0;
	v1 =	vld.idx.msk [tilespmem:v1+s1+$0x0], $0xffff  }
0x24b: {  	v22 =	vor.u32 v9, v17;
	v21 =	vor.u32 v11, v17;
	v26 =	vor.u32 v8, v17;
	v24 =	vld.idx.msk [tilespmem:v24+s1+$0x0], $0xffff  }
0x24c: {  	v27 =	vor.u32 v5, v17;
	vm6 =	vge.f32 v23, v15;
	v23 =	vor.u32 v7, v17;
	v25 =	vld.idx.msk [tilespmem:v25+s1+$0x0], $0xffff  }
0x24d: {  	v28 =	vsel vm6, $0x1, v6;
	v29 =	vmpcnt.ones.xlane vm6;
	vm5 =	vge.f32 v2, v15  }
0x24e: {  	v2 =	vsel vm5, $0xFFFFFFFF, v6;
	v30 =	vsel vm5, $0x1, v6;
	vm4 =	vge.f32 v3, v15;
	(xrf0) =	vadd.scan.msk.s32 $0xffff, v28  }
0x24f: {  	v3 =	vsel vm4, $0xFFFFFFFF, v6;
	v28 =	vsel vm4, $0x1, v6;
	vm15 =	vge.f32 v4, v15;
	v0 =	vld.idx.msk [tilespmem:v0+s1+$0x0], $0xffff;
	(xrf0) =	vadd.scan.msk.s32 $0xffff, v30  }
0x250: {  	v4 =	vmpcnt.ones.xlane vm5;
	v30 =	vsel vm15, $0x1, v6;
	vm0 =	vge.f32 v1, v15;
	(xrf0) =	vadd.scan.msk.s32 $0xffff, v28  }
0x251: {  	v1 =	vsel vm6, $0xFFFFFFFF, v6;
	v28 =	vsel vm0, $0x1, v6;
	vm1 =	vge.f32 v24, v15;
	(xrf0) =	vadd.scan.msk.s32 $0xffff, v30  }
0x252: {  	v30 =	vsel vm1, $0xFFFFFFFF, v6;
	v24 =	vsel vm1, $0x1, v6;
	vm2 =	vge.f32 v25, v15;
	(xrf0) =	vadd.scan.msk.s32 $0xffff, v28  }
0x253: {  	v1 =	vadd.s32 v1, v16;
	v25 =	vmpcnt.ones.xlane vm1;
	v28 =	vsel vm2, $0x1, v6;
	(xrf0) =	vadd.scan.msk.s32 $0xffff, v24  }
0x254: {  	v34 =	vadd.s32 v16, v29;
	v31 =	vmpcnt.ones.xlane vm2;
	v24 =	vmpcnt.ones.xlane vm15;
	v29, _, _ =	vpop (xrf0);
	(xrf0) =	vadd.scan.msk.s32 $0xffff, v28  }
0x255: {  	v32 =	vmpcnt.ones.xlane vm0;
	v4 =	vadd.s32 v34, v4;
	v28 =	vmpcnt.ones.xlane vm4;
	v33, _, _ =	vpop (xrf0)  }
0x256: {  	vm3 =	vge.f32 v0, v15;
	v0 =	vadd.s32 v29, v1;
	v1 =	vadd.s32 v2, v34;
	v16, _, _ =	vpop (xrf0)  }
0x257: {  	v2 =	vsel vm15, $0xFFFFFFFF, v6;
	v29 =	vsel vm3, $0x1, v6;
	v36 =	vadd.s32 v4, v28;
	v34, _, _ =	vpop (xrf0)  }
0x258: {  	v37 =	vsel vm0, $0xFFFFFFFF, v6;
	v1 =	vadd.s32 v33, v1;
	v2 =	vadd.s32 v2, v36;
	v33, _, _ =	vpop (xrf0);
	(xrf0) =	vadd.scan.msk.s32 $0xffff, v29  }
0x259: {  	v3 =	vadd.s32 v3, v4;
	v4 =	vadd.s32 v36, v24;
	v2 =	vadd.s32 v34, v2;
	v28, _, _ =	vpop (xrf0)  }
0x25a: {  	v29 =	vmpcnt.ones.xlane vm3;
	v34 =	vadd.s32 v37, v4;
	v32 =	vadd.s32 v4, v32;
	v35, _, _ =	vpop (xrf0)  }
0x25b: {  	vm7 =	vge.f32 v20, v15;
	v36 =	vsel vm2, $0xFFFFFFFF, v6;
	v16 =	vadd.s32 v16, v3;
	[tilespmem:v0+s11+$0x0] =	vst.idx.msk vm6, v27  }
.Ltmp10:
0x25c: {  	v24 =	vmctz.xlane vm7;
	v3 =	vadd.s32 v33, v34;
	v0 =	vadd.s32 v30, v32;
	(pc) =	sbr.rel @p1 .LBB2_13-.Ltmp10, $4  }
0x25d: {  	v27 =	vsel vm3, $0xFFFFFFFF, v6;
	v4 =	vadd.s32 v28, v0;
	v0 =	vadd.s32 v32, v25;
	[tilespmem:v1+s11+$0x0] =	vst.idx.msk vm5, v23  }
0x25e: {  	v1 =	vshll.u32 v24, $0x7;
	v23 =	vadd.s32 v36, v0;
	v28 =	vadd.s32 v0, v31;
	v25, _, _ =	vpop (xrf0)  }
0x25f: {  	v1 =	vadd.s32 v18, v1;
	v23 =	vadd.s32 v35, v23;
	v27 =	vadd.s32 v27, v28  }
0x260: {  	v0 =	vshll.u32 v1, $0x1;
	v25 =	vadd.s32 v25, v27;
	[tilespmem:v16+s11+$0x0] =	vst.idx.msk vm4, v26;
	v16 =	vadd.s32 v28, v29  }
0x261: {  	v18 =	vld [tilespmem:$0x1FFE0]  }
.Ltmp11:
0x262: {  	_ = 	snop;
	(pc) =	sbr.rel .LBB2_15-.Ltmp11, $2  }
0x263: {  	_ =	sdelay $0x2  }
0x264: {  	vm7 =	vnez.u8 v18  }
.LBB2_12:
0x265: {  	v18 =	vld [tilespmem:$0x1FFE0]  }
.Ltmp12:
0x266: {  	_ = 	snop;
	(pc) =	sbr.rel .LBB2_15-.Ltmp12, $2  }
0x267: {  	_ =	sdelay $0x2  }
0x268: {  	vm7 =	vnez.u8 v18  }
.LBB2_17:
0x269: {  	v0 =	vxor.u32 $0x80000000, v16  }
0x26a: {  	(xrf0) =	vmax.scan.msk.u32 $0xffff, v0;
	_ =	sdelay $0x5  }
0x26b: {  	v0, _, _ =	vpop (xrf0)  }
0x26c: {  	(v2sf) =	vpush v0, $0xF;
	_ =	sdelay $0xe  }
0x26d: {  	s18 =	spop (v2sf)  }
0x26e: {  	s17 =	sadd.s32 $0x8000000F, s18  }
0x26f: {  	s19 =	sand.u32 $0xF, s17  }
0x270: {  	s20 =	sshra.s32 s17, $0x1F;
	p0 =	slt.s32 s17, $0x1;
	p1 =	sne.s32 s19, $0x0  }
0x271: {  	s31 =	sshrl.u32 s20, $0x1C;
	p0 =	por !p0, !p1  }
0x272: {  	s19 =	simm.s32 $0x1;
	s17 =	sadd.s32 s31, s17;
	p0 =	por !p0, !p0  }
0x273: {  	s17 =	sshra.s32 s17, $0x4;
	s19 =	simm.s32 @!p0 $0x0  }
0x274: {  	s17 =	ssub.s32 s17, s19  }
0x275: {  	v2 =	vld [tilespmem:$0x1FFF0];
	p0 =	slt.s32 s17, $0x1  }
.Ltmp13:
0x276: {  	_ = 	snop;
	(pc) =	sbr.rel @!p0 .LBB2_18-.Ltmp13, $3  }
0x277: {  	_ =	sdelay $0x1  }
0x278: {  	s18 =	sxor.u32 $0x80000000, s18  }
0x279: {  	v1 =	vimm.f32 $-Inf;
	vm0 =	vnez.u8 v2;
	v0 =	vimm.s32 $0x0;
	s20 =	smov.u32 s18;
	s19 =	simm.s32 $0x0  }
.LBB2_27:
0x27a: {  	[tilespmem:$0x18100] =	vst v1  }
0x27b: {  	[tilespmem:$0x18180] =	vst v0;
	s17 =	simm.s32 $0x0  }
0x27c: {  	[hbm4b:s5+s17] =	stream.linear.scatter [tilespmem:s12], [sflag:$0x3], $0x80, $0x38;
	[tilespmem:$0x18200] =	vst v63  }
0x27d: {  	_ =	swait.ge [sflag:s13], $0x80  }
0x27e: {  	[sflag:s13] =	ssyncset.done $0x0  }
0x27f: {  	[sflag:s13] =	ssyncadd.s32 $0xFFFFFF80  }
0x280: {  	[hbm4b:s6+s17] =	stream.linear.scatter [tilespmem:s14], [sflag:$0x3], $0x80, $0x38;
	[tilespmem:$0x18200] =	vst v63  }
0x281: {  	_ =	swait.ge [sflag:s13], $0x80  }
0x282: {  	[sflag:s13] =	ssyncset.done $0x0  }
0x283: {  	[sflag:s13] =	ssyncadd.s32 $0xFFFFFF80  }
0x284: {  	_ =	swait.ge [sflag:s15], $0x8000  }
0x285: {  	[sflag:s15] =	ssyncset.done $0x0  }
0x286: {  	s18 =	simm.s32 $0x880;
	[sflag:s15] =	ssyncadd.s32 $0xFFFF8000  }
0x287: {  	v0 =	vld [tilespmem:s18+$0x760];
	_ =	sdelay $0x4  }
0x288: {  	[tilespmem:$0x1FA20] =	vst v0;
	v0 =	vld [tilespmem:s18+$0x750];
	_ =	sdelay $0x4  }
0x289: {  	[tilespmem:$0x1FA10] =	vst v0;
	v0 =	vld [tilespmem:s18+$0x650];
	_ =	sdelay $0x4  }
0x28a: {  	[tilespmem:$0x1FA50] =	vst v0;
	v0 =	vld [tilespmem:s18+$0x740]  }
0x28b: {  	v61 =	vld [tilespmem:s18+$0x660]  }
0x28c: {  	v63 =	vld [tilespmem:s18+$0x560]  }
0x28d: {  	v2 =	vld [tilespmem:s18+$0x730]  }
0x28e: {  	v35 =	vld [tilespmem:s18+$0x270]  }
0x28f: {  	[tilespmem:$0x1FA00] =	vst v0;
	v0 =	vld [tilespmem:s18+$0x460]  }
0x290: {  	v21 =	vld [tilespmem:s18+$0x630]  }
0x291: {  	v3 =	vld [tilespmem:s18+$0x720]  }
0x292: {  	v36 =	vld [tilespmem:s18+$0x260]  }
0x293: {  	v18 =	vld [tilespmem:s18+$0x530]  }
0x294: {  	[tilespmem:$0x1FAB0] =	vst v0;
	v0 =	vld [tilespmem:s18+$0x550]  }
0x295: {  	v60 =	vld [tilespmem:s18+$0x620]  }
0x296: {  	v62 =	vld [tilespmem:s18+$0x700]  }
0x297: {  	v15 =	vld [tilespmem:s18+$0x710]  }
0x298: {  	v37 =	vld [tilespmem:s18+$0x70]  }
0x299: {  	[tilespmem:$0x1FA70] =	vst v0;
	v0 =	vld [tilespmem:s18+$0x640]  }
0x29a: {  	v17 =	vld [tilespmem:s18+$0x520]  }
0x29b: {  	v49 =	vld [tilespmem:s18+$0x600]  }
0x29c: {  	v51 =	vld [tilespmem:s18+$0x610]  }
0x29d: {  	v1 =	vld [tilespmem:s18+$0xFFFFFD70]  }
0x29e: {  	[tilespmem:$0x1FA30] =	vst v0;
	v0 =	vld [tilespmem:s18+$0x450]  }
0x29f: {  	v56 =	vld [tilespmem:s18+$0xFFFFFF70]  }
0x2a0: {  	v32 =	vld [tilespmem:s18+$0x420]  }
0x2a1: {  	v33 =	vld [tilespmem:s18+$0x500]  }
0x2a2: {  	[tilespmem:$0x1F950] =	vst v1;
	v1 =	vld [tilespmem:s18+$0xFFFFFE60]  }
0x2a3: {  	[tilespmem:$0x1FA90] =	vst v0;
	v0 =	vld [tilespmem:s18+$0x540]  }
0x2a4: {  	v34 =	vld [tilespmem:s18+$0x510]  }
0x2a5: {  	v28 =	vld [tilespmem:s18+$0x320]  }
0x2a6: {  	v30 =	vld [tilespmem:s18+$0x410]  }
0x2a7: {  	[tilespmem:$0x1F960] =	vst v1;
	v1 =	vld [tilespmem:s18+$0x40]  }
0x2a8: {  	[tilespmem:$0x1FA40] =	vst v0;
	v0 =	vld [tilespmem:s18+$0x350]  }
0x2a9: {  	v31 =	vld [tilespmem:s18+$0x220]  }
0x2aa: {  	v24 =	vld [tilespmem:s18+$0x300]  }
0x2ab: {  	v23 =	vld [tilespmem:s18+$0x310]  }
0x2ac: {  	[tilespmem:$0x1FB50] =	vst v1;
	v1 =	vld [tilespmem:s18+$0x130]  }
0x2ad: {  	[tilespmem:$0x1FAF0] =	vst v0;
	v0 =	vld [tilespmem:s18+$0x440]  }
0x2ae: {  	v41 =	vld [tilespmem:s18+$0x120]  }
0x2af: {  	v22 =	vld [tilespmem:s18+$0x200]  }
0x2b0: {  	v4 =	vld [tilespmem:s18+$0x210]  }
0x2b1: {  	[tilespmem:$0x1FB00] =	vst v1;
	v1 =	vld [tilespmem:s18+$0xFFFFFC70]  }
0x2b2: {  	[tilespmem:$0x1FA80] =	vst v0;
	v0 =	vld [tilespmem:s18+$0x250]  }
0x2b3: {  	v39 =	vld [tilespmem:s18+$0xFFFFFE40]  }
0x2b4: {  	v59 =	vld [tilespmem:s18+$0x20]  }
0x2b5: {  	v27 =	vld [tilespmem:s18+$0x100]  }
0x2b6: {  	[tilespmem:$0x1F970] =	vst v1;
	v1 =	vld [tilespmem:s18+$0xFFFFFD60]  }
0x2b7: {  	[tilespmem:$0x1FB10] =	vst v0;
	v0 =	vld [tilespmem:s18+$0x340]  }
0x2b8: {  	v16 =	vld [tilespmem:s18+$0x110]  }
0x2b9: {  	v40 =	vld [tilespmem:s18+$0xFFFFFD40]  }
0x2ba: {  	v26 =	vld [tilespmem:s18+$0xFFFFFE30]  }
0x2bb: {  	[tilespmem:$0x1F980] =	vst v1;
	v1 =	vld [tilespmem:s18+$0xFFFFFF40]  }
0x2bc: {  	[tilespmem:$0x1FAD0] =	vst v0;
	v0 =	vld [tilespmem:s18+$0x430]  }
0x2bd: {  	v53 =	vld [tilespmem:s18+$0xFFFFFF20]  }
0x2be: {  	v50 =	vld [tilespmem:s18+$0x0]  }
0x2bf: {  	v47 =	vld [tilespmem:s18+$0x10]  }
0x2c0: {  	[tilespmem:$0x1FB60] =	vst v1;
	v1 =	vld [tilespmem:s18+$0x30]  }
0x2c1: {  	[tilespmem:$0x1FA60] =	vst v0;
	v0 =	vld [tilespmem:s18+$0x60]  }
0x2c2: {  	v43 =	vld [tilespmem:s18+$0xFFFFFC40]  }
0x2c3: {  	v46 =	vld [tilespmem:s18+$0xFFFFFD30]  }
0x2c4: {  	v52 =	vld [tilespmem:s18+$0xFFFFFE20]  }
0x2c5: {  	[tilespmem:$0x1FB30] =	vst v1;
	v1 =	vld [tilespmem:s18+$0xFFFFFB70]  }
0x2c6: {  	[tilespmem:$0x1F920] =	vst v0;
	v0 =	vld [tilespmem:s18+$0x240]  }
0x2c7: {  	v25 =	vld [tilespmem:s18+$0xFFFFFF00]  }
0x2c8: {  	v19 =	vld [tilespmem:s18+$0xFFFFFF10]  }
0x2c9: {  	v38 =	vld [tilespmem:s18+$0xFFFFF860]  }
0x2ca: {  	[tilespmem:$0x1F990] =	vst v1;
	v1 =	vld [tilespmem:s18+$0xFFFFFC60]  }
0x2cb: {  	[tilespmem:$0x1FAE0] =	vst v0;
	v0 =	vld [tilespmem:s18+$0x330]  }
0x2cc: {  	v57 =	vld [tilespmem:s18+$0xFFFFF960]  }
0x2cd: {  	v45 =	vld [tilespmem:s18+$0xFFFFFB40]  }
0x2ce: {  	v48 =	vld [tilespmem:s18+$0xFFFFFC30]  }
0x2cf: {  	[tilespmem:$0x1F9A0] =	vst v1;
	v1 =	vld [tilespmem:s18+$0xFFFFFF30]  }
0x2d0: {  	[tilespmem:$0x1FAA0] =	vst v0;
	v0 =	vld [tilespmem:s18+$0xFFFFFE70]  }
0x2d1: {  	v58 =	vld [tilespmem:s18+$0xFFFFFD20]  }
0x2d2: {  	v29 =	vmax.f32 v49, v51;
	v49 =	vld [tilespmem:$0x1FA00]  }
0x2d3: {  	v60 =	vmax.f32 v29, v60;
	v29 =	vld [tilespmem:$0x1FA10]  }
0x2d4: {  	v15 =	vmax.f32 v62, v15;
	[tilespmem:$0x1FB40] =	vst v1;
	v1 =	vld [tilespmem:s18+$0xFFFFFA70]  }
0x2d5: {  	v3 =	vmax.f32 v15, v3;
	[tilespmem:$0x1F930] =	vst v0;
	v0 =	vld [tilespmem:s18+$0xFFFFFF60]  }
0x2d6: {  	v20 =	vld [tilespmem:s18+$0xFFFFFE00];
	v3 =	vmax.f32 v3, v2  }
0x2d7: {  	v44 =	vld [tilespmem:s18+$0xFFFFF850];
	v33 =	vmax.f32 v33, v34;
	v3 =	vmax.f32 v3, v49  }
0x2d8: {  	v3 =	vmax.f32 v3, v29;
	v29 =	vmax.f32 v33, v17;
	v17 =	vld [tilespmem:$0x1FA20]  }
0x2d9: {  	[tilespmem:$0x1F9B0] =	vst v1;
	v1 =	vld [tilespmem:s18+$0xFFFFFB60]  }
0x2da: {  	[tilespmem:$0x1F940] =	vst v0;
	v0 =	vld [tilespmem:s18+$0x140]  }
0x2db: {  	v42 =	vld [tilespmem:s18+$0xFFFFF950]  }
0x2dc: {  	v54 =	vld [tilespmem:s18+$0xFFFFFB30]  }
0x2dd: {  	v21 =	vmax.f32 v60, v21;
	v60 =	vmax.f32 v3, v17;
	v3 =	vmax.f32 v29, v18;
	v29 =	vld [tilespmem:$0x1FA40]  }
0x2de: {  	[tilespmem:$0x1F9C0] =	vst v1;
	v1 =	vld [tilespmem:s18+$0xFFFFF870]  }
0x2df: {  	[tilespmem:$0x1FB20] =	vst v0;
	v0 =	vld [tilespmem:s18+$0x230]  }
0x2e0: {  	v62 =	vld [tilespmem:s18+$0xFFFFFC20]  }
0x2e1: {  	v18 =	vld [tilespmem:$0x1FA30]  }
0x2e2: {  	v3 =	vmax.f32 v3, v29;
	v29 =	vld [tilespmem:$0x1FA50]  }
0x2e3: {  	[tilespmem:$0x1F9D0] =	vst v1;
	v1 =	vld [tilespmem:s18+$0xFFFFF970]  }
0x2e4: {  	[tilespmem:$0x1FAC0] =	vst v0;
	v0 =	vld [tilespmem:s18+$0x400]  }
0x2e5: {  	v51 =	vld [tilespmem:s18+$0xFFFFF840]  }
0x2e6: {  	v15 =	vld [tilespmem:s18+$0xFFFFFD00]  }
0x2e7: {  	v2 =	vld [tilespmem:s18+$0xFFFFFD10]  }
0x2e8: {  	v21 =	vmax.f32 v21, v18;
	[tilespmem:$0x1F9E0] =	vst v1;
	v1 =	vld [tilespmem:s18+$0xFFFFFA60]  }
0x2e9: {  	v0 =	vmax.f32 v0, v30;
	v30 =	vmax.f32 v21, v29;
	v29 =	vld [tilespmem:$0x1FA60]  }
0x2ea: {  	v49 =	vld [tilespmem:s18+$0xFFFFF940]  }
0x2eb: {  	v17 =	vld [tilespmem:s18+$0xFFFFFB20]  }
0x2ec: {  	v18 =	vld [tilespmem:s18+$0xFFFFFC00]  }
0x2ed: {  	[tilespmem:$0x1F9F0] =	vst v1;
	v1 =	vld [tilespmem:s18+$0xFFFFFE10];
	v0 =	vmax.f32 v0, v32  }
0x2ee: {  	v23 =	vmax.f32 v24, v23;
	v0 =	vmax.f32 v0, v29;
	v29 =	vld [tilespmem:$0x1FA70]  }
0x2ef: {  	v4 =	vmax.f32 v22, v4;
	v22 =	vmax.f32 v23, v28;
	v23 =	vld [tilespmem:$0x1FA90]  }
0x2f0: {  	v28 =	vld [tilespmem:$0x1FAA0]  }
0x2f1: {  	v24 =	vld [tilespmem:$0x1FA80]  }
0x2f2: {  	v16 =	vmax.f32 v27, v16;
	v25 =	vmax.f32 v25, v19;
	v27 =	vld [tilespmem:$0x1FAC0]  }
0x2f3: {  	v1 =	vmax.f32 v20, v1;
	v20 =	vmax.f32 v25, v53;
	v25 =	vld [tilespmem:$0x1FB30];
	v29 =	vmax.f32 v3, v29  }
0x2f4: {  	v63 =	vmax.f32 v29, v63;
	v29 =	vld [tilespmem:$0x1FAE0]  }
0x2f5: {  	v22 =	vmax.f32 v22, v28;
	v28 =	vld [tilespmem:$0x1FAB0]  }
0x2f6: {  	v4 =	vmax.f32 v4, v31;
	v19 =	vld [tilespmem:$0x1FB20]  }
0x2f7: {  	v4 =	vmax.f32 v4, v27;
	v27 =	vld [tilespmem:$0x1FAD0]  }
0x2f8: {  	v61 =	vmax.f32 v30, v61;
	v30 =	vld [tilespmem:$0x1FB00]  }
0x2f9: {  	v29 =	vmax.f32 v4, v29;
	v4 =	vld [tilespmem:$0x1FAF0]  }
0x2fa: {  	v21 =	vld [tilespmem:s18+$0xFFFFFC10]  }
0x2fb: {  	v24 =	vmax.f32 v0, v24;
	v0 =	vld [tilespmem:s18+$0xFFFFF930]  }
0x2fc: {  	v16 =	vmax.f32 v16, v41;
	v27 =	vmax.f32 v22, v27;
	v22 =	vld [tilespmem:s18+$0xFFFFF820]  }
0x2fd: {  	v34 =	vmax.f32 v16, v30;
	v16 =	vld [tilespmem:$0x1FB10]  }
0x2fe: {  	v24 =	vmax.f32 v24, v23;
	v23 =	vld [tilespmem:s18+$0xFFFFFB00];
	v41 =	vmax.f32 v27, v4;
	v27 =	vmax.f32 v50, v47  }
0x2ff: {  	v27 =	vmax.f32 v27, v59;
	v59 =	vmax.f32 v1, v52;
	v1 =	vld [tilespmem:$0x1FB40]  }
0x300: {  	v28 =	vmax.f32 v24, v28;
	v24 =	vld [tilespmem:s18+$0xFFFFFB10]  }
0x301: {  	v3 =	vld [tilespmem:s18+$0xFFFFF830]  }
0x302: {  	v4 =	vld [tilespmem:s18+$0xFFFFF920]  }
0x303: {  	v52 =	vmax.f32 v15, v2;
	v2 =	vld [tilespmem:$0x1FB60]  }
0x304: {  	v47 =	vmax.f32 v29, v16;
	v29 =	vmax.f32 v20, v1;
	v1 =	vld [tilespmem:$0x1FB50]  }
0x305: {  	v16 =	vld [tilespmem:s18+$0xFFFFFA00]  }
0x306: {  	v50 =	vmax.f32 v34, v19;
	v19 =	vld [tilespmem:s18+$0xFFFFF810]  }
0x307: {  	v27 =	vmax.f32 v27, v25;
	v25 =	vld [tilespmem:s18+$0xFFFFF800]  }
0x308: {  	v20 =	vld [tilespmem:s18+$0xFFFFF900]  }
0x309: {  	s19 =	simm.s32 $0x40;
	v53 =	vmax.f32 v59, v26;
	v2 =	vmax.f32 v29, v2;
	v1 =	vmax.f32 v27, v1;
	v27 =	vld [tilespmem:s18+$0xFFFFF910]  }
.LBB2_28:
0x30a: {  	v15 =	vld [tilespmem:s18+$0xFFFFFA10]  }
0x30b: {  	v59 =	vld [tilespmem:s18+$0xFFFFFA20]  }
0x30c: {  	v23 =	vmax.f32 v23, v24;
	v24 =	vld [tilespmem:s18+$0xFFFFFA30]  }
0x30d: {  	v17 =	vmax.f32 v23, v17;
	v23 =	vld [tilespmem:s18+$0xFFFFFA40]  }
0x30e: {  	v20 =	vmax.f32 v20, v27  }
0x30f: {  	v4 =	vmax.f32 v20, v4;
	v15 =	vmax.f32 v16, v15  }
0x310: {  	v0 =	vmax.f32 v4, v0;
	v4 =	vmax.f32 v15, v59  }
0x311: {  	v19 =	vmax.f32 v25, v19;
	v4 =	vmax.f32 v4, v24  }
0x312: {  	v19 =	vmax.f32 v19, v22;
	v4 =	vmax.f32 v4, v23;
	v23 =	vld [tilespmem:$0x1F9D0]  }
0x313: {  	v3 =	vmax.f32 v19, v3  }
0x314: {  	v3 =	vmax.f32 v3, v51  }
0x315: {  	v3 =	vmax.f32 v3, v44  }
0x316: {  	v3 =	vmax.f32 v3, v38  }
0x317: {  	v3 =	vmax.f32 v3, v23;
	v23 =	vld [tilespmem:$0x1F9E0];
	_ =	sdelay $0x1  }
0x318: {  	v0 =	vmax.f32 v0, v49  }
0x319: {  	v0 =	vmax.f32 v0, v42  }
0x31a: {  	v22 =	vld [tilespmem:s18+$0xFFFFFA50];
	v0 =	vmax.f32 v0, v57  }
0x31b: {  	v0 =	vmax.f32 v0, v23;
	v23 =	vld [tilespmem:$0x1F9F0]  }
0x31c: {  	(xrf0) =	vmax.scan.msk.f32 $0xffff, v3;
	v3 =	vld [tilespmem:$0x1F9B0];
	_ =	sdelay $0x2  }
0x31d: {  	v4 =	vmax.f32 v4, v22  }
0x31e: {  	v16 =	vld [tilespmem:s18+$0xFFFFFB50];
	v4 =	vmax.f32 v4, v23  }
0x31f: {  	v3 =	vmax.f32 v4, v3;
	v4 =	vld [tilespmem:$0x1F9C0]  }
0x320: {  	(xrf0) =	vmax.scan.msk.f32 $0xffff, v0;
	v0 =	vld [tilespmem:$0x1F990]  }
0x321: {  	v17 =	vmax.f32 v17, v54  }
0x322: {  	v17 =	vmax.f32 v17, v45  }
0x323: {  	v16 =	vmax.f32 v17, v16  }
0x324: {  	v15 =	vld [tilespmem:s18+$0xFFFFFC50];
	v4 =	vmax.f32 v16, v4  }
0x325: {  	v18 =	vmax.f32 v18, v21;
	v0 =	vmax.f32 v4, v0;
	v4 =	vld [tilespmem:$0x1F9A0]  }
0x326: {  	v18 =	vmax.f32 v18, v62;
	(xrf0) =	vmax.scan.msk.f32 $0xffff, v3;
	v3 =	vld [tilespmem:$0x1F970]  }
0x327: {  	v18 =	vmax.f32 v18, v48  }
0x328: {  	v18 =	vmax.f32 v18, v43  }
0x329: {  	v15 =	vmax.f32 v18, v15  }
0x32a: {  	v19 =	vld [tilespmem:s18+$0xFFFFFD50];
	v4 =	vmax.f32 v15, v4  }
0x32b: {  	v3 =	vmax.f32 v4, v3;
	v4 =	vld [tilespmem:$0x1F980]  }
0x32c: {  	v21 =	vmax.f32 v52, v58;
	(xrf0) =	vmax.scan.msk.f32 $0xffff, v0;
	v0 =	vld [tilespmem:$0x1F950]  }
0x32d: {  	v21 =	vmax.f32 v21, v46  }
0x32e: {  	v21 =	vmax.f32 v21, v40  }
0x32f: {  	v15 =	vmax.f32 v21, v19  }
0x330: {  	v20 =	vld [tilespmem:s18+$0xFFFFFE50];
	v4 =	vmax.f32 v15, v4  }
0x331: {  	v0 =	vmax.f32 v4, v0;
	v4 =	vld [tilespmem:$0x1F960]  }
0x332: {  	(xrf0) =	vmax.scan.msk.f32 $0xffff, v3;
	v3 =	vld [tilespmem:$0x1F930];
	_ =	sdelay $0x1  }
0x333: {  	v39 =	vmax.f32 v53, v39  }
0x334: {  	v15 =	vmax.f32 v39, v20  }
0x335: {  	v22 =	vld [tilespmem:s18+$0xFFFFFF50];
	v4 =	vmax.f32 v15, v4  }
0x336: {  	v3 =	vmax.f32 v4, v3;
	v4 =	vld [tilespmem:$0x1F940];
	_ =	sdelay $0x3  }
0x337: {  	v17 =	vld [tilespmem:s18+$0x50];
	v2 =	vmax.f32 v2, v22  }
0x338: {  	v16 =	vld [tilespmem:s18+$0x150];
	v2 =	vmax.f32 v2, v4  }
0x339: {  	(xrf0) =	vmax.scan.msk.f32 $0xffff, v0;
	v0 =	vmax.f32 v2, v56;
	v2 =	vld [tilespmem:$0x1F920]  }
0x33a: {  	v18 =	vld [tilespmem:s18+$0x160]  }
0x33b: {  	v19 =	vld [tilespmem:s18+$0x170]  }
0x33c: {  	v15 =	vld [tilespmem:s18+$0x360]  }
0x33d: {  	v1 =	vmax.f32 v1, v17;
	v4 =	vld [tilespmem:s18+$0x370]  }
0x33e: {  	v17, _, _ =	vpop (xrf0);
	(xrf0) =	vmax.scan.msk.f32 $0xffff, v3;
	v1 =	vmax.f32 v1, v2;
	v2 =	vmax.f32 v50, v16;
	v16 =	vld [tilespmem:s18+$0x470]  }
0x33f: {  	v20, _, _ =	vpop (xrf0);
	v3 =	vmax.f32 v47, v36;
	(xrf0) =	vmax.scan.msk.f32 $0xffff, v0;
	v1 =	vmax.f32 v1, v37;
	v2 =	vmax.f32 v2, v18;
	v18 =	vld [tilespmem:s18+$0x570]  }
0x340: {  	v0 =	vperm.xlane v17, v55;
	v17 =	vperm.xlane v20, v55;
	v20, _, _ =	vpop (xrf0);
	v2 =	vmax.f32 v2, v19;
	v19 =	vld [tilespmem:s18+$0x670];
	(xrf0) =	vmax.scan.msk.f32 $0xffff, v1  }
0x341: {  	v3 =	vmax.f32 v3, v35;
	v22 =	vmax.f32 v41, v15;
	v21, _, _ =	vpop (xrf0);
	v1 =	vperm.xlane v20, v55;
	v20 =	vld [tilespmem:s18+$0x770];
	(xrf0) =	vmax.scan.msk.f32 $0xffff, v2  }
0x342: {  	v0 =	vsel vm7, v0, v17;
	v15, _, _ =	vpop (xrf0);
	v4 =	vmax.f32 v22, v4;
	v2 =	vperm.xlane v21, v55;
	(xrf0) =	vmax.scan.msk.f32 $0xffff, v3  }
0x343: {  	v0 =	vsel vm0, v0, v1;
	v1 =	vperm.xlane v15, v55;
	v15, _, _ =	vpop (xrf0);
	v3 =	vmax.f32 v28, v16;
	(xrf0) =	vmax.scan.msk.f32 $0xffff, v4  }
0x344: {  	v0 =	vsel vm3, v0, v2;
	v2 =	vperm.xlane v15, v55;
	v15, _, _ =	vpop (xrf0);
	v4 =	vmax.f32 v63, v18;
	(xrf0) =	vmax.scan.msk.f32 $0xffff, v3  }
0x345: {  	v0 =	vsel vm4, v0, v1;
	v1 =	vperm.xlane v15, v55;
	v15, _, _ =	vpop (xrf0);
	v16 =	vmax.f32 v61, v19;
	(xrf0) =	vmax.scan.msk.f32 $0xffff, v4  }
0x346: {  	v0 =	vsel vm5, v0, v2;
	v2 =	vperm.xlane v15, v55;
	v4 =	vmax.f32 v60, v20;
	v15, _, _ =	vpop (xrf0);
	(xrf0) =	vmax.scan.msk.f32 $0xffff, v16  }
0x347: {  	v0 =	vsel vm6, v0, v1;
	v1 =	vperm.xlane v15, v55;
	v3, _, _ =	vpop (xrf0);
	(xrf0) =	vmax.scan.msk.f32 $0xffff, v4  }
0x348: {  	v0 =	vsel vm15, v0, v2;
	v2 =	vperm.xlane v3, v55;
	v3, _, _ =	vpop (xrf0)  }
0x349: {  	v0 =	vsel vm2, v0, v1;
	v1 =	vperm.xlane v3, v55;
	v3, _, _ =	vpop (xrf0)  }
0x34a: {  	v0 =	vsel vm8, v0, v2;
	v2 =	vperm.xlane v3, v55;
	v3, _, _ =	vpop (xrf0)  }
0x34b: {  	v0 =	vsel vm9, v0, v1;
	v1 =	vperm.xlane v3, v55;
	v3, _, _ =	vpop (xrf0)  }
0x34c: {  	v0 =	vsel vm10, v0, v2;
	v2 =	vperm.xlane v3, v55;
	v3, _, _ =	vpop (xrf0)  }
0x34d: {  	v0 =	vsel vm11, v0, v1;
	v1 =	vperm.xlane v3, v55;
	v3, _, _ =	vpop (xrf0)  }
0x34e: {  	v0 =	vsel vm12, v0, v2;
	v2 =	vperm.xlane v3, v55  }
0x34f: {  	v0 =	vsel vm13, v0, v1  }
0x350: {  	s20 =	sshra.s32 s17, $0x2;
	v0 =	vsel vm14, v0, v2  }
0x351: {  	s18 =	sadd.s32 $0x1000, s18;
	[tilespmem:s20+$0x18000] =	vst v0  }
0x352: {  	v0 =	vld [tilespmem:s18+$0x760];
	_ =	sdelay $0x4  }
0x353: {  	[tilespmem:$0x1F7C0] =	vst v0;
	v0 =	vld [tilespmem:s18+$0x660];
	_ =	sdelay $0x4  }
0x354: {  	[tilespmem:$0x1F810] =	vst v0;
	v0 =	vld [tilespmem:s18+$0x750];
	_ =	sdelay $0x2  }
0x355: {  	v49 =	vld [tilespmem:s18+$0x740]  }
0x356: {  	v51 =	vld [tilespmem:s18+$0x730]  }
0x357: {  	[tilespmem:$0x1F7B0] =	vst v0;
	v0 =	vld [tilespmem:s18+$0x560]  }
0x358: {  	v50 =	vld [tilespmem:s18+$0x630]  }
0x359: {  	v18 =	vld [tilespmem:s18+$0x720]  }
0x35a: {  	v3 =	vld [tilespmem:s18+$0x530]  }
0x35b: {  	v17 =	vld [tilespmem:s18+$0x620]  }
0x35c: {  	[tilespmem:$0x1F830] =	vst v0;
	v0 =	vld [tilespmem:s18+$0x650]  }
0x35d: {  	v24 =	vld [tilespmem:s18+$0x700]  }
0x35e: {  	v53 =	vld [tilespmem:s18+$0x710]  }
0x35f: {  	v41 =	vld [tilespmem:s18+$0x430]  }
0x360: {  	v21 =	vld [tilespmem:s18+$0x520]  }
0x361: {  	[tilespmem:$0x1F7F0] =	vst v0;
	v0 =	vld [tilespmem:s18+$0x460]  }
0x362: {  	v27 =	vld [tilespmem:s18+$0x610]  }
0x363: {  	v1 =	vld [tilespmem:s18+$0xFFFFFF70]  }
0x364: {  	v47 =	vld [tilespmem:s18+$0x330]  }
0x365: {  	v23 =	vld [tilespmem:s18+$0x420]  }
0x366: {  	[tilespmem:$0x1F850] =	vst v0;
	v0 =	vld [tilespmem:s18+$0x550]  }
0x367: {  	v59 =	vld [tilespmem:s18+$0x500]  }
0x368: {  	v60 =	vld [tilespmem:s18+$0x510]  }
0x369: {  	v4 =	vld [tilespmem:s18+$0x230]  }
0x36a: {  	v22 =	vld [tilespmem:s18+$0x320]  }
0x36b: {  	[tilespmem:$0x1F800] =	vst v0;
	v0 =	vld [tilespmem:s18+$0x640]  }
0x36c: {  	v26 =	vld [tilespmem:s18+$0x400]  }
0x36d: {  	v61 =	vld [tilespmem:s18+$0x410]  }
0x36e: {  	v19 =	vld [tilespmem:s18+$0x130]  }
0x36f: {  	v25 =	vld [tilespmem:s18+$0x220]  }
0x370: {  	[tilespmem:$0x1F7D0] =	vst v0;
	v0 =	vld [tilespmem:s18+$0x270]  }
0x371: {  	v28 =	vld [tilespmem:s18+$0x300]  }
0x372: {  	v63 =	vld [tilespmem:s18+$0x310]  }
0x373: {  	v20 =	vld [tilespmem:s18+$0x30]  }
0x374: {  	v16 =	vld [tilespmem:s18+$0x120]  }
0x375: {  	[tilespmem:$0x1F8E0] =	vst v0;
	v0 =	vld [tilespmem:s18+$0x450]  }
0x376: {  	v30 =	vld [tilespmem:s18+$0x210]  }
0x377: {  	[tilespmem:$0x1F8D0] =	vst v1;
	v1 =	vld [tilespmem:s18+$0x60]  }
0x378: {  	v2 =	vld [tilespmem:s18+$0xFFFFFB70]  }
0x379: {  	v39 =	vld [tilespmem:s18+$0xFFFFFE40]  }
0x37a: {  	[tilespmem:$0x1F840] =	vst v0;
	v0 =	vld [tilespmem:s18+$0x540]  }
0x37b: {  	v52 =	vld [tilespmem:s18+$0xFFFFFF30]  }
0x37c: {  	[tilespmem:$0x1F920] =	vst v1;
	v1 =	vld [tilespmem:s18+$0x240]  }
0x37d: {  	v15 =	vld [tilespmem:s18+$0x20]  }
0x37e: {  	v29 =	vld [tilespmem:s18+$0x100]  }
0x37f: {  	[tilespmem:$0x1F7E0] =	vst v0;
	v0 =	vld [tilespmem:s18+$0x260]  }
0x380: {  	v31 =	vld [tilespmem:s18+$0x110]  }
0x381: {  	[tilespmem:$0x1F870] =	vst v1;
	v1 =	vld [tilespmem:s18+$0xFFFFFE70]  }
0x382: {  	v40 =	vld [tilespmem:s18+$0xFFFFFD40]  }
0x383: {  	v33 =	vld [tilespmem:s18+$0xFFFFFF20]  }
0x384: {  	[tilespmem:$0x1F8B0] =	vst v0;
	v0 =	vld [tilespmem:s18+$0x350]  }
0x385: {  	v32 =	vld [tilespmem:s18+$0x0]  }
0x386: {  	[tilespmem:$0x1F930] =	vst v1;
	v1 =	vld [tilespmem:s18+$0xFFFFFF60]  }
0x387: {  	v34 =	vld [tilespmem:s18+$0x10]  }
0x388: {  	v43 =	vld [tilespmem:s18+$0xFFFFFC40]  }
0x389: {  	[tilespmem:$0x1F880] =	vst v0;
	v0 =	vld [tilespmem:s18+$0x440]  }
0x38a: {  	v46 =	vld [tilespmem:s18+$0xFFFFFD30]  }
0x38b: {  	[tilespmem:$0x1F940] =	vst v1;
	v1 =	vld [tilespmem:s18+$0x140]  }
0x38c: {  	v35 =	vld [tilespmem:s18+$0xFFFFFE20]  }
0x38d: {  	[tilespmem:$0x1F990] =	vst v2;
	v2 =	vld [tilespmem:s18+$0xFFFFFC60]  }
0x38e: {  	[tilespmem:$0x1F820] =	vst v0;
	v0 =	vld [tilespmem:s18+$0x70]  }
0x38f: {  	v37 =	vld [tilespmem:s18+$0xFFFFFF00]  }
0x390: {  	[tilespmem:$0x1F8C0] =	vst v1;
	v1 =	vld [tilespmem:s18+$0xFFFFFD70]  }
0x391: {  	v36 =	vld [tilespmem:s18+$0xFFFFFF10]  }
0x392: {  	[tilespmem:$0x1F9A0] =	vst v2;
	v2 =	vld [tilespmem:s18+$0xFFFFFA70]  }
0x393: {  	[tilespmem:$0x1F8A0] =	vst v0;
	v0 =	vld [tilespmem:s18+$0x250]  }
0x394: {  	v38 =	vld [tilespmem:s18+$0xFFFFF860]  }
0x395: {  	[tilespmem:$0x1F950] =	vst v1;
	v1 =	vld [tilespmem:s18+$0xFFFFFE60]  }
0x396: {  	v57 =	vld [tilespmem:s18+$0xFFFFF960]  }
0x397: {  	[tilespmem:$0x1F9B0] =	vst v2;
	v2 =	vld [tilespmem:s18+$0xFFFFFB60]  }
0x398: {  	[tilespmem:$0x1F890] =	vst v0;
	v0 =	vld [tilespmem:s18+$0x340]  }
0x399: {  	v45 =	vld [tilespmem:s18+$0xFFFFFB40]  }
0x39a: {  	[tilespmem:$0x1F960] =	vst v1;
	v1 =	vld [tilespmem:s18+$0x40]  }
0x39b: {  	v48 =	vld [tilespmem:s18+$0xFFFFFC30]  }
0x39c: {  	[tilespmem:$0x1F9C0] =	vst v2;
	v2 =	vld [tilespmem:s18+$0xFFFFFE30]  }
0x39d: {  	[tilespmem:$0x1F860] =	vst v0;
	v0 =	vld [tilespmem:s18+$0x600]  }
0x39e: {  	v58 =	vld [tilespmem:s18+$0xFFFFFD20]  }
0x39f: {  	v24 =	vmax.f32 v24, v53;
	[tilespmem:$0x1F8F0] =	vst v1;
	v1 =	vld [tilespmem:s18+$0xFFFFFC70]  }
0x3a0: {  	v55 =	vld [tilespmem:s18+$0xFFFFFE00];
	v18 =	vmax.f32 v24, v18;
	v24 =	vmax.f32 v59, v60  }
0x3a1: {  	v21 =	vmax.f32 v24, v21;
	v24 =	vld [tilespmem:$0x1F7C0]  }
0x3a2: {  	[tilespmem:$0x1F900] =	vst v2;
	v2 =	vld [tilespmem:s18+$0xFFFFF870];
	v0 =	vmax.f32 v0, v27  }
0x3a3: {  	v0 =	vmax.f32 v0, v17;
	v17 =	vld [tilespmem:$0x1F7B0]  }
0x3a4: {  	[tilespmem:$0x1F970] =	vst v1;
	v1 =	vld [tilespmem:s18+$0xFFFFFD60]  }
0x3a5: {  	v56 =	vld [tilespmem:s18+$0xFFFFFE10]  }
0x3a6: {  	v44 =	vld [tilespmem:s18+$0xFFFFF850];
	v18 =	vmax.f32 v18, v51  }
0x3a7: {  	v42 =	vld [tilespmem:s18+$0xFFFFF950];
	v18 =	vmax.f32 v18, v49  }
0x3a8: {  	[tilespmem:$0x1F9D0] =	vst v2;
	v2 =	vld [tilespmem:s18+$0xFFFFF970];
	v18 =	vmax.f32 v18, v17  }
0x3a9: {  	[tilespmem:$0x1F980] =	vst v1;
	v1 =	vld [tilespmem:s18+$0xFFFFFF40];
	v60 =	vmax.f32 v18, v24;
	v24 =	vmax.f32 v26, v61  }
0x3aa: {  	v23 =	vmax.f32 v24, v23;
	v24 =	vld [tilespmem:$0x1F7E0]  }
0x3ab: {  	v26 =	vld [tilespmem:$0x1F800]  }
0x3ac: {  	v27 =	vld [tilespmem:$0x1F820]  }
0x3ad: {  	v3 =	vmax.f32 v21, v3;
	v21 =	vld [tilespmem:$0x1F7D0]  }
0x3ae: {  	[tilespmem:$0x1F910] =	vst v1;
	v1 =	vld [tilespmem:s18+$0x200]  }
0x3af: {  	v24 =	vmax.f32 v3, v24;
	v3 =	vld [tilespmem:$0x1F7F0]  }
0x3b0: {  	v23 =	vmax.f32 v23, v41;
	v24 =	vmax.f32 v24, v26;
	v26 =	vld [tilespmem:$0x1F810]  }
0x3b1: {  	v27 =	vmax.f32 v23, v27;
	v23 =	vld [tilespmem:$0x1F830]  }
0x3b2: {  	v54 =	vld [tilespmem:s18+$0xFFFFFB30];
	v0 =	vmax.f32 v0, v50  }
0x3b3: {  	v62 =	vld [tilespmem:s18+$0xFFFFFC20];
	v0 =	vmax.f32 v0, v21  }
0x3b4: {  	v53 =	vld [tilespmem:s18+$0xFFFFFD00];
	v0 =	vmax.f32 v0, v3  }
0x3b5: {  	[tilespmem:$0x1F9E0] =	vst v2;
	v2 =	vld [tilespmem:s18+$0xFFFFFA60];
	v61 =	vmax.f32 v0, v26;
	v26 =	vmax.f32 v28, v63  }
0x3b6: {  	v1 =	vmax.f32 v1, v30;
	v63 =	vmax.f32 v24, v23;
	v24 =	vld [tilespmem:$0x1F840];
	v22 =	vmax.f32 v26, v22  }
0x3b7: {  	v1 =	vmax.f32 v1, v25;
	v25 =	vmax.f32 v22, v47;
	v22 =	vld [tilespmem:$0x1F850]  }
0x3b8: {  	v51 =	vld [tilespmem:s18+$0xFFFFF840]  }
0x3b9: {  	v49 =	vld [tilespmem:s18+$0xFFFFF940]  }
0x3ba: {  	[tilespmem:$0x1F9F0] =	vst v2;
	v2 =	vld [tilespmem:s18+$0xFFFFFD10]  }
0x3bb: {  	v1 =	vmax.f32 v1, v4;
	v4 =	vld [tilespmem:$0x1F860];
	v26 =	vmax.f32 v27, v24  }
0x3bc: {  	v21 =	vld [tilespmem:s18+$0xFFFFFC10];
	v28 =	vmax.f32 v26, v22;
	v26 =	vmax.f32 v29, v31  }
0x3bd: {  	v26 =	vmax.f32 v26, v16;
	v16 =	vld [tilespmem:$0x1F870]  }
0x3be: {  	v17 =	vld [tilespmem:s18+$0xFFFFFB20]  }
0x3bf: {  	v18 =	vld [tilespmem:s18+$0xFFFFFC00]  }
0x3c0: {  	v3 =	vld [tilespmem:s18+$0xFFFFF830]  }
0x3c1: {  	v0 =	vld [tilespmem:s18+$0xFFFFF930]  }
0x3c2: {  	v1 =	vmax.f32 v1, v16;
	v16 =	vld [tilespmem:$0x1F880]  }
0x3c3: {  	v26 =	vmax.f32 v26, v19;
	v19 =	vld [tilespmem:$0x1F890]  }
0x3c4: {  	v23 =	vld [tilespmem:s18+$0xFFFFFB00]  }
0x3c5: {  	v25 =	vmax.f32 v25, v4;
	v4 =	vld [tilespmem:s18+$0xFFFFF920]  }
0x3c6: {  	v24 =	vld [tilespmem:s18+$0xFFFFFB10]  }
0x3c7: {  	v27 =	vld [tilespmem:s18+$0xFFFFF910];
	v41 =	vmax.f32 v25, v16;
	v25 =	vmax.f32 v32, v34  }
0x3c8: {  	v47 =	vmax.f32 v1, v19;
	v1 =	vmax.f32 v37, v36;
	v15 =	vmax.f32 v25, v15;
	v25 =	vld [tilespmem:$0x1F8C0]  }
0x3c9: {  	v22 =	vld [tilespmem:s18+$0xFFFFF820];
	v1 =	vmax.f32 v1, v33  }
0x3ca: {  	v29 =	vmax.f32 v1, v52;
	v52 =	vmax.f32 v53, v2;
	v2 =	vld [tilespmem:$0x1F900]  }
0x3cb: {  	v19 =	vld [tilespmem:s18+$0xFFFFF810]  }
0x3cc: {  	v37 =	vld [tilespmem:$0x1F8A0]  }
0x3cd: {  	v36 =	vld [tilespmem:$0x1F8B0];
	v50 =	vmax.f32 v26, v25;
	v26 =	vmax.f32 v55, v56  }
0x3ce: {  	v1 =	vld [tilespmem:$0x1F8F0];
	v26 =	vmax.f32 v26, v35  }
0x3cf: {  	p0 =	sne.s32 s19, $0x3C0;
	v53 =	vmax.f32 v26, v2;
	v2 =	vld [tilespmem:$0x1F910]  }
.Ltmp14:
0x3d0: {  	v16 =	vld [tilespmem:s18+$0xFFFFFA00];
	(pc) =	sbr.rel @p0 .LBB2_28-.Ltmp14, $4  }
0x3d1: {  	v15 =	vmax.f32 v15, v20;
	v20 =	vld [tilespmem:s18+$0xFFFFF900]  }
0x3d2: {  	v25 =	vld [tilespmem:s18+$0xFFFFF800]  }
0x3d3: {  	v56 =	vld [tilespmem:$0x1F8D0]  }
0x3d4: {  	s17 =	smov.u32 s19;
	s19 =	sadd.s32 $0x40, s19;
	v1 =	vmax.f32 v15, v1;
	v55 =	vimm.s32 $0xF;
	v35 =	vld [tilespmem:$0x1F8E0];
	v2 =	vmax.f32 v29, v2  }
0x3d5: {  	_ =	sdelay $0x1  }
0x3d6: {  	v15 =	vld [tilespmem:s18+$0xFFFFFA10];
	v19 =	vmax.f32 v25, v19  }
0x3d7: {  	v59 =	vld [tilespmem:$0x1F9D0];
	v19 =	vmax.f32 v19, v22  }
0x3d8: {  	v29 =	vld [tilespmem:s18+$0xFFFFFA20];
	v3 =	vmax.f32 v19, v3  }
0x3d9: {  	v34 =	vmax.f32 v52, v58;
	v23 =	vmax.f32 v23, v24;
	v52 =	vld [tilespmem:s18+$0xFFFFFA30];
	v3 =	vmax.f32 v3, v51  }
0x3da: {  	v26 =	vmax.f32 v53, v39;
	v53 =	vld [tilespmem:s18+$0xFFFFFA40];
	v17 =	vmax.f32 v23, v17;
	v3 =	vmax.f32 v3, v44  }
0x3db: {  	v20 =	vmax.f32 v20, v27;
	v17 =	vmax.f32 v17, v54;
	v54 =	vld [tilespmem:s18+$0xFFFFFA50];
	v3 =	vmax.f32 v3, v38  }
0x3dc: {  	v4 =	vmax.f32 v20, v4;
	v25 =	vld [tilespmem:$0x1F9F0];
	v15 =	vmax.f32 v16, v15;
	v3 =	vmax.f32 v3, v59  }
0x3dd: {  	v0 =	vmax.f32 v4, v0;
	v4 =	vmax.f32 v15, v29;
	(xrf0) =	vmax.scan.msk.f32 $0xffff, v3;
	v3 =	vld [tilespmem:$0x1F9B0]  }
0x3de: {  	v4 =	vmax.f32 v4, v52  }
0x3df: {  	v4 =	vmax.f32 v4, v53  }
0x3e0: {  	v24 =	vld [tilespmem:$0x1F9E0];
	v4 =	vmax.f32 v4, v54  }
0x3e1: {  	v16 =	vld [tilespmem:s18+$0xFFFFFB50];
	v4 =	vmax.f32 v4, v25  }
0x3e2: {  	v3 =	vmax.f32 v4, v3;
	v4 =	vld [tilespmem:$0x1F9C0]  }
0x3e3: {  	v27 =	vld [tilespmem:$0x1F990]  }
0x3e4: {  	v0 =	vmax.f32 v0, v49  }
0x3e5: {  	v17 =	vmax.f32 v17, v45;
	v0 =	vmax.f32 v0, v42  }
0x3e6: {  	v0 =	vmax.f32 v0, v57;
	v16 =	vmax.f32 v17, v16  }
0x3e7: {  	v15 =	vld [tilespmem:s18+$0xFFFFFC50];
	v0 =	vmax.f32 v0, v24;
	v4 =	vmax.f32 v16, v4  }
0x3e8: {  	v18 =	vmax.f32 v18, v21;
	(xrf0) =	vmax.scan.msk.f32 $0xffff, v0;
	v0 =	vmax.f32 v4, v27;
	v4 =	vld [tilespmem:$0x1F9A0]  }
0x3e9: {  	v18 =	vmax.f32 v18, v62;
	(xrf0) =	vmax.scan.msk.f32 $0xffff, v3;
	v3 =	vld [tilespmem:$0x1F970]  }
0x3ea: {  	v18 =	vmax.f32 v18, v48  }
0x3eb: {  	v18 =	vmax.f32 v18, v43  }
0x3ec: {  	v15 =	vmax.f32 v18, v15  }
0x3ed: {  	v19 =	vld [tilespmem:s18+$0xFFFFFD50];
	v4 =	vmax.f32 v15, v4  }
0x3ee: {  	v3 =	vmax.f32 v4, v3;
	v4 =	vld [tilespmem:$0x1F980]  }
0x3ef: {  	v29 =	vld [tilespmem:$0x1F950]  }
0x3f0: {  	v21 =	vmax.f32 v34, v46  }
0x3f1: {  	v21 =	vmax.f32 v21, v40  }
0x3f2: {  	v58 =	vld [tilespmem:s18+$0xFFFFFE50];
	v15 =	vmax.f32 v21, v19  }
0x3f3: {  	v31 =	vld [tilespmem:$0x1F920];
	v4 =	vmax.f32 v15, v4  }
0x3f4: {  	(xrf0) =	vmax.scan.msk.f32 $0xffff, v0;
	v0 =	vmax.f32 v4, v29;
	v4 =	vld [tilespmem:$0x1F960]  }
0x3f5: {  	(xrf0) =	vmax.scan.msk.f32 $0xffff, v3;
	v3 =	vld [tilespmem:$0x1F930]  }
0x3f6: {  	v62 =	vld [tilespmem:s18+$0xFFFFFF50]  }
0x3f7: {  	v17 =	vld [tilespmem:s18+$0x50]  }
0x3f8: {  	v18 =	vld [tilespmem:s18+$0x160];
	v15 =	vmax.f32 v26, v58  }
0x3f9: {  	v16 =	vld [tilespmem:s18+$0x150];
	v4 =	vmax.f32 v15, v4  }
0x3fa: {  	v3 =	vmax.f32 v4, v3;
	v4 =	vld [tilespmem:$0x1F940]  }
0x3fb: {  	v19 =	vld [tilespmem:s18+$0x170]  }
0x3fc: {  	v15 =	vld [tilespmem:s18+$0x360]  }
0x3fd: {  	v1 =	vmax.f32 v1, v17  }
0x3fe: {  	v2 =	vmax.f32 v2, v62;
	v17, _, _ =	vpop (xrf0);
	v1 =	vmax.f32 v1, v31;
	v32 =	vmax.f32 v50, v16;
	v16 =	vld [tilespmem:s18+$0x470]  }
0x3ff: {  	v33, _, _ =	vpop (xrf0);
	v34 =	vperm.xlane v17, v55;
	v1 =	vmax.f32 v1, v37;
	(xrf0) =	vmax.scan.msk.f32 $0xffff, v0;
	v2 =	vmax.f32 v2, v4;
	v4 =	vld [tilespmem:s18+$0x370]  }
0x400: {  	v17 =	vperm.xlane v33, v55;
	(xrf0) =	vmax.scan.msk.f32 $0xffff, v3;
	v30 =	vmax.f32 v2, v56;
	v2 =	vmax.f32 v32, v18;
	v18 =	vld [tilespmem:s18+$0x570]  }
0x401: {  	v3 =	vmax.f32 v47, v36;
	v36, _, _ =	vpop (xrf0);
	v15 =	vmax.f32 v41, v15;
	(xrf0) =	vmax.scan.msk.f32 $0xffff, v30;
	v2 =	vmax.f32 v2, v19;
	v19 =	vld [tilespmem:s18+$0x670]  }
0x402: {  	v37 =	vperm.xlane v36, v55;
	v39, _, _ =	vpop (xrf0);
	(xrf0) =	vmax.scan.msk.f32 $0xffff, v1  }
0x403: {  	v38 =	vld [tilespmem:s18+$0x770];
	v0 =	vsel vm7, v34, v17;
	v3 =	vmax.f32 v3, v35;
	v40 =	vperm.xlane v39, v55;
	(xrf0) =	vmax.scan.msk.f32 $0xffff, v2  }
0x404: {  	v0 =	vsel vm0, v0, v37;
	v4 =	vmax.f32 v15, v4;
	v15, _, _ =	vpop (xrf0);
	(xrf0) =	vmax.scan.msk.f32 $0xffff, v3  }
0x405: {  	v0 =	vsel vm3, v0, v40;
	v3 =	vmax.f32 v28, v16;
	v41 =	vperm.xlane v15, v55;
	v15, _, _ =	vpop (xrf0);
	(xrf0) =	vmax.scan.msk.f32 $0xffff, v4  }
0x406: {  	v4 =	vmax.f32 v63, v18;
	v42 =	vperm.xlane v15, v55;
	v15, _, _ =	vpop (xrf0);
	(xrf0) =	vmax.scan.msk.f32 $0xffff, v3;
	v3 =	vmax.f32 v61, v19  }
0x407: {  	v0 =	vsel vm4, v0, v41;
	v43 =	vperm.xlane v15, v55;
	v15, _, _ =	vpop (xrf0);
	(xrf0) =	vmax.scan.msk.f32 $0xffff, v4  }
0x408: {  	v4 =	vmax.f32 v60, v38;
	v0 =	vsel vm5, v0, v42;
	v44 =	vperm.xlane v15, v55;
	v15, _, _ =	vpop (xrf0);
	(xrf0) =	vmax.scan.msk.f32 $0xffff, v3  }
0x409: {  	v0 =	vsel vm6, v0, v43;
	v45 =	vperm.xlane v15, v55;
	v3, _, _ =	vpop (xrf0);
	(xrf0) =	vmax.scan.msk.f32 $0xffff, v4  }
0x40a: {  	v0 =	vsel vm15, v0, v44;
	v46 =	vperm.xlane v3, v55;
	v3, _, _ =	vpop (xrf0)  }
0x40b: {  	v0 =	vsel vm2, v0, v45;
	v47 =	vperm.xlane v3, v55;
	v3, _, _ =	vpop (xrf0)  }
0x40c: {  	v0 =	vsel vm8, v0, v46;
	v48 =	vperm.xlane v3, v55;
	v3, _, _ =	vpop (xrf0)  }
0x40d: {  	v0 =	vsel vm9, v0, v47;
	v49 =	vperm.xlane v3, v55;
	v3, _, _ =	vpop (xrf0)  }
0x40e: {  	v0 =	vsel vm10, v0, v48;
	v50 =	vperm.xlane v3, v55;
	v3, _, _ =	vpop (xrf0)  }
0x40f: {  	v0 =	vsel vm11, v0, v49;
	v51 =	vperm.xlane v3, v55;
	v3, _, _ =	vpop (xrf0)  }
0x410: {  	v0 =	vsel vm12, v0, v50;
	v52 =	vperm.xlane v3, v55  }
0x411: {  	v0 =	vsel vm13, v0, v51  }
0x412: {  	s17 =	sshra.s32 s17, $0x2;
	v0 =	vsel vm14, v0, v52  }
0x413: {  	[tilespmem:s17+$0x18000] =	vst v0  }
0x414: {  	v0 =	vld [tilespmem:$0x18000]  }
0x415: {  	v53 =	vld [tilespmem:$0x18010]  }
0x416: {  	v54 =	vld [tilespmem:$0x18020]  }
0x417: {  	v3 =	vld [tilespmem:$0x18030]  }
0x418: {  	v4 =	vld [tilespmem:$0x18040]  }
0x419: {  	v15 =	vld [tilespmem:$0x18050]  }
0x41a: {  	v56 =	vld [tilespmem:$0x18060];
	v0 =	vmax.f32 v0, v53  }
0x41b: {  	v57 =	vld [tilespmem:$0x18070];
	v0 =	vmax.f32 v0, v54  }
0x41c: {  	v0 =	vmax.f32 v0, v3;
	v3 =	vld [tilespmem:$0x18080]  }
0x41d: {  	v0 =	vmax.f32 v0, v4;
	v4 =	vld [tilespmem:$0x18090]  }
0x41e: {  	v0 =	vmax.f32 v0, v15;
	v15 =	vld [tilespmem:$0x180A0]  }
0x41f: {  	v58 =	vld [tilespmem:$0x180B0];
	v0 =	vmax.f32 v0, v56  }
0x420: {  	v59 =	vld [tilespmem:$0x180C0];
	v0 =	vmax.f32 v0, v57  }
0x421: {  	v0 =	vmax.f32 v0, v3;
	v3 =	vld [tilespmem:$0x180D0]  }
0x422: {  	v0 =	vmax.f32 v0, v4;
	v4 =	vld [tilespmem:$0x180E0]  }
0x423: {  	v0 =	vmax.f32 v0, v15;
	v15 =	vld [tilespmem:$0x180F0]  }
0x424: {  	v60 =	vld [tilespmem:$0x1FF40];
	v0 =	vmax.f32 v0, v58  }
0x425: {  	v0 =	vmax.f32 v0, v59  }
0x426: {  	v0 =	vmax.f32 v0, v3  }
0x427: {  	v61 =	vld [tilespmem:$0x1FF50];
	v0 =	vmax.f32 v0, v4  }
0x428: {  	v0 =	vmax.f32 v0, v15  }
0x429: {  	v1 =	vperm.xlane v0, v60  }
0x42a: {  	v62 =	vld [tilespmem:$0x1FF60]  }
0x42b: {  	v0 =	vmin.f32 v0, v1  }
0x42c: {  	v1 =	vperm.xlane v0, v61  }
0x42d: {  	v63 =	vld [tilespmem:$0x1FF70]  }
0x42e: {  	v0 =	vmin.f32 v0, v1  }
0x42f: {  	v1 =	vperm.xlane v0, v62  }
.Ltmp15:
0x430: {  	_ = 	snop;
	(pc) =	sbr.rel .LBB2_30-.Ltmp15, $3  }
0x431: {  	v0 =	vmin.f32 v0, v1  }
0x432: {  	v1 =	vperm.xlane v0, v63;
	_ =	sdelay $0x1  }
0x433: {  	v16 =	vimm.s32 $0x0;
	s17 =	simm.s32 $0x0;
	v15 =	vmin.f32 v0, v1  }
.LBB2_32:
0x434: {  	_ = 	snop  }
.LBB2_35:
0x435: {  	_ =	sdelay $0x1  }
0x436: {  	v4 =	vshll.u32 v17, $0x1  }
0x437: {  	v20 =	vor.u32 v20, v4  }
0x438: {  	v21 =	vor.u32 v21, v4  }
0x439: {  	[tilespmem:v0+s11+$0x0] =	vst.idx.msk @p0 vm0, v30;
	v28 =	vor.u32 v23, v4  }
0x43a: {  	v30 =	vor.u32 v24, v4;
	[tilespmem:v3+s11+$0x0] =	vst.idx.msk @p0 vm1, v27  }
0x43b: {  	v3 =	vor.u32 v22, v4;
	[tilespmem:v31+s11+$0x0] =	vst.idx.msk @p0 vm2, v29  }
0x43c: {  	v19 =	vor.u32 v19, v4;
	v20 =	vld.idx.msk [tilespmem:v20+s1+$0x0], $0xffff  }
0x43d: {  	v32 =	vor.u32 v18, v4;
	v31 =	vor.u32 $0xD0, v5;
	v21 =	vld.idx.msk [tilespmem:v21+s1+$0x0], $0xffff  }
0x43e: {  	v22 =	vor.u32 v31, v4;
	v0 =	vld.idx.msk [tilespmem:v28+s1+$0x0], $0xffff  }
0x43f: {  	v23 =	vld.idx.msk [tilespmem:v30+s1+$0x0], $0xffff  }
0x440: {  	v3 =	vld.idx.msk [tilespmem:v3+s1+$0x0], $0xffff  }
0x441: {  	v19 =	vld.idx.msk [tilespmem:v19+s1+$0x0], $0xffff  }
0x442: {  	v1 =	vadd.s32 @p0 v1, v2;
	v2 =	vld.idx.msk [tilespmem:v32+s1+$0x0], $0xffff  }
0x443: {  	v4 =	vld.idx.msk [tilespmem:v22+s1+$0x0], $0xffff;
	vm2 =	vge.f32 v20, v15  }
0x444: {  	v33 =	vor.u32 v8, v17;
	vm0 =	vge.f32 v21, v15;
	v34 =	vsel vm2, $0x1, v6  }
0x445: {  	v45 =	vor.u32 v5, v17;
	v1 =	vpsel p0, v1, v16;
	v25 =	vsel vm0, $0x1, v6;
	(xrf0) =	vadd.scan.msk.s32 $0xffff, v34  }
0x446: {  	vm3 =	vge.f32 v0, v15;
	vm1 =	vge.f32 v23, v15;
	vm4 =	vge.f32 v3, v15;
	(xrf0) =	vadd.scan.msk.s32 $0xffff, v25  }
0x447: {  	vm6 =	vge.f32 v19, v15;
	vm15 =	vge.f32 v2, v15;
	v35 =	vmpcnt.ones.xlane vm2  }
0x448: {  	v37 =	vsel vm3, $0x1, v6;
	vm5 =	vge.f32 v4, v15;
	v4 =	vsel vm2, $0xFFFFFFFF, v6  }
0x449: {  	v36 =	vsel vm0, $0xFFFFFFFF, v6;
	v0 =	vsel vm3, $0xFFFFFFFF, v6;
	v38 =	vsel vm1, $0x1, v6;
	(xrf0) =	vadd.scan.msk.s32 $0xffff, v37  }
0x44a: {  	v23 =	vsel vm1, $0xFFFFFFFF, v6;
	v3 =	vmpcnt.ones.xlane vm0;
	v39 =	vsel vm4, $0x1, v6;
	(xrf0) =	vadd.scan.msk.s32 $0xffff, v38  }
0x44b: {  	v19 =	vmpcnt.ones.xlane vm1;
	v22 =	vadd.s32 v1, v35;
	v1 =	vadd.s32 v4, v1;
	(xrf0) =	vadd.scan.msk.s32 $0xffff, v39;
	v4, _, _ =	vpop (xrf0)  }
0x44c: {  	v16 =	vsel vm5, $0x1, v6;
	v42 =	vadd.s32 v36, v22;
	v1 =	vadd.s32 v4, v1;
	v4, _, _ =	vpop (xrf0)  }
0x44d: {  	(xrf0) =	vadd.scan.msk.s32 $0xffff, v16;
	v16 =	vmpcnt.ones.xlane vm3;
	v2 =	vadd.s32 v4, v42;
	v4 =	vsel vm15, $0x1, v6  }
0x44e: {  	v40 =	vmpcnt.ones.xlane vm4;
	v44 =	vsel vm6, $0x1, v6;
	v3 =	vadd.s32 v22, v3  }
0x44f: {  	v46 =	vsel vm4, $0xFFFFFFFF, v6;
	v0 =	vadd.s32 v0, v3;
	(xrf0) =	vadd.scan.msk.s32 $0xffff, v44;
	v43, _, _ =	vpop (xrf0);
	v3 =	vadd.s32 v3, v16  }
0x450: {  	v41 =	vmpcnt.ones.xlane vm5;
	(xrf0) =	vadd.scan.msk.s32 $0xffff, v4;
	v23 =	vadd.s32 v23, v3;
	v3 =	vadd.s32 v3, v19;
	v4, _, _ =	vpop (xrf0)  }
0x451: {  	v18 =	vor.u32 v7, v17;
	v47 =	vadd.s32 v3, v40;
	v3 =	vadd.s32 v46, v3;
	v19, _, _ =	vpop (xrf0)  }
0x452: {  	v58 =	vld [tilespmem:$0x1FF80];
	v0 =	vadd.s32 v43, v0;
	v3 =	vadd.s32 v19, v3;
	v19 =	vadd.s32 v47, v41  }
0x453: {  	v59 =	vld [tilespmem:$0x1FF90];
	v26 =	vsel vm5, $0xFFFFFFFF, v6;
	v16 =	vmpcnt.ones.xlane vm6;
	v4 =	vadd.s32 v4, v23  }
0x454: {  	v60 =	vld [tilespmem:$0x1FFA0];
	v49 =	vsel vm6, $0xFFFFFFFF, v6;
	v52 =	vsel vm15, $0xFFFFFFFF, v6;
	v26 =	vadd.s32 v26, v47;
	[tilespmem:v1+s11+$0x0] =	vst.idx.msk vm2, v45;
	v48, _, _ =	vpop (xrf0)  }
0x455: {  	v63 =	vld [tilespmem:$0x1FFD0];
	v50 =	vadd.s32 v48, v26;
	v51 =	vadd.s32 v49, v19;
	v16 =	vadd.s32 v19, v16;
	v19, _, _ =	vpop (xrf0)  }
0x456: {  	v61 =	vld [tilespmem:$0x1FFB0];
	[tilespmem:v2+s11+$0x0] =	vst.idx.msk vm0, v18;
	v53 =	vadd.s32 v52, v16;
	v1 =	vadd.s32 v19, v51;
	v18, _, _ =	vpop (xrf0)  }
0x457: {  	v62 =	vld [tilespmem:$0x1FFC0];
	[tilespmem:v0+s11+$0x0] =	vst.idx.msk vm3, v33;
	v19 =	vor.u32 v9, v17;
	v54 =	vadd.s32 v18, v53  }
0x458: {  	v56 =	vor.u32 v10, v17;
	[tilespmem:v4+s11+$0x0] =	vst.idx.msk vm1, v19  }
0x459: {  	v57 =	vor.u32 v12, v17;
	v4 =	vor.u32 v11, v17;
	[tilespmem:v3+s11+$0x0] =	vst.idx.msk vm4, v56  }
0x45a: {  	vm2 =	vnez.u8 v63;
	vm3 =	vnez.u8 v58;
	v3 =	vmpcnt.ones.xlane vm15;
	[tilespmem:v50+s11+$0x0] =	vst.idx.msk vm5, v4  }
0x45b: {  	vm4 =	vnez.u8 v59;
	v4 =	vor.u32 v13, v17;
	vm5 =	vnez.u8 v60;
	[tilespmem:v1+s11+$0x0] =	vst.idx.msk vm6, v57  }
0x45c: {  	v16 =	vadd.s32 v16, v3;
	vm6 =	vnez.u8 v61;
	[tilespmem:v54+s11+$0x0] =	vst.idx.msk vm15, v4;
	vm15 =	vnez.u8 v62  }
.LBB2_36:
0x45d: {  	s17 =	sadd.s32 $0x1, s17  }
0x45e: {  	p0 =	sne.s32 s17, $0x10  }
.Ltmp16:
0x45f: {  	_ = 	snop;
	(pc) =	sbr.rel @!p0 .LBB2_37-.Ltmp16, $1  }
0x460: {  	_ =	sdelay $0x3  }
.LBB2_30:
0x461: {  	s18 =	sshll.u32 s17, $0x4  }
0x462: {  	s18 =	sand.u32 $0x3FFFFFF0, s18  }
0x463: {  	v0 =	vld [tilespmem:s18+$0x18000];
	_ =	sdelay $0x4  }
0x464: {  	vm0 =	vge.f32 v0, v15  }
0x465: {  	v1 =	vmpcnt.ones.xlane vm0;
	_ =	sdelay $0x1  }
0x466: {  	v1 =	vxor.u32 $0x80000000, v1  }
0x467: {  	(xrf0) =	vmax.scan.msk.u32 $0xffff, v1;
	_ =	sdelay $0x5  }
0x468: {  	v1, _, _ =	vpop (xrf0)  }
0x469: {  	(v2sf) =	vpush v1, $0xF;
	_ =	sdelay $0xe  }
0x46a: {  	s31 =	spop (v2sf)  }
0x46b: {  	s18 =	sxor.u32 $0x80000000, s31  }
0x46c: {  	p0 =	slt.s32 s18, $0x1  }
.Ltmp17:
0x46d: {  	_ = 	snop;
	(pc) =	sbr.rel @p0 .LBB2_36-.Ltmp17, $1  }
0x46e: {  	_ =	sdelay $0x3  }
0x46f: {  	p1 =	sne.s32 s18, $0x1  }
.Ltmp18:
0x470: {  	_ = 	snop;
	(pc) =	sbr.rel @!p1 .LBB2_32-.Ltmp18, $4  }
0x471: {  	v1 =	vmctz.xlane vm0;
	v20 =	vor.u32 $0x80, v5  }
0x472: {  	s19 =	sshll.u32 s17, $0xB;
	v21 =	vor.u32 $0x90, v5;
	v18 =	vor.u32 $0xF0, v5;
	v23 =	vor.u32 $0xA0, v5  }
0x473: {  	v19 =	vor.u32 $0xE0, v5;
	v25 =	vmov s19;
	v2 =	vshll.u32 v1, $0x7  }
0x474: {  	s18 =	sadd.s32 $0xFFFFFFFF, s18;
	v22 =	vor.u32 $0xC0, v5;
	v24 =	vor.u32 $0xB0, v5;
	p0 =	por $0x0, $0x0;
	v17 =	vadd.s32 v25, v2  }
0x475: {  	v2 =	vshll.u32 v17, $0x1  }
0x476: {  	v3 =	vor.u32 v20, v2  }
0x477: {  	v4 =	vor.u32 v21, v2  }
0x478: {  	v27 =	vor.u32 v23, v2  }
0x479: {  	v29 =	vor.u32 v24, v2  }
0x47a: {  	v26 =	vor.u32 $0xD0, v5;
	v30 =	vor.u32 v22, v2  }
0x47b: {  	v31 =	vor.u32 v26, v2;
	v3 =	vld.idx.msk [tilespmem:v3+s1+$0x0], $0xffff  }
0x47c: {  	vm0 =	veq.s32 v1, v5;
	v1 =	vor.u32 v19, v2;
	v4 =	vld.idx.msk [tilespmem:v4+s1+$0x0], $0xffff  }
0x47d: {  	v2 =	vor.u32 v18, v2;
	v32 =	vld.idx.msk [tilespmem:v27+s1+$0x0], $0xffff  }
0x47e: {  	v28 =	vsel vm0, $0xFF800000, v0;
	v0 =	vld.idx.msk [tilespmem:v29+s1+$0x0], $0xffff  }
0x47f: {  	v33 =	vld.idx.msk [tilespmem:v30+s1+$0x0], $0xffff  }
0x480: {  	v31 =	vld.idx.msk [tilespmem:v31+s1+$0x0], $0xffff  }
0x481: {  	v1 =	vld.idx.msk [tilespmem:v1+s1+$0x0], $0xffff  }
0x482: {  	v34 =	vor.u32 v9, v17;
	v35 =	vor.u32 v10, v17;
	v36 =	vor.u32 v8, v17;
	v2 =	vld.idx.msk [tilespmem:v2+s1+$0x0], $0xffff  }
0x483: {  	v27 =	vor.u32 v12, v17;
	v29 =	vor.u32 v13, v17;
	v30 =	vor.u32 v11, v17  }
0x484: {  	vm5 =	vge.f32 v3, v15;
	v3 =	vor.u32 v7, v17;
	vm6 =	vge.f32 v4, v15  }
0x485: {  	vm15 =	vge.f32 v32, v15;
	vm4 =	vge.f32 v0, v15;
	v37 =	vsel vm5, $0x1, v6  }
0x486: {  	vm3 =	vge.f32 v33, v15;
	vm0 =	vge.f32 v31, v15;
	v38 =	vsel vm6, $0x1, v6;
	(xrf0) =	vadd.scan.msk.s32 $0xffff, v37  }
0x487: {  	vm1 =	vge.f32 v1, v15;
	vm2 =	vge.f32 v2, v15;
	v0 =	vsel vm15, $0x1, v6;
	(xrf0) =	vadd.scan.msk.s32 $0xffff, v38  }
0x488: {  	v4 =	vmpcnt.ones.xlane vm5;
	v47 =	vsel vm6, $0xFFFFFFFF, v6;
	v48 =	vsel vm15, $0xFFFFFFFF, v6;
	(xrf0) =	vadd.scan.msk.s32 $0xffff, v0  }
0x489: {  	v49 =	vsel vm4, $0xFFFFFFFF, v6;
	v39 =	vsel vm4, $0x1, v6;
	v31 =	vsel vm3, $0x1, v6  }
0x48a: {  	v50 =	vsel vm5, $0xFFFFFFFF, v6;
	v51 =	vmpcnt.ones.xlane vm3;
	v4 =	vadd.s32 v16, v4;
	(xrf0) =	vadd.scan.msk.s32 $0xffff, v39  }
0x48b: {  	v40 =	vsel vm0, $0x1, v6;
	v1 =	vmpcnt.ones.xlane vm4;
	v0 =	vmpcnt.ones.xlane vm6;
	(xrf0) =	vadd.scan.msk.s32 $0xffff, v31  }
0x48c: {  	v53 =	vmpcnt.ones.xlane vm15;
	v56 =	vsel vm1, $0x1, v6;
	v33 =	vadd.s32 v50, v16;
	v41, _, _ =	vpop (xrf0)  }
0x48d: {  	v2 =	vadd.s32 v47, v4;
	v0 =	vadd.s32 v4, v0;
	v4, _, _ =	vpop (xrf0);
	v52 =	vadd.s32 v41, v33  }
0x48e: {  	v57 =	vsel vm2, $0x1, v6;
	(xrf0) =	vadd.scan.msk.s32 $0xffff, v40;
	v2 =	vadd.s32 v4, v2;
	v4 =	vadd.s32 v48, v0;
	v54, _, _ =	vpop (xrf0)  }
0x48f: {  	v58 =	vsel vm3, $0xFFFFFFFF, v6;
	v0 =	vadd.s32 v0, v53;
	v37 =	vadd.s32 v54, v4  }
0x490: {  	(xrf0) =	vadd.scan.msk.s32 $0xffff, v56;
	v4 =	vor.u32 v5, v17;
	v17, _, _ =	vpop (xrf0);
	v38 =	vadd.s32 v49, v0;
	v0 =	vadd.s32 v0, v1  }
0x491: {  	v31 =	vmpcnt.ones.xlane vm0;
	(xrf0) =	vadd.scan.msk.s32 $0xffff, v57;
	v1, _, _ =	vpop (xrf0);
	v17 =	vadd.s32 v17, v38;
	v33 =	vadd.s32 v58, v0  }
0x492: {  	v0 =	vadd.s32 v0, v51;
	v33 =	vadd.s32 v1, v33;
	[tilespmem:v52+s11+$0x0] =	vst.idx.msk vm5, v4  }
0x493: {  	p1 =	sne.s32 s18, $0x1;
	v60 =	vsel vm0, $0xFFFFFFFF, v6;
	vm5 =	vge.f32 v28, v15;
	[tilespmem:v2+s11+$0x0] =	vst.idx.msk vm6, v3;
	v2 =	vadd.s32 v0, v31  }
.Ltmp19:
0x494: {  	v59 =	vmpcnt.ones.xlane vm1;
	v38 =	vadd.s32 v60, v0;
	v1, _, _ =	vpop (xrf0);
	v4 =	vmctz.xlane vm5;
	(pc) =	sbr.rel @!p1 .LBB2_35-.Ltmp19, $4  }
0x495: {  	v61 =	vsel vm1, $0xFFFFFFFF, v6;
	v0 =	vadd.s32 v1, v38;
	v31 =	vsel vm2, $0xFFFFFFFF, v6  }
0x496: {  	[tilespmem:v37+s11+$0x0] =	vst.idx.msk vm15, v36;
	v3 =	vadd.s32 v61, v2;
	v1 =	vadd.s32 v2, v59;
	v62 =	vshll.u32 v4, $0x7;
	v2, _, _ =	vpop (xrf0)  }
0x497: {  	[tilespmem:v17+s11+$0x0] =	vst.idx.msk vm4, v34;
	v31 =	vadd.s32 v31, v1;
	v3 =	vadd.s32 v2, v3;
	v63, _, _ =	vpop (xrf0);
	v2 =	vmpcnt.ones.xlane vm2  }
0x498: {  	s18 =	sadd.s32 $0xFFFFFFFF, s18;
	p0 =	por $0x1, $0x1;
	v17 =	vadd.s32 v25, v62;
	[tilespmem:v33+s11+$0x0] =	vst.idx.msk vm3, v35;
	v31 =	vadd.s32 v63, v31  }
.LBB2_34:
0x499: {  	p1 =	sne.s32 s18, $0x1;
	s18 =	sadd.s32 $0xFFFFFFFF, s18;
	v32 =	vshll.u32 v17, $0x1;
	vm3 =	veq.s32 v4, v5;
	v1 =	vadd.s32 v1, v2  }
0x49a: {  	v2 =	vor.u32 v20, v32;
	v4 =	vor.u32 v21, v32;
	v33 =	vor.u32 v18, v32  }
0x49b: {  	v34 =	vor.u32 v24, v32;
	v35 =	vor.u32 v22, v32;
	v28 =	vsel vm3, $0xFF800000, v28;
	[tilespmem:v0+s11+$0x0] =	vst.idx.msk vm0, v30  }
0x49c: {  	v36 =	vor.u32 v19, v32;
	v0 =	vor.u32 v23, v32;
	[tilespmem:v3+s11+$0x0] =	vst.idx.msk vm1, v27  }
0x49d: {  	[tilespmem:v31+s11+$0x0] =	vst.idx.msk vm2, v29;
	_ =	sdelay $0x1  }
0x49e: {  	v3 =	vor.u32 v26, v32;
	v2 =	vld.idx.msk [tilespmem:v2+s1+$0x0], $0xffff  }
0x49f: {  	v4 =	vld.idx.msk [tilespmem:v4+s1+$0x0], $0xffff  }
0x4a0: {  	v0 =	vld.idx.msk [tilespmem:v0+s1+$0x0], $0xffff  }
0x4a1: {  	v27 =	vor.u32 v12, v17;
	v29 =	vor.u32 v13, v17;
	v31 =	vld.idx.msk [tilespmem:v34+s1+$0x0], $0xffff  }
0x4a2: {  	v30 =	vor.u32 v11, v17;
	v32 =	vld.idx.msk [tilespmem:v35+s1+$0x0], $0xffff  }
0x4a3: {  	v34 =	vor.u32 v9, v17;
	v35 =	vor.u32 v10, v17;
	v3 =	vld.idx.msk [tilespmem:v3+s1+$0x0], $0xffff  }
0x4a4: {  	v37 =	vor.u32 v8, v17;
	vm6 =	vge.f32 v2, v15;
	v2 =	vor.u32 v7, v17;
	v36 =	vld.idx.msk [tilespmem:v36+s1+$0x0], $0xffff  }
0x4a5: {  	v38 =	vsel vm6, $0x1, v6;
	v39 =	vmpcnt.ones.xlane vm6;
	vm15 =	vge.f32 v4, v15  }
0x4a6: {  	v4 =	vsel vm15, $0xFFFFFFFF, v6;
	v40 =	vsel vm15, $0x1, v6;
	vm5 =	vge.f32 v0, v15;
	(xrf0) =	vadd.scan.msk.s32 $0xffff, v38  }
0x4a7: {  	v0 =	vsel vm5, $0xFFFFFFFF, v6;
	v38 =	vsel vm5, $0x1, v6;
	vm3 =	vge.f32 v31, v15;
	v31 =	vld.idx.msk [tilespmem:v33+s1+$0x0], $0xffff;
	(xrf0) =	vadd.scan.msk.s32 $0xffff, v40  }
0x4a8: {  	v33 =	vsel vm3, $0xFFFFFFFF, v6;
	v40 =	vsel vm3, $0x1, v6;
	vm4 =	vge.f32 v32, v15;
	(xrf0) =	vadd.scan.msk.s32 $0xffff, v38  }
0x4a9: {  	v32 =	vmpcnt.ones.xlane vm15;
	v38 =	vsel vm4, $0x1, v6;
	vm0 =	vge.f32 v3, v15;
	(xrf0) =	vadd.scan.msk.s32 $0xffff, v40  }
0x4aa: {  	v41 =	vsel vm6, $0xFFFFFFFF, v6;
	v39 =	vadd.s32 v1, v39;
	v40 =	vsel vm0, $0x1, v6;
	(xrf0) =	vadd.scan.msk.s32 $0xffff, v38  }
0x4ab: {  	vm1 =	vge.f32 v36, v15;
	v32 =	vadd.s32 v39, v32;
	v38 =	vmpcnt.ones.xlane vm4;
	(xrf0) =	vadd.scan.msk.s32 $0xffff, v40  }
0x4ac: {  	v1 =	vadd.s32 v41, v1;
	v36 =	vmpcnt.ones.xlane vm3;
	v40 =	vmpcnt.ones.xlane vm0;
	v3, _, _ =	vpop (xrf0)  }
0x4ad: {  	vm2 =	vge.f32 v31, v15;
	v1 =	vadd.s32 v3, v1;
	v3 =	vadd.s32 v4, v39;
	v4, _, _ =	vpop (xrf0)  }
0x4ae: {  	v0 =	vadd.s32 v0, v32;
	v31 =	vmpcnt.ones.xlane vm5;
	v3 =	vadd.s32 v4, v3;
	v4, _, _ =	vpop (xrf0)  }
0x4af: {  	v39 =	vsel vm1, $0x1, v6;
	v41 =	vsel vm2, $0x1, v6;
	v0 =	vadd.s32 v4, v0;
	v4, _, _ =	vpop (xrf0)  }
0x4b0: {  	v17 =	vor.u32 v5, v17;
	v42 =	vsel vm4, $0xFFFFFFFF, v6;
	v31 =	vadd.s32 v32, v31;
	v32, _, _ =	vpop (xrf0);
	(xrf0) =	vadd.scan.msk.s32 $0xffff, v39  }
0x4b1: {  	v33 =	vadd.s32 v33, v31;
	v31 =	vadd.s32 v31, v36;
	v39 =	vmpcnt.ones.xlane vm1;
	v36, _, _ =	vpop (xrf0);
	(xrf0) =	vadd.scan.msk.s32 $0xffff, v41  }
0x4b2: {  	v41 =	vsel vm0, $0xFFFFFFFF, v6;
	[tilespmem:v1+s11+$0x0] =	vst.idx.msk vm6, v17;
	v17 =	vadd.s32 v4, v33;
	v1 =	vadd.s32 v42, v31  }
0x4b3: {  	v33 =	vsel vm1, $0xFFFFFFFF, v6;
	[tilespmem:v3+s11+$0x0] =	vst.idx.msk vm15, v2;
	v32 =	vadd.s32 v32, v1;
	v1 =	vadd.s32 v31, v38  }
.Ltmp20:
0x4b4: {  	vm6 =	vge.f32 v28, v15;
	v2 =	vadd.s32 v41, v1;
	v1 =	vadd.s32 v1, v40;
	(pc) =	sbr.rel @p1 .LBB2_34-.Ltmp20, $4  }
0x4b5: {  	v4 =	vmctz.xlane vm6;
	[tilespmem:v0+s11+$0x0] =	vst.idx.msk vm5, v37;
	v0 =	vadd.s32 v36, v2;
	v3 =	vadd.s32 v33, v1  }
0x4b6: {  	v31 =	vsel vm2, $0xFFFFFFFF, v6;
	v2 =	vmpcnt.ones.xlane vm2;
	v1 =	vadd.s32 v1, v39;
	v33, _, _ =	vpop (xrf0)  }
0x4b7: {  	v36 =	vshll.u32 v4, $0x7;
	v31 =	vadd.s32 v31, v1;
	[tilespmem:v17+s11+$0x0] =	vst.idx.msk vm3, v34;
	v3 =	vadd.s32 v33, v3;
	v33, _, _ =	vpop (xrf0)  }
0x4b8: {  	v17 =	vadd.s32 v25, v36;
	[tilespmem:v32+s11+$0x0] =	vst.idx.msk vm4, v35;
	v31 =	vadd.s32 v33, v31  }
.Ltmp21:
0x4b9: {  	_ = 	snop;
	(pc) =	sbr.rel .LBB2_35-.Ltmp21, $1  }
0x4ba: {  	_ =	sdelay $0x3  }
.LBB2_37:
0x4bb: {  	v0 =	vxor.u32 $0x80000000, v16  }
0x4bc: {  	(xrf0) =	vmax.scan.msk.u32 $0xffff, v0;
	_ =	sdelay $0x5  }
0x4bd: {  	v0, _, _ =	vpop (xrf0)  }
0x4be: {  	(v2sf) =	vpush v0, $0xF;
	_ =	sdelay $0xe  }
0x4bf: {  	s18 =	spop (v2sf)  }
0x4c0: {  	s17 =	sadd.s32 $0x8000000F, s18  }
0x4c1: {  	s19 =	sand.u32 $0xF, s17  }
0x4c2: {  	s20 =	sshra.s32 s17, $0x1F;
	p0 =	slt.s32 s17, $0x1;
	p1 =	sne.s32 s19, $0x0  }
0x4c3: {  	s31 =	sshrl.u32 s20, $0x1C;
	p0 =	por !p0, !p1  }
0x4c4: {  	s19 =	simm.s32 $0x1;
	s17 =	sadd.s32 s31, s17;
	p0 =	por !p0, !p0  }
0x4c5: {  	s17 =	sshra.s32 s17, $0x4;
	s19 =	simm.s32 @!p0 $0x0  }
0x4c6: {  	s17 =	ssub.s32 s17, s19  }
0x4c7: {  	v2 =	vld [tilespmem:$0x1FFF0];
	p0 =	slt.s32 s17, $0x1  }
.Ltmp22:
0x4c8: {  	_ = 	snop;
	(pc) =	sbr.rel @!p0 .LBB2_38-.Ltmp22, $4  }
.Ltmp23:
0x4c9: {  	_ = 	snop;
	(pc) =	sbr.rel @p0 .LBB2_47-.Ltmp23, $4  }
0x4ca: {  	_ = 	snop  }
0x4cb: {  	s18 =	sxor.u32 $0x80000000, s18  }
0x4cc: {  	v1 =	vimm.f32 $-Inf;
	vm0 =	vnez.u8 v2;
	v0 =	vimm.s32 $0x0;
	s20 =	smov.u32 s18;
	s19 =	simm.s32 $0x0  }
0x4cd: {  	_ = 	snop  }
.LBB2_20:
0x4ce: {  	v19 =	vmov v1;
	v20 =	vmov v0  }
.LBB2_25:
0x4cf: {  	v18 =	vsel @p0 vm0, v19, v23  }
0x4d0: {  	v4 =	vsel @p0 vm1, v4, v21;
	v1 =	vpsel p0, v18, v1  }
0x4d1: {  	v4 =	vsel @p0 vm0, v20, v4;
	vm1 =	vge.f32 v1, v17  }
0x4d2: {  	v2 =	vperm.xlane v2, v3;
	v0 =	vpsel p0, v4, v0;
	v3 =	vmpcnt.ones.xlane vm1  }
0x4d3: {  	v18 =	vperm.xlane v0, v14  }
0x4d4: {  	vm0 =	veq.s32 v3, v5  }
0x4d5: {  	vm1 =	vgt.s32 v3, v5;
	v2 =	vsel vm0, v2, v18  }
0x4d6: {  	v0 =	vsel vm1, v0, v2;
	v2 =	vld [tilespmem:$0x1FFF0];
	_ =	sdelay $0x1  }
0x4d7: {  	v4 =	vperm.xlane v1, v14;
	_ =	sdelay $0x1  }
0x4d8: {  	v3 =	vsel vm0, v17, v4  }
0x4d9: {  	v1 =	vsel vm1, v1, v3;
	vm0 =	vnez.u8 v2  }
.LBB2_26:
0x4da: {  	s19 =	sadd.s32 $0x1, s19  }
0x4db: {  	p0 =	sne.s32 s19, s17  }
.Ltmp24:
0x4dc: {  	_ = 	snop;
	(pc) =	sbr.rel @!p0 .LBB2_27-.Ltmp24, $2  }
0x4dd: {  	_ =	sdelay $0x2  }
0x4de: {  	s20 =	sadd.s32 $0xFFFFFFF0, s20  }
.LBB2_18:
0x4df: {  	s21 =	sshll.u32 s19, $0x4  }
0x4e0: {  	s22 =	ssub.s32 s18, s21  }
0x4e1: {  	p0 =	slt.s32 s22, $0x1  }
.Ltmp25:
0x4e2: {  	_ = 	snop;
	(pc) =	sbr.rel @p0 .LBB2_26-.Ltmp25, $1  }
0x4e3: {  	_ =	sdelay $0x3  }
0x4e4: {  	v2 =	vld [tilespmem:s21+$0x10000];
	_ =	sdelay $0x4  }
0x4e5: {  	vm0 =	vgt.s32 v2, $0x0  }
0x4e6: {  	v2 =	vnsel vm0, $0x0, v2  }
0x4e7: {  	v2 =	vmin.u32 v2, $0x7FFF  }
0x4e8: {  	v3 =	vshll.u32 v2, $0x1  }
0x4e9: {  	v4 =	vand.u32 $0x7F, v2;
	v3 =	vand.u32 $0xFF00, v3  }
0x4ea: {  	v3 =	vor.u32 v4, v3;
	_ =	sdelay $0x4  }
0x4eb: {  	v3 =	vld.idx.msk [tilespmem:v3+s1+$0x0], $0xffff  }
0x4ec: {  	p0 =	sgt.s32 s20, $0x1;
	v4 =	vor.u32 s21, v5;
	s21 =	smov.u32 s20  }
0x4ed: {  	s21 =	simm.s32 @!p0 $0x1  }
0x4ee: {  	s21 =	smin.u32 s21, $0x10  }
0x4ef: {  	vm0 =	vlt.s32 v4, v16;
	p1 =	sne.s32 s21, $0x1  }
.Ltmp26:
0x4f0: {  	v4 =	vnsel vm0, $0xFF800000, v3;
	(pc) =	sbr.rel @!p1 .LBB2_20-.Ltmp26, $3  }
0x4f1: {  	vm1 =	vge.f32 v4, v15  }
0x4f2: {  	v3 =	vmctz.xlane vm1;
	_ =	sdelay $0x1  }
0x4f3: {  	p0 =	por $0x0, $0x0;
	v2 =	vnsel vm0, $0x0, v2;
	s21 =	sadd.s32 $0xFFFFFFFF, s21;
	v17 =	vperm.xlane v4, v3;
	vm0 =	veq.s32 v3, v5  }
0x4f4: {  	_ = 	snop  }
0x4f5: {  	v18 =	vsel vm0, $0xFF800000, v4;
	p1 =	sne.s32 s21, $0x1;
	vm1 =	vge.f32 v1, v17  }
.Ltmp27:
0x4f6: {  	v20 =	vperm.xlane v1, v14;
	vm0 =	vge.f32 v18, v15;
	v19 =	vmpcnt.ones.xlane vm1;
	(pc) =	sbr.rel @!p1 .LBB2_22-.Ltmp27, $4  }
0x4f7: {  	v4 =	vperm.xlane v2, v3;
	v3 =	vmctz.xlane vm0  }
0x4f8: {  	v21 =	vperm.xlane v0, v14  }
0x4f9: {  	vm0 =	vgt.s32 v19, v5;
	vm1 =	veq.s32 v19, v5;
	v22 =	vperm.xlane v18, v3  }
0x4fa: {  	s21 =	sadd.s32 $0xFFFFFFFF, s21;
	p0 =	por $0x1, $0x1;
	vm2 =	veq.s32 v3, v5;
	v23 =	vsel vm1, v17, v20;
	v20 =	vmovc v0;
	v19 =	vmov v1  }
.LBB2_23:
0x4fb: {  	p1 =	sne.s32 s21, $0x1;
	s21 =	sadd.s32 $0xFFFFFFFF, s21;
	v19 =	vsel vm0, v19, v23;
	v17 =	vsel vm1, v4, v21;
	v4 =	vperm.xlane v2, v3  }
.Ltmp28:
0x4fc: {  	v18 =	vsel vm2, $0xFF800000, v18;
	vm1 =	vge.f32 v19, v22;
	v20 =	vsel vm0, v20, v17;
	(pc) =	sbr.rel @p1 .LBB2_23-.Ltmp28, $4  }
0x4fd: {  	vm0 =	vge.f32 v18, v15;
	v23 =	vperm.xlane v19, v14;
	v17 =	vmpcnt.ones.xlane vm1  }
0x4fe: {  	v3 =	vmctz.xlane vm0;
	v21 =	vperm.xlane v20, v14  }
0x4ff: {  	vm0 =	vgt.s32 v17, v5;
	vm1 =	veq.s32 v17, v5  }
0x500: {  	vm2 =	veq.s32 v3, v5;
	v23 =	vsel vm1, v22, v23;
	v22 =	vperm.xlane v18, v3  }
0x501: {  	v18 =	vld [tilespmem:$0x1FFD0]  }
.Ltmp29:
0x502: {  	_ = 	snop;
	(pc) =	sbr.rel .LBB2_25-.Ltmp29, $2  }
0x503: {  	_ =	sdelay $0x2  }
0x504: {  	v17 =	vmov v22;
	vm2 =	vnez.u8 v18  }
.LBB2_22:
0x505: {  	v18 =	vld [tilespmem:$0x1FFD0]  }
.Ltmp30:
0x506: {  	_ = 	snop;
	(pc) =	sbr.rel .LBB2_25-.Ltmp30, $2  }
0x507: {  	_ =	sdelay $0x2  }
0x508: {  	v19 =	vmovc v1;
	v17 =	vmov v22;
	v20 =	vmov v0;
	vm2 =	vnez.u8 v18  }
.LBB2_40:
0x509: {  	v19 =	vmov v1;
	v20 =	vmov v0  }
.LBB2_45:
0x50a: {  	v18 =	vsel @p0 vm0, v19, v23  }
0x50b: {  	v4 =	vsel @p0 vm1, v4, v21;
	v1 =	vpsel p0, v18, v1  }
0x50c: {  	v4 =	vsel @p0 vm0, v20, v4;
	vm1 =	vge.f32 v1, v17  }
0x50d: {  	v2 =	vperm.xlane v2, v3;
	v0 =	vpsel p0, v4, v0;
	v3 =	vmpcnt.ones.xlane vm1  }
0x50e: {  	v18 =	vperm.xlane v0, v14  }
0x50f: {  	vm0 =	veq.s32 v3, v5  }
0x510: {  	vm1 =	vgt.s32 v3, v5;
	v2 =	vsel vm0, v2, v18  }
0x511: {  	v0 =	vsel vm1, v0, v2;
	v2 =	vld [tilespmem:$0x1FFF0];
	_ =	sdelay $0x1  }
0x512: {  	v4 =	vperm.xlane v1, v14;
	_ =	sdelay $0x1  }
0x513: {  	v3 =	vsel vm0, v17, v4  }
0x514: {  	v1 =	vsel vm1, v1, v3;
	vm0 =	vnez.u8 v2  }
.LBB2_46:
0x515: {  	s19 =	sadd.s32 $0x1, s19  }
0x516: {  	p0 =	sne.s32 s19, s17  }
.Ltmp31:
0x517: {  	_ = 	snop;
	(pc) =	sbr.rel @!p0 .LBB2_47-.Ltmp31, $2  }
0x518: {  	_ =	sdelay $0x2  }
0x519: {  	s20 =	sadd.s32 $0xFFFFFFF0, s20  }
.LBB2_38:
0x51a: {  	s21 =	sshll.u32 s19, $0x4  }
0x51b: {  	s22 =	ssub.s32 s18, s21  }
0x51c: {  	p0 =	slt.s32 s22, $0x1  }
.Ltmp32:
0x51d: {  	_ = 	snop;
	(pc) =	sbr.rel @p0 .LBB2_46-.Ltmp32, $1  }
0x51e: {  	_ =	sdelay $0x3  }
0x51f: {  	v2 =	vld [tilespmem:s21+$0x10000];
	_ =	sdelay $0x4  }
0x520: {  	vm0 =	vgt.s32 v2, $0x0  }
0x521: {  	v2 =	vnsel vm0, $0x0, v2  }
0x522: {  	v2 =	vmin.u32 v2, $0x7FFF  }
0x523: {  	v3 =	vshll.u32 v2, $0x1  }
0x524: {  	v4 =	vand.u32 $0x7F, v2;
	v3 =	vand.u32 $0xFF00, v3  }
0x525: {  	v3 =	vor.u32 v3, v4  }
0x526: {  	v3 =	vor.u32 $0x80, v3;
	_ =	sdelay $0x4  }
0x527: {  	v3 =	vld.idx.msk [tilespmem:v3+s1+$0x0], $0xffff  }
0x528: {  	p0 =	sgt.s32 s20, $0x1;
	v4 =	vor.u32 s21, v5;
	s21 =	smov.u32 s20  }
0x529: {  	s21 =	simm.s32 @!p0 $0x1  }
0x52a: {  	s21 =	smin.u32 s21, $0x10  }
0x52b: {  	vm0 =	vlt.s32 v4, v16;
	p1 =	sne.s32 s21, $0x1  }
.Ltmp33:
0x52c: {  	v4 =	vnsel vm0, $0xFF800000, v3;
	(pc) =	sbr.rel @!p1 .LBB2_40-.Ltmp33, $3  }
0x52d: {  	vm1 =	vge.f32 v4, v15  }
0x52e: {  	v3 =	vmctz.xlane vm1;
	_ =	sdelay $0x1  }
0x52f: {  	p0 =	por $0x0, $0x0;
	v2 =	vnsel vm0, $0x0, v2;
	s21 =	sadd.s32 $0xFFFFFFFF, s21;
	v17 =	vperm.xlane v4, v3;
	vm0 =	veq.s32 v3, v5  }
0x530: {  	_ = 	snop  }
0x531: {  	v18 =	vsel vm0, $0xFF800000, v4;
	p1 =	sne.s32 s21, $0x1;
	vm1 =	vge.f32 v1, v17  }
.Ltmp34:
0x532: {  	v20 =	vperm.xlane v1, v14;
	vm0 =	vge.f32 v18, v15;
	v19 =	vmpcnt.ones.xlane vm1;
	(pc) =	sbr.rel @!p1 .LBB2_42-.Ltmp34, $4  }
0x533: {  	v4 =	vperm.xlane v2, v3;
	v3 =	vmctz.xlane vm0  }
0x534: {  	v21 =	vperm.xlane v0, v14  }
0x535: {  	vm0 =	vgt.s32 v19, v5;
	vm1 =	veq.s32 v19, v5;
	v22 =	vperm.xlane v18, v3  }
0x536: {  	s21 =	sadd.s32 $0xFFFFFFFF, s21;
	p0 =	por $0x1, $0x1;
	vm2 =	veq.s32 v3, v5;
	v23 =	vsel vm1, v17, v20;
	v20 =	vmovc v0;
	v19 =	vmov v1  }
.LBB2_43:
0x537: {  	p1 =	sne.s32 s21, $0x1;
	s21 =	sadd.s32 $0xFFFFFFFF, s21;
	v19 =	vsel vm0, v19, v23;
	v17 =	vsel vm1, v4, v21;
	v4 =	vperm.xlane v2, v3  }
.Ltmp35:
0x538: {  	v18 =	vsel vm2, $0xFF800000, v18;
	vm1 =	vge.f32 v19, v22;
	v20 =	vsel vm0, v20, v17;
	(pc) =	sbr.rel @p1 .LBB2_43-.Ltmp35, $4  }
0x539: {  	vm0 =	vge.f32 v18, v15;
	v23 =	vperm.xlane v19, v14;
	v17 =	vmpcnt.ones.xlane vm1  }
0x53a: {  	v3 =	vmctz.xlane vm0;
	v21 =	vperm.xlane v20, v14  }
0x53b: {  	vm0 =	vgt.s32 v17, v5;
	vm1 =	veq.s32 v17, v5  }
0x53c: {  	vm2 =	veq.s32 v3, v5;
	v23 =	vsel vm1, v22, v23;
	v22 =	vperm.xlane v18, v3  }
0x53d: {  	v18 =	vld [tilespmem:$0x1FFD0]  }
.Ltmp36:
0x53e: {  	_ = 	snop;
	(pc) =	sbr.rel .LBB2_45-.Ltmp36, $2  }
0x53f: {  	_ =	sdelay $0x2  }
0x540: {  	v17 =	vmov v22;
	vm2 =	vnez.u8 v18  }
.LBB2_42:
0x541: {  	v18 =	vld [tilespmem:$0x1FFD0]  }
.Ltmp37:
0x542: {  	_ = 	snop;
	(pc) =	sbr.rel .LBB2_45-.Ltmp37, $2  }
0x543: {  	_ =	sdelay $0x2  }
0x544: {  	v19 =	vmovc v1;
	v17 =	vmov v22;
	v20 =	vmov v0;
	vm2 =	vnez.u8 v18  }
.LBB2_48:
0x545: {  	_ =	sfence.sel $0x180000  }
0x546: {  	[bflag:$0x0] =	sbarrier.arrive $0xFFFF  }
0x547: {  	p0 =	sne.s32 s2, $0x0;
	_ =	strace $0x90000047  }
0x548: {  	s0 =	sadd.s32 @!p0 $0x100000, s0;
	[bflag:$0x2] =	sbarrier.arrive $0xFFFF  }
0x549: {  	[sflag:s0] =	ssyncadd.tile.s32 @!p0 $0x1;
	_ =	shalt  }
.Lfunc_end2:
_tile_overlayer_lowered:
.L_overlay_start_2:
0x54a: {  	(tag) =	ssettag $0x2  }
0x54b: {  	s0 =	rddreg [dreg:$0x0];
	s2 =	stileid.u32  }
0x54c: {  	s1 =	rddreg [dreg:$0x1];
	p0 =	sne.s32 s2, $0x0  }
0x54d: {  	s3 =	rddreg [dreg:$0x2];
	[bflag:$0x3] =	sbarrier.arrive $0xFFFF;
	s2 =	simm.s32 @!p0 $0x1C03  }
0x54e: {  	[timem:s3], [sflag:s2] =	dma.local @!p0 [hbm:s0], s1  }
0x54f: {  	s0 =	simm.s32 @!p0 $0x3  }
0x550: {  	_ =	swait.ge @!p0 [sflag:s0], s1  }
0x551: {  	s1 =	ssub.s32 @!p0 $0x0, s1;
	[sflag:s0] =	ssyncset.done @!p0 $0x0  }
0x552: {  	[sflag:s0] =	ssyncadd.s32 @!p0 s1  }
0x553: {  	[bflag:$0x3] =	sbarrier.arrive $0xFFFF  }
0x554: {  	_ =	shalt  }

</sc_bundles>
